<compile_context>
chip_gen: v7x
topology: tpu7x:2x2x1
jax: 0.10.2.dev20260603
libtpu: 0.0.44.dev20260713+nightly
codegen_flags: <defaults>
</compile_context>

<pallas_src>
import jax
import jax.numpy as jnp
from jax import lax
from jax.experimental import pallas as pl
from jax.experimental.pallas import tpu as pltpu
from jax.experimental.pallas import tpu_sc as plsc

F32 = jnp.float32
NC, NS = 2, 16
NW = NC * NS
CH = 40
NBUF = 5
EB = 512
RPT = 320
SC_CH = 120


def _mesh():
    return plsc.VectorSubcoreMesh(core_axis_name="c", subcore_axis_name="s",
                                  num_cores=NC, num_subcores=NS)



def _gather_pair(tab, src3, dst3):
    D = tab.shape[1]
    _, n_chunks, _ = src3.shape
    epw = n_chunks * CH
    E = NW * epw
    n_groups = n_chunks // NBUF

    def body(t_hbm, s_hbm, d_hbm, os_hbm, od_hbm, ia, ib, *rest):
        bufa = rest[:NBUF]
        bufb = rest[NBUF:2 * NBUF]
        sema = rest[2 * NBUF:3 * NBUF]
        semb = rest[3 * NBUF:]
        w = lax.axis_index("s") * NC + lax.axis_index("c")
        pltpu.sync_copy(s_hbm.at[w], ia)
        pltpu.sync_copy(d_hbm.at[w], ib)
        base = w * epw

        def grp(g, carry):
            j0 = g * NBUF
            for b in range(NBUF):
                pltpu.async_copy(t_hbm.at[ia.at[j0 + b]], bufa[b], sema[b])
                pltpu.async_copy(t_hbm.at[ib.at[j0 + b]], bufb[b], semb[b])
            for b in range(NBUF):
                off = base + (j0 + b) * CH
                pltpu.make_async_copy(t_hbm.at[ia.at[j0 + b]], bufa[b],
                                      sema[b]).wait()
                pltpu.async_copy(bufa[b], os_hbm.at[pl.ds(off, CH)], sema[b])
                pltpu.make_async_copy(t_hbm.at[ib.at[j0 + b]], bufb[b],
                                      semb[b]).wait()
                pltpu.async_copy(bufb[b], od_hbm.at[pl.ds(off, CH)], semb[b])
            for b in range(NBUF):
                off = base + (j0 + b) * CH
                pltpu.make_async_copy(bufa[b], os_hbm.at[pl.ds(off, CH)],
                                      sema[b]).wait()
                pltpu.make_async_copy(bufb[b], od_hbm.at[pl.ds(off, CH)],
                                      semb[b]).wait()
            return carry

        lax.fori_loop(0, n_groups, grp, 0)

    f = pl.kernel(body,
                  out_type=[jax.ShapeDtypeStruct((E, D), F32)] * 2,
                  mesh=_mesh(),
                  scratch_types=([pltpu.VMEM((n_chunks, CH), jnp.int32)] * 2
                                 + [pltpu.VMEM((CH, D), F32)] * (2 * NBUF)
                                 + [pltpu.SemaphoreType.DMA] * (2 * NBUF)))
    return f(tab, src3, dst3)


def _scatter_sorted(vals, perm_pad, dsort_pad, sbounds):
    E, D = vals.shape
    NP2 = NW * RPT
    C8 = SC_CH + 8

    def body(v_hbm, p_hbm, d_hbm, sb_hbm, out_hbm,
             accf, buf, pidx, dsv, sbv, sem):
        w = lax.axis_index("s") * NC + lax.axis_index("c")
        pltpu.sync_copy(sb_hbm, sbv)
        r0 = w * RPT
        sbw = sbv[pl.ds(w, 16)]
        p0 = sbw[0]
        pend = sbw[1]

        def zstep(i, carry):
            accf[pl.ds(i * 16, 16)] = jnp.zeros((16,), F32)
            return carry

        lax.fori_loop(0, RPT * D // 16, zstep, 0)

        maxch = E // SC_CH + 2

        def chunk_body(ci, p):
            def active(pp):
                pa = (pp // 8) * 8
                lead = pp - pa
                pltpu.sync_copy(p_hbm.at[pl.ds(pa, C8)], pidx)
                pltpu.sync_copy(d_hbm.at[pl.ds(pa, C8)], dsv.at[pl.ds(0, C8)])
                pltpu.async_copy(v_hbm.at[pidx], buf, sem).wait()
                dn = jnp.minimum(SC_CH, pend - pp)

                def estep(i, carry):
                    eo = lead + i
                    rl = dsv[pl.ds(eo, 16)][0] - r0
                    rl = jnp.minimum(jnp.maximum(rl, 0), RPT - 1)
                    act = i < dn
                    bb = rl * D
                    for j in range(D // 16):
                        v = buf[eo, pl.ds(j * 16, 16)]
                        v = jnp.where(act, v, jnp.zeros((16,), F32))
                        plsc.addupdate(accf.at[pl.ds(bb + j * 16, 16)], v)
                    return carry

                lax.fori_loop(0, SC_CH, estep, 0)
                return pp + dn

            return lax.cond(p < pend, active, lambda q: q, p)

        lax.fori_loop(0, maxch, chunk_body, p0)
        pltpu.sync_copy(accf, out_hbm.at[w])

    f = pl.kernel(body,
                  out_type=jax.ShapeDtypeStruct((NW, RPT * D), F32),
                  mesh=_mesh(),
                  scratch_types=[pltpu.VMEM((RPT * D,), F32),
                                 pltpu.VMEM((C8, D), F32),
                                 pltpu.VMEM((C8,), jnp.int32),
                                 pltpu.VMEM((C8 + 16,), jnp.int32),
                                 pltpu.VMEM((NW + 16,), jnp.int32),
                                 pltpu.SemaphoreType.DMA])
    return f(vals, perm_pad, dsort_pad, sbounds)


def _gather_volt(vt, srcW, dstW):
    Nn = vt.shape[1]
    _, epw = srcW.shape
    E = NW * epw
    n16 = epw // 16

    def body(vt_hbm, s_hbm, d_hbm, ori_hbm, oii_hbm, orj_hbm, oij_hbm,
             vre_v, vim_v, isv, idv, bri, bii, brj, bij):
        w = lax.axis_index("s") * NC + lax.axis_index("c")
        pltpu.sync_copy(vt_hbm.at[0], vre_v)
        pltpu.sync_copy(vt_hbm.at[1], vim_v)
        pltpu.sync_copy(s_hbm.at[w], isv)
        pltpu.sync_copy(d_hbm.at[w], idv)

        def step(k, carry):
            sl = pl.ds(k * 16, 16)
            si = isv[sl]
            di = idv[sl]
            bri[sl] = plsc.load_gather(vre_v, [si])
            bii[sl] = plsc.load_gather(vim_v, [si])
            brj[sl] = plsc.load_gather(vre_v, [di])
            bij[sl] = plsc.load_gather(vim_v, [di])
            return carry

        lax.fori_loop(0, n16, step, 0)
        base = w * epw
        pltpu.sync_copy(bri, ori_hbm.at[pl.ds(base, epw)])
        pltpu.sync_copy(bii, oii_hbm.at[pl.ds(base, epw)])
        pltpu.sync_copy(brj, orj_hbm.at[pl.ds(base, epw)])
        pltpu.sync_copy(bij, oij_hbm.at[pl.ds(base, epw)])

    f = pl.kernel(body,
                  out_type=[jax.ShapeDtypeStruct((E,), F32)] * 4,
                  mesh=_mesh(),
                  compiler_params=pltpu.CompilerParams(
                      needs_layout_passes=False),
                  scratch_types=([pltpu.VMEM((Nn,), F32)] * 2
                                 + [pltpu.VMEM((epw,), jnp.int32)] * 2
                                 + [pltpu.VMEM((epw,), F32)] * 4))
    return f(vt, srcW, dstW)



def _dot(a, b):
    return jnp.dot(a, b, preferred_element_type=F32)


def _encode_nodes(x, W_enc_x, b_enc_x):
    N = x.shape[0]
    H = W_enc_x.shape[1]

    def body(x_r, wx_r, bx_r, n_o):
        n_o[...] = jnp.maximum(_dot(x_r[...], wx_r[...]) + bx_r[...], 0.0)

    return pl.pallas_call(
        body, out_shape=jax.ShapeDtypeStruct((N, H), F32),
    )(x, W_enc_x, b_enc_x)


def _edge_mlp(ns, nd, edges, Wsd, We, b, enc=None):
    E = ns.shape[0]
    H = ns.shape[1]

    if enc is None:
        def body(ns_r, nd_r, e_r, wsd_r, we_r, b_r, o_r):
            e = e_r[...]
            nsnd = jnp.concatenate([ns_r[...], nd_r[...]], axis=1)
            pre = (_dot(nsnd, wsd_r[...]) + _dot(e, we_r[...])) + b_r[...]
            o_r[...] = e + jnp.maximum(pre, 0.0)

        return pl.pallas_call(
            body, grid=(E // EB,),
            in_specs=[pl.BlockSpec((EB, H), lambda i: (i, 0)),
                      pl.BlockSpec((EB, H), lambda i: (i, 0)),
                      pl.BlockSpec((EB, H), lambda i: (i, 0)),
                      pl.BlockSpec((2 * H, H), lambda i: (0, 0)),
                      pl.BlockSpec((H, H), lambda i: (0, 0)),
                      pl.BlockSpec((1, H), lambda i: (0, 0))],
            out_specs=pl.BlockSpec((EB, H), lambda i: (i, 0)),
            out_shape=jax.ShapeDtypeStruct((E, H), F32),
        )(ns, nd, edges, Wsd, We, b)

    edge_attr, W_enc_e, b_enc_e = enc
    DE = edge_attr.shape[1]

    def body0(ns_r, nd_r, ea_r, wenc_r, benc_r, wsd_r, we_r, b_r, o_r):
        e = jnp.maximum(_dot(ea_r[...], wenc_r[...]) + benc_r[...], 0.0)
        nsnd = jnp.concatenate([ns_r[...], nd_r[...]], axis=1)
        pre = (_dot(nsnd, wsd_r[...]) + _dot(e, we_r[...])) + b_r[...]
        o_r[...] = e + jnp.maximum(pre, 0.0)

    return pl.pallas_call(
        body0, grid=(E // EB,),
        in_specs=[pl.BlockSpec((EB, H), lambda i: (i, 0)),
                  pl.BlockSpec((EB, H), lambda i: (i, 0)),
                  pl.BlockSpec((EB, DE), lambda i: (i, 0)),
                  pl.BlockSpec((DE, H), lambda i: (0, 0)),
                  pl.BlockSpec((1, H), lambda i: (0, 0)),
                  pl.BlockSpec((2 * H, H), lambda i: (0, 0)),
                  pl.BlockSpec((H, H), lambda i: (0, 0)),
                  pl.BlockSpec((1, H), lambda i: (0, 0))],
        out_specs=pl.BlockSpec((EB, H), lambda i: (i, 0)),
        out_shape=jax.ShapeDtypeStruct((E, H), F32),
    )(ns, nd, edge_attr, W_enc_e, b_enc_e, Wsd, We, b)


def _node_mlp(nodes, agg2, Wnode, bn):
    N, H = nodes.shape
    NP2 = agg2.shape[0]
    G = 5
    RB = N // G

    def body(n_r, a_r, w_r, b_r, o_r):
        n = n_r[...]
        n_in = jnp.concatenate([n, a_r[...]], axis=1)
        o_r[...] = n + jnp.maximum(_dot(n_in, w_r[...]) + b_r[...], 0.0)

    return pl.pallas_call(
        body, grid=(G,),
        in_specs=[pl.BlockSpec((RB, H), lambda i: (i, 0)),
                  pl.BlockSpec((RB, H), lambda i: (i, 0)),
                  pl.BlockSpec((2 * H, H), lambda i: (0, 0)),
                  pl.BlockSpec((1, H), lambda i: (0, 0))],
        out_specs=pl.BlockSpec((RB, H), lambda i: (i, 0)),
        out_shape=jax.ShapeDtypeStruct((N, H), F32),
    )(nodes, agg2, Wnode, bn)


def _node_decode(nodes, agg2, Wnode, bn, W_dec_pad, b_dec_pad, bus_shunt,
                 slack_idx):
    N, H = nodes.shape

    G = 5
    RB = N // G

    def body(n_r, a_r, w_r, bnr, wdec_r, bdec_r, sh_r, sl_r,
             bus_o, volt_o, si_o):
        i = pl.program_id(0)
        n = n_r[...]
        n_in = jnp.concatenate([n, a_r[...]], axis=1)
        nn = n + jnp.maximum(_dot(n_in, w_r[...]) + bnr[...], 0.0)
        busw = _dot(nn, wdec_r[...]) + bdec_r[...]
        bus_o[...] = busw
        va = busw[:, 0:1]
        vm = busw[:, 1:2]
        vre = vm * jnp.cos(va)
        vim = vm * jnp.sin(va)
        colk2 = lax.broadcasted_iota(jnp.int32, (RB, 128), 1)
        volt_o[...] = (jnp.where(colk2 == 0, vre, 0.0)
                       + jnp.where(colk2 == 1, vim, 0.0))
        rows = lax.broadcasted_iota(jnp.int32, (RB, 1), 0) + i * RB
        msk = rows == sl_r[0]
        vm2 = vm * vm
        p = jnp.sum(jnp.where(msk, vm2 * sh_r[:, 1:2], 0.0))
        q = jnp.sum(jnp.where(msk, vm2 * sh_r[:, 0:1], 0.0))
        colk = lax.broadcasted_iota(jnp.int32, (8, 128), 1)
        contrib = (jnp.where(colk == 0, p, 0.0)
                   + jnp.where(colk == 1, q, 0.0))

        @pl.when(i == 0)
        def _():
            si_o[...] = contrib

        @pl.when(i != 0)
        def _():
            si_o[...] = si_o[...] + contrib

    return pl.pallas_call(
        body, grid=(G,),
        in_specs=[
            pl.BlockSpec((RB, H), lambda i: (i, 0)),
            pl.BlockSpec((RB, H), lambda i: (i, 0)),
            pl.BlockSpec((2 * H, H), lambda i: (0, 0)),
            pl.BlockSpec((1, H), lambda i: (0, 0)),
            pl.BlockSpec((H, 128), lambda i: (0, 0)),
            pl.BlockSpec((1, 128), lambda i: (0, 0)),
            pl.BlockSpec((RB, 2), lambda i: (i, 0)),
            pl.BlockSpec(memory_space=pltpu.SMEM),
        ],
        out_specs=[pl.BlockSpec((RB, 128), lambda i: (i, 0)),
                   pl.BlockSpec((RB, 128), lambda i: (i, 0)),
                   pl.BlockSpec((8, 128), lambda i: (0, 0))],
        out_shape=[jax.ShapeDtypeStruct((N, 128), F32),
                   jax.ShapeDtypeStruct((N, 128), F32),
                   jax.ShapeDtypeStruct((8, 128), F32)],
    )(nodes, agg2, Wnode, bn, W_dec_pad, b_dec_pad, bus_shunt, slack_idx)


def _flows(edge_attr, vriF, viiF, vrjF, vijF, srcF, dstF, slack_idx,
           slack_init):
    E, DE = edge_attr.shape

    def body(ea_r, vri_r, vii_r, vrj_r, vij_r, s_r, d_r, sl_r, si_r,
             ep_o, sa_o):
        ea = ea_r[...]
        r = ea[:, 0]
        xx = ea[:, 1]
        bfr = ea[:, 3]
        bto = ea[:, 5]
        tap = ea[:, 6]
        shift = ea[:, 7]
        vri = vri_r[0, 0, :]
        vii = vii_r[0, 0, :]
        vrj = vrj_r[0, 0, :]
        vij = vij_r[0, 0, :]
        den = r * r + xx * xx
        gy = r / den
        by = -xx / den
        cs = jnp.cos(shift)
        sn = jnp.sin(shift)
        ai = vri * vri + vii * vii
        aj = vrj * vrj + vij * vij
        mr = vri * vrj + vii * vij
        mi = vii * vrj - vri * vij
        itap = 1.0 / tap
        itap2 = itap * itap
        p1 = gy * mr + by * mi
        q1 = gy * mi - by * mr
        sfr_re = gy * ai * itap2 - (p1 * cs + q1 * sn) * itap
        sfr_im = -(by + bfr) * ai * itap2 - (q1 * cs - p1 * sn) * itap
        p2 = gy * mr - by * mi
        q2 = -(gy * mi + by * mr)
        sto_re = gy * aj - (p2 * cs - q2 * sn) * itap
        sto_im = -(by + bto) * aj - (p2 * sn + q2 * cs) * itap
        ep_o[...] = jnp.concatenate([sfr_re[:, None], sfr_im[:, None],
                                     sto_re[:, None], sto_im[:, None]], axis=1)
        sl = sl_r[0]
        ms = s_r[0, 0, :] == sl
        md = d_r[0, 0, :] == sl
        p = (jnp.sum(jnp.where(ms, sfr_re, 0.0))
             + jnp.sum(jnp.where(md, sto_re, 0.0)))
        q = (jnp.sum(jnp.where(ms, sfr_im, 0.0))
             + jnp.sum(jnp.where(md, sto_im, 0.0)))
        colk = lax.broadcasted_iota(jnp.int32, (8, 128), 1)
        contrib = (jnp.where(colk == 0, p, 0.0)
                   + jnp.where(colk == 1, q, 0.0))
        i = pl.program_id(0)

        @pl.when(i == 0)
        def _():
            sa_o[...] = si_r[...] + contrib

        @pl.when(i != 0)
        def _():
            sa_o[...] = sa_o[...] + contrib

    return pl.pallas_call(
        body, grid=(E // EB,),
        in_specs=[pl.BlockSpec((EB, DE), lambda i: (i, 0))]
                 + [pl.BlockSpec((1, 1, EB), lambda i: (i, 0, 0))] * 6
                 + [pl.BlockSpec(memory_space=pltpu.SMEM),
                    pl.BlockSpec((8, 128), lambda i: (0, 0))],
        out_specs=[pl.BlockSpec((EB, 4), lambda i: (i, 0)),
                   pl.BlockSpec((8, 128), lambda i: (0, 0))],
        out_shape=[jax.ShapeDtypeStruct((E, 4), F32),
                   jax.ShapeDtypeStruct((8, 128), F32)],
    )(edge_attr, vriF, viiF, vrjF, vijF, srcF, dstF, slack_idx, slack_init)



def kernel(x, edge_attr, bus_shunt, W_enc_x, b_enc_x, W_enc_e, b_enc_e,
           W_edge, b_edge, W_node, b_node, W_dec, b_dec, edge_index,
           slack_idx):
    N = x.shape[0]
    H = W_enc_x.shape[1]
    E = edge_attr.shape[0]
    K = W_edge.shape[0]

    src = edge_index[0]
    dst = edge_index[1]
    n_chunks = (E // NW) // CH
    src3 = src.reshape(NW, n_chunks, CH)
    dst3 = dst.reshape(NW, n_chunks, CH)
    srcF = src.reshape(E // EB, 1, EB)
    dstF = dst.reshape(E // EB, 1, EB)
    srcW = src.reshape(NW, E // NW)
    dstW = dst.reshape(NW, E // NW)

    perm = jnp.argsort(dst, stable=True).astype(jnp.int32)
    dsort = dst[perm]
    sbounds = jnp.searchsorted(dsort, jnp.arange(0, NW * RPT + 1, RPT,
                                                 dtype=jnp.int32)
                               ).astype(jnp.int32)
    sbounds = jnp.concatenate([sbounds, jnp.full((15,), E, jnp.int32)])
    perm_pad = jnp.concatenate([perm, jnp.zeros((128,), jnp.int32)])
    dsort_pad = jnp.concatenate([dsort, jnp.zeros((128,), jnp.int32)])

    be = [b_edge[l].reshape(1, H) for l in range(K)]
    bn = [b_node[l].reshape(1, H) for l in range(K)]

    nodes = _encode_nodes(x, W_enc_x, b_enc_x.reshape(1, H))
    edges = None
    for l in range(K):
        ns, nd = _gather_pair(nodes, src3, dst3)
        if l == 0:
            edges = _edge_mlp(ns, nd, None, W_edge[l, :2 * H],
                              W_edge[l, 2 * H:], be[l],
                              enc=(edge_attr, W_enc_e, b_enc_e.reshape(1, H)))
        else:
            edges = _edge_mlp(ns, nd, edges, W_edge[l, :2 * H],
                              W_edge[l, 2 * H:], be[l])
        aggf = _scatter_sorted(edges, perm_pad, dsort_pad, sbounds)
        agg = aggf.reshape(NW * RPT, H)[:N]
        if l < K - 1:
            nodes = _node_mlp(nodes, agg, W_node[l], bn[l])
        else:
            busw, voltw, slack_init = _node_decode(
                nodes, agg, W_node[l], bn[l],
                jnp.pad(W_dec, ((0, 0), (0, 126))),
                jnp.pad(b_dec.reshape(1, 2), ((0, 0), (0, 126))),
                bus_shunt, slack_idx)

    bus = busw[:, 0:2]
    vt = voltw[:, 0:2].T
    vri, vii, vrj, vij = _gather_volt(vt, srcW, dstW)
    nF = E // EB
    edge_preds, slack_acc = _flows(edge_attr,
                                   vri.reshape(nF, 1, EB),
                                   vii.reshape(nF, 1, EB),
                                   vrj.reshape(nF, 1, EB),
                                   vij.reshape(nF, 1, EB),
                                   srcF, dstF, slack_idx, slack_init)
    slack = slack_acc[0:1, 0:2]
    return (bus, edge_preds, slack)

# --- scband reference (transcript-rebuilt; emitter-appended) ---
"""Pipeline reference for scband-canos-pf-9869834846558 (READ-ONLY COPY).

The authoritative reference and input builder live on the scoring server;
editing this copy changes nothing except your own understanding.
"""

import jax, jax.numpy as jnp
import numpy as np

N = 10000
E = 320000
D_IN = 16
D_EDGE = 8
H = 128
K = 3


def setup_inputs(seed: int = 0):
    key = jax.random.key(seed)
    ks = jax.random.split(key, 12)
    x = jax.random.normal(ks[0], (N, D_IN), dtype=jnp.float32)
    edge_index = jax.random.randint(ks[1], (2, E), 0, N, dtype=jnp.int32)
    edge_attr = jax.random.uniform(ks[2], (E, D_EDGE), dtype=jnp.float32, minval=0.1, maxval=1.1)
    bus_shunt = jax.random.uniform(ks[3], (N, 2), dtype=jnp.float32)
    slack_idx = jax.random.randint(ks[4], (1,), 0, N, dtype=jnp.int32)
    s = 0.05
    W_enc_x = jax.random.normal(ks[5], (D_IN, H), dtype=jnp.float32) / np.sqrt(D_IN)
    b_enc_x = jnp.zeros((H,), dtype=jnp.float32)
    W_enc_e = jax.random.normal(ks[6], (D_EDGE, H), dtype=jnp.float32) / np.sqrt(D_EDGE)
    b_enc_e = jnp.zeros((H,), dtype=jnp.float32)
    W_edge = jax.random.normal(ks[7], (K, 3 * H, H), dtype=jnp.float32) * s
    b_edge = jnp.zeros((K, H), dtype=jnp.float32)
    W_node = jax.random.normal(ks[8], (K, 2 * H, H), dtype=jnp.float32) * s
    b_node = jnp.zeros((K, H), dtype=jnp.float32)
    W_dec = jax.random.normal(ks[9], (H, 2), dtype=jnp.float32) * s
    b_dec = jnp.array([0.0, 1.0], dtype=jnp.float32)
    return {"x": x, "edge_attr": edge_attr, "bus_shunt": bus_shunt,
            "W_enc_x": W_enc_x, "b_enc_x": b_enc_x, "W_enc_e": W_enc_e, "b_enc_e": b_enc_e,
            "W_edge": W_edge, "b_edge": b_edge, "W_node": W_node, "b_node": b_node,
            "W_dec": W_dec, "b_dec": b_dec, "edge_index": edge_index, "slack_idx": slack_idx}


def reference(x, edge_attr, bus_shunt, W_enc_x, b_enc_x, W_enc_e, b_enc_e,
              W_edge, b_edge, W_node, b_node, W_dec, b_dec, edge_index, slack_idx):
    src = edge_index[0]
    dst = edge_index[1]
    # Encoder: project raw node / edge features to hidden dim
    nodes = jax.nn.relu(x @ W_enc_x + b_enc_x)
    edges = jax.nn.relu(edge_attr @ W_enc_e + b_enc_e)
    # k_steps of InteractionNetwork message passing (residual updates,
    # include_sent_messages=False -> aggregate only received messages)
    for l in range(K):
        e_in = jnp.concatenate([nodes[src], nodes[dst], edges], axis=-1)
        edges = edges + jax.nn.relu(e_in @ W_edge[l] + b_edge[l])
        agg = jax.ops.segment_sum(edges, dst, num_segments=N)
        n_in = jnp.concatenate([nodes, agg], axis=-1)
        nodes = nodes + jax.nn.relu(n_in @ W_node[l] + b_node[l])
    # DecoderPF: per-bus [va, vm]
    bus = nodes @ W_dec + b_dec
    # derive_branch_flows
    va = bus[:, 0]
    vm = bus[:, -1]
    v_complex = vm * jnp.exp(1j * va)
    br_r = edge_attr[:, 0]
    br_x = edge_attr[:, 1]
    g_fr = edge_attr[:, 2]
    b_fr = edge_attr[:, 3]
    g_to = edge_attr[:, 4]
    b_to = edge_attr[:, 5]
    tap = edge_attr[:, 6]
    shift = edge_attr[:, 7]
    T_complex = tap * jnp.exp(1j * shift)
    Y_branch = 1.0 / (br_r + 1j * br_x)
    Y_c_fr = 1j * b_fr
    Y_c_to = 1j * b_to
    vi = v_complex[src]
    vj = v_complex[dst]
    S_fr = jnp.conj(Y_branch + Y_c_fr) * jnp.abs(vi) ** 2 / jnp.abs(T_complex) ** 2 \
        - jnp.conj(Y_branch) * (vi * jnp.conj(vj)) / T_complex
    S_to = jnp.conj(Y_branch + Y_c_to) * jnp.abs(vj) ** 2 \
        - jnp.conj(Y_branch) * (vj * jnp.conj(vi)) / jnp.conj(T_complex)
    edge_preds = jnp.stack([S_fr.real, S_fr.imag, S_to.real, S_to.imag], axis=-1)
    # derive_slack_output
    flows_fwd = (edge_preds[:, 0] + 1j * edge_preds[:, 1]).astype(jnp.complex64)
    flows_rev = (edge_preds[:, 2] + 1j * edge_preds[:, 3]).astype(jnp.complex64)
    sum_branch_flows = jnp.zeros((N,), dtype=jnp.complex64)
    sum_branch_flows = sum_branch_flows.at[src].add(flows_fwd)
    sum_branch_flows = sum_branch_flows.at[dst].add(flows_rev)
    shunt_flows = jnp.abs(vm) ** 2 * (bus_shunt[:, 1] + 1j * bus_shunt[:, 0])
    slack_net = sum_branch_flows[slack_idx] + shunt_flows[slack_idx]
    slack = jnp.stack([slack_net.real, slack_net.imag], axis=-1)
    return (bus, edge_preds, slack)

if __name__ == "__main__":
    import jax
    _d = setup_inputs()
    print(jax.jit(kernel)(*tuple(_d.values())))

</pallas_src>

<mosaic_0001>
#map = affine_map<(d0, d1) -> (0, 0)>
#map1 = affine_map<(d0, d1) -> (0, 0, 0)>
module attributes {stable_mosaic.version = 14 : i64} {
  func.func @body(%arg0: i32, %arg1: i32, %arg2: memref<10000x128xf32, #tpu.memory_space<hbm>>, %arg3: memref<32x250x40xi32, #tpu.memory_space<hbm>>, %arg4: memref<32x250x40xi32, #tpu.memory_space<hbm>>, %arg5: memref<320000x128xf32, #tpu.memory_space<hbm>>, %arg6: memref<320000x128xf32, #tpu.memory_space<hbm>>, %arg7: memref<250x40xi32, #tpu.memory_space<vmem>>, %arg8: memref<250x40xi32, #tpu.memory_space<vmem>>, %arg9: memref<40x128xf32, #tpu.memory_space<vmem>>, %arg10: memref<40x128xf32, #tpu.memory_space<vmem>>, %arg11: memref<40x128xf32, #tpu.memory_space<vmem>>, %arg12: memref<40x128xf32, #tpu.memory_space<vmem>>, %arg13: memref<40x128xf32, #tpu.memory_space<vmem>>, %arg14: memref<40x128xf32, #tpu.memory_space<vmem>>, %arg15: memref<40x128xf32, #tpu.memory_space<vmem>>, %arg16: memref<40x128xf32, #tpu.memory_space<vmem>>, %arg17: memref<40x128xf32, #tpu.memory_space<vmem>>, %arg18: memref<40x128xf32, #tpu.memory_space<vmem>>, %arg19: memref<!tpu.dma_semaphore, #tpu.memory_space<semaphore_mem>>, %arg20: memref<!tpu.dma_semaphore, #tpu.memory_space<semaphore_mem>>, %arg21: memref<!tpu.dma_semaphore, #tpu.memory_space<semaphore_mem>>, %arg22: memref<!tpu.dma_semaphore, #tpu.memory_space<semaphore_mem>>, %arg23: memref<!tpu.dma_semaphore, #tpu.memory_space<semaphore_mem>>, %arg24: memref<!tpu.dma_semaphore, #tpu.memory_space<semaphore_mem>>, %arg25: memref<!tpu.dma_semaphore, #tpu.memory_space<semaphore_mem>>, %arg26: memref<!tpu.dma_semaphore, #tpu.memory_space<semaphore_mem>>, %arg27: memref<!tpu.dma_semaphore, #tpu.memory_space<semaphore_mem>>, %arg28: memref<!tpu.dma_semaphore, #tpu.memory_space<semaphore_mem>>) attributes {dimension_semantics = [#tpu.dimension_semantics<core_parallel>, #tpu.dimension_semantics<subcore_parallel>], iteration_bounds = array<i64: 2, 16>, scalar_prefetch = 0 : i64, scratch_operands = 22 : i64, tpu.core_type = #tpu.core_type<sc_vector_subcore>, window_params = [{transform_indices = #map}, {transform_indices = #map1}, {transform_indices = #map1}, {transform_indices = #map}, {transform_indices = #map}]} {
    %mul3A = arith.constant 2 : i32
    %mul3A_0 = arith.muli %arg1, %mul3A : i32
    %add3A = arith.addi %mul3A_0, %arg0 : i32
    "tpu.region"() ({
      %run_scoped3A = tpu.sem_alloc : memref<!tpu.dma_semaphore, #tpu.memory_space<semaphore_mem>>
      %dma_start3A = arith.constant 0 : i32
      %dma_start3A_8 = arith.constant 0 : i32
      %dma_start3A_9 = tpu.memref_slice %arg3[%add3A, %dma_start3A, %dma_start3A_8] : memref<32x250x40xi32, #tpu.memory_space<hbm>> -> memref<1x250x40xi32, #tpu.memory_space<hbm>>
      %dma_start3A_10 = tpu.memref_squeeze %dma_start3A_9 : memref<1x250x40xi32, #tpu.memory_space<hbm>> -> memref<250x40xi32, #tpu.memory_space<hbm>>
      %dma_start3A_11 = arith.constant 0 : i32
      %dma_start3A_12 = arith.constant 0 : i32
      %dma_start3A_13 = tpu.memref_slice %arg3[%add3A, %dma_start3A_11, %dma_start3A_12] : memref<32x250x40xi32, #tpu.memory_space<hbm>> -> memref<1x250x40xi32, #tpu.memory_space<hbm>>
      %dma_start3A_14 = tpu.memref_squeeze %dma_start3A_13 : memref<1x250x40xi32, #tpu.memory_space<hbm>> -> memref<250x40xi32, #tpu.memory_space<hbm>>
      tpu.enqueue_dma source(%dma_start3A_14 : memref<250x40xi32, #tpu.memory_space<hbm>>) target(%arg7 : memref<250x40xi32, #tpu.memory_space<vmem>>) target_semaphore(%run_scoped3A : memref<!tpu.dma_semaphore, #tpu.memory_space<semaphore_mem>>)
      %dma_wait3A = arith.constant 0 : i32
      %dma_wait3A_15 = arith.constant 0 : i32
      %dma_wait3A_16 = tpu.memref_slice %arg3[%add3A, %dma_wait3A, %dma_wait3A_15] : memref<32x250x40xi32, #tpu.memory_space<hbm>> -> memref<1x250x40xi32, #tpu.memory_space<hbm>>
      %dma_wait3A_17 = tpu.memref_squeeze %dma_wait3A_16 : memref<1x250x40xi32, #tpu.memory_space<hbm>> -> memref<250x40xi32, #tpu.memory_space<hbm>>
      %dma_wait3A_18 = arith.constant 0 : i32
      %dma_wait3A_19 = arith.constant 0 : i32
      %dma_wait3A_20 = tpu.memref_slice %arg3[%add3A, %dma_wait3A_18, %dma_wait3A_19] : memref<32x250x40xi32, #tpu.memory_space<hbm>> -> memref<1x250x40xi32, #tpu.memory_space<hbm>>
      %dma_wait3A_21 = tpu.memref_squeeze %dma_wait3A_20 : memref<1x250x40xi32, #tpu.memory_space<hbm>> -> memref<250x40xi32, #tpu.memory_space<hbm>>
      tpu.wait_dma2 semaphore(%run_scoped3A : memref<!tpu.dma_semaphore, #tpu.memory_space<semaphore_mem>>) src(%dma_wait3A_21 : memref<250x40xi32, #tpu.memory_space<hbm>>) dst(%arg7 : memref<250x40xi32, #tpu.memory_space<vmem>>)
      tpu.yield
    }) : () -> ()
    "tpu.region"() ({
      %run_scoped3A = tpu.sem_alloc : memref<!tpu.dma_semaphore, #tpu.memory_space<semaphore_mem>>
      %dma_start3A = arith.constant 0 : i32
      %dma_start3A_8 = arith.constant 0 : i32
      %dma_start3A_9 = tpu.memref_slice %arg4[%add3A, %dma_start3A, %dma_start3A_8] : memref<32x250x40xi32, #tpu.memory_space<hbm>> -> memref<1x250x40xi32, #tpu.memory_space<hbm>>
      %dma_start3A_10 = tpu.memref_squeeze %dma_start3A_9 : memref<1x250x40xi32, #tpu.memory_space<hbm>> -> memref<250x40xi32, #tpu.memory_space<hbm>>
      %dma_start3A_11 = arith.constant 0 : i32
      %dma_start3A_12 = arith.constant 0 : i32
      %dma_start3A_13 = tpu.memref_slice %arg4[%add3A, %dma_start3A_11, %dma_start3A_12] : memref<32x250x40xi32, #tpu.memory_space<hbm>> -> memref<1x250x40xi32, #tpu.memory_space<hbm>>
      %dma_start3A_14 = tpu.memref_squeeze %dma_start3A_13 : memref<1x250x40xi32, #tpu.memory_space<hbm>> -> memref<250x40xi32, #tpu.memory_space<hbm>>
      tpu.enqueue_dma source(%dma_start3A_14 : memref<250x40xi32, #tpu.memory_space<hbm>>) target(%arg8 : memref<250x40xi32, #tpu.memory_space<vmem>>) target_semaphore(%run_scoped3A : memref<!tpu.dma_semaphore, #tpu.memory_space<semaphore_mem>>)
      %dma_wait3A = arith.constant 0 : i32
      %dma_wait3A_15 = arith.constant 0 : i32
      %dma_wait3A_16 = tpu.memref_slice %arg4[%add3A, %dma_wait3A, %dma_wait3A_15] : memref<32x250x40xi32, #tpu.memory_space<hbm>> -> memref<1x250x40xi32, #tpu.memory_space<hbm>>
      %dma_wait3A_17 = tpu.memref_squeeze %dma_wait3A_16 : memref<1x250x40xi32, #tpu.memory_space<hbm>> -> memref<250x40xi32, #tpu.memory_space<hbm>>
      %dma_wait3A_18 = arith.constant 0 : i32
      %dma_wait3A_19 = arith.constant 0 : i32
      %dma_wait3A_20 = tpu.memref_slice %arg4[%add3A, %dma_wait3A_18, %dma_wait3A_19] : memref<32x250x40xi32, #tpu.memory_space<hbm>> -> memref<1x250x40xi32, #tpu.memory_space<hbm>>
      %dma_wait3A_21 = tpu.memref_squeeze %dma_wait3A_20 : memref<1x250x40xi32, #tpu.memory_space<hbm>> -> memref<250x40xi32, #tpu.memory_space<hbm>>
      tpu.wait_dma2 semaphore(%run_scoped3A : memref<!tpu.dma_semaphore, #tpu.memory_space<semaphore_mem>>) src(%dma_wait3A_21 : memref<250x40xi32, #tpu.memory_space<hbm>>) dst(%arg8 : memref<250x40xi32, #tpu.memory_space<vmem>>)
      tpu.yield
    }) : () -> ()
    %mul3A_1 = arith.constant 10000 : i32
    %mul3A_2 = arith.muli %add3A, %mul3A_1 : i32
    %scan3A = arith.constant 0 : i32
    %scan3A_3 = arith.constant 0 : i32
    %scan3A_4 = arith.constant 50 : i32
    %scan3A_5 = arith.addi %scan3A_3, %scan3A_4 : i32
    %scan3A_6 = arith.constant 1 : i32
    scf.for %scan3A_8 = %scan3A_3 to %scan3A_5 step %scan3A_6  : i32 {
      %mul3A_9 = arith.constant 5 : i32
      %mul3A_10 = arith.muli %scan3A_8, %mul3A_9 : i32
      %add3A_11 = arith.constant 0 : i32
      %add3A_12 = arith.addi %mul3A_10, %add3A_11 : i32
      %dma_start3A = arith.constant 0 : i32
      %dma_start3A_13 = tpu.memref_slice %arg7[%add3A_12, %dma_start3A] : memref<250x40xi32, #tpu.memory_space<vmem>> -> memref<1x40xi32, #tpu.memory_space<vmem>>
      %dma_start3A_14 = tpu.memref_squeeze %dma_start3A_13 : memref<1x40xi32, #tpu.memory_space<vmem>> -> memref<40xi32, #tpu.memory_space<vmem>>
      %dma_start3A_15 = arith.constant 0 : i32
      %dma_start3A_16 = arith.constant 0 : i32
      %dma_start3A_17 = tpu.memref_slice %arg2[%dma_start3A_15, %dma_start3A_16] : memref<10000x128xf32, #tpu.memory_space<hbm>> -> memref<10000x128xf32, #tpu.memory_space<hbm>>
      tpu.enqueue_indirect_dma source(%dma_start3A_17 : memref<10000x128xf32, #tpu.memory_space<hbm>>) target(%arg9 : memref<40x128xf32, #tpu.memory_space<vmem>>) offsets(%dma_start3A_14 : memref<40xi32, #tpu.memory_space<vmem>>) semaphore(%arg19 : memref<!tpu.dma_semaphore, #tpu.memory_space<semaphore_mem>>)
      %add3A_18 = arith.constant 0 : i32
      %add3A_19 = arith.addi %mul3A_10, %add3A_18 : i32
      %dma_start3A_20 = arith.constant 0 : i32
      %dma_start3A_21 = tpu.memref_slice %arg8[%add3A_19, %dma_start3A_20] : memref<250x40xi32, #tpu.memory_space<vmem>> -> memref<1x40xi32, #tpu.memory_space<vmem>>
      %dma_start3A_22 = tpu.memref_squeeze %dma_start3A_21 : memref<1x40xi32, #tpu.memory_space<vmem>> -> memref<40xi32, #tpu.memory_space<vmem>>
      %dma_start3A_23 = arith.constant 0 : i32
      %dma_start3A_24 = arith.constant 0 : i32
      %dma_start3A_25 = tpu.memref_slice %arg2[%dma_start3A_23, %dma_start3A_24] : memref<10000x128xf32, #tpu.memory_space<hbm>> -> memref<10000x128xf32, #tpu.memory_space<hbm>>
      tpu.enqueue_indirect_dma source(%dma_start3A_25 : memref<10000x128xf32, #tpu.memory_space<hbm>>) target(%arg14 : memref<40x128xf32, #tpu.memory_space<vmem>>) offsets(%dma_start3A_22 : memref<40xi32, #tpu.memory_space<vmem>>) semaphore(%arg24 : memref<!tpu.dma_semaphore, #tpu.memory_space<semaphore_mem>>)
      %add3A_26 = arith.constant 1 : i32
      %add3A_27 = arith.addi %mul3A_10, %add3A_26 : i32
      %dma_start3A_28 = arith.constant 0 : i32
      %dma_start3A_29 = tpu.memref_slice %arg7[%add3A_27, %dma_start3A_28] : memref<250x40xi32, #tpu.memory_space<vmem>> -> memref<1x40xi32, #tpu.memory_space<vmem>>
      %dma_start3A_30 = tpu.memref_squeeze %dma_start3A_29 : memref<1x40xi32, #tpu.memory_space<vmem>> -> memref<40xi32, #tpu.memory_space<vmem>>
      %dma_start3A_31 = arith.constant 0 : i32
      %dma_start3A_32 = arith.constant 0 : i32
      %dma_start3A_33 = tpu.memref_slice %arg2[%dma_start3A_31, %dma_start3A_32] : memref<10000x128xf32, #tpu.memory_space<hbm>> -> memref<10000x128xf32, #tpu.memory_space<hbm>>
      tpu.enqueue_indirect_dma source(%dma_start3A_33 : memref<10000x128xf32, #tpu.memory_space<hbm>>) target(%arg10 : memref<40x128xf32, #tpu.memory_space<vmem>>) offsets(%dma_start3A_30 : memref<40xi32, #tpu.memory_space<vmem>>) semaphore(%arg20 : memref<!tpu.dma_semaphore, #tpu.memory_space<semaphore_mem>>)
      %add3A_34 = arith.constant 1 : i32
      %add3A_35 = arith.addi %mul3A_10, %add3A_34 : i32
      %dma_start3A_36 = arith.constant 0 : i32
      %dma_start3A_37 = tpu.memref_slice %arg8[%add3A_35, %dma_start3A_36] : memref<250x40xi32, #tpu.memory_space<vmem>> -> memref<1x40xi32, #tpu.memory_space<vmem>>
      %dma_start3A_38 = tpu.memref_squeeze %dma_start3A_37 : memref<1x40xi32, #tpu.memory_space<vmem>> -> memref<40xi32, #tpu.memory_space<vmem>>
      %dma_start3A_39 = arith.constant 0 : i32
      %dma_start3A_40 = arith.constant 0 : i32
      %dma_start3A_41 = tpu.memref_slice %arg2[%dma_start3A_39, %dma_start3A_40] : memref<10000x128xf32, #tpu.memory_space<hbm>> -> memref<10000x128xf32, #tpu.memory_space<hbm>>
      tpu.enqueue_indirect_dma source(%dma_start3A_41 : memref<10000x128xf32, #tpu.memory_space<hbm>>) target(%arg15 : memref<40x128xf32, #tpu.memory_space<vmem>>) offsets(%dma_start3A_38 : memref<40xi32, #tpu.memory_space<vmem>>) semaphore(%arg25 : memref<!tpu.dma_semaphore, #tpu.memory_space<semaphore_mem>>)
      %add3A_42 = arith.constant 2 : i32
      %add3A_43 = arith.addi %mul3A_10, %add3A_42 : i32
      %dma_start3A_44 = arith.constant 0 : i32
      %dma_start3A_45 = tpu.memref_slice %arg7[%add3A_43, %dma_start3A_44] : memref<250x40xi32, #tpu.memory_space<vmem>> -> memref<1x40xi32, #tpu.memory_space<vmem>>
      %dma_start3A_46 = tpu.memref_squeeze %dma_start3A_45 : memref<1x40xi32, #tpu.memory_space<vmem>> -> memref<40xi32, #tpu.memory_space<vmem>>
      %dma_start3A_47 = arith.constant 0 : i32
      %dma_start3A_48 = arith.constant 0 : i32
      %dma_start3A_49 = tpu.memref_slice %arg2[%dma_start3A_47, %dma_start3A_48] : memref<10000x128xf32, #tpu.memory_space<hbm>> -> memref<10000x128xf32, #tpu.memory_space<hbm>>
      tpu.enqueue_indirect_dma source(%dma_start3A_49 : memref<10000x128xf32, #tpu.memory_space<hbm>>) target(%arg11 : memref<40x128xf32, #tpu.memory_space<vmem>>) offsets(%dma_start3A_46 : memref<40xi32, #tpu.memory_space<vmem>>) semaphore(%arg21 : memref<!tpu.dma_semaphore, #tpu.memory_space<semaphore_mem>>)
      %add3A_50 = arith.constant 2 : i32
      %add3A_51 = arith.addi %mul3A_10, %add3A_50 : i32
      %dma_start3A_52 = arith.constant 0 : i32
      %dma_start3A_53 = tpu.memref_slice %arg8[%add3A_51, %dma_start3A_52] : memref<250x40xi32, #tpu.memory_space<vmem>> -> memref<1x40xi32, #tpu.memory_space<vmem>>
      %dma_start3A_54 = tpu.memref_squeeze %dma_start3A_53 : memref<1x40xi32, #tpu.memory_space<vmem>> -> memref<40xi32, #tpu.memory_space<vmem>>
      %dma_start3A_55 = arith.constant 0 : i32
      %dma_start3A_56 = arith.constant 0 : i32
      %dma_start3A_57 = tpu.memref_slice %arg2[%dma_start3A_55, %dma_start3A_56] : memref<10000x128xf32, #tpu.memory_space<hbm>> -> memref<10000x128xf32, #tpu.memory_space<hbm>>
      tpu.enqueue_indirect_dma source(%dma_start3A_57 : memref<10000x128xf32, #tpu.memory_space<hbm>>) target(%arg16 : memref<40x128xf32, #tpu.memory_space<vmem>>) offsets(%dma_start3A_54 : memref<40xi32, #tpu.memory_space<vmem>>) semaphore(%arg26 : memref<!tpu.dma_semaphore, #tpu.memory_space<semaphore_mem>>)
      %add3A_58 = arith.constant 3 : i32
      %add3A_59 = arith.addi %mul3A_10, %add3A_58 : i32
      %dma_start3A_60 = arith.constant 0 : i32
      %dma_start3A_61 = tpu.memref_slice %arg7[%add3A_59, %dma_start3A_60] : memref<250x40xi32, #tpu.memory_space<vmem>> -> memref<1x40xi32, #tpu.memory_space<vmem>>
      %dma_start3A_62 = tpu.memref_squeeze %dma_start3A_61 : memref<1x40xi32, #tpu.memory_space<vmem>> -> memref<40xi32, #tpu.memory_space<vmem>>
      %dma_start3A_63 = arith.constant 0 : i32
      %dma_start3A_64 = arith.constant 0 : i32
      %dma_start3A_65 = tpu.memref_slice %arg2[%dma_start3A_63, %dma_start3A_64] : memref<10000x128xf32, #tpu.memory_space<hbm>> -> memref<10000x128xf32, #tpu.memory_space<hbm>>
      tpu.enqueue_indirect_dma source(%dma_start3A_65 : memref<10000x128xf32, #tpu.memory_space<hbm>>) target(%arg12 : memref<40x128xf32, #tpu.memory_space<vmem>>) offsets(%dma_start3A_62 : memref<40xi32, #tpu.memory_space<vmem>>) semaphore(%arg22 : memref<!tpu.dma_semaphore, #tpu.memory_space<semaphore_mem>>)
      %add3A_66 = arith.constant 3 : i32
      %add3A_67 = arith.addi %mul3A_10, %add3A_66 : i32
      %dma_start3A_68 = arith.constant 0 : i32
      %dma_start3A_69 = tpu.memref_slice %arg8[%add3A_67, %dma_start3A_68] : memref<250x40xi32, #tpu.memory_space<vmem>> -> memref<1x40xi32, #tpu.memory_space<vmem>>
      %dma_start3A_70 = tpu.memref_squeeze %dma_start3A_69 : memref<1x40xi32, #tpu.memory_space<vmem>> -> memref<40xi32, #tpu.memory_space<vmem>>
      %dma_start3A_71 = arith.constant 0 : i32
      %dma_start3A_72 = arith.constant 0 : i32
      %dma_start3A_73 = tpu.memref_slice %arg2[%dma_start3A_71, %dma_start3A_72] : memref<10000x128xf32, #tpu.memory_space<hbm>> -> memref<10000x128xf32, #tpu.memory_space<hbm>>
      tpu.enqueue_indirect_dma source(%dma_start3A_73 : memref<10000x128xf32, #tpu.memory_space<hbm>>) target(%arg17 : memref<40x128xf32, #tpu.memory_space<vmem>>) offsets(%dma_start3A_70 : memref<40xi32, #tpu.memory_space<vmem>>) semaphore(%arg27 : memref<!tpu.dma_semaphore, #tpu.memory_space<semaphore_mem>>)
      %add3A_74 = arith.constant 4 : i32
      %add3A_75 = arith.addi %mul3A_10, %add3A_74 : i32
      %dma_start3A_76 = arith.constant 0 : i32
      %dma_start3A_77 = tpu.memref_slice %arg7[%add3A_75, %dma_start3A_76] : memref<250x40xi32, #tpu.memory_space<vmem>> -> memref<1x40xi32, #tpu.memory_space<vmem>>
      %dma_start3A_78 = tpu.memref_squeeze %dma_start3A_77 : memref<1x40xi32, #tpu.memory_space<vmem>> -> memref<40xi32, #tpu.memory_space<vmem>>
      %dma_start3A_79 = arith.constant 0 : i32
      %dma_start3A_80 = arith.constant 0 : i32
      %dma_start3A_81 = tpu.memref_slice %arg2[%dma_start3A_79, %dma_start3A_80] : memref<10000x128xf32, #tpu.memory_space<hbm>> -> memref<10000x128xf32, #tpu.memory_space<hbm>>
      tpu.enqueue_indirect_dma source(%dma_start3A_81 : memref<10000x128xf32, #tpu.memory_space<hbm>>) target(%arg13 : memref<40x128xf32, #tpu.memory_space<vmem>>) offsets(%dma_start3A_78 : memref<40xi32, #tpu.memory_space<vmem>>) semaphore(%arg23 : memref<!tpu.dma_semaphore, #tpu.memory_space<semaphore_mem>>)
      %add3A_82 = arith.constant 4 : i32
      %add3A_83 = arith.addi %mul3A_10, %add3A_82 : i32
      %dma_start3A_84 = arith.constant 0 : i32
      %dma_start3A_85 = tpu.memref_slice %arg8[%add3A_83, %dma_start3A_84] : memref<250x40xi32, #tpu.memory_space<vmem>> -> memref<1x40xi32, #tpu.memory_space<vmem>>
      %dma_start3A_86 = tpu.memref_squeeze %dma_start3A_85 : memref<1x40xi32, #tpu.memory_space<vmem>> -> memref<40xi32, #tpu.memory_space<vmem>>
      %dma_start3A_87 = arith.constant 0 : i32
      %dma_start3A_88 = arith.constant 0 : i32
      %dma_start3A_89 = tpu.memref_slice %arg2[%dma_start3A_87, %dma_start3A_88] : memref<10000x128xf32, #tpu.memory_space<hbm>> -> memref<10000x128xf32, #tpu.memory_space<hbm>>
      tpu.enqueue_indirect_dma source(%dma_start3A_89 : memref<10000x128xf32, #tpu.memory_space<hbm>>) target(%arg18 : memref<40x128xf32, #tpu.memory_space<vmem>>) offsets(%dma_start3A_86 : memref<40xi32, #tpu.memory_space<vmem>>) semaphore(%arg28 : memref<!tpu.dma_semaphore, #tpu.memory_space<semaphore_mem>>)
      %add3A_90 = arith.constant 0 : i32
      %add3A_91 = arith.addi %mul3A_10, %add3A_90 : i32
      %mul3A_92 = arith.constant 40 : i32
      %mul3A_93 = arith.muli %add3A_91, %mul3A_92 : i32
      %add3A_94 = arith.addi %mul3A_2, %mul3A_93 : i32
      %add3A_95 = arith.constant 0 : i32
      %add3A_96 = arith.addi %mul3A_10, %add3A_95 : i32
      %dma_wait3A = arith.constant 0 : i32
      %dma_wait3A_97 = tpu.memref_slice %arg7[%add3A_96, %dma_wait3A] : memref<250x40xi32, #tpu.memory_space<vmem>> -> memref<1x40xi32, #tpu.memory_space<vmem>>
      %dma_wait3A_98 = tpu.memref_squeeze %dma_wait3A_97 : memref<1x40xi32, #tpu.memory_space<vmem>> -> memref<40xi32, #tpu.memory_space<vmem>>
      %dma_wait3A_99 = arith.constant 0 : i32
      %dma_wait3A_100 = arith.constant 0 : i32
      %dma_wait3A_101 = tpu.memref_slice %arg2[%dma_wait3A_99, %dma_wait3A_100] : memref<10000x128xf32, #tpu.memory_space<hbm>> -> memref<10000x128xf32, #tpu.memory_space<hbm>>
      tpu.wait_indirect_dma semaphore(%arg19 : memref<!tpu.dma_semaphore, #tpu.memory_space<semaphore_mem>>) src(%dma_wait3A_101 : memref<10000x128xf32, #tpu.memory_space<hbm>>) dst(%arg9 : memref<40x128xf32, #tpu.memory_space<vmem>>)
      %dma_start3A_102 = arith.constant 0 : i32
      %dma_start3A_103 = tpu.memref_slice %arg5[%add3A_94, %dma_start3A_102] : memref<320000x128xf32, #tpu.memory_space<hbm>> -> memref<40x128xf32, #tpu.memory_space<hbm>>
      %dma_start3A_104 = arith.constant 0 : i32
      %dma_start3A_105 = tpu.memref_slice %arg5[%add3A_94, %dma_start3A_104] : memref<320000x128xf32, #tpu.memory_space<hbm>> -> memref<40x128xf32, #tpu.memory_space<hbm>>
      tpu.enqueue_dma source(%arg9 : memref<40x128xf32, #tpu.memory_space<vmem>>) target(%dma_start3A_105 : memref<40x128xf32, #tpu.memory_space<hbm>>) target_semaphore(%arg19 : memref<!tpu.dma_semaphore, #tpu.memory_space<semaphore_mem>>)
      %add3A_106 = arith.constant 0 : i32
      %add3A_107 = arith.addi %mul3A_10, %add3A_106 : i32
      %dma_wait3A_108 = arith.constant 0 : i32
      %dma_wait3A_109 = tpu.memref_slice %arg8[%add3A_107, %dma_wait3A_108] : memref<250x40xi32, #tpu.memory_space<vmem>> -> memref<1x40xi32, #tpu.memory_space<vmem>>
      %dma_wait3A_110 = tpu.memref_squeeze %dma_wait3A_109 : memref<1x40xi32, #tpu.memory_space<vmem>> -> memref<40xi32, #tpu.memory_space<vmem>>
      %dma_wait3A_111 = arith.constant 0 : i32
      %dma_wait3A_112 = arith.constant 0 : i32
      %dma_wait3A_113 = tpu.memref_slice %arg2[%dma_wait3A_111, %dma_wait3A_112] : memref<10000x128xf32, #tpu.memory_space<hbm>> -> memref<10000x128xf32, #tpu.memory_space<hbm>>
      tpu.wait_indirect_dma semaphore(%arg24 : memref<!tpu.dma_semaphore, #tpu.memory_space<semaphore_mem>>) src(%dma_wait3A_113 : memref<10000x128xf32, #tpu.memory_space<hbm>>) dst(%arg14 : memref<40x128xf32, #tpu.memory_space<vmem>>)
      %dma_start3A_114 = arith.constant 0 : i32
      %dma_start3A_115 = tpu.memref_slice %arg6[%add3A_94, %dma_start3A_114] : memref<320000x128xf32, #tpu.memory_space<hbm>> -> memref<40x128xf32, #tpu.memory_space<hbm>>
      %dma_start3A_116 = arith.constant 0 : i32
      %dma_start3A_117 = tpu.memref_slice %arg6[%add3A_94, %dma_start3A_116] : memref<320000x128xf32, #tpu.memory_space<hbm>> -> memref<40x128xf32, #tpu.memory_space<hbm>>
      tpu.enqueue_dma source(%arg14 : memref<40x128xf32, #tpu.memory_space<vmem>>) target(%dma_start3A_117 : memref<40x128xf32, #tpu.memory_space<hbm>>) target_semaphore(%arg24 : memref<!tpu.dma_semaphore, #tpu.memory_space<semaphore_mem>>)
      %add3A_118 = arith.constant 1 : i32
      %add3A_119 = arith.addi %mul3A_10, %add3A_118 : i32
      %mul3A_120 = arith.constant 40 : i32
      %mul3A_121 = arith.muli %add3A_119, %mul3A_120 : i32
      %add3A_122 = arith.addi %mul3A_2, %mul3A_121 : i32
      %add3A_123 = arith.constant 1 : i32
      %add3A_124 = arith.addi %mul3A_10, %add3A_123 : i32
      %dma_wait3A_125 = arith.constant 0 : i32
      %dma_wait3A_126 = tpu.memref_slice %arg7[%add3A_124, %dma_wait3A_125] : memref<250x40xi32, #tpu.memory_space<vmem>> -> memref<1x40xi32, #tpu.memory_space<vmem>>
      %dma_wait3A_127 = tpu.memref_squeeze %dma_wait3A_126 : memref<1x40xi32, #tpu.memory_space<vmem>> -> memref<40xi32, #tpu.memory_space<vmem>>
      %dma_wait3A_128 = arith.constant 0 : i32
      %dma_wait3A_129 = arith.constant 0 : i32
      %dma_wait3A_130 = tpu.memref_slice %arg2[%dma_wait3A_128, %dma_wait3A_129] : memref<10000x128xf32, #tpu.memory_space<hbm>> -> memref<10000x128xf32, #tpu.memory_space<hbm>>
      tpu.wait_indirect_dma semaphore(%arg20 : memref<!tpu.dma_semaphore, #tpu.memory_space<semaphore_mem>>) src(%dma_wait3A_130 : memref<10000x128xf32, #tpu.memory_space<hbm>>) dst(%arg10 : memref<40x128xf32, #tpu.memory_space<vmem>>)
      %dma_start3A_131 = arith.constant 0 : i32
      %dma_start3A_132 = tpu.memref_slice %arg5[%add3A_122, %dma_start3A_131] : memref<320000x128xf32, #tpu.memory_space<hbm>> -> memref<40x128xf32, #tpu.memory_space<hbm>>
      %dma_start3A_133 = arith.constant 0 : i32
      %dma_start3A_134 = tpu.memref_slice %arg5[%add3A_122, %dma_start3A_133] : memref<320000x128xf32, #tpu.memory_space<hbm>> -> memref<40x128xf32, #tpu.memory_space<hbm>>
      tpu.enqueue_dma source(%arg10 : memref<40x128xf32, #tpu.memory_space<vmem>>) target(%dma_start3A_134 : memref<40x128xf32, #tpu.memory_space<hbm>>) target_semaphore(%arg20 : memref<!tpu.dma_semaphore, #tpu.memory_space<semaphore_mem>>)
      %add3A_135 = arith.constant 1 : i32
      %add3A_136 = arith.addi %mul3A_10, %add3A_135 : i32
      %dma_wait3A_137 = arith.constant 0 : i32
      %dma_wait3A_138 = tpu.memref_slice %arg8[%add3A_136, %dma_wait3A_137] : memref<250x40xi32, #tpu.memory_space<vmem>> -> memref<1x40xi32, #tpu.memory_space<vmem>>
      %dma_wait3A_139 = tpu.memref_squeeze %dma_wait3A_138 : memref<1x40xi32, #tpu.memory_space<vmem>> -> memref<40xi32, #tpu.memory_space<vmem>>
      %dma_wait3A_140 = arith.constant 0 : i32
      %dma_wait3A_141 = arith.constant 0 : i32
      %dma_wait3A_142 = tpu.memref_slice %arg2[%dma_wait3A_140, %dma_wait3A_141] : memref<10000x128xf32, #tpu.memory_space<hbm>> -> memref<10000x128xf32, #tpu.memory_space<hbm>>
      tpu.wait_indirect_dma semaphore(%arg25 : memref<!tpu.dma_semaphore, #tpu.memory_space<semaphore_mem>>) src(%dma_wait3A_142 : memref<10000x128xf32, #tpu.memory_space<hbm>>) dst(%arg15 : memref<40x128xf32, #tpu.memory_space<vmem>>)
      %dma_start3A_143 = arith.constant 0 : i32
      %dma_start3A_144 = tpu.memref_slice %arg6[%add3A_122, %dma_start3A_143] : memref<320000x128xf32, #tpu.memory_space<hbm>> -> memref<40x128xf32, #tpu.memory_space<hbm>>
      %dma_start3A_145 = arith.constant 0 : i32
      %dma_start3A_146 = tpu.memref_slice %arg6[%add3A_122, %dma_start3A_145] : memref<320000x128xf32, #tpu.memory_space<hbm>> -> memref<40x128xf32, #tpu.memory_space<hbm>>
      tpu.enqueue_dma source(%arg15 : memref<40x128xf32, #tpu.memory_space<vmem>>) target(%dma_start3A_146 : memref<40x128xf32, #tpu.memory_space<hbm>>) target_semaphore(%arg25 : memref<!tpu.dma_semaphore, #tpu.memory_space<semaphore_mem>>)
      %add3A_147 = arith.constant 2 : i32
      %add3A_148 = arith.addi %mul3A_10, %add3A_147 : i32
      %mul3A_149 = arith.constant 40 : i32
      %mul3A_150 = arith.muli %add3A_148, %mul3A_149 : i32
      %add3A_151 = arith.addi %mul3A_2, %mul3A_150 : i32
      %add3A_152 = arith.constant 2 : i32
      %add3A_153 = arith.addi %mul3A_10, %add3A_152 : i32
      %dma_wait3A_154 = arith.constant 0 : i32
      %dma_wait3A_155 = tpu.memref_slice %arg7[%add3A_153, %dma_wait3A_154] : memref<250x40xi32, #tpu.memory_space<vmem>> -> memref<1x40xi32, #tpu.memory_space<vmem>>
      %dma_wait3A_156 = tpu.memref_squeeze %dma_wait3A_155 : memref<1x40xi32, #tpu.memory_space<vmem>> -> memref<40xi32, #tpu.memory_space<vmem>>
      %dma_wait3A_157 = arith.constant 0 : i32
      %dma_wait3A_158 = arith.constant 0 : i32
      %dma_wait3A_159 = tpu.memref_slice %arg2[%dma_wait3A_157, %dma_wait3A_158] : memref<10000x128xf32, #tpu.memory_space<hbm>> -> memref<10000x128xf32, #tpu.memory_space<hbm>>
      tpu.wait_indirect_dma semaphore(%arg21 : memref<!tpu.dma_semaphore, #tpu.memory_space<semaphore_mem>>) src(%dma_wait3A_159 : memref<10000x128xf32, #tpu.memory_space<hbm>>) dst(%arg11 : memref<40x128xf32, #tpu.memory_space<vmem>>)
      %dma_start3A_160 = arith.constant 0 : i32
      %dma_start3A_161 = tpu.memref_slice %arg5[%add3A_151, %dma_start3A_160] : memref<320000x128xf32, #tpu.memory_space<hbm>> -> memref<40x128xf32, #tpu.memory_space<hbm>>
      %dma_start3A_162 = arith.constant 0 : i32
      %dma_start3A_163 = tpu.memref_slice %arg5[%add3A_151, %dma_start3A_162] : memref<320000x128xf32, #tpu.memory_space<hbm>> -> memref<40x128xf32, #tpu.memory_space<hbm>>
      tpu.enqueue_dma source(%arg11 : memref<40x128xf32, #tpu.memory_space<vmem>>) target(%dma_start3A_163 : memref<40x128xf32, #tpu.memory_space<hbm>>) target_semaphore(%arg21 : memref<!tpu.dma_semaphore, #tpu.memory_space<semaphore_mem>>)
      %add3A_164 = arith.constant 2 : i32
      %add3A_165 = arith.addi %mul3A_10, %add3A_164 : i32
      %dma_wait3A_166 = arith.constant 0 : i32
      %dma_wait3A_167 = tpu.memref_slice %arg8[%add3A_165, %dma_wait3A_166] : memref<250x40xi32, #tpu.memory_space<vmem>> -> memref<1x40xi32, #tpu.memory_space<vmem>>
      %dma_wait3A_168 = tpu.memref_squeeze %dma_wait3A_167 : memref<1x40xi32, #tpu.memory_space<vmem>> -> memref<40xi32, #tpu.memory_space<vmem>>
      %dma_wait3A_169 = arith.constant 0 : i32
      %dma_wait3A_170 = arith.constant 0 : i32
      %dma_wait3A_171 = tpu.memref_slice %arg2[%dma_wait3A_169, %dma_wait3A_170] : memref<10000x128xf32, #tpu.memory_space<hbm>> -> memref<10000x128xf32, #tpu.memory_space<hbm>>
      tpu.wait_indirect_dma semaphore(%arg26 : memref<!tpu.dma_semaphore, #tpu.memory_space<semaphore_mem>>) src(%dma_wait3A_171 : memref<10000x128xf32, #tpu.memory_space<hbm>>) dst(%arg16 : memref<40x128xf32, #tpu.memory_space<vmem>>)
      %dma_start3A_172 = arith.constant 0 : i32
      %dma_start3A_173 = tpu.memref_slice %arg6[%add3A_151, %dma_start3A_172] : memref<320000x128xf32, #tpu.memory_space<hbm>> -> memref<40x128xf32, #tpu.memory_space<hbm>>
      %dma_start3A_174 = arith.constant 0 : i32
      %dma_start3A_175 = tpu.memref_slice %arg6[%add3A_151, %dma_start3A_174] : memref<320000x128xf32, #tpu.memory_space<hbm>> -> memref<40x128xf32, #tpu.memory_space<hbm>>
      tpu.enqueue_dma source(%arg16 : memref<40x128xf32, #tpu.memory_space<vmem>>) target(%dma_start3A_175 : memref<40x128xf32, #tpu.memory_space<hbm>>) target_semaphore(%arg26 : memref<!tpu.dma_semaphore, #tpu.memory_space<semaphore_mem>>)
      %add3A_176 = arith.constant 3 : i32
      %add3A_177 = arith.addi %mul3A_10, %add3A_176 : i32
      %mul3A_178 = arith.constant 40 : i32
      %mul3A_179 = arith.muli %add3A_177, %mul3A_178 : i32
      %add3A_180 = arith.addi %mul3A_2, %mul3A_179 : i32
      %add3A_181 = arith.constant 3 : i32
      %add3A_182 = arith.addi %mul3A_10, %add3A_181 : i32
      %dma_wait3A_183 = arith.constant 0 : i32
      %dma_wait3A_184 = tpu.memref_slice %arg7[%add3A_182, %dma_wait3A_183] : memref<250x40xi32, #tpu.memory_space<vmem>> -> memref<1x40xi32, #tpu.memory_space<vmem>>
      %dma_wait3A_185 = tpu.memref_squeeze %dma_wait3A_184 : memref<1x40xi32, #tpu.memory_space<vmem>> -> memref<40xi32, #tpu.memory_space<vmem>>
      %dma_wait3A_186 = arith.constant 0 : i32
      %dma_wait3A_187 = arith.constant 0 : i32
      %dma_wait3A_188 = tpu.memref_slice %arg2[%dma_wait3A_186, %dma_wait3A_187] : memref<10000x128xf32, #tpu.memory_space<hbm>> -> memref<10000x128xf32, #tpu.memory_space<hbm>>
      tpu.wait_indirect_dma semaphore(%arg22 : memref<!tpu.dma_semaphore, #tpu.memory_space<semaphore_mem>>) src(%dma_wait3A_188 : memref<10000x128xf32, #tpu.memory_space<hbm>>) dst(%arg12 : memref<40x128xf32, #tpu.memory_space<vmem>>)
      %dma_start3A_189 = arith.constant 0 : i32
      %dma_start3A_190 = tpu.memref_slice %arg5[%add3A_180, %dma_start3A_189] : memref<320000x128xf32, #tpu.memory_space<hbm>> -> memref<40x128xf32, #tpu.memory_space<hbm>>
      %dma_start3A_191 = arith.constant 0 : i32
      %dma_start3A_192 = tpu.memref_slice %arg5[%add3A_180, %dma_start3A_191] : memref<320000x128xf32, #tpu.memory_space<hbm>> -> memref<40x128xf32, #tpu.memory_space<hbm>>
      tpu.enqueue_dma source(%arg12 : memref<40x128xf32, #tpu.memory_space<vmem>>) target(%dma_start3A_192 : memref<40x128xf32, #tpu.memory_space<hbm>>) target_semaphore(%arg22 : memref<!tpu.dma_semaphore, #tpu.memory_space<semaphore_mem>>)
      %add3A_193 = arith.constant 3 : i32
      %add3A_194 = arith.addi %mul3A_10, %add3A_193 : i32
      %dma_wait3A_195 = arith.constant 0 : i32
      %dma_wait3A_196 = tpu.memref_slice %arg8[%add3A_194, %dma_wait3A_195] : memref<250x40xi32, #tpu.memory_space<vmem>> -> memref<1x40xi32, #tpu.memory_space<vmem>>
      %dma_wait3A_197 = tpu.memref_squeeze %dma_wait3A_196 : memref<1x40xi32, #tpu.memory_space<vmem>> -> memref<40xi32, #tpu.memory_space<vmem>>
      %dma_wait3A_198 = arith.constant 0 : i32
      %dma_wait3A_199 = arith.constant 0 : i32
      %dma_wait3A_200 = tpu.memref_slice %arg2[%dma_wait3A_198, %dma_wait3A_199] : memref<10000x128xf32, #tpu.memory_space<hbm>> -> memref<10000x128xf32, #tpu.memory_space<hbm>>
      tpu.wait_indirect_dma semaphore(%arg27 : memref<!tpu.dma_semaphore, #tpu.memory_space<semaphore_mem>>) src(%dma_wait3A_200 : memref<10000x128xf32, #tpu.memory_space<hbm>>) dst(%arg17 : memref<40x128xf32, #tpu.memory_space<vmem>>)
      %dma_start3A_201 = arith.constant 0 : i32
      %dma_start3A_202 = tpu.memref_slice %arg6[%add3A_180, %dma_start3A_201] : memref<320000x128xf32, #tpu.memory_space<hbm>> -> memref<40x128xf32, #tpu.memory_space<hbm>>
      %dma_start3A_203 = arith.constant 0 : i32
      %dma_start3A_204 = tpu.memref_slice %arg6[%add3A_180, %dma_start3A_203] : memref<320000x128xf32, #tpu.memory_space<hbm>> -> memref<40x128xf32, #tpu.memory_space<hbm>>
      tpu.enqueue_dma source(%arg17 : memref<40x128xf32, #tpu.memory_space<vmem>>) target(%dma_start3A_204 : memref<40x128xf32, #tpu.memory_space<hbm>>) target_semaphore(%arg27 : memref<!tpu.dma_semaphore, #tpu.memory_space<semaphore_mem>>)
      %add3A_205 = arith.constant 4 : i32
      %add3A_206 = arith.addi %mul3A_10, %add3A_205 : i32
      %mul3A_207 = arith.constant 40 : i32
      %mul3A_208 = arith.muli %add3A_206, %mul3A_207 : i32
      %add3A_209 = arith.addi %mul3A_2, %mul3A_208 : i32
      %add3A_210 = arith.constant 4 : i32
      %add3A_211 = arith.addi %mul3A_10, %add3A_210 : i32
      %dma_wait3A_212 = arith.constant 0 : i32
      %dma_wait3A_213 = tpu.memref_slice %arg7[%add3A_211, %dma_wait3A_212] : memref<250x40xi32, #tpu.memory_space<vmem>> -> memref<1x40xi32, #tpu.memory_space<vmem>>
      %dma_wait3A_214 = tpu.memref_squeeze %dma_wait3A_213 : memref<1x40xi32, #tpu.memory_space<vmem>> -> memref<40xi32, #tpu.memory_space<vmem>>
      %dma_wait3A_215 = arith.constant 0 : i32
      %dma_wait3A_216 = arith.constant 0 : i32
      %dma_wait3A_217 = tpu.memref_slice %arg2[%dma_wait3A_215, %dma_wait3A_216] : memref<10000x128xf32, #tpu.memory_space<hbm>> -> memref<10000x128xf32, #tpu.memory_space<hbm>>
      tpu.wait_indirect_dma semaphore(%arg23 : memref<!tpu.dma_semaphore, #tpu.memory_space<semaphore_mem>>) src(%dma_wait3A_217 : memref<10000x128xf32, #tpu.memory_space<hbm>>) dst(%arg13 : memref<40x128xf32, #tpu.memory_space<vmem>>)
      %dma_start3A_218 = arith.constant 0 : i32
      %dma_start3A_219 = tpu.memref_slice %arg5[%add3A_209, %dma_start3A_218] : memref<320000x128xf32, #tpu.memory_space<hbm>> -> memref<40x128xf32, #tpu.memory_space<hbm>>
      %dma_start3A_220 = arith.constant 0 : i32
      %dma_start3A_221 = tpu.memref_slice %arg5[%add3A_209, %dma_start3A_220] : memref<320000x128xf32, #tpu.memory_space<hbm>> -> memref<40x128xf32, #tpu.memory_space<hbm>>
      tpu.enqueue_dma source(%arg13 : memref<40x128xf32, #tpu.memory_space<vmem>>) target(%dma_start3A_221 : memref<40x128xf32, #tpu.memory_space<hbm>>) target_semaphore(%arg23 : memref<!tpu.dma_semaphore, #tpu.memory_space<semaphore_mem>>)
      %add3A_222 = arith.constant 4 : i32
      %add3A_223 = arith.addi %mul3A_10, %add3A_222 : i32
      %dma_wait3A_224 = arith.constant 0 : i32
      %dma_wait3A_225 = tpu.memref_slice %arg8[%add3A_223, %dma_wait3A_224] : memref<250x40xi32, #tpu.memory_space<vmem>> -> memref<1x40xi32, #tpu.memory_space<vmem>>
      %dma_wait3A_226 = tpu.memref_squeeze %dma_wait3A_225 : memref<1x40xi32, #tpu.memory_space<vmem>> -> memref<40xi32, #tpu.memory_space<vmem>>
      %dma_wait3A_227 = arith.constant 0 : i32
      %dma_wait3A_228 = arith.constant 0 : i32
      %dma_wait3A_229 = tpu.memref_slice %arg2[%dma_wait3A_227, %dma_wait3A_228] : memref<10000x128xf32, #tpu.memory_space<hbm>> -> memref<10000x128xf32, #tpu.memory_space<hbm>>
      tpu.wait_indirect_dma semaphore(%arg28 : memref<!tpu.dma_semaphore, #tpu.memory_space<semaphore_mem>>) src(%dma_wait3A_229 : memref<10000x128xf32, #tpu.memory_space<hbm>>) dst(%arg18 : memref<40x128xf32, #tpu.memory_space<vmem>>)
      %dma_start3A_230 = arith.constant 0 : i32
      %dma_start3A_231 = tpu.memref_slice %arg6[%add3A_209, %dma_start3A_230] : memref<320000x128xf32, #tpu.memory_space<hbm>> -> memref<40x128xf32, #tpu.memory_space<hbm>>
      %dma_start3A_232 = arith.constant 0 : i32
      %dma_start3A_233 = tpu.memref_slice %arg6[%add3A_209, %dma_start3A_232] : memref<320000x128xf32, #tpu.memory_space<hbm>> -> memref<40x128xf32, #tpu.memory_space<hbm>>
      tpu.enqueue_dma source(%arg18 : memref<40x128xf32, #tpu.memory_space<vmem>>) target(%dma_start3A_233 : memref<40x128xf32, #tpu.memory_space<hbm>>) target_semaphore(%arg28 : memref<!tpu.dma_semaphore, #tpu.memory_space<semaphore_mem>>)
      %add3A_234 = arith.constant 0 : i32
      %add3A_235 = arith.addi %mul3A_10, %add3A_234 : i32
      %mul3A_236 = arith.constant 40 : i32
      %mul3A_237 = arith.muli %add3A_235, %mul3A_236 : i32
      %add3A_238 = arith.addi %mul3A_2, %mul3A_237 : i32
      %dma_wait3A_239 = arith.constant 0 : i32
      %dma_wait3A_240 = tpu.memref_slice %arg5[%add3A_238, %dma_wait3A_239] : memref<320000x128xf32, #tpu.memory_space<hbm>> -> memref<40x128xf32, #tpu.memory_space<hbm>>
      %dma_wait3A_241 = arith.constant 0 : i32
      %dma_wait3A_242 = tpu.memref_slice %arg5[%add3A_238, %dma_wait3A_241] : memref<320000x128xf32, #tpu.memory_space<hbm>> -> memref<40x128xf32, #tpu.memory_space<hbm>>
      tpu.wait_dma2 semaphore(%arg19 : memref<!tpu.dma_semaphore, #tpu.memory_space<semaphore_mem>>) src(%arg9 : memref<40x128xf32, #tpu.memory_space<vmem>>) dst(%dma_wait3A_242 : memref<40x128xf32, #tpu.memory_space<hbm>>)
      %dma_wait3A_243 = arith.constant 0 : i32
      %dma_wait3A_244 = tpu.memref_slice %arg6[%add3A_238, %dma_wait3A_243] : memref<320000x128xf32, #tpu.memory_space<hbm>> -> memref<40x128xf32, #tpu.memory_space<hbm>>
      %dma_wait3A_245 = arith.constant 0 : i32
      %dma_wait3A_246 = tpu.memref_slice %arg6[%add3A_238, %dma_wait3A_245] : memref<320000x128xf32, #tpu.memory_space<hbm>> -> memref<40x128xf32, #tpu.memory_space<hbm>>
      tpu.wait_dma2 semaphore(%arg24 : memref<!tpu.dma_semaphore, #tpu.memory_space<semaphore_mem>>) src(%arg14 : memref<40x128xf32, #tpu.memory_space<vmem>>) dst(%dma_wait3A_246 : memref<40x128xf32, #tpu.memory_space<hbm>>)
      %add3A_247 = arith.constant 1 : i32
      %add3A_248 = arith.addi %mul3A_10, %add3A_247 : i32
      %mul3A_249 = arith.constant 40 : i32
      %mul3A_250 = arith.muli %add3A_248, %mul3A_249 : i32
      %add3A_251 = arith.addi %mul3A_2, %mul3A_250 : i32
      %dma_wait3A_252 = arith.constant 0 : i32
      %dma_wait3A_253 = tpu.memref_slice %arg5[%add3A_251, %dma_wait3A_252] : memref<320000x128xf32, #tpu.memory_space<hbm>> -> memref<40x128xf32, #tpu.memory_space<hbm>>
      %dma_wait3A_254 = arith.constant 0 : i32
      %dma_wait3A_255 = tpu.memref_slice %arg5[%add3A_251, %dma_wait3A_254] : memref<320000x128xf32, #tpu.memory_space<hbm>> -> memref<40x128xf32, #tpu.memory_space<hbm>>
      tpu.wait_dma2 semaphore(%arg20 : memref<!tpu.dma_semaphore, #tpu.memory_space<semaphore_mem>>) src(%arg10 : memref<40x128xf32, #tpu.memory_space<vmem>>) dst(%dma_wait3A_255 : memref<40x128xf32, #tpu.memory_space<hbm>>)
      %dma_wait3A_256 = arith.constant 0 : i32
      %dma_wait3A_257 = tpu.memref_slice %arg6[%add3A_251, %dma_wait3A_256] : memref<320000x128xf32, #tpu.memory_space<hbm>> -> memref<40x128xf32, #tpu.memory_space<hbm>>
      %dma_wait3A_258 = arith.constant 0 : i32
      %dma_wait3A_259 = tpu.memref_slice %arg6[%add3A_251, %dma_wait3A_258] : memref<320000x128xf32, #tpu.memory_space<hbm>> -> memref<40x128xf32, #tpu.memory_space<hbm>>
      tpu.wait_dma2 semaphore(%arg25 : memref<!tpu.dma_semaphore, #tpu.memory_space<semaphore_mem>>) src(%arg15 : memref<40x128xf32, #tpu.memory_space<vmem>>) dst(%dma_wait3A_259 : memref<40x128xf32, #tpu.memory_space<hbm>>)
      %add3A_260 = arith.constant 2 : i32
      %add3A_261 = arith.addi %mul3A_10, %add3A_260 : i32
      %mul3A_262 = arith.constant 40 : i32
      %mul3A_263 = arith.muli %add3A_261, %mul3A_262 : i32
      %add3A_264 = arith.addi %mul3A_2, %mul3A_263 : i32
      %dma_wait3A_265 = arith.constant 0 : i32
      %dma_wait3A_266 = tpu.memref_slice %arg5[%add3A_264, %dma_wait3A_265] : memref<320000x128xf32, #tpu.memory_space<hbm>> -> memref<40x128xf32, #tpu.memory_space<hbm>>
      %dma_wait3A_267 = arith.constant 0 : i32
      %dma_wait3A_268 = tpu.memref_slice %arg5[%add3A_264, %dma_wait3A_267] : memref<320000x128xf32, #tpu.memory_space<hbm>> -> memref<40x128xf32, #tpu.memory_space<hbm>>
      tpu.wait_dma2 semaphore(%arg21 : memref<!tpu.dma_semaphore, #tpu.memory_space<semaphore_mem>>) src(%arg11 : memref<40x128xf32, #tpu.memory_space<vmem>>) dst(%dma_wait3A_268 : memref<40x128xf32, #tpu.memory_space<hbm>>)
      %dma_wait3A_269 = arith.constant 0 : i32
      %dma_wait3A_270 = tpu.memref_slice %arg6[%add3A_264, %dma_wait3A_269] : memref<320000x128xf32, #tpu.memory_space<hbm>> -> memref<40x128xf32, #tpu.memory_space<hbm>>
      %dma_wait3A_271 = arith.constant 0 : i32
      %dma_wait3A_272 = tpu.memref_slice %arg6[%add3A_264, %dma_wait3A_271] : memref<320000x128xf32, #tpu.memory_space<hbm>> -> memref<40x128xf32, #tpu.memory_space<hbm>>
      tpu.wait_dma2 semaphore(%arg26 : memref<!tpu.dma_semaphore, #tpu.memory_space<semaphore_mem>>) src(%arg16 : memref<40x128xf32, #tpu.memory_space<vmem>>) dst(%dma_wait3A_272 : memref<40x128xf32, #tpu.memory_space<hbm>>)
      %add3A_273 = arith.constant 3 : i32
      %add3A_274 = arith.addi %mul3A_10, %add3A_273 : i32
      %mul3A_275 = arith.constant 40 : i32
      %mul3A_276 = arith.muli %add3A_274, %mul3A_275 : i32
      %add3A_277 = arith.addi %mul3A_2, %mul3A_276 : i32
      %dma_wait3A_278 = arith.constant 0 : i32
      %dma_wait3A_279 = tpu.memref_slice %arg5[%add3A_277, %dma_wait3A_278] : memref<320000x128xf32, #tpu.memory_space<hbm>> -> memref<40x128xf32, #tpu.memory_space<hbm>>
      %dma_wait3A_280 = arith.constant 0 : i32
      %dma_wait3A_281 = tpu.memref_slice %arg5[%add3A_277, %dma_wait3A_280] : memref<320000x128xf32, #tpu.memory_space<hbm>> -> memref<40x128xf32, #tpu.memory_space<hbm>>
      tpu.wait_dma2 semaphore(%arg22 : memref<!tpu.dma_semaphore, #tpu.memory_space<semaphore_mem>>) src(%arg12 : memref<40x128xf32, #tpu.memory_space<vmem>>) dst(%dma_wait3A_281 : memref<40x128xf32, #tpu.memory_space<hbm>>)
      %dma_wait3A_282 = arith.constant 0 : i32
      %dma_wait3A_283 = tpu.memref_slice %arg6[%add3A_277, %dma_wait3A_282] : memref<320000x128xf32, #tpu.memory_space<hbm>> -> memref<40x128xf32, #tpu.memory_space<hbm>>
      %dma_wait3A_284 = arith.constant 0 : i32
      %dma_wait3A_285 = tpu.memref_slice %arg6[%add3A_277, %dma_wait3A_284] : memref<320000x128xf32, #tpu.memory_space<hbm>> -> memref<40x128xf32, #tpu.memory_space<hbm>>
      tpu.wait_dma2 semaphore(%arg27 : memref<!tpu.dma_semaphore, #tpu.memory_space<semaphore_mem>>) src(%arg17 : memref<40x128xf32, #tpu.memory_space<vmem>>) dst(%dma_wait3A_285 : memref<40x128xf32, #tpu.memory_space<hbm>>)
      %add3A_286 = arith.constant 4 : i32
      %add3A_287 = arith.addi %mul3A_10, %add3A_286 : i32
      %mul3A_288 = arith.constant 40 : i32
      %mul3A_289 = arith.muli %add3A_287, %mul3A_288 : i32
      %add3A_290 = arith.addi %mul3A_2, %mul3A_289 : i32
      %dma_wait3A_291 = arith.constant 0 : i32
      %dma_wait3A_292 = tpu.memref_slice %arg5[%add3A_290, %dma_wait3A_291] : memref<320000x128xf32, #tpu.memory_space<hbm>> -> memref<40x128xf32, #tpu.memory_space<hbm>>
      %dma_wait3A_293 = arith.constant 0 : i32
      %dma_wait3A_294 = tpu.memref_slice %arg5[%add3A_290, %dma_wait3A_293] : memref<320000x128xf32, #tpu.memory_space<hbm>> -> memref<40x128xf32, #tpu.memory_space<hbm>>
      tpu.wait_dma2 semaphore(%arg23 : memref<!tpu.dma_semaphore, #tpu.memory_space<semaphore_mem>>) src(%arg13 : memref<40x128xf32, #tpu.memory_space<vmem>>) dst(%dma_wait3A_294 : memref<40x128xf32, #tpu.memory_space<hbm>>)
      %dma_wait3A_295 = arith.constant 0 : i32
      %dma_wait3A_296 = tpu.memref_slice %arg6[%add3A_290, %dma_wait3A_295] : memref<320000x128xf32, #tpu.memory_space<hbm>> -> memref<40x128xf32, #tpu.memory_space<hbm>>
      %dma_wait3A_297 = arith.constant 0 : i32
      %dma_wait3A_298 = tpu.memref_slice %arg6[%add3A_290, %dma_wait3A_297] : memref<320000x128xf32, #tpu.memory_space<hbm>> -> memref<40x128xf32, #tpu.memory_space<hbm>>
      tpu.wait_dma2 semaphore(%arg28 : memref<!tpu.dma_semaphore, #tpu.memory_space<semaphore_mem>>) src(%arg18 : memref<40x128xf32, #tpu.memory_space<vmem>>) dst(%dma_wait3A_298 : memref<40x128xf32, #tpu.memory_space<hbm>>)
    }
    %scan3A_7 = arith.constant 50 : i32
    return
  }
}

#map = affine_map<(d0, d1) -> (0, 0)>
#map1 = affine_map<(d0, d1) -> (0)>
module attributes {stable_mosaic.version = 14 : i64} {
  func.func @body(%arg0: i32, %arg1: i32, %arg2: memref<320000x128xf32, #tpu.memory_space<hbm>>, %arg3: memref<320128xi32, #tpu.memory_space<hbm>>, %arg4: memref<320128xi32, #tpu.memory_space<hbm>>, %arg5: memref<48xi32, #tpu.memory_space<hbm>>, %arg6: memref<32x40960xf32, #tpu.memory_space<hbm>>, %arg7: memref<40960xf32, #tpu.memory_space<vmem>>, %arg8: memref<128x128xf32, #tpu.memory_space<vmem>>, %arg9: memref<128xi32, #tpu.memory_space<vmem>>, %arg10: memref<144xi32, #tpu.memory_space<vmem>>, %arg11: memref<48xi32, #tpu.memory_space<vmem>>, %arg12: memref<!tpu.dma_semaphore, #tpu.memory_space<semaphore_mem>>) attributes {dimension_semantics = [#tpu.dimension_semantics<core_parallel>, #tpu.dimension_semantics<subcore_parallel>], iteration_bounds = array<i64: 2, 16>, scalar_prefetch = 0 : i64, scratch_operands = 6 : i64, tpu.core_type = #tpu.core_type<sc_vector_subcore>, window_params = [{transform_indices = #map}, {transform_indices = #map1}, {transform_indices = #map1}, {transform_indices = #map1}, {transform_indices = #map}]} {
    %mul3A = arith.constant 2 : i32
    %mul3A_0 = arith.muli %arg1, %mul3A : i32
    %add3A = arith.addi %mul3A_0, %arg0 : i32
    "tpu.region"() ({
      %run_scoped3A = tpu.sem_alloc : memref<!tpu.dma_semaphore, #tpu.memory_space<semaphore_mem>>
      tpu.enqueue_dma source(%arg5 : memref<48xi32, #tpu.memory_space<hbm>>) target(%arg11 : memref<48xi32, #tpu.memory_space<vmem>>) target_semaphore(%run_scoped3A : memref<!tpu.dma_semaphore, #tpu.memory_space<semaphore_mem>>)
      tpu.wait_dma2 semaphore(%run_scoped3A : memref<!tpu.dma_semaphore, #tpu.memory_space<semaphore_mem>>) src(%arg5 : memref<48xi32, #tpu.memory_space<hbm>>) dst(%arg11 : memref<48xi32, #tpu.memory_space<vmem>>)
      tpu.yield
    }) : () -> ()
    %mul3A_1 = arith.constant 320 : i32
    %mul3A_2 = arith.muli %add3A, %mul3A_1 : i32
    %get3A = arith.index_cast %add3A : i32 to index
    %get3A_3 = tpu.vector_load %arg11[%get3A] {strides = array<i32>} : memref<48xi32, #tpu.memory_space<vmem>>, vector<16xi32>,
    %get3A_4 = vector.shape_cast %get3A_3 : vector<16xi32> to vector<16xi32>
    %slice3A = vector.extract_strided_slice %get3A_4 {offsets = [0], sizes = [1], strides = [1]} : vector<16xi32> to vector<1xi32>
    %squeeze3A = vector.extract %slice3A[0] : i32 from vector<1xi32>
    %slice3A_5 = vector.extract_strided_slice %get3A_4 {offsets = [1], sizes = [1], strides = [1]} : vector<16xi32> to vector<1xi32>
    %squeeze3A_6 = vector.extract %slice3A_5[0] : i32 from vector<1xi32>
    %scan3A = arith.constant 0 : i32
    %scan3A_7 = arith.constant 0 : i32
    %scan3A_8 = arith.constant 2560 : i32
    %scan3A_9 = arith.addi %scan3A_7, %scan3A_8 : i32
    %scan3A_10 = arith.constant 1 : i32
    scf.for %scan3A_18 = %scan3A_7 to %scan3A_9 step %scan3A_10  : i32 {
      %broadcast_in_dim3A = arith.constant 0.000000e+00 : f32
      %broadcast_in_dim3A_19 = vector.broadcast %broadcast_in_dim3A : f32 to vector<16xf32>
      %mul3A_20 = arith.constant 16 : i32
      %mul3A_21 = arith.muli %scan3A_18, %mul3A_20 : i32
      %swap3A = arith.index_cast %mul3A_21 : i32 to index
      %swap3A_22 = tpu.vector_load %arg7[%swap3A] {strides = array<i32>} : memref<40960xf32, #tpu.memory_space<vmem>>, vector<16xf32>,
      %swap3A_23 = vector.shape_cast %swap3A_22 : vector<16xf32> to vector<16xf32>
      %swap3A_24 = vector.shape_cast %broadcast_in_dim3A_19 : vector<16xf32> to vector<16xf32>
      tpu.vector_store %arg7[%swap3A], %swap3A_24 {strides = array<i32>} : memref<40960xf32, #tpu.memory_space<vmem>>, vector<16xf32>,
    }
    %scan3A_11 = arith.constant 2560 : i32
    %scan3A_12 = arith.constant 0 : i32
    %scan3A_13 = arith.constant 2668 : i32
    %scan3A_14 = arith.addi %scan3A_12, %scan3A_13 : i32
    %scan3A_15 = arith.constant 1 : i32
    %scan3A_16 = scf.for %scan3A_18 = %scan3A_12 to %scan3A_14 step %scan3A_15 iter_args(%scan3A_19 = %squeeze3A) -> (i32)  : i32 {
      %lt3A = arith.cmpi slt, %scan3A_19, %squeeze3A_6 : i32
      %convert_element_type3A = arith.extui %lt3A : i1 to i32
      %cond3A = arith.constant 0 : i32
      %cond3A_20 = arith.cmpi ne, %convert_element_type3A, %cond3A : i32
      %cond3A_21 = scf.if %cond3A_20 -> (i32) {
        %jit3A = arith.constant 8 : i32
        %div3A = arith.divsi %scan3A_19, %jit3A : i32
        %sign3A = arith.constant 0 : i32
        %sign3A_22 = arith.cmpi sgt, %scan3A_19, %sign3A : i32
        %sign3A_23 = arith.extui %sign3A_22 : i1 to i32
        %sign3A_24 = arith.constant 0 : i32
        %sign3A_25 = arith.cmpi slt, %scan3A_19, %sign3A_24 : i32
        %sign3A_26 = arith.extui %sign3A_25 : i1 to i32
        %sign3A_27 = arith.subi %sign3A_23, %sign3A_26 : i32
        %sign3A_28 = arith.constant 0 : i32
        %sign3A_29 = arith.cmpi sgt, %jit3A, %sign3A_28 : i32
        %sign3A_30 = arith.extui %sign3A_29 : i1 to i32
        %sign3A_31 = arith.constant 0 : i32
        %sign3A_32 = arith.cmpi slt, %jit3A, %sign3A_31 : i32
        %sign3A_33 = arith.extui %sign3A_32 : i1 to i32
        %sign3A_34 = arith.subi %sign3A_30, %sign3A_33 : i32
        %ne3A = arith.cmpi ne, %sign3A_27, %sign3A_34 : i32
        %rem3A = arith.remsi %scan3A_19, %jit3A : i32
        %ne3A_35 = arith.constant 0 : i32
        %ne3A_36 = arith.cmpi ne, %rem3A, %ne3A_35 : i32
        %and3A = arith.andi %ne3A, %ne3A_36 : i1
        %sub3A = arith.constant 1 : i32
        %sub3A_37 = arith.subi %div3A, %sub3A : i32
        %select_n3A = arith.select %and3A, %sub3A_37, %div3A : i32
        %mul3A_38 = arith.constant 8 : i32
        %mul3A_39 = arith.muli %select_n3A, %mul3A_38 : i32
        %sub3A_40 = arith.subi %scan3A_19, %mul3A_39 : i32
        "tpu.region"() ({
          %run_scoped3A = tpu.sem_alloc : memref<!tpu.dma_semaphore, #tpu.memory_space<semaphore_mem>>
          %dma_start3A_54 = tpu.memref_slice %arg3[%mul3A_39] : memref<320128xi32, #tpu.memory_space<hbm>> -> memref<128xi32, #tpu.memory_space<hbm>>
          %dma_start3A_55 = tpu.memref_slice %arg3[%mul3A_39] : memref<320128xi32, #tpu.memory_space<hbm>> -> memref<128xi32, #tpu.memory_space<hbm>>
          tpu.enqueue_dma source(%dma_start3A_55 : memref<128xi32, #tpu.memory_space<hbm>>) target(%arg9 : memref<128xi32, #tpu.memory_space<vmem>>) target_semaphore(%run_scoped3A : memref<!tpu.dma_semaphore, #tpu.memory_space<semaphore_mem>>)
          %dma_wait3A_56 = tpu.memref_slice %arg3[%mul3A_39] : memref<320128xi32, #tpu.memory_space<hbm>> -> memref<128xi32, #tpu.memory_space<hbm>>
          %dma_wait3A_57 = tpu.memref_slice %arg3[%mul3A_39] : memref<320128xi32, #tpu.memory_space<hbm>> -> memref<128xi32, #tpu.memory_space<hbm>>
          tpu.wait_dma2 semaphore(%run_scoped3A : memref<!tpu.dma_semaphore, #tpu.memory_space<semaphore_mem>>) src(%dma_wait3A_57 : memref<128xi32, #tpu.memory_space<hbm>>) dst(%arg9 : memref<128xi32, #tpu.memory_space<vmem>>)
          tpu.yield
        }) : () -> ()
        "tpu.region"() ({
          %run_scoped3A = tpu.sem_alloc : memref<!tpu.dma_semaphore, #tpu.memory_space<semaphore_mem>>
          %dma_start3A_54 = arith.constant 0 : i32
          %dma_start3A_55 = tpu.memref_slice %arg10[%dma_start3A_54] : memref<144xi32, #tpu.memory_space<vmem>> -> memref<128xi32, #tpu.memory_space<vmem>>
          %dma_start3A_56 = tpu.memref_slice %arg4[%mul3A_39] : memref<320128xi32, #tpu.memory_space<hbm>> -> memref<128xi32, #tpu.memory_space<hbm>>
          %dma_start3A_57 = arith.constant 0 : i32
          %dma_start3A_58 = tpu.memref_slice %arg10[%dma_start3A_57] : memref<144xi32, #tpu.memory_space<vmem>> -> memref<128xi32, #tpu.memory_space<vmem>>
          %dma_start3A_59 = tpu.memref_slice %arg4[%mul3A_39] : memref<320128xi32, #tpu.memory_space<hbm>> -> memref<128xi32, #tpu.memory_space<hbm>>
          tpu.enqueue_dma source(%dma_start3A_59 : memref<128xi32, #tpu.memory_space<hbm>>) target(%dma_start3A_58 : memref<128xi32, #tpu.memory_space<vmem>>) target_semaphore(%run_scoped3A : memref<!tpu.dma_semaphore, #tpu.memory_space<semaphore_mem>>)
          %dma_wait3A_60 = arith.constant 0 : i32
          %dma_wait3A_61 = tpu.memref_slice %arg10[%dma_wait3A_60] : memref<144xi32, #tpu.memory_space<vmem>> -> memref<128xi32, #tpu.memory_space<vmem>>
          %dma_wait3A_62 = tpu.memref_slice %arg4[%mul3A_39] : memref<320128xi32, #tpu.memory_space<hbm>> -> memref<128xi32, #tpu.memory_space<hbm>>
          %dma_wait3A_63 = arith.constant 0 : i32
          %dma_wait3A_64 = tpu.memref_slice %arg10[%dma_wait3A_63] : memref<144xi32, #tpu.memory_space<vmem>> -> memref<128xi32, #tpu.memory_space<vmem>>
          %dma_wait3A_65 = tpu.memref_slice %arg4[%mul3A_39] : memref<320128xi32, #tpu.memory_space<hbm>> -> memref<128xi32, #tpu.memory_space<hbm>>
          tpu.wait_dma2 semaphore(%run_scoped3A : memref<!tpu.dma_semaphore, #tpu.memory_space<semaphore_mem>>) src(%dma_wait3A_65 : memref<128xi32, #tpu.memory_space<hbm>>) dst(%dma_wait3A_64 : memref<128xi32, #tpu.memory_space<vmem>>)
          tpu.yield
        }) : () -> ()
        %dma_start3A = arith.constant 0 : i32
        %dma_start3A_41 = arith.constant 0 : i32
        %dma_start3A_42 = tpu.memref_slice %arg2[%dma_start3A, %dma_start3A_41] : memref<320000x128xf32, #tpu.memory_space<hbm>> -> memref<320000x128xf32, #tpu.memory_space<hbm>>
        tpu.enqueue_indirect_dma source(%dma_start3A_42 : memref<320000x128xf32, #tpu.memory_space<hbm>>) target(%arg8 : memref<128x128xf32, #tpu.memory_space<vmem>>) offsets(%arg9 : memref<128xi32, #tpu.memory_space<vmem>>) semaphore(%arg12 : memref<!tpu.dma_semaphore, #tpu.memory_space<semaphore_mem>>)
        %dma_wait3A = arith.constant 0 : i32
        %dma_wait3A_43 = arith.constant 0 : i32
        %dma_wait3A_44 = tpu.memref_slice %arg2[%dma_wait3A, %dma_wait3A_43] : memref<320000x128xf32, #tpu.memory_space<hbm>> -> memref<320000x128xf32, #tpu.memory_space<hbm>>
        tpu.wait_indirect_dma semaphore(%arg12 : memref<!tpu.dma_semaphore, #tpu.memory_space<semaphore_mem>>) src(%dma_wait3A_44 : memref<320000x128xf32, #tpu.memory_space<hbm>>) dst(%arg8 : memref<128x128xf32, #tpu.memory_space<vmem>>)
        %sub3A_45 = arith.subi %squeeze3A_6, %scan3A_19 : i32
        %min3A = arith.constant 120 : i32
        %min3A_46 = arith.minsi %min3A, %sub3A_45 : i32
        %scan3A_47 = arith.constant 0 : i32
        %scan3A_48 = arith.constant 0 : i32
        %scan3A_49 = arith.constant 120 : i32
        %scan3A_50 = arith.addi %scan3A_48, %scan3A_49 : i32
        %scan3A_51 = arith.constant 1 : i32
        scf.for %scan3A_54 = %scan3A_48 to %scan3A_50 step %scan3A_51  : i32 {
          %add3A_55 = arith.addi %sub3A_40, %scan3A_54 : i32
          %get3A_56 = arith.index_cast %add3A_55 : i32 to index
          %get3A_57 = tpu.vector_load %arg10[%get3A_56] {strides = array<i32>} : memref<144xi32, #tpu.memory_space<vmem>>, vector<16xi32>,
          %get3A_58 = vector.shape_cast %get3A_57 : vector<16xi32> to vector<16xi32>
          %slice3A_59 = vector.extract_strided_slice %get3A_58 {offsets = [0], sizes = [1], strides = [1]} : vector<16xi32> to vector<1xi32>
          %squeeze3A_60 = vector.extract %slice3A_59[0] : i32 from vector<1xi32>
          %sub3A_61 = arith.subi %squeeze3A_60, %mul3A_2 : i32
          %max3A = arith.constant 0 : i32
          %max3A_62 = arith.maxsi %sub3A_61, %max3A : i32
          %min3A_63 = arith.constant 319 : i32
          %min3A_64 = arith.minsi %max3A_62, %min3A_63 : i32
          %lt3A_65 = arith.cmpi slt, %scan3A_54, %min3A_46 : i32
          %mul3A_66 = arith.constant 128 : i32
          %mul3A_67 = arith.muli %min3A_64, %mul3A_66 : i32
          %get3A_68 = arith.index_cast %add3A_55 : i32 to index
          %get3A_69 = arith.constant 0 : index
          %get3A_70 = tpu.vector_load %arg8[%get3A_68, %get3A_69] {strides = array<i32>} : memref<128x128xf32, #tpu.memory_space<vmem>>, vector<1x16xf32>,
          %get3A_71 = vector.shape_cast %get3A_70 : vector<1x16xf32> to vector<16xf32>
          %broadcast_in_dim3A = arith.constant 0.000000e+00 : f32
          %broadcast_in_dim3A_72 = vector.broadcast %broadcast_in_dim3A : f32 to vector<16xf32>
          %select_n3A_73 = arith.select %lt3A_65, %get3A_71, %broadcast_in_dim3A_72 : vector<16xf32>
          %add3A_74 = arith.constant 0 : i32
          %add3A_75 = arith.addi %mul3A_67, %add3A_74 : i32
          %swap3A = arith.index_cast %add3A_75 : i32 to index
          %swap3A_76 = tpu.vector_load %arg7[%swap3A] {strides = array<i32>} : memref<40960xf32, #tpu.memory_space<vmem>>, vector<16xf32>,
          %swap3A_77 = vector.shape_cast %swap3A_76 : vector<16xf32> to vector<16xf32>
          %swap3A_78 = vector.shape_cast %select_n3A_73 : vector<16xf32> to vector<16xf32>
          tpu.vector_store %arg7[%swap3A], %swap3A_78 {add = true, strides = array<i32>} : memref<40960xf32, #tpu.memory_space<vmem>>, vector<16xf32>,
          %get3A_79 = arith.index_cast %add3A_55 : i32 to index
          %get3A_80 = arith.constant 16 : index
          %get3A_81 = tpu.vector_load %arg8[%get3A_79, %get3A_80] {strides = array<i32>} : memref<128x128xf32, #tpu.memory_space<vmem>>, vector<1x16xf32>,
          %get3A_82 = vector.shape_cast %get3A_81 : vector<1x16xf32> to vector<16xf32>
          %broadcast_in_dim3A_83 = arith.constant 0.000000e+00 : f32
          %broadcast_in_dim3A_84 = vector.broadcast %broadcast_in_dim3A_83 : f32 to vector<16xf32>
          %select_n3A_85 = arith.select %lt3A_65, %get3A_82, %broadcast_in_dim3A_84 : vector<16xf32>
          %add3A_86 = arith.constant 16 : i32
          %add3A_87 = arith.addi %mul3A_67, %add3A_86 : i32
          %swap3A_88 = arith.index_cast %add3A_87 : i32 to index
          %swap3A_89 = tpu.vector_load %arg7[%swap3A_88] {strides = array<i32>} : memref<40960xf32, #tpu.memory_space<vmem>>, vector<16xf32>,
          %swap3A_90 = vector.shape_cast %swap3A_89 : vector<16xf32> to vector<16xf32>
          %swap3A_91 = vector.shape_cast %select_n3A_85 : vector<16xf32> to vector<16xf32>
          tpu.vector_store %arg7[%swap3A_88], %swap3A_91 {add = true, strides = array<i32>} : memref<40960xf32, #tpu.memory_space<vmem>>, vector<16xf32>,
          %get3A_92 = arith.index_cast %add3A_55 : i32 to index
          %get3A_93 = arith.constant 32 : index
          %get3A_94 = tpu.vector_load %arg8[%get3A_92, %get3A_93] {strides = array<i32>} : memref<128x128xf32, #tpu.memory_space<vmem>>, vector<1x16xf32>,
          %get3A_95 = vector.shape_cast %get3A_94 : vector<1x16xf32> to vector<16xf32>
          %broadcast_in_dim3A_96 = arith.constant 0.000000e+00 : f32
          %broadcast_in_dim3A_97 = vector.broadcast %broadcast_in_dim3A_96 : f32 to vector<16xf32>
          %select_n3A_98 = arith.select %lt3A_65, %get3A_95, %broadcast_in_dim3A_97 : vector<16xf32>
          %add3A_99 = arith.constant 32 : i32
          %add3A_100 = arith.addi %mul3A_67, %add3A_99 : i32
          %swap3A_101 = arith.index_cast %add3A_100 : i32 to index
          %swap3A_102 = tpu.vector_load %arg7[%swap3A_101] {strides = array<i32>} : memref<40960xf32, #tpu.memory_space<vmem>>, vector<16xf32>,
          %swap3A_103 = vector.shape_cast %swap3A_102 : vector<16xf32> to vector<16xf32>
          %swap3A_104 = vector.shape_cast %select_n3A_98 : vector<16xf32> to vector<16xf32>
          tpu.vector_store %arg7[%swap3A_101], %swap3A_104 {add = true, strides = array<i32>} : memref<40960xf32, #tpu.memory_space<vmem>>, vector<16xf32>,
          %get3A_105 = arith.index_cast %add3A_55 : i32 to index
          %get3A_106 = arith.constant 48 : index
          %get3A_107 = tpu.vector_load %arg8[%get3A_105, %get3A_106] {strides = array<i32>} : memref<128x128xf32, #tpu.memory_space<vmem>>, vector<1x16xf32>,
          %get3A_108 = vector.shape_cast %get3A_107 : vector<1x16xf32> to vector<16xf32>
          %broadcast_in_dim3A_109 = arith.constant 0.000000e+00 : f32
          %broadcast_in_dim3A_110 = vector.broadcast %broadcast_in_dim3A_109 : f32 to vector<16xf32>
          %select_n3A_111 = arith.select %lt3A_65, %get3A_108, %broadcast_in_dim3A_110 : vector<16xf32>
          %add3A_112 = arith.constant 48 : i32
          %add3A_113 = arith.addi %mul3A_67, %add3A_112 : i32
          %swap3A_114 = arith.index_cast %add3A_113 : i32 to index
          %swap3A_115 = tpu.vector_load %arg7[%swap3A_114] {strides = array<i32>} : memref<40960xf32, #tpu.memory_space<vmem>>, vector<16xf32>,
          %swap3A_116 = vector.shape_cast %swap3A_115 : vector<16xf32> to vector<16xf32>
          %swap3A_117 = vector.shape_cast %select_n3A_111 : vector<16xf32> to vector<16xf32>
          tpu.vector_store %arg7[%swap3A_114], %swap3A_117 {add = true, strides = array<i32>} : memref<40960xf32, #tpu.memory_space<vmem>>, vector<16xf32>,
          %get3A_118 = arith.index_cast %add3A_55 : i32 to index
          %get3A_119 = arith.constant 64 : index
          %get3A_120 = tpu.vector_load %arg8[%get3A_118, %get3A_119] {strides = array<i32>} : memref<128x128xf32, #tpu.memory_space<vmem>>, vector<1x16xf32>,
          %get3A_121 = vector.shape_cast %get3A_120 : vector<1x16xf32> to vector<16xf32>
          %broadcast_in_dim3A_122 = arith.constant 0.000000e+00 : f32
          %broadcast_in_dim3A_123 = vector.broadcast %broadcast_in_dim3A_122 : f32 to vector<16xf32>
          %select_n3A_124 = arith.select %lt3A_65, %get3A_121, %broadcast_in_dim3A_123 : vector<16xf32>
          %add3A_125 = arith.constant 64 : i32
          %add3A_126 = arith.addi %mul3A_67, %add3A_125 : i32
          %swap3A_127 = arith.index_cast %add3A_126 : i32 to index
          %swap3A_128 = tpu.vector_load %arg7[%swap3A_127] {strides = array<i32>} : memref<40960xf32, #tpu.memory_space<vmem>>, vector<16xf32>,
          %swap3A_129 = vector.shape_cast %swap3A_128 : vector<16xf32> to vector<16xf32>
          %swap3A_130 = vector.shape_cast %select_n3A_124 : vector<16xf32> to vector<16xf32>
          tpu.vector_store %arg7[%swap3A_127], %swap3A_130 {add = true, strides = array<i32>} : memref<40960xf32, #tpu.memory_space<vmem>>, vector<16xf32>,
          %get3A_131 = arith.index_cast %add3A_55 : i32 to index
          %get3A_132 = arith.constant 80 : index
          %get3A_133 = tpu.vector_load %arg8[%get3A_131, %get3A_132] {strides = array<i32>} : memref<128x128xf32, #tpu.memory_space<vmem>>, vector<1x16xf32>,
          %get3A_134 = vector.shape_cast %get3A_133 : vector<1x16xf32> to vector<16xf32>
          %broadcast_in_dim3A_135 = arith.constant 0.000000e+00 : f32
          %broadcast_in_dim3A_136 = vector.broadcast %broadcast_in_dim3A_135 : f32 to vector<16xf32>
          %select_n3A_137 = arith.select %lt3A_65, %get3A_134, %broadcast_in_dim3A_136 : vector<16xf32>
          %add3A_138 = arith.constant 80 : i32
          %add3A_139 = arith.addi %mul3A_67, %add3A_138 : i32
          %swap3A_140 = arith.index_cast %add3A_139 : i32 to index
          %swap3A_141 = tpu.vector_load %arg7[%swap3A_140] {strides = array<i32>} : memref<40960xf32, #tpu.memory_space<vmem>>, vector<16xf32>,
          %swap3A_142 = vector.shape_cast %swap3A_141 : vector<16xf32> to vector<16xf32>
          %swap3A_143 = vector.shape_cast %select_n3A_137 : vector<16xf32> to vector<16xf32>
          tpu.vector_store %arg7[%swap3A_140], %swap3A_143 {add = true, strides = array<i32>} : memref<40960xf32, #tpu.memory_space<vmem>>, vector<16xf32>,
          %get3A_144 = arith.index_cast %add3A_55 : i32 to index
          %get3A_145 = arith.constant 96 : index
          %get3A_146 = tpu.vector_load %arg8[%get3A_144, %get3A_145] {strides = array<i32>} : memref<128x128xf32, #tpu.memory_space<vmem>>, vector<1x16xf32>,
          %get3A_147 = vector.shape_cast %get3A_146 : vector<1x16xf32> to vector<16xf32>
          %broadcast_in_dim3A_148 = arith.constant 0.000000e+00 : f32
          %broadcast_in_dim3A_149 = vector.broadcast %broadcast_in_dim3A_148 : f32 to vector<16xf32>
          %select_n3A_150 = arith.select %lt3A_65, %get3A_147, %broadcast_in_dim3A_149 : vector<16xf32>
          %add3A_151 = arith.constant 96 : i32
          %add3A_152 = arith.addi %mul3A_67, %add3A_151 : i32
          %swap3A_153 = arith.index_cast %add3A_152 : i32 to index
          %swap3A_154 = tpu.vector_load %arg7[%swap3A_153] {strides = array<i32>} : memref<40960xf32, #tpu.memory_space<vmem>>, vector<16xf32>,
          %swap3A_155 = vector.shape_cast %swap3A_154 : vector<16xf32> to vector<16xf32>
          %swap3A_156 = vector.shape_cast %select_n3A_150 : vector<16xf32> to vector<16xf32>
          tpu.vector_store %arg7[%swap3A_153], %swap3A_156 {add = true, strides = array<i32>} : memref<40960xf32, #tpu.memory_space<vmem>>, vector<16xf32>,
          %get3A_157 = arith.index_cast %add3A_55 : i32 to index
          %get3A_158 = arith.constant 112 : index
          %get3A_159 = tpu.vector_load %arg8[%get3A_157, %get3A_158] {strides = array<i32>} : memref<128x128xf32, #tpu.memory_space<vmem>>, vector<1x16xf32>,
          %get3A_160 = vector.shape_cast %get3A_159 : vector<1x16xf32> to vector<16xf32>
          %broadcast_in_dim3A_161 = arith.constant 0.000000e+00 : f32
          %broadcast_in_dim3A_162 = vector.broadcast %broadcast_in_dim3A_161 : f32 to vector<16xf32>
          %select_n3A_163 = arith.select %lt3A_65, %get3A_160, %broadcast_in_dim3A_162 : vector<16xf32>
          %add3A_164 = arith.constant 112 : i32
          %add3A_165 = arith.addi %mul3A_67, %add3A_164 : i32
          %swap3A_166 = arith.index_cast %add3A_165 : i32 to index
          %swap3A_167 = tpu.vector_load %arg7[%swap3A_166] {strides = array<i32>} : memref<40960xf32, #tpu.memory_space<vmem>>, vector<16xf32>,
          %swap3A_168 = vector.shape_cast %swap3A_167 : vector<16xf32> to vector<16xf32>
          %swap3A_169 = vector.shape_cast %select_n3A_163 : vector<16xf32> to vector<16xf32>
          tpu.vector_store %arg7[%swap3A_166], %swap3A_169 {add = true, strides = array<i32>} : memref<40960xf32, #tpu.memory_space<vmem>>, vector<16xf32>,
        }
        %scan3A_52 = arith.constant 120 : i32
        %add3A_53 = arith.addi %scan3A_19, %min3A_46 : i32
        scf.yield %add3A_53 : i32
      } else {
        scf.yield %scan3A_19 : i32
      }
      scf.yield %cond3A_21 : i32
    }
    %scan3A_17 = arith.constant 2668 : i32
    "tpu.region"() ({
      %run_scoped3A = tpu.sem_alloc : memref<!tpu.dma_semaphore, #tpu.memory_space<semaphore_mem>>
      %dma_start3A = arith.constant 0 : i32
      %dma_start3A_18 = tpu.memref_slice %arg6[%add3A, %dma_start3A] : memref<32x40960xf32, #tpu.memory_space<hbm>> -> memref<1x40960xf32, #tpu.memory_space<hbm>>
      %dma_start3A_19 = tpu.memref_squeeze %dma_start3A_18 : memref<1x40960xf32, #tpu.memory_space<hbm>> -> memref<40960xf32, #tpu.memory_space<hbm>>
      %dma_start3A_20 = arith.constant 0 : i32
      %dma_start3A_21 = tpu.memref_slice %arg6[%add3A, %dma_start3A_20] : memref<32x40960xf32, #tpu.memory_space<hbm>> -> memref<1x40960xf32, #tpu.memory_space<hbm>>
      %dma_start3A_22 = tpu.memref_squeeze %dma_start3A_21 : memref<1x40960xf32, #tpu.memory_space<hbm>> -> memref<40960xf32, #tpu.memory_space<hbm>>
      tpu.enqueue_dma source(%arg7 : memref<40960xf32, #tpu.memory_space<vmem>>) target(%dma_start3A_22 : memref<40960xf32, #tpu.memory_space<hbm>>) target_semaphore(%run_scoped3A : memref<!tpu.dma_semaphore, #tpu.memory_space<semaphore_mem>>)
      %dma_wait3A = arith.constant 0 : i32
      %dma_wait3A_23 = tpu.memref_slice %arg6[%add3A, %dma_wait3A] : memref<32x40960xf32, #tpu.memory_space<hbm>> -> memref<1x40960xf32, #tpu.memory_space<hbm>>
      %dma_wait3A_24 = tpu.memref_squeeze %dma_wait3A_23 : memref<1x40960xf32, #tpu.memory_space<hbm>> -> memref<40960xf32, #tpu.memory_space<hbm>>
      %dma_wait3A_25 = arith.constant 0 : i32
      %dma_wait3A_26 = tpu.memref_slice %arg6[%add3A, %dma_wait3A_25] : memref<32x40960xf32, #tpu.memory_space<hbm>> -> memref<1x40960xf32, #tpu.memory_space<hbm>>
      %dma_wait3A_27 = tpu.memref_squeeze %dma_wait3A_26 : memref<1x40960xf32, #tpu.memory_space<hbm>> -> memref<40960xf32, #tpu.memory_space<hbm>>
      tpu.wait_dma2 semaphore(%run_scoped3A : memref<!tpu.dma_semaphore, #tpu.memory_space<semaphore_mem>>) src(%arg7 : memref<40960xf32, #tpu.memory_space<vmem>>) dst(%dma_wait3A_27 : memref<40960xf32, #tpu.memory_space<hbm>>)
      tpu.yield
    }) : () -> ()
    return
  }
}

#map = affine_map<(d0, d1) -> (0, 0)>
#map1 = affine_map<(d0, d1) -> (0, 0, 0)>
module attributes {stable_mosaic.version = 14 : i64} {
  func.func @body(%arg0: i32, %arg1: i32, %arg2: memref<10000x128xf32, #tpu.memory_space<hbm>>, %arg3: memref<32x250x40xi32, #tpu.memory_space<hbm>>, %arg4: memref<32x250x40xi32, #tpu.memory_space<hbm>>, %arg5: memref<320000x128xf32, #tpu.memory_space<hbm>>, %arg6: memref<320000x128xf32, #tpu.memory_space<hbm>>, %arg7: memref<250x40xi32, #tpu.memory_space<vmem>>, %arg8: memref<250x40xi32, #tpu.memory_space<vmem>>, %arg9: memref<40x128xf32, #tpu.memory_space<vmem>>, %arg10: memref<40x128xf32, #tpu.memory_space<vmem>>, %arg11: memref<40x128xf32, #tpu.memory_space<vmem>>, %arg12: memref<40x128xf32, #tpu.memory_space<vmem>>, %arg13: memref<40x128xf32, #tpu.memory_space<vmem>>, %arg14: memref<40x128xf32, #tpu.memory_space<vmem>>, %arg15: memref<40x128xf32, #tpu.memory_space<vmem>>, %arg16: memref<40x128xf32, #tpu.memory_space<vmem>>, %arg17: memref<40x128xf32, #tpu.memory_space<vmem>>, %arg18: memref<40x128xf32, #tpu.memory_space<vmem>>, %arg19: memref<!tpu.dma_semaphore, #tpu.memory_space<semaphore_mem>>, %arg20: memref<!tpu.dma_semaphore, #tpu.memory_space<semaphore_mem>>, %arg21: memref<!tpu.dma_semaphore, #tpu.memory_space<semaphore_mem>>, %arg22: memref<!tpu.dma_semaphore, #tpu.memory_space<semaphore_mem>>, %arg23: memref<!tpu.dma_semaphore, #tpu.memory_space<semaphore_mem>>, %arg24: memref<!tpu.dma_semaphore, #tpu.memory_space<semaphore_mem>>, %arg25: memref<!tpu.dma_semaphore, #tpu.memory_space<semaphore_mem>>, %arg26: memref<!tpu.dma_semaphore, #tpu.memory_space<semaphore_mem>>, %arg27: memref<!tpu.dma_semaphore, #tpu.memory_space<semaphore_mem>>, %arg28: memref<!tpu.dma_semaphore, #tpu.memory_space<semaphore_mem>>) attributes {dimension_semantics = [#tpu.dimension_semantics<core_parallel>, #tpu.dimension_semantics<subcore_parallel>], iteration_bounds = array<i64: 2, 16>, scalar_prefetch = 0 : i64, scratch_operands = 22 : i64, tpu.core_type = #tpu.core_type<sc_vector_subcore>, window_params = [{transform_indices = #map}, {transform_indices = #map1}, {transform_indices = #map1}, {transform_indices = #map}, {transform_indices = #map}]} {
    %mul3A = arith.constant 2 : i32
    %mul3A_0 = arith.muli %arg1, %mul3A : i32
    %add3A = arith.addi %mul3A_0, %arg0 : i32
    "tpu.region"() ({
      %run_scoped3A = tpu.sem_alloc : memref<!tpu.dma_semaphore, #tpu.memory_space<semaphore_mem>>
      %dma_start3A = arith.constant 0 : i32
      %dma_start3A_8 = arith.constant 0 : i32
      %dma_start3A_9 = tpu.memref_slice %arg3[%add3A, %dma_start3A, %dma_start3A_8] : memref<32x250x40xi32, #tpu.memory_space<hbm>> -> memref<1x250x40xi32, #tpu.memory_space<hbm>>
      %dma_start3A_10 = tpu.memref_squeeze %dma_start3A_9 : memref<1x250x40xi32, #tpu.memory_space<hbm>> -> memref<250x40xi32, #tpu.memory_space<hbm>>
      %dma_start3A_11 = arith.constant 0 : i32
      %dma_start3A_12 = arith.constant 0 : i32
      %dma_start3A_13 = tpu.memref_slice %arg3[%add3A, %dma_start3A_11, %dma_start3A_12] : memref<32x250x40xi32, #tpu.memory_space<hbm>> -> memref<1x250x40xi32, #tpu.memory_space<hbm>>
      %dma_start3A_14 = tpu.memref_squeeze %dma_start3A_13 : memref<1x250x40xi32, #tpu.memory_space<hbm>> -> memref<250x40xi32, #tpu.memory_space<hbm>>
      tpu.enqueue_dma source(%dma_start3A_14 : memref<250x40xi32, #tpu.memory_space<hbm>>) target(%arg7 : memref<250x40xi32, #tpu.memory_space<vmem>>) target_semaphore(%run_scoped3A : memref<!tpu.dma_semaphore, #tpu.memory_space<semaphore_mem>>)
      %dma_wait3A = arith.constant 0 : i32
      %dma_wait3A_15 = arith.constant 0 : i32
      %dma_wait3A_16 = tpu.memref_slice %arg3[%add3A, %dma_wait3A, %dma_wait3A_15] : memref<32x250x40xi32, #tpu.memory_space<hbm>> -> memref<1x250x40xi32, #tpu.memory_space<hbm>>
      %dma_wait3A_17 = tpu.memref_squeeze %dma_wait3A_16 : memref<1x250x40xi32, #tpu.memory_space<hbm>> -> memref<250x40xi32, #tpu.memory_space<hbm>>
      %dma_wait3A_18 = arith.constant 0 : i32
      %dma_wait3A_19 = arith.constant 0 : i32
      %dma_wait3A_20 = tpu.memref_slice %arg3[%add3A, %dma_wait3A_18, %dma_wait3A_19] : memref<32x250x40xi32, #tpu.memory_space<hbm>> -> memref<1x250x40xi32, #tpu.memory_space<hbm>>
      %dma_wait3A_21 = tpu.memref_squeeze %dma_wait3A_20 : memref<1x250x40xi32, #tpu.memory_space<hbm>> -> memref<250x40xi32, #tpu.memory_space<hbm>>
      tpu.wait_dma2 semaphore(%run_scoped3A : memref<!tpu.dma_semaphore, #tpu.memory_space<semaphore_mem>>) src(%dma_wait3A_21 : memref<250x40xi32, #tpu.memory_space<hbm>>) dst(%arg7 : memref<250x40xi32, #tpu.memory_space<vmem>>)
      tpu.yield
    }) : () -> ()
    "tpu.region"() ({
      %run_scoped3A = tpu.sem_alloc : memref<!tpu.dma_semaphore, #tpu.memory_space<semaphore_mem>>
      %dma_start3A = arith.constant 0 : i32
      %dma_start3A_8 = arith.constant 0 : i32
      %dma_start3A_9 = tpu.memref_slice %arg4[%add3A, %dma_start3A, %dma_start3A_8] : memref<32x250x40xi32, #tpu.memory_space<hbm>> -> memref<1x250x40xi32, #tpu.memory_space<hbm>>
      %dma_start3A_10 = tpu.memref_squeeze %dma_start3A_9 : memref<1x250x40xi32, #tpu.memory_space<hbm>> -> memref<250x40xi32, #tpu.memory_space<hbm>>
      %dma_start3A_11 = arith.constant 0 : i32
      %dma_start3A_12 = arith.constant 0 : i32
      %dma_start3A_13 = tpu.memref_slice %arg4[%add3A, %dma_start3A_11, %dma_start3A_12] : memref<32x250x40xi32, #tpu.memory_space<hbm>> -> memref<1x250x40xi32, #tpu.memory_space<hbm>>
      %dma_start3A_14 = tpu.memref_squeeze %dma_start3A_13 : memref<1x250x40xi32, #tpu.memory_space<hbm>> -> memref<250x40xi32, #tpu.memory_space<hbm>>
      tpu.enqueue_dma source(%dma_start3A_14 : memref<250x40xi32, #tpu.memory_space<hbm>>) target(%arg8 : memref<250x40xi32, #tpu.memory_space<vmem>>) target_semaphore(%run_scoped3A : memref<!tpu.dma_semaphore, #tpu.memory_space<semaphore_mem>>)
      %dma_wait3A = arith.constant 0 : i32
      %dma_wait3A_15 = arith.constant 0 : i32
      %dma_wait3A_16 = tpu.memref_slice %arg4[%add3A, %dma_wait3A, %dma_wait3A_15] : memref<32x250x40xi32, #tpu.memory_space<hbm>> -> memref<1x250x40xi32, #tpu.memory_space<hbm>>
      %dma_wait3A_17 = tpu.memref_squeeze %dma_wait3A_16 : memref<1x250x40xi32, #tpu.memory_space<hbm>> -> memref<250x40xi32, #tpu.memory_space<hbm>>
      %dma_wait3A_18 = arith.constant 0 : i32
      %dma_wait3A_19 = arith.constant 0 : i32
      %dma_wait3A_20 = tpu.memref_slice %arg4[%add3A, %dma_wait3A_18, %dma_wait3A_19] : memref<32x250x40xi32, #tpu.memory_space<hbm>> -> memref<1x250x40xi32, #tpu.memory_space<hbm>>
      %dma_wait3A_21 = tpu.memref_squeeze %dma_wait3A_20 : memref<1x250x40xi32, #tpu.memory_space<hbm>> -> memref<250x40xi32, #tpu.memory_space<hbm>>
      tpu.wait_dma2 semaphore(%run_scoped3A : memref<!tpu.dma_semaphore, #tpu.memory_space<semaphore_mem>>) src(%dma_wait3A_21 : memref<250x40xi32, #tpu.memory_space<hbm>>) dst(%arg8 : memref<250x40xi32, #tpu.memory_space<vmem>>)
      tpu.yield
    }) : () -> ()
    %mul3A_1 = arith.constant 10000 : i32
    %mul3A_2 = arith.muli %add3A, %mul3A_1 : i32
    %scan3A = arith.constant 0 : i32
    %scan3A_3 = arith.constant 0 : i32
    %scan3A_4 = arith.constant 50 : i32
    %scan3A_5 = arith.addi %scan3A_3, %scan3A_4 : i32
    %scan3A_6 = arith.constant 1 : i32
    scf.for %scan3A_8 = %scan3A_3 to %scan3A_5 step %scan3A_6  : i32 {
      %mul3A_9 = arith.constant 5 : i32
      %mul3A_10 = arith.muli %scan3A_8, %mul3A_9 : i32
      %add3A_11 = arith.constant 0 : i32
      %add3A_12 = arith.addi %mul3A_10, %add3A_11 : i32
      %dma_start3A = arith.constant 0 : i32
      %dma_start3A_13 = tpu.memref_slice %arg7[%add3A_12, %dma_start3A] : memref<250x40xi32, #tpu.memory_space<vmem>> -> memref<1x40xi32, #tpu.memory_space<vmem>>
      %dma_start3A_14 = tpu.memref_squeeze %dma_start3A_13 : memref<1x40xi32, #tpu.memory_space<vmem>> -> memref<40xi32, #tpu.memory_space<vmem>>
      %dma_start3A_15 = arith.constant 0 : i32
      %dma_start3A_16 = arith.constant 0 : i32
      %dma_start3A_17 = tpu.memref_slice %arg2[%dma_start3A_15, %dma_start3A_16] : memref<10000x128xf32, #tpu.memory_space<hbm>> -> memref<10000x128xf32, #tpu.memory_space<hbm>>
      tpu.enqueue_indirect_dma source(%dma_start3A_17 : memref<10000x128xf32, #tpu.memory_space<hbm>>) target(%arg9 : memref<40x128xf32, #tpu.memory_space<vmem>>) offsets(%dma_start3A_14 : memref<40xi32, #tpu.memory_space<vmem>>) semaphore(%arg19 : memref<!tpu.dma_semaphore, #tpu.memory_space<semaphore_mem>>)
      %add3A_18 = arith.constant 0 : i32
      %add3A_19 = arith.addi %mul3A_10, %add3A_18 : i32
      %dma_start3A_20 = arith.constant 0 : i32
      %dma_start3A_21 = tpu.memref_slice %arg8[%add3A_19, %dma_start3A_20] : memref<250x40xi32, #tpu.memory_space<vmem>> -> memref<1x40xi32, #tpu.memory_space<vmem>>
      %dma_start3A_22 = tpu.memref_squeeze %dma_start3A_21 : memref<1x40xi32, #tpu.memory_space<vmem>> -> memref<40xi32, #tpu.memory_space<vmem>>
      %dma_start3A_23 = arith.constant 0 : i32
      %dma_start3A_24 = arith.constant 0 : i32
      %dma_start3A_25 = tpu.memref_slice %arg2[%dma_start3A_23, %dma_start3A_24] : memref<10000x128xf32, #tpu.memory_space<hbm>> -> memref<10000x128xf32, #tpu.memory_space<hbm>>
      tpu.enqueue_indirect_dma source(%dma_start3A_25 : memref<10000x128xf32, #tpu.memory_space<hbm>>) target(%arg14 : memref<40x128xf32, #tpu.memory_space<vmem>>) offsets(%dma_start3A_22 : memref<40xi32, #tpu.memory_space<vmem>>) semaphore(%arg24 : memref<!tpu.dma_semaphore, #tpu.memory_space<semaphore_mem>>)
      %add3A_26 = arith.constant 1 : i32
      %add3A_27 = arith.addi %mul3A_10, %add3A_26 : i32
      %dma_start3A_28 = arith.constant 0 : i32
      %dma_start3A_29 = tpu.memref_slice %arg7[%add3A_27, %dma_start3A_28] : memref<250x40xi32, #tpu.memory_space<vmem>> -> memref<1x40xi32, #tpu.memory_space<vmem>>
      %dma_start3A_30 = tpu.memref_squeeze %dma_start3A_29 : memref<1x40xi32, #tpu.memory_space<vmem>> -> memref<40xi32, #tpu.memory_space<vmem>>
      %dma_start3A_31 = arith.constant 0 : i32
      %dma_start3A_32 = arith.constant 0 : i32
      %dma_start3A_33 = tpu.memref_slice %arg2[%dma_start3A_31, %dma_start3A_32] : memref<10000x128xf32, #tpu.memory_space<hbm>> -> memref<10000x128xf32, #tpu.memory_space<hbm>>
      tpu.enqueue_indirect_dma source(%dma_start3A_33 : memref<10000x128xf32, #tpu.memory_space<hbm>>) target(%arg10 : memref<40x128xf32, #tpu.memory_space<vmem>>) offsets(%dma_start3A_30 : memref<40xi32, #tpu.memory_space<vmem>>) semaphore(%arg20 : memref<!tpu.dma_semaphore, #tpu.memory_space<semaphore_mem>>)
      %add3A_34 = arith.constant 1 : i32
      %add3A_35 = arith.addi %mul3A_10, %add3A_34 : i32
      %dma_start3A_36 = arith.constant 0 : i32
      %dma_start3A_37 = tpu.memref_slice %arg8[%add3A_35, %dma_start3A_36] : memref<250x40xi32, #tpu.memory_space<vmem>> -> memref<1x40xi32, #tpu.memory_space<vmem>>
      %dma_start3A_38 = tpu.memref_squeeze %dma_start3A_37 : memref<1x40xi32, #tpu.memory_space<vmem>> -> memref<40xi32, #tpu.memory_space<vmem>>
      %dma_start3A_39 = arith.constant 0 : i32
      %dma_start3A_40 = arith.constant 0 : i32
      %dma_start3A_41 = tpu.memref_slice %arg2[%dma_start3A_39, %dma_start3A_40] : memref<10000x128xf32, #tpu.memory_space<hbm>> -> memref<10000x128xf32, #tpu.memory_space<hbm>>
      tpu.enqueue_indirect_dma source(%dma_start3A_41 : memref<10000x128xf32, #tpu.memory_space<hbm>>) target(%arg15 : memref<40x128xf32, #tpu.memory_space<vmem>>) offsets(%dma_start3A_38 : memref<40xi32, #tpu.memory_space<vmem>>) semaphore(%arg25 : memref<!tpu.dma_semaphore, #tpu.memory_space<semaphore_mem>>)
      %add3A_42 = arith.constant 2 : i32
      %add3A_43 = arith.addi %mul3A_10, %add3A_42 : i32
      %dma_start3A_44 = arith.constant 0 : i32
      %dma_start3A_45 = tpu.memref_slice %arg7[%add3A_43, %dma_start3A_44] : memref<250x40xi32, #tpu.memory_space<vmem>> -> memref<1x40xi32, #tpu.memory_space<vmem>>
      %dma_start3A_46 = tpu.memref_squeeze %dma_start3A_45 : memref<1x40xi32, #tpu.memory_space<vmem>> -> memref<40xi32, #tpu.memory_space<vmem>>
      %dma_start3A_47 = arith.constant 0 : i32
      %dma_start3A_48 = arith.constant 0 : i32
      %dma_start3A_49 = tpu.memref_slice %arg2[%dma_start3A_47, %dma_start3A_48] : memref<10000x128xf32, #tpu.memory_space<hbm>> -> memref<10000x128xf32, #tpu.memory_space<hbm>>
      tpu.enqueue_indirect_dma source(%dma_start3A_49 : memref<10000x128xf32, #tpu.memory_space<hbm>>) target(%arg11 : memref<40x128xf32, #tpu.memory_space<vmem>>) offsets(%dma_start3A_46 : memref<40xi32, #tpu.memory_space<vmem>>) semaphore(%arg21 : memref<!tpu.dma_semaphore, #tpu.memory_space<semaphore_mem>>)
      %add3A_50 = arith.constant 2 : i32
      %add3A_51 = arith.addi %mul3A_10, %add3A_50 : i32
      %dma_start3A_52 = arith.constant 0 : i32
      %dma_start3A_53 = tpu.memref_slice %arg8[%add3A_51, %dma_start3A_52] : memref<250x40xi32, #tpu.memory_space<vmem>> -> memref<1x40xi32, #tpu.memory_space<vmem>>
      %dma_start3A_54 = tpu.memref_squeeze %dma_start3A_53 : memref<1x40xi32, #tpu.memory_space<vmem>> -> memref<40xi32, #tpu.memory_space<vmem>>
      %dma_start3A_55 = arith.constant 0 : i32
      %dma_start3A_56 = arith.constant 0 : i32
      %dma_start3A_57 = tpu.memref_slice %arg2[%dma_start3A_55, %dma_start3A_56] : memref<10000x128xf32, #tpu.memory_space<hbm>> -> memref<10000x128xf32, #tpu.memory_space<hbm>>
      tpu.enqueue_indirect_dma source(%dma_start3A_57 : memref<10000x128xf32, #tpu.memory_space<hbm>>) target(%arg16 : memref<40x128xf32, #tpu.memory_space<vmem>>) offsets(%dma_start3A_54 : memref<40xi32, #tpu.memory_space<vmem>>) semaphore(%arg26 : memref<!tpu.dma_semaphore, #tpu.memory_space<semaphore_mem>>)
      %add3A_58 = arith.constant 3 : i32
      %add3A_59 = arith.addi %mul3A_10, %add3A_58 : i32
      %dma_start3A_60 = arith.constant 0 : i32
      %dma_start3A_61 = tpu.memref_slice %arg7[%add3A_59, %dma_start3A_60] : memref<250x40xi32, #tpu.memory_space<vmem>> -> memref<1x40xi32, #tpu.memory_space<vmem>>
      %dma_start3A_62 = tpu.memref_squeeze %dma_start3A_61 : memref<1x40xi32, #tpu.memory_space<vmem>> -> memref<40xi32, #tpu.memory_space<vmem>>
      %dma_start3A_63 = arith.constant 0 : i32
      %dma_start3A_64 = arith.constant 0 : i32
      %dma_start3A_65 = tpu.memref_slice %arg2[%dma_start3A_63, %dma_start3A_64] : memref<10000x128xf32, #tpu.memory_space<hbm>> -> memref<10000x128xf32, #tpu.memory_space<hbm>>
      tpu.enqueue_indirect_dma source(%dma_start3A_65 : memref<10000x128xf32, #tpu.memory_space<hbm>>) target(%arg12 : memref<40x128xf32, #tpu.memory_space<vmem>>) offsets(%dma_start3A_62 : memref<40xi32, #tpu.memory_space<vmem>>) semaphore(%arg22 : memref<!tpu.dma_semaphore, #tpu.memory_space<semaphore_mem>>)
      %add3A_66 = arith.constant 3 : i32
      %add3A_67 = arith.addi %mul3A_10, %add3A_66 : i32
      %dma_start3A_68 = arith.constant 0 : i32
      %dma_start3A_69 = tpu.memref_slice %arg8[%add3A_67, %dma_start3A_68] : memref<250x40xi32, #tpu.memory_space<vmem>> -> memref<1x40xi32, #tpu.memory_space<vmem>>
      %dma_start3A_70 = tpu.memref_squeeze %dma_start3A_69 : memref<1x40xi32, #tpu.memory_space<vmem>> -> memref<40xi32, #tpu.memory_space<vmem>>
      %dma_start3A_71 = arith.constant 0 : i32
      %dma_start3A_72 = arith.constant 0 : i32
      %dma_start3A_73 = tpu.memref_slice %arg2[%dma_start3A_71, %dma_start3A_72] : memref<10000x128xf32, #tpu.memory_space<hbm>> -> memref<10000x128xf32, #tpu.memory_space<hbm>>
      tpu.enqueue_indirect_dma source(%dma_start3A_73 : memref<10000x128xf32, #tpu.memory_space<hbm>>) target(%arg17 : memref<40x128xf32, #tpu.memory_space<vmem>>) offsets(%dma_start3A_70 : memref<40xi32, #tpu.memory_space<vmem>>) semaphore(%arg27 : memref<!tpu.dma_semaphore, #tpu.memory_space<semaphore_mem>>)
      %add3A_74 = arith.constant 4 : i32
      %add3A_75 = arith.addi %mul3A_10, %add3A_74 : i32
      %dma_start3A_76 = arith.constant 0 : i32
      %dma_start3A_77 = tpu.memref_slice %arg7[%add3A_75, %dma_start3A_76] : memref<250x40xi32, #tpu.memory_space<vmem>> -> memref<1x40xi32, #tpu.memory_space<vmem>>
      %dma_start3A_78 = tpu.memref_squeeze %dma_start3A_77 : memref<1x40xi32, #tpu.memory_space<vmem>> -> memref<40xi32, #tpu.memory_space<vmem>>
      %dma_start3A_79 = arith.constant 0 : i32
      %dma_start3A_80 = arith.constant 0 : i32
      %dma_start3A_81 = tpu.memref_slice %arg2[%dma_start3A_79, %dma_start3A_80] : memref<10000x128xf32, #tpu.memory_space<hbm>> -> memref<10000x128xf32, #tpu.memory_space<hbm>>
      tpu.enqueue_indirect_dma source(%dma_start3A_81 : memref<10000x128xf32, #tpu.memory_space<hbm>>) target(%arg13 : memref<40x128xf32, #tpu.memory_space<vmem>>) offsets(%dma_start3A_78 : memref<40xi32, #tpu.memory_space<vmem>>) semaphore(%arg23 : memref<!tpu.dma_semaphore, #tpu.memory_space<semaphore_mem>>)
      %add3A_82 = arith.constant 4 : i32
      %add3A_83 = arith.addi %mul3A_10, %add3A_82 : i32
      %dma_start3A_84 = arith.constant 0 : i32
      %dma_start3A_85 = tpu.memref_slice %arg8[%add3A_83, %dma_start3A_84] : memref<250x40xi32, #tpu.memory_space<vmem>> -> memref<1x40xi32, #tpu.memory_space<vmem>>
      %dma_start3A_86 = tpu.memref_squeeze %dma_start3A_85 : memref<1x40xi32, #tpu.memory_space<vmem>> -> memref<40xi32, #tpu.memory_space<vmem>>
      %dma_start3A_87 = arith.constant 0 : i32
      %dma_start3A_88 = arith.constant 0 : i32
      %dma_start3A_89 = tpu.memref_slice %arg2[%dma_start3A_87, %dma_start3A_88] : memref<10000x128xf32, #tpu.memory_space<hbm>> -> memref<10000x128xf32, #tpu.memory_space<hbm>>
      tpu.enqueue_indirect_dma source(%dma_start3A_89 : memref<10000x128xf32, #tpu.memory_space<hbm>>) target(%arg18 : memref<40x128xf32, #tpu.memory_space<vmem>>) offsets(%dma_start3A_86 : memref<40xi32, #tpu.memory_space<vmem>>) semaphore(%arg28 : memref<!tpu.dma_semaphore, #tpu.memory_space<semaphore_mem>>)
      %add3A_90 = arith.constant 0 : i32
      %add3A_91 = arith.addi %mul3A_10, %add3A_90 : i32
      %mul3A_92 = arith.constant 40 : i32
      %mul3A_93 = arith.muli %add3A_91, %mul3A_92 : i32
      %add3A_94 = arith.addi %mul3A_2, %mul3A_93 : i32
      %add3A_95 = arith.constant 0 : i32
      %add3A_96 = arith.addi %mul3A_10, %add3A_95 : i32
      %dma_wait3A = arith.constant 0 : i32
      %dma_wait3A_97 = tpu.memref_slice %arg7[%add3A_96, %dma_wait3A] : memref<250x40xi32, #tpu.memory_space<vmem>> -> memref<1x40xi32, #tpu.memory_space<vmem>>
      %dma_wait3A_98 = tpu.memref_squeeze %dma_wait3A_97 : memref<1x40xi32, #tpu.memory_space<vmem>> -> memref<40xi32, #tpu.memory_space<vmem>>
      %dma_wait3A_99 = arith.constant 0 : i32
      %dma_wait3A_100 = arith.constant 0 : i32
      %dma_wait3A_101 = tpu.memref_slice %arg2[%dma_wait3A_99, %dma_wait3A_100] : memref<10000x128xf32, #tpu.memory_space<hbm>> -> memref<10000x128xf32, #tpu.memory_space<hbm>>
      tpu.wait_indirect_dma semaphore(%arg19 : memref<!tpu.dma_semaphore, #tpu.memory_space<semaphore_mem>>) src(%dma_wait3A_101 : memref<10000x128xf32, #tpu.memory_space<hbm>>) dst(%arg9 : memref<40x128xf32, #tpu.memory_space<vmem>>)
      %dma_start3A_102 = arith.constant 0 : i32
      %dma_start3A_103 = tpu.memref_slice %arg5[%add3A_94, %dma_start3A_102] : memref<320000x128xf32, #tpu.memory_space<hbm>> -> memref<40x128xf32, #tpu.memory_space<hbm>>
      %dma_start3A_104 = arith.constant 0 : i32
      %dma_start3A_105 = tpu.memref_slice %arg5[%add3A_94, %dma_start3A_104] : memref<320000x128xf32, #tpu.memory_space<hbm>> -> memref<40x128xf32, #tpu.memory_space<hbm>>
      tpu.enqueue_dma source(%arg9 : memref<40x128xf32, #tpu.memory_space<vmem>>) target(%dma_start3A_105 : memref<40x128xf32, #tpu.memory_space<hbm>>) target_semaphore(%arg19 : memref<!tpu.dma_semaphore, #tpu.memory_space<semaphore_mem>>)
      %add3A_106 = arith.constant 0 : i32
      %add3A_107 = arith.addi %mul3A_10, %add3A_106 : i32
      %dma_wait3A_108 = arith.constant 0 : i32
      %dma_wait3A_109 = tpu.memref_slice %arg8[%add3A_107, %dma_wait3A_108] : memref<250x40xi32, #tpu.memory_space<vmem>> -> memref<1x40xi32, #tpu.memory_space<vmem>>
      %dma_wait3A_110 = tpu.memref_squeeze %dma_wait3A_109 : memref<1x40xi32, #tpu.memory_space<vmem>> -> memref<40xi32, #tpu.memory_space<vmem>>
      %dma_wait3A_111 = arith.constant 0 : i32
      %dma_wait3A_112 = arith.constant 0 : i32
      %dma_wait3A_113 = tpu.memref_slice %arg2[%dma_wait3A_111, %dma_wait3A_112] : memref<10000x128xf32, #tpu.memory_space<hbm>> -> memref<10000x128xf32, #tpu.memory_space<hbm>>
      tpu.wait_indirect_dma semaphore(%arg24 : memref<!tpu.dma_semaphore, #tpu.memory_space<semaphore_mem>>) src(%dma_wait3A_113 : memref<10000x128xf32, #tpu.memory_space<hbm>>) dst(%arg14 : memref<40x128xf32, #tpu.memory_space<vmem>>)
      %dma_start3A_114 = arith.constant 0 : i32
      %dma_start3A_115 = tpu.memref_slice %arg6[%add3A_94, %dma_start3A_114] : memref<320000x128xf32, #tpu.memory_space<hbm>> -> memref<40x128xf32, #tpu.memory_space<hbm>>
      %dma_start3A_116 = arith.constant 0 : i32
      %dma_start3A_117 = tpu.memref_slice %arg6[%add3A_94, %dma_start3A_116] : memref<320000x128xf32, #tpu.memory_space<hbm>> -> memref<40x128xf32, #tpu.memory_space<hbm>>
      tpu.enqueue_dma source(%arg14 : memref<40x128xf32, #tpu.memory_space<vmem>>) target(%dma_start3A_117 : memref<40x128xf32, #tpu.memory_space<hbm>>) target_semaphore(%arg24 : memref<!tpu.dma_semaphore, #tpu.memory_space<semaphore_mem>>)
      %add3A_118 = arith.constant 1 : i32
      %add3A_119 = arith.addi %mul3A_10, %add3A_118 : i32
      %mul3A_120 = arith.constant 40 : i32
      %mul3A_121 = arith.muli %add3A_119, %mul3A_120 : i32
      %add3A_122 = arith.addi %mul3A_2, %mul3A_121 : i32
      %add3A_123 = arith.constant 1 : i32
      %add3A_124 = arith.addi %mul3A_10, %add3A_123 : i32
      %dma_wait3A_125 = arith.constant 0 : i32
      %dma_wait3A_126 = tpu.memref_slice %arg7[%add3A_124, %dma_wait3A_125] : memref<250x40xi32, #tpu.memory_space<vmem>> -> memref<1x40xi32, #tpu.memory_space<vmem>>
      %dma_wait3A_127 = tpu.memref_squeeze %dma_wait3A_126 : memref<1x40xi32, #tpu.memory_space<vmem>> -> memref<40xi32, #tpu.memory_space<vmem>>
      %dma_wait3A_128 = arith.constant 0 : i32
      %dma_wait3A_129 = arith.constant 0 : i32
      %dma_wait3A_130 = tpu.memref_slice %arg2[%dma_wait3A_128, %dma_wait3A_129] : memref<10000x128xf32, #tpu.memory_space<hbm>> -> memref<10000x128xf32, #tpu.memory_space<hbm>>
      tpu.wait_indirect_dma semaphore(%arg20 : memref<!tpu.dma_semaphore, #tpu.memory_space<semaphore_mem>>) src(%dma_wait3A_130 : memref<10000x128xf32, #tpu.memory_space<hbm>>) dst(%arg10 : memref<40x128xf32, #tpu.memory_space<vmem>>)
      %dma_start3A_131 = arith.constant 0 : i32
      %dma_start3A_132 = tpu.memref_slice %arg5[%add3A_122, %dma_start3A_131] : memref<320000x128xf32, #tpu.memory_space<hbm>> -> memref<40x128xf32, #tpu.memory_space<hbm>>
      %dma_start3A_133 = arith.constant 0 : i32
      %dma_start3A_134 = tpu.memref_slice %arg5[%add3A_122, %dma_start3A_133] : memref<320000x128xf32, #tpu.memory_space<hbm>> -> memref<40x128xf32, #tpu.memory_space<hbm>>
      tpu.enqueue_dma source(%arg10 : memref<40x128xf32, #tpu.memory_space<vmem>>) target(%dma_start3A_134 : memref<40x128xf32, #tpu.memory_space<hbm>>) target_semaphore(%arg20 : memref<!tpu.dma_semaphore, #tpu.memory_space<semaphore_mem>>)
      %add3A_135 = arith.constant 1 : i32
      %add3A_136 = arith.addi %mul3A_10, %add3A_135 : i32
      %dma_wait3A_137 = arith.constant 0 : i32
      %dma_wait3A_138 = tpu.memref_slice %arg8[%add3A_136, %dma_wait3A_137] : memref<250x40xi32, #tpu.memory_space<vmem>> -> memref<1x40xi32, #tpu.memory_space<vmem>>
      %dma_wait3A_139 = tpu.memref_squeeze %dma_wait3A_138 : memref<1x40xi32, #tpu.memory_space<vmem>> -> memref<40xi32, #tpu.memory_space<vmem>>
      %dma_wait3A_140 = arith.constant 0 : i32
      %dma_wait3A_141 = arith.constant 0 : i32
      %dma_wait3A_142 = tpu.memref_slice %arg2[%dma_wait3A_140, %dma_wait3A_141] : memref<10000x128xf32, #tpu.memory_space<hbm>> -> memref<10000x128xf32, #tpu.memory_space<hbm>>
      tpu.wait_indirect_dma semaphore(%arg25 : memref<!tpu.dma_semaphore, #tpu.memory_space<semaphore_mem>>) src(%dma_wait3A_142 : memref<10000x128xf32, #tpu.memory_space<hbm>>) dst(%arg15 : memref<40x128xf32, #tpu.memory_space<vmem>>)
      %dma_start3A_143 = arith.constant 0 : i32
      %dma_start3A_144 = tpu.memref_slice %arg6[%add3A_122, %dma_start3A_143] : memref<320000x128xf32, #tpu.memory_space<hbm>> -> memref<40x128xf32, #tpu.memory_space<hbm>>
      %dma_start3A_145 = arith.constant 0 : i32
      %dma_start3A_146 = tpu.memref_slice %arg6[%add3A_122, %dma_start3A_145] : memref<320000x128xf32, #tpu.memory_space<hbm>> -> memref<40x128xf32, #tpu.memory_space<hbm>>
      tpu.enqueue_dma source(%arg15 : memref<40x128xf32, #tpu.memory_space<vmem>>) target(%dma_start3A_146 : memref<40x128xf32, #tpu.memory_space<hbm>>) target_semaphore(%arg25 : memref<!tpu.dma_semaphore, #tpu.memory_space<semaphore_mem>>)
      %add3A_147 = arith.constant 2 : i32
      %add3A_148 = arith.addi %mul3A_10, %add3A_147 : i32
      %mul3A_149 = arith.constant 40 : i32
      %mul3A_150 = arith.muli %add3A_148, %mul3A_149 : i32
      %add3A_151 = arith.addi %mul3A_2, %mul3A_150 : i32
      %add3A_152 = arith.constant 2 : i32
      %add3A_153 = arith.addi %mul3A_10, %add3A_152 : i32
      %dma_wait3A_154 = arith.constant 0 : i32
      %dma_wait3A_155 = tpu.memref_slice %arg7[%add3A_153, %dma_wait3A_154] : memref<250x40xi32, #tpu.memory_space<vmem>> -> memref<1x40xi32, #tpu.memory_space<vmem>>
      %dma_wait3A_156 = tpu.memref_squeeze %dma_wait3A_155 : memref<1x40xi32, #tpu.memory_space<vmem>> -> memref<40xi32, #tpu.memory_space<vmem>>
      %dma_wait3A_157 = arith.constant 0 : i32
      %dma_wait3A_158 = arith.constant 0 : i32
      %dma_wait3A_159 = tpu.memref_slice %arg2[%dma_wait3A_157, %dma_wait3A_158] : memref<10000x128xf32, #tpu.memory_space<hbm>> -> memref<10000x128xf32, #tpu.memory_space<hbm>>
      tpu.wait_indirect_dma semaphore(%arg21 : memref<!tpu.dma_semaphore, #tpu.memory_space<semaphore_mem>>) src(%dma_wait3A_159 : memref<10000x128xf32, #tpu.memory_space<hbm>>) dst(%arg11 : memref<40x128xf32, #tpu.memory_space<vmem>>)
      %dma_start3A_160 = arith.constant 0 : i32
      %dma_start3A_161 = tpu.memref_slice %arg5[%add3A_151, %dma_start3A_160] : memref<320000x128xf32, #tpu.memory_space<hbm>> -> memref<40x128xf32, #tpu.memory_space<hbm>>
      %dma_start3A_162 = arith.constant 0 : i32
      %dma_start3A_163 = tpu.memref_slice %arg5[%add3A_151, %dma_start3A_162] : memref<320000x128xf32, #tpu.memory_space<hbm>> -> memref<40x128xf32, #tpu.memory_space<hbm>>
      tpu.enqueue_dma source(%arg11 : memref<40x128xf32, #tpu.memory_space<vmem>>) target(%dma_start3A_163 : memref<40x128xf32, #tpu.memory_space<hbm>>) target_semaphore(%arg21 : memref<!tpu.dma_semaphore, #tpu.memory_space<semaphore_mem>>)
      %add3A_164 = arith.constant 2 : i32
      %add3A_165 = arith.addi %mul3A_10, %add3A_164 : i32
      %dma_wait3A_166 = arith.constant 0 : i32
      %dma_wait3A_167 = tpu.memref_slice %arg8[%add3A_165, %dma_wait3A_166] : memref<250x40xi32, #tpu.memory_space<vmem>> -> memref<1x40xi32, #tpu.memory_space<vmem>>
      %dma_wait3A_168 = tpu.memref_squeeze %dma_wait3A_167 : memref<1x40xi32, #tpu.memory_space<vmem>> -> memref<40xi32, #tpu.memory_space<vmem>>
      %dma_wait3A_169 = arith.constant 0 : i32
      %dma_wait3A_170 = arith.constant 0 : i32
      %dma_wait3A_171 = tpu.memref_slice %arg2[%dma_wait3A_169, %dma_wait3A_170] : memref<10000x128xf32, #tpu.memory_space<hbm>> -> memref<10000x128xf32, #tpu.memory_space<hbm>>
      tpu.wait_indirect_dma semaphore(%arg26 : memref<!tpu.dma_semaphore, #tpu.memory_space<semaphore_mem>>) src(%dma_wait3A_171 : memref<10000x128xf32, #tpu.memory_space<hbm>>) dst(%arg16 : memref<40x128xf32, #tpu.memory_space<vmem>>)
      %dma_start3A_172 = arith.constant 0 : i32
      %dma_start3A_173 = tpu.memref_slice %arg6[%add3A_151, %dma_start3A_172] : memref<320000x128xf32, #tpu.memory_space<hbm>> -> memref<40x128xf32, #tpu.memory_space<hbm>>
      %dma_start3A_174 = arith.constant 0 : i32
      %dma_start3A_175 = tpu.memref_slice %arg6[%add3A_151, %dma_start3A_174] : memref<320000x128xf32, #tpu.memory_space<hbm>> -> memref<40x128xf32, #tpu.memory_space<hbm>>
      tpu.enqueue_dma source(%arg16 : memref<40x128xf32, #tpu.memory_space<vmem>>) target(%dma_start3A_175 : memref<40x128xf32, #tpu.memory_space<hbm>>) target_semaphore(%arg26 : memref<!tpu.dma_semaphore, #tpu.memory_space<semaphore_mem>>)
      %add3A_176 = arith.constant 3 : i32
      %add3A_177 = arith.addi %mul3A_10, %add3A_176 : i32
      %mul3A_178 = arith.constant 40 : i32
      %mul3A_179 = arith.muli %add3A_177, %mul3A_178 : i32
      %add3A_180 = arith.addi %mul3A_2, %mul3A_179 : i32
      %add3A_181 = arith.constant 3 : i32
      %add3A_182 = arith.addi %mul3A_10, %add3A_181 : i32
      %dma_wait3A_183 = arith.constant 0 : i32
      %dma_wait3A_184 = tpu.memref_slice %arg7[%add3A_182, %dma_wait3A_183] : memref<250x40xi32, #tpu.memory_space<vmem>> -> memref<1x40xi32, #tpu.memory_space<vmem>>
      %dma_wait3A_185 = tpu.memref_squeeze %dma_wait3A_184 : memref<1x40xi32, #tpu.memory_space<vmem>> -> memref<40xi32, #tpu.memory_space<vmem>>
      %dma_wait3A_186 = arith.constant 0 : i32
      %dma_wait3A_187 = arith.constant 0 : i32
      %dma_wait3A_188 = tpu.memref_slice %arg2[%dma_wait3A_186, %dma_wait3A_187] : memref<10000x128xf32, #tpu.memory_space<hbm>> -> memref<10000x128xf32, #tpu.memory_space<hbm>>
      tpu.wait_indirect_dma semaphore(%arg22 : memref<!tpu.dma_semaphore, #tpu.memory_space<semaphore_mem>>) src(%dma_wait3A_188 : memref<10000x128xf32, #tpu.memory_space<hbm>>) dst(%arg12 : memref<40x128xf32, #tpu.memory_space<vmem>>)
      %dma_start3A_189 = arith.constant 0 : i32
      %dma_start3A_190 = tpu.memref_slice %arg5[%add3A_180, %dma_start3A_189] : memref<320000x128xf32, #tpu.memory_space<hbm>> -> memref<40x128xf32, #tpu.memory_space<hbm>>
      %dma_start3A_191 = arith.constant 0 : i32
      %dma_start3A_192 = tpu.memref_slice %arg5[%add3A_180, %dma_start3A_191] : memref<320000x128xf32, #tpu.memory_space<hbm>> -> memref<40x128xf32, #tpu.memory_space<hbm>>
      tpu.enqueue_dma source(%arg12 : memref<40x128xf32, #tpu.memory_space<vmem>>) target(%dma_start3A_192 : memref<40x128xf32, #tpu.memory_space<hbm>>) target_semaphore(%arg22 : memref<!tpu.dma_semaphore, #tpu.memory_space<semaphore_mem>>)
      %add3A_193 = arith.constant 3 : i32
      %add3A_194 = arith.addi %mul3A_10, %add3A_193 : i32
      %dma_wait3A_195 = arith.constant 0 : i32
      %dma_wait3A_196 = tpu.memref_slice %arg8[%add3A_194, %dma_wait3A_195] : memref<250x40xi32, #tpu.memory_space<vmem>> -> memref<1x40xi32, #tpu.memory_space<vmem>>
      %dma_wait3A_197 = tpu.memref_squeeze %dma_wait3A_196 : memref<1x40xi32, #tpu.memory_space<vmem>> -> memref<40xi32, #tpu.memory_space<vmem>>
      %dma_wait3A_198 = arith.constant 0 : i32
      %dma_wait3A_199 = arith.constant 0 : i32
      %dma_wait3A_200 = tpu.memref_slice %arg2[%dma_wait3A_198, %dma_wait3A_199] : memref<10000x128xf32, #tpu.memory_space<hbm>> -> memref<10000x128xf32, #tpu.memory_space<hbm>>
      tpu.wait_indirect_dma semaphore(%arg27 : memref<!tpu.dma_semaphore, #tpu.memory_space<semaphore_mem>>) src(%dma_wait3A_200 : memref<10000x128xf32, #tpu.memory_space<hbm>>) dst(%arg17 : memref<40x128xf32, #tpu.memory_space<vmem>>)
      %dma_start3A_201 = arith.constant 0 : i32
      %dma_start3A_202 = tpu.memref_slice %arg6[%add3A_180, %dma_start3A_201] : memref<320000x128xf32, #tpu.memory_space<hbm>> -> memref<40x128xf32, #tpu.memory_space<hbm>>
      %dma_start3A_203 = arith.constant 0 : i32
      %dma_start3A_204 = tpu.memref_slice %arg6[%add3A_180, %dma_start3A_203] : memref<320000x128xf32, #tpu.memory_space<hbm>> -> memref<40x128xf32, #tpu.memory_space<hbm>>
      tpu.enqueue_dma source(%arg17 : memref<40x128xf32, #tpu.memory_space<vmem>>) target(%dma_start3A_204 : memref<40x128xf32, #tpu.memory_space<hbm>>) target_semaphore(%arg27 : memref<!tpu.dma_semaphore, #tpu.memory_space<semaphore_mem>>)
      %add3A_205 = arith.constant 4 : i32
      %add3A_206 = arith.addi %mul3A_10, %add3A_205 : i32
      %mul3A_207 = arith.constant 40 : i32
      %mul3A_208 = arith.muli %add3A_206, %mul3A_207 : i32
      %add3A_209 = arith.addi %mul3A_2, %mul3A_208 : i32
      %add3A_210 = arith.constant 4 : i32
      %add3A_211 = arith.addi %mul3A_10, %add3A_210 : i32
      %dma_wait3A_212 = arith.constant 0 : i32
      %dma_wait3A_213 = tpu.memref_slice %arg7[%add3A_211, %dma_wait3A_212] : memref<250x40xi32, #tpu.memory_space<vmem>> -> memref<1x40xi32, #tpu.memory_space<vmem>>
      %dma_wait3A_214 = tpu.memref_squeeze %dma_wait3A_213 : memref<1x40xi32, #tpu.memory_space<vmem>> -> memref<40xi32, #tpu.memory_space<vmem>>
      %dma_wait3A_215 = arith.constant 0 : i32
      %dma_wait3A_216 = arith.constant 0 : i32
      %dma_wait3A_217 = tpu.memref_slice %arg2[%dma_wait3A_215, %dma_wait3A_216] : memref<10000x128xf32, #tpu.memory_space<hbm>> -> memref<10000x128xf32, #tpu.memory_space<hbm>>
      tpu.wait_indirect_dma semaphore(%arg23 : memref<!tpu.dma_semaphore, #tpu.memory_space<semaphore_mem>>) src(%dma_wait3A_217 : memref<10000x128xf32, #tpu.memory_space<hbm>>) dst(%arg13 : memref<40x128xf32, #tpu.memory_space<vmem>>)
      %dma_start3A_218 = arith.constant 0 : i32
      %dma_start3A_219 = tpu.memref_slice %arg5[%add3A_209, %dma_start3A_218] : memref<320000x128xf32, #tpu.memory_space<hbm>> -> memref<40x128xf32, #tpu.memory_space<hbm>>
      %dma_start3A_220 = arith.constant 0 : i32
      %dma_start3A_221 = tpu.memref_slice %arg5[%add3A_209, %dma_start3A_220] : memref<320000x128xf32, #tpu.memory_space<hbm>> -> memref<40x128xf32, #tpu.memory_space<hbm>>
      tpu.enqueue_dma source(%arg13 : memref<40x128xf32, #tpu.memory_space<vmem>>) target(%dma_start3A_221 : memref<40x128xf32, #tpu.memory_space<hbm>>) target_semaphore(%arg23 : memref<!tpu.dma_semaphore, #tpu.memory_space<semaphore_mem>>)
      %add3A_222 = arith.constant 4 : i32
      %add3A_223 = arith.addi %mul3A_10, %add3A_222 : i32
      %dma_wait3A_224 = arith.constant 0 : i32
      %dma_wait3A_225 = tpu.memref_slice %arg8[%add3A_223, %dma_wait3A_224] : memref<250x40xi32, #tpu.memory_space<vmem>> -> memref<1x40xi32, #tpu.memory_space<vmem>>
      %dma_wait3A_226 = tpu.memref_squeeze %dma_wait3A_225 : memref<1x40xi32, #tpu.memory_space<vmem>> -> memref<40xi32, #tpu.memory_space<vmem>>
      %dma_wait3A_227 = arith.constant 0 : i32
      %dma_wait3A_228 = arith.constant 0 : i32
      %dma_wait3A_229 = tpu.memref_slice %arg2[%dma_wait3A_227, %dma_wait3A_228] : memref<10000x128xf32, #tpu.memory_space<hbm>> -> memref<10000x128xf32, #tpu.memory_space<hbm>>
      tpu.wait_indirect_dma semaphore(%arg28 : memref<!tpu.dma_semaphore, #tpu.memory_space<semaphore_mem>>) src(%dma_wait3A_229 : memref<10000x128xf32, #tpu.memory_space<hbm>>) dst(%arg18 : memref<40x128xf32, #tpu.memory_space<vmem>>)
      %dma_start3A_230 = arith.constant 0 : i32
      %dma_start3A_231 = tpu.memref_slice %arg6[%add3A_209, %dma_start3A_230] : memref<320000x128xf32, #tpu.memory_space<hbm>> -> memref<40x128xf32, #tpu.memory_space<hbm>>
      %dma_start3A_232 = arith.constant 0 : i32
      %dma_start3A_233 = tpu.memref_slice %arg6[%add3A_209, %dma_start3A_232] : memref<320000x128xf32, #tpu.memory_space<hbm>> -> memref<40x128xf32, #tpu.memory_space<hbm>>
      tpu.enqueue_dma source(%arg18 : memref<40x128xf32, #tpu.memory_space<vmem>>) target(%dma_start3A_233 : memref<40x128xf32, #tpu.memory_space<hbm>>) target_semaphore(%arg28 : memref<!tpu.dma_semaphore, #tpu.memory_space<semaphore_mem>>)
      %add3A_234 = arith.constant 0 : i32
      %add3A_235 = arith.addi %mul3A_10, %add3A_234 : i32
      %mul3A_236 = arith.constant 40 : i32
      %mul3A_237 = arith.muli %add3A_235, %mul3A_236 : i32
      %add3A_238 = arith.addi %mul3A_2, %mul3A_237 : i32
      %dma_wait3A_239 = arith.constant 0 : i32
      %dma_wait3A_240 = tpu.memref_slice %arg5[%add3A_238, %dma_wait3A_239] : memref<320000x128xf32, #tpu.memory_space<hbm>> -> memref<40x128xf32, #tpu.memory_space<hbm>>
      %dma_wait3A_241 = arith.constant 0 : i32
      %dma_wait3A_242 = tpu.memref_slice %arg5[%add3A_238, %dma_wait3A_241] : memref<320000x128xf32, #tpu.memory_space<hbm>> -> memref<40x128xf32, #tpu.memory_space<hbm>>
      tpu.wait_dma2 semaphore(%arg19 : memref<!tpu.dma_semaphore, #tpu.memory_space<semaphore_mem>>) src(%arg9 : memref<40x128xf32, #tpu.memory_space<vmem>>) dst(%dma_wait3A_242 : memref<40x128xf32, #tpu.memory_space<hbm>>)
      %dma_wait3A_243 = arith.constant 0 : i32
      %dma_wait3A_244 = tpu.memref_slice %arg6[%add3A_238, %dma_wait3A_243] : memref<320000x128xf32, #tpu.memory_space<hbm>> -> memref<40x128xf32, #tpu.memory_space<hbm>>
      %dma_wait3A_245 = arith.constant 0 : i32
      %dma_wait3A_246 = tpu.memref_slice %arg6[%add3A_238, %dma_wait3A_245] : memref<320000x128xf32, #tpu.memory_space<hbm>> -> memref<40x128xf32, #tpu.memory_space<hbm>>
      tpu.wait_dma2 semaphore(%arg24 : memref<!tpu.dma_semaphore, #tpu.memory_space<semaphore_mem>>) src(%arg14 : memref<40x128xf32, #tpu.memory_space<vmem>>) dst(%dma_wait3A_246 : memref<40x128xf32, #tpu.memory_space<hbm>>)
      %add3A_247 = arith.constant 1 : i32
      %add3A_248 = arith.addi %mul3A_10, %add3A_247 : i32
      %mul3A_249 = arith.constant 40 : i32
      %mul3A_250 = arith.muli %add3A_248, %mul3A_249 : i32
      %add3A_251 = arith.addi %mul3A_2, %mul3A_250 : i32
      %dma_wait3A_252 = arith.constant 0 : i32
      %dma_wait3A_253 = tpu.memref_slice %arg5[%add3A_251, %dma_wait3A_252] : memref<320000x128xf32, #tpu.memory_space<hbm>> -> memref<40x128xf32, #tpu.memory_space<hbm>>
      %dma_wait3A_254 = arith.constant 0 : i32
      %dma_wait3A_255 = tpu.memref_slice %arg5[%add3A_251, %dma_wait3A_254] : memref<320000x128xf32, #tpu.memory_space<hbm>> -> memref<40x128xf32, #tpu.memory_space<hbm>>
      tpu.wait_dma2 semaphore(%arg20 : memref<!tpu.dma_semaphore, #tpu.memory_space<semaphore_mem>>) src(%arg10 : memref<40x128xf32, #tpu.memory_space<vmem>>) dst(%dma_wait3A_255 : memref<40x128xf32, #tpu.memory_space<hbm>>)
      %dma_wait3A_256 = arith.constant 0 : i32
      %dma_wait3A_257 = tpu.memref_slice %arg6[%add3A_251, %dma_wait3A_256] : memref<320000x128xf32, #tpu.memory_space<hbm>> -> memref<40x128xf32, #tpu.memory_space<hbm>>
      %dma_wait3A_258 = arith.constant 0 : i32
      %dma_wait3A_259 = tpu.memref_slice %arg6[%add3A_251, %dma_wait3A_258] : memref<320000x128xf32, #tpu.memory_space<hbm>> -> memref<40x128xf32, #tpu.memory_space<hbm>>
      tpu.wait_dma2 semaphore(%arg25 : memref<!tpu.dma_semaphore, #tpu.memory_space<semaphore_mem>>) src(%arg15 : memref<40x128xf32, #tpu.memory_space<vmem>>) dst(%dma_wait3A_259 : memref<40x128xf32, #tpu.memory_space<hbm>>)
      %add3A_260 = arith.constant 2 : i32
      %add3A_261 = arith.addi %mul3A_10, %add3A_260 : i32
      %mul3A_262 = arith.constant 40 : i32
      %mul3A_263 = arith.muli %add3A_261, %mul3A_262 : i32
      %add3A_264 = arith.addi %mul3A_2, %mul3A_263 : i32
      %dma_wait3A_265 = arith.constant 0 : i32
      %dma_wait3A_266 = tpu.memref_slice %arg5[%add3A_264, %dma_wait3A_265] : memref<320000x128xf32, #tpu.memory_space<hbm>> -> memref<40x128xf32, #tpu.memory_space<hbm>>
      %dma_wait3A_267 = arith.constant 0 : i32
      %dma_wait3A_268 = tpu.memref_slice %arg5[%add3A_264, %dma_wait3A_267] : memref<320000x128xf32, #tpu.memory_space<hbm>> -> memref<40x128xf32, #tpu.memory_space<hbm>>
      tpu.wait_dma2 semaphore(%arg21 : memref<!tpu.dma_semaphore, #tpu.memory_space<semaphore_mem>>) src(%arg11 : memref<40x128xf32, #tpu.memory_space<vmem>>) dst(%dma_wait3A_268 : memref<40x128xf32, #tpu.memory_space<hbm>>)
      %dma_wait3A_269 = arith.constant 0 : i32
      %dma_wait3A_270 = tpu.memref_slice %arg6[%add3A_264, %dma_wait3A_269] : memref<320000x128xf32, #tpu.memory_space<hbm>> -> memref<40x128xf32, #tpu.memory_space<hbm>>
      %dma_wait3A_271 = arith.constant 0 : i32
      %dma_wait3A_272 = tpu.memref_slice %arg6[%add3A_264, %dma_wait3A_271] : memref<320000x128xf32, #tpu.memory_space<hbm>> -> memref<40x128xf32, #tpu.memory_space<hbm>>
      tpu.wait_dma2 semaphore(%arg26 : memref<!tpu.dma_semaphore, #tpu.memory_space<semaphore_mem>>) src(%arg16 : memref<40x128xf32, #tpu.memory_space<vmem>>) dst(%dma_wait3A_272 : memref<40x128xf32, #tpu.memory_space<hbm>>)
      %add3A_273 = arith.constant 3 : i32
      %add3A_274 = arith.addi %mul3A_10, %add3A_273 : i32
      %mul3A_275 = arith.constant 40 : i32
      %mul3A_276 = arith.muli %add3A_274, %mul3A_275 : i32
      %add3A_277 = arith.addi %mul3A_2, %mul3A_276 : i32
      %dma_wait3A_278 = arith.constant 0 : i32
      %dma_wait3A_279 = tpu.memref_slice %arg5[%add3A_277, %dma_wait3A_278] : memref<320000x128xf32, #tpu.memory_space<hbm>> -> memref<40x128xf32, #tpu.memory_space<hbm>>
      %dma_wait3A_280 = arith.constant 0 : i32
      %dma_wait3A_281 = tpu.memref_slice %arg5[%add3A_277, %dma_wait3A_280] : memref<320000x128xf32, #tpu.memory_space<hbm>> -> memref<40x128xf32, #tpu.memory_space<hbm>>
      tpu.wait_dma2 semaphore(%arg22 : memref<!tpu.dma_semaphore, #tpu.memory_space<semaphore_mem>>) src(%arg12 : memref<40x128xf32, #tpu.memory_space<vmem>>) dst(%dma_wait3A_281 : memref<40x128xf32, #tpu.memory_space<hbm>>)
      %dma_wait3A_282 = arith.constant 0 : i32
      %dma_wait3A_283 = tpu.memref_slice %arg6[%add3A_277, %dma_wait3A_282] : memref<320000x128xf32, #tpu.memory_space<hbm>> -> memref<40x128xf32, #tpu.memory_space<hbm>>
      %dma_wait3A_284 = arith.constant 0 : i32
      %dma_wait3A_285 = tpu.memref_slice %arg6[%add3A_277, %dma_wait3A_284] : memref<320000x128xf32, #tpu.memory_space<hbm>> -> memref<40x128xf32, #tpu.memory_space<hbm>>
      tpu.wait_dma2 semaphore(%arg27 : memref<!tpu.dma_semaphore, #tpu.memory_space<semaphore_mem>>) src(%arg17 : memref<40x128xf32, #tpu.memory_space<vmem>>) dst(%dma_wait3A_285 : memref<40x128xf32, #tpu.memory_space<hbm>>)
      %add3A_286 = arith.constant 4 : i32
      %add3A_287 = arith.addi %mul3A_10, %add3A_286 : i32
      %mul3A_288 = arith.constant 40 : i32
      %mul3A_289 = arith.muli %add3A_287, %mul3A_288 : i32
      %add3A_290 = arith.addi %mul3A_2, %mul3A_289 : i32
      %dma_wait3A_291 = arith.constant 0 : i32
      %dma_wait3A_292 = tpu.memref_slice %arg5[%add3A_290, %dma_wait3A_291] : memref<320000x128xf32, #tpu.memory_space<hbm>> -> memref<40x128xf32, #tpu.memory_space<hbm>>
      %dma_wait3A_293 = arith.constant 0 : i32
      %dma_wait3A_294 = tpu.memref_slice %arg5[%add3A_290, %dma_wait3A_293] : memref<320000x128xf32, #tpu.memory_space<hbm>> -> memref<40x128xf32, #tpu.memory_space<hbm>>
      tpu.wait_dma2 semaphore(%arg23 : memref<!tpu.dma_semaphore, #tpu.memory_space<semaphore_mem>>) src(%arg13 : memref<40x128xf32, #tpu.memory_space<vmem>>) dst(%dma_wait3A_294 : memref<40x128xf32, #tpu.memory_space<hbm>>)
      %dma_wait3A_295 = arith.constant 0 : i32
      %dma_wait3A_296 = tpu.memref_slice %arg6[%add3A_290, %dma_wait3A_295] : memref<320000x128xf32, #tpu.memory_space<hbm>> -> memref<40x128xf32, #tpu.memory_space<hbm>>
      %dma_wait3A_297 = arith.constant 0 : i32
      %dma_wait3A_298 = tpu.memref_slice %arg6[%add3A_290, %dma_wait3A_297] : memref<320000x128xf32, #tpu.memory_space<hbm>> -> memref<40x128xf32, #tpu.memory_space<hbm>>
      tpu.wait_dma2 semaphore(%arg28 : memref<!tpu.dma_semaphore, #tpu.memory_space<semaphore_mem>>) src(%arg18 : memref<40x128xf32, #tpu.memory_space<vmem>>) dst(%dma_wait3A_298 : memref<40x128xf32, #tpu.memory_space<hbm>>)
    }
    %scan3A_7 = arith.constant 50 : i32
    return
  }
}

#map = affine_map<(d0, d1) -> (0, 0)>
#map1 = affine_map<(d0, d1) -> (0)>
module attributes {stable_mosaic.version = 14 : i64} {
  func.func @body(%arg0: i32, %arg1: i32, %arg2: memref<320000x128xf32, #tpu.memory_space<hbm>>, %arg3: memref<320128xi32, #tpu.memory_space<hbm>>, %arg4: memref<320128xi32, #tpu.memory_space<hbm>>, %arg5: memref<48xi32, #tpu.memory_space<hbm>>, %arg6: memref<32x40960xf32, #tpu.memory_space<hbm>>, %arg7: memref<40960xf32, #tpu.memory_space<vmem>>, %arg8: memref<128x128xf32, #tpu.memory_space<vmem>>, %arg9: memref<128xi32, #tpu.memory_space<vmem>>, %arg10: memref<144xi32, #tpu.memory_space<vmem>>, %arg11: memref<48xi32, #tpu.memory_space<vmem>>, %arg12: memref<!tpu.dma_semaphore, #tpu.memory_space<semaphore_mem>>) attributes {dimension_semantics = [#tpu.dimension_semantics<core_parallel>, #tpu.dimension_semantics<subcore_parallel>], iteration_bounds = array<i64: 2, 16>, scalar_prefetch = 0 : i64, scratch_operands = 6 : i64, tpu.core_type = #tpu.core_type<sc_vector_subcore>, window_params = [{transform_indices = #map}, {transform_indices = #map1}, {transform_indices = #map1}, {transform_indices = #map1}, {transform_indices = #map}]} {
    %mul3A = arith.constant 2 : i32
    %mul3A_0 = arith.muli %arg1, %mul3A : i32
    %add3A = arith.addi %mul3A_0, %arg0 : i32
    "tpu.region"() ({
      %run_scoped3A = tpu.sem_alloc : memref<!tpu.dma_semaphore, #tpu.memory_space<semaphore_mem>>
      tpu.enqueue_dma source(%arg5 : memref<48xi32, #tpu.memory_space<hbm>>) target(%arg11 : memref<48xi32, #tpu.memory_space<vmem>>) target_semaphore(%run_scoped3A : memref<!tpu.dma_semaphore, #tpu.memory_space<semaphore_mem>>)
      tpu.wait_dma2 semaphore(%run_scoped3A : memref<!tpu.dma_semaphore, #tpu.memory_space<semaphore_mem>>) src(%arg5 : memref<48xi32, #tpu.memory_space<hbm>>) dst(%arg11 : memref<48xi32, #tpu.memory_space<vmem>>)
      tpu.yield
    }) : () -> ()
    %mul3A_1 = arith.constant 320 : i32
    %mul3A_2 = arith.muli %add3A, %mul3A_1 : i32
    %get3A = arith.index_cast %add3A : i32 to index
    %get3A_3 = tpu.vector_load %arg11[%get3A] {strides = array<i32>} : memref<48xi32, #tpu.memory_space<vmem>>, vector<16xi32>,
    %get3A_4 = vector.shape_cast %get3A_3 : vector<16xi32> to vector<16xi32>
    %slice3A = vector.extract_strided_slice %get3A_4 {offsets = [0], sizes = [1], strides = [1]} : vector<16xi32> to vector<1xi32>
    %squeeze3A = vector.extract %slice3A[0] : i32 from vector<1xi32>
    %slice3A_5 = vector.extract_strided_slice %get3A_4 {offsets = [1], sizes = [1], strides = [1]} : vector<16xi32> to vector<1xi32>
    %squeeze3A_6 = vector.extract %slice3A_5[0] : i32 from vector<1xi32>
    %scan3A = arith.constant 0 : i32
    %scan3A_7 = arith.constant 0 : i32
    %scan3A_8 = arith.constant 2560 : i32
    %scan3A_9 = arith.addi %scan3A_7, %scan3A_8 : i32
    %scan3A_10 = arith.constant 1 : i32
    scf.for %scan3A_18 = %scan3A_7 to %scan3A_9 step %scan3A_10  : i32 {
      %broadcast_in_dim3A = arith.constant 0.000000e+00 : f32
      %broadcast_in_dim3A_19 = vector.broadcast %broadcast_in_dim3A : f32 to vector<16xf32>
      %mul3A_20 = arith.constant 16 : i32
      %mul3A_21 = arith.muli %scan3A_18, %mul3A_20 : i32
      %swap3A = arith.index_cast %mul3A_21 : i32 to index
      %swap3A_22 = tpu.vector_load %arg7[%swap3A] {strides = array<i32>} : memref<40960xf32, #tpu.memory_space<vmem>>, vector<16xf32>,
      %swap3A_23 = vector.shape_cast %swap3A_22 : vector<16xf32> to vector<16xf32>
      %swap3A_24 = vector.shape_cast %broadcast_in_dim3A_19 : vector<16xf32> to vector<16xf32>
      tpu.vector_store %arg7[%swap3A], %swap3A_24 {strides = array<i32>} : memref<40960xf32, #tpu.memory_space<vmem>>, vector<16xf32>,
    }
    %scan3A_11 = arith.constant 2560 : i32
    %scan3A_12 = arith.constant 0 : i32
    %scan3A_13 = arith.constant 2668 : i32
    %scan3A_14 = arith.addi %scan3A_12, %scan3A_13 : i32
    %scan3A_15 = arith.constant 1 : i32
    %scan3A_16 = scf.for %scan3A_18 = %scan3A_12 to %scan3A_14 step %scan3A_15 iter_args(%scan3A_19 = %squeeze3A) -> (i32)  : i32 {
      %lt3A = arith.cmpi slt, %scan3A_19, %squeeze3A_6 : i32
      %convert_element_type3A = arith.extui %lt3A : i1 to i32
      %cond3A = arith.constant 0 : i32
      %cond3A_20 = arith.cmpi ne, %convert_element_type3A, %cond3A : i32
      %cond3A_21 = scf.if %cond3A_20 -> (i32) {
        %jit3A = arith.constant 8 : i32
        %div3A = arith.divsi %scan3A_19, %jit3A : i32
        %sign3A = arith.constant 0 : i32
        %sign3A_22 = arith.cmpi sgt, %scan3A_19, %sign3A : i32
        %sign3A_23 = arith.extui %sign3A_22 : i1 to i32
        %sign3A_24 = arith.constant 0 : i32
        %sign3A_25 = arith.cmpi slt, %scan3A_19, %sign3A_24 : i32
        %sign3A_26 = arith.extui %sign3A_25 : i1 to i32
        %sign3A_27 = arith.subi %sign3A_23, %sign3A_26 : i32
        %sign3A_28 = arith.constant 0 : i32
        %sign3A_29 = arith.cmpi sgt, %jit3A, %sign3A_28 : i32
        %sign3A_30 = arith.extui %sign3A_29 : i1 to i32
        %sign3A_31 = arith.constant 0 : i32
        %sign3A_32 = arith.cmpi slt, %jit3A, %sign3A_31 : i32
        %sign3A_33 = arith.extui %sign3A_32 : i1 to i32
        %sign3A_34 = arith.subi %sign3A_30, %sign3A_33 : i32
        %ne3A = arith.cmpi ne, %sign3A_27, %sign3A_34 : i32
        %rem3A = arith.remsi %scan3A_19, %jit3A : i32
        %ne3A_35 = arith.constant 0 : i32
        %ne3A_36 = arith.cmpi ne, %rem3A, %ne3A_35 : i32
        %and3A = arith.andi %ne3A, %ne3A_36 : i1
        %sub3A = arith.constant 1 : i32
        %sub3A_37 = arith.subi %div3A, %sub3A : i32
        %select_n3A = arith.select %and3A, %sub3A_37, %div3A : i32
        %mul3A_38 = arith.constant 8 : i32
        %mul3A_39 = arith.muli %select_n3A, %mul3A_38 : i32
        %sub3A_40 = arith.subi %scan3A_19, %mul3A_39 : i32
        "tpu.region"() ({
          %run_scoped3A = tpu.sem_alloc : memref<!tpu.dma_semaphore, #tpu.memory_space<semaphore_mem>>
          %dma_start3A_54 = tpu.memref_slice %arg3[%mul3A_39] : memref<320128xi32, #tpu.memory_space<hbm>> -> memref<128xi32, #tpu.memory_space<hbm>>
          %dma_start3A_55 = tpu.memref_slice %arg3[%mul3A_39] : memref<320128xi32, #tpu.memory_space<hbm>> -> memref<128xi32, #tpu.memory_space<hbm>>
          tpu.enqueue_dma source(%dma_start3A_55 : memref<128xi32, #tpu.memory_space<hbm>>) target(%arg9 : memref<128xi32, #tpu.memory_space<vmem>>) target_semaphore(%run_scoped3A : memref<!tpu.dma_semaphore, #tpu.memory_space<semaphore_mem>>)
          %dma_wait3A_56 = tpu.memref_slice %arg3[%mul3A_39] : memref<320128xi32, #tpu.memory_space<hbm>> -> memref<128xi32, #tpu.memory_space<hbm>>
          %dma_wait3A_57 = tpu.memref_slice %arg3[%mul3A_39] : memref<320128xi32, #tpu.memory_space<hbm>> -> memref<128xi32, #tpu.memory_space<hbm>>
          tpu.wait_dma2 semaphore(%run_scoped3A : memref<!tpu.dma_semaphore, #tpu.memory_space<semaphore_mem>>) src(%dma_wait3A_57 : memref<128xi32, #tpu.memory_space<hbm>>) dst(%arg9 : memref<128xi32, #tpu.memory_space<vmem>>)
          tpu.yield
        }) : () -> ()
        "tpu.region"() ({
          %run_scoped3A = tpu.sem_alloc : memref<!tpu.dma_semaphore, #tpu.memory_space<semaphore_mem>>
          %dma_start3A_54 = arith.constant 0 : i32
          %dma_start3A_55 = tpu.memref_slice %arg10[%dma_start3A_54] : memref<144xi32, #tpu.memory_space<vmem>> -> memref<128xi32, #tpu.memory_space<vmem>>
          %dma_start3A_56 = tpu.memref_slice %arg4[%mul3A_39] : memref<320128xi32, #tpu.memory_space<hbm>> -> memref<128xi32, #tpu.memory_space<hbm>>
          %dma_start3A_57 = arith.constant 0 : i32
          %dma_start3A_58 = tpu.memref_slice %arg10[%dma_start3A_57] : memref<144xi32, #tpu.memory_space<vmem>> -> memref<128xi32, #tpu.memory_space<vmem>>
          %dma_start3A_59 = tpu.memref_slice %arg4[%mul3A_39] : memref<320128xi32, #tpu.memory_space<hbm>> -> memref<128xi32, #tpu.memory_space<hbm>>
          tpu.enqueue_dma source(%dma_start3A_59 : memref<128xi32, #tpu.memory_space<hbm>>) target(%dma_start3A_58 : memref<128xi32, #tpu.memory_space<vmem>>) target_semaphore(%run_scoped3A : memref<!tpu.dma_semaphore, #tpu.memory_space<semaphore_mem>>)
          %dma_wait3A_60 = arith.constant 0 : i32
          %dma_wait3A_61 = tpu.memref_slice %arg10[%dma_wait3A_60] : memref<144xi32, #tpu.memory_space<vmem>> -> memref<128xi32, #tpu.memory_space<vmem>>
          %dma_wait3A_62 = tpu.memref_slice %arg4[%mul3A_39] : memref<320128xi32, #tpu.memory_space<hbm>> -> memref<128xi32, #tpu.memory_space<hbm>>
          %dma_wait3A_63 = arith.constant 0 : i32
          %dma_wait3A_64 = tpu.memref_slice %arg10[%dma_wait3A_63] : memref<144xi32, #tpu.memory_space<vmem>> -> memref<128xi32, #tpu.memory_space<vmem>>
          %dma_wait3A_65 = tpu.memref_slice %arg4[%mul3A_39] : memref<320128xi32, #tpu.memory_space<hbm>> -> memref<128xi32, #tpu.memory_space<hbm>>
          tpu.wait_dma2 semaphore(%run_scoped3A : memref<!tpu.dma_semaphore, #tpu.memory_space<semaphore_mem>>) src(%dma_wait3A_65 : memref<128xi32, #tpu.memory_space<hbm>>) dst(%dma_wait3A_64 : memref<128xi32, #tpu.memory_space<vmem>>)
          tpu.yield
        }) : () -> ()
        %dma_start3A = arith.constant 0 : i32
        %dma_start3A_41 = arith.constant 0 : i32
        %dma_start3A_42 = tpu.memref_slice %arg2[%dma_start3A, %dma_start3A_41] : memref<320000x128xf32, #tpu.memory_space<hbm>> -> memref<320000x128xf32, #tpu.memory_space<hbm>>
        tpu.enqueue_indirect_dma source(%dma_start3A_42 : memref<320000x128xf32, #tpu.memory_space<hbm>>) target(%arg8 : memref<128x128xf32, #tpu.memory_space<vmem>>) offsets(%arg9 : memref<128xi32, #tpu.memory_space<vmem>>) semaphore(%arg12 : memref<!tpu.dma_semaphore, #tpu.memory_space<semaphore_mem>>)
        %dma_wait3A = arith.constant 0 : i32
        %dma_wait3A_43 = arith.constant 0 : i32
        %dma_wait3A_44 = tpu.memref_slice %arg2[%dma_wait3A, %dma_wait3A_43] : memref<320000x128xf32, #tpu.memory_space<hbm>> -> memref<320000x128xf32, #tpu.memory_space<hbm>>
        tpu.wait_indirect_dma semaphore(%arg12 : memref<!tpu.dma_semaphore, #tpu.memory_space<semaphore_mem>>) src(%dma_wait3A_44 : memref<320000x128xf32, #tpu.memory_space<hbm>>) dst(%arg8 : memref<128x128xf32, #tpu.memory_space<vmem>>)
        %sub3A_45 = arith.subi %squeeze3A_6, %scan3A_19 : i32
        %min3A = arith.constant 120 : i32
        %min3A_46 = arith.minsi %min3A, %sub3A_45 : i32
        %scan3A_47 = arith.constant 0 : i32
        %scan3A_48 = arith.constant 0 : i32
        %scan3A_49 = arith.constant 120 : i32
        %scan3A_50 = arith.addi %scan3A_48, %scan3A_49 : i32
        %scan3A_51 = arith.constant 1 : i32
        scf.for %scan3A_54 = %scan3A_48 to %scan3A_50 step %scan3A_51  : i32 {
          %add3A_55 = arith.addi %sub3A_40, %scan3A_54 : i32
          %get3A_56 = arith.index_cast %add3A_55 : i32 to index
          %get3A_57 = tpu.vector_load %arg10[%get3A_56] {strides = array<i32>} : memref<144xi32, #tpu.memory_space<vmem>>, vector<16xi32>,
          %get3A_58 = vector.shape_cast %get3A_57 : vector<16xi32> to vector<16xi32>
          %slice3A_59 = vector.extract_strided_slice %get3A_58 {offsets = [0], sizes = [1], strides = [1]} : vector<16xi32> to vector<1xi32>
          %squeeze3A_60 = vector.extract %slice3A_59[0] : i32 from vector<1xi32>
          %sub3A_61 = arith.subi %squeeze3A_60, %mul3A_2 : i32
          %max3A = arith.constant 0 : i32
          %max3A_62 = arith.maxsi %sub3A_61, %max3A : i32
          %min3A_63 = arith.constant 319 : i32
          %min3A_64 = arith.minsi %max3A_62, %min3A_63 : i32
          %lt3A_65 = arith.cmpi slt, %scan3A_54, %min3A_46 : i32
          %mul3A_66 = arith.constant 128 : i32
          %mul3A_67 = arith.muli %min3A_64, %mul3A_66 : i32
          %get3A_68 = arith.index_cast %add3A_55 : i32 to index
          %get3A_69 = arith.constant 0 : index
          %get3A_70 = tpu.vector_load %arg8[%get3A_68, %get3A_69] {strides = array<i32>} : memref<128x128xf32, #tpu.memory_space<vmem>>, vector<1x16xf32>,
          %get3A_71 = vector.shape_cast %get3A_70 : vector<1x16xf32> to vector<16xf32>
          %broadcast_in_dim3A = arith.constant 0.000000e+00 : f32
          %broadcast_in_dim3A_72 = vector.broadcast %broadcast_in_dim3A : f32 to vector<16xf32>
          %select_n3A_73 = arith.select %lt3A_65, %get3A_71, %broadcast_in_dim3A_72 : vector<16xf32>
          %add3A_74 = arith.constant 0 : i32
          %add3A_75 = arith.addi %mul3A_67, %add3A_74 : i32
          %swap3A = arith.index_cast %add3A_75 : i32 to index
          %swap3A_76 = tpu.vector_load %arg7[%swap3A] {strides = array<i32>} : memref<40960xf32, #tpu.memory_space<vmem>>, vector<16xf32>,
          %swap3A_77 = vector.shape_cast %swap3A_76 : vector<16xf32> to vector<16xf32>
          %swap3A_78 = vector.shape_cast %select_n3A_73 : vector<16xf32> to vector<16xf32>
          tpu.vector_store %arg7[%swap3A], %swap3A_78 {add = true, strides = array<i32>} : memref<40960xf32, #tpu.memory_space<vmem>>, vector<16xf32>,
          %get3A_79 = arith.index_cast %add3A_55 : i32 to index
          %get3A_80 = arith.constant 16 : index
          %get3A_81 = tpu.vector_load %arg8[%get3A_79, %get3A_80] {strides = array<i32>} : memref<128x128xf32, #tpu.memory_space<vmem>>, vector<1x16xf32>,
          %get3A_82 = vector.shape_cast %get3A_81 : vector<1x16xf32> to vector<16xf32>
          %broadcast_in_dim3A_83 = arith.constant 0.000000e+00 : f32
          %broadcast_in_dim3A_84 = vector.broadcast %broadcast_in_dim3A_83 : f32 to vector<16xf32>
          %select_n3A_85 = arith.select %lt3A_65, %get3A_82, %broadcast_in_dim3A_84 : vector<16xf32>
          %add3A_86 = arith.constant 16 : i32
          %add3A_87 = arith.addi %mul3A_67, %add3A_86 : i32
          %swap3A_88 = arith.index_cast %add3A_87 : i32 to index
          %swap3A_89 = tpu.vector_load %arg7[%swap3A_88] {strides = array<i32>} : memref<40960xf32, #tpu.memory_space<vmem>>, vector<16xf32>,
          %swap3A_90 = vector.shape_cast %swap3A_89 : vector<16xf32> to vector<16xf32>
          %swap3A_91 = vector.shape_cast %select_n3A_85 : vector<16xf32> to vector<16xf32>
          tpu.vector_store %arg7[%swap3A_88], %swap3A_91 {add = true, strides = array<i32>} : memref<40960xf32, #tpu.memory_space<vmem>>, vector<16xf32>,
          %get3A_92 = arith.index_cast %add3A_55 : i32 to index
          %get3A_93 = arith.constant 32 : index
          %get3A_94 = tpu.vector_load %arg8[%get3A_92, %get3A_93] {strides = array<i32>} : memref<128x128xf32, #tpu.memory_space<vmem>>, vector<1x16xf32>,
          %get3A_95 = vector.shape_cast %get3A_94 : vector<1x16xf32> to vector<16xf32>
          %broadcast_in_dim3A_96 = arith.constant 0.000000e+00 : f32
          %broadcast_in_dim3A_97 = vector.broadcast %broadcast_in_dim3A_96 : f32 to vector<16xf32>
          %select_n3A_98 = arith.select %lt3A_65, %get3A_95, %broadcast_in_dim3A_97 : vector<16xf32>
          %add3A_99 = arith.constant 32 : i32
          %add3A_100 = arith.addi %mul3A_67, %add3A_99 : i32
          %swap3A_101 = arith.index_cast %add3A_100 : i32 to index
          %swap3A_102 = tpu.vector_load %arg7[%swap3A_101] {strides = array<i32>} : memref<40960xf32, #tpu.memory_space<vmem>>, vector<16xf32>,
          %swap3A_103 = vector.shape_cast %swap3A_102 : vector<16xf32> to vector<16xf32>
          %swap3A_104 = vector.shape_cast %select_n3A_98 : vector<16xf32> to vector<16xf32>
          tpu.vector_store %arg7[%swap3A_101], %swap3A_104 {add = true, strides = array<i32>} : memref<40960xf32, #tpu.memory_space<vmem>>, vector<16xf32>,
          %get3A_105 = arith.index_cast %add3A_55 : i32 to index
          %get3A_106 = arith.constant 48 : index
          %get3A_107 = tpu.vector_load %arg8[%get3A_105, %get3A_106] {strides = array<i32>} : memref<128x128xf32, #tpu.memory_space<vmem>>, vector<1x16xf32>,
          %get3A_108 = vector.shape_cast %get3A_107 : vector<1x16xf32> to vector<16xf32>
          %broadcast_in_dim3A_109 = arith.constant 0.000000e+00 : f32
          %broadcast_in_dim3A_110 = vector.broadcast %broadcast_in_dim3A_109 : f32 to vector<16xf32>
          %select_n3A_111 = arith.select %lt3A_65, %get3A_108, %broadcast_in_dim3A_110 : vector<16xf32>
          %add3A_112 = arith.constant 48 : i32
          %add3A_113 = arith.addi %mul3A_67, %add3A_112 : i32
          %swap3A_114 = arith.index_cast %add3A_113 : i32 to index
          %swap3A_115 = tpu.vector_load %arg7[%swap3A_114] {strides = array<i32>} : memref<40960xf32, #tpu.memory_space<vmem>>, vector<16xf32>,
          %swap3A_116 = vector.shape_cast %swap3A_115 : vector<16xf32> to vector<16xf32>
          %swap3A_117 = vector.shape_cast %select_n3A_111 : vector<16xf32> to vector<16xf32>
          tpu.vector_store %arg7[%swap3A_114], %swap3A_117 {add = true, strides = array<i32>} : memref<40960xf32, #tpu.memory_space<vmem>>, vector<16xf32>,
          %get3A_118 = arith.index_cast %add3A_55 : i32 to index
          %get3A_119 = arith.constant 64 : index
          %get3A_120 = tpu.vector_load %arg8[%get3A_118, %get3A_119] {strides = array<i32>} : memref<128x128xf32, #tpu.memory_space<vmem>>, vector<1x16xf32>,
          %get3A_121 = vector.shape_cast %get3A_120 : vector<1x16xf32> to vector<16xf32>
          %broadcast_in_dim3A_122 = arith.constant 0.000000e+00 : f32
          %broadcast_in_dim3A_123 = vector.broadcast %broadcast_in_dim3A_122 : f32 to vector<16xf32>
          %select_n3A_124 = arith.select %lt3A_65, %get3A_121, %broadcast_in_dim3A_123 : vector<16xf32>
          %add3A_125 = arith.constant 64 : i32
          %add3A_126 = arith.addi %mul3A_67, %add3A_125 : i32
          %swap3A_127 = arith.index_cast %add3A_126 : i32 to index
          %swap3A_128 = tpu.vector_load %arg7[%swap3A_127] {strides = array<i32>} : memref<40960xf32, #tpu.memory_space<vmem>>, vector<16xf32>,
          %swap3A_129 = vector.shape_cast %swap3A_128 : vector<16xf32> to vector<16xf32>
          %swap3A_130 = vector.shape_cast %select_n3A_124 : vector<16xf32> to vector<16xf32>
          tpu.vector_store %arg7[%swap3A_127], %swap3A_130 {add = true, strides = array<i32>} : memref<40960xf32, #tpu.memory_space<vmem>>, vector<16xf32>,
          %get3A_131 = arith.index_cast %add3A_55 : i32 to index
          %get3A_132 = arith.constant 80 : index
          %get3A_133 = tpu.vector_load %arg8[%get3A_131, %get3A_132] {strides = array<i32>} : memref<128x128xf32, #tpu.memory_space<vmem>>, vector<1x16xf32>,
          %get3A_134 = vector.shape_cast %get3A_133 : vector<1x16xf32> to vector<16xf32>
          %broadcast_in_dim3A_135 = arith.constant 0.000000e+00 : f32
          %broadcast_in_dim3A_136 = vector.broadcast %broadcast_in_dim3A_135 : f32 to vector<16xf32>
          %select_n3A_137 = arith.select %lt3A_65, %get3A_134, %broadcast_in_dim3A_136 : vector<16xf32>
          %add3A_138 = arith.constant 80 : i32
          %add3A_139 = arith.addi %mul3A_67, %add3A_138 : i32
          %swap3A_140 = arith.index_cast %add3A_139 : i32 to index
          %swap3A_141 = tpu.vector_load %arg7[%swap3A_140] {strides = array<i32>} : memref<40960xf32, #tpu.memory_space<vmem>>, vector<16xf32>,
          %swap3A_142 = vector.shape_cast %swap3A_141 : vector<16xf32> to vector<16xf32>
          %swap3A_143 = vector.shape_cast %select_n3A_137 : vector<16xf32> to vector<16xf32>
          tpu.vector_store %arg7[%swap3A_140], %swap3A_143 {add = true, strides = array<i32>} : memref<40960xf32, #tpu.memory_space<vmem>>, vector<16xf32>,
          %get3A_144 = arith.index_cast %add3A_55 : i32 to index
          %get3A_145 = arith.constant 96 : index
          %get3A_146 = tpu.vector_load %arg8[%get3A_144, %get3A_145] {strides = array<i32>} : memref<128x128xf32, #tpu.memory_space<vmem>>, vector<1x16xf32>,
          %get3A_147 = vector.shape_cast %get3A_146 : vector<1x16xf32> to vector<16xf32>
          %broadcast_in_dim3A_148 = arith.constant 0.000000e+00 : f32
          %broadcast_in_dim3A_149 = vector.broadcast %broadcast_in_dim3A_148 : f32 to vector<16xf32>
          %select_n3A_150 = arith.select %lt3A_65, %get3A_147, %broadcast_in_dim3A_149 : vector<16xf32>
          %add3A_151 = arith.constant 96 : i32
          %add3A_152 = arith.addi %mul3A_67, %add3A_151 : i32
          %swap3A_153 = arith.index_cast %add3A_152 : i32 to index
          %swap3A_154 = tpu.vector_load %arg7[%swap3A_153] {strides = array<i32>} : memref<40960xf32, #tpu.memory_space<vmem>>, vector<16xf32>,
          %swap3A_155 = vector.shape_cast %swap3A_154 : vector<16xf32> to vector<16xf32>
          %swap3A_156 = vector.shape_cast %select_n3A_150 : vector<16xf32> to vector<16xf32>
          tpu.vector_store %arg7[%swap3A_153], %swap3A_156 {add = true, strides = array<i32>} : memref<40960xf32, #tpu.memory_space<vmem>>, vector<16xf32>,
          %get3A_157 = arith.index_cast %add3A_55 : i32 to index
          %get3A_158 = arith.constant 112 : index
          %get3A_159 = tpu.vector_load %arg8[%get3A_157, %get3A_158] {strides = array<i32>} : memref<128x128xf32, #tpu.memory_space<vmem>>, vector<1x16xf32>,
          %get3A_160 = vector.shape_cast %get3A_159 : vector<1x16xf32> to vector<16xf32>
          %broadcast_in_dim3A_161 = arith.constant 0.000000e+00 : f32
          %broadcast_in_dim3A_162 = vector.broadcast %broadcast_in_dim3A_161 : f32 to vector<16xf32>
          %select_n3A_163 = arith.select %lt3A_65, %get3A_160, %broadcast_in_dim3A_162 : vector<16xf32>
          %add3A_164 = arith.constant 112 : i32
          %add3A_165 = arith.addi %mul3A_67, %add3A_164 : i32
          %swap3A_166 = arith.index_cast %add3A_165 : i32 to index
          %swap3A_167 = tpu.vector_load %arg7[%swap3A_166] {strides = array<i32>} : memref<40960xf32, #tpu.memory_space<vmem>>, vector<16xf32>,
          %swap3A_168 = vector.shape_cast %swap3A_167 : vector<16xf32> to vector<16xf32>
          %swap3A_169 = vector.shape_cast %select_n3A_163 : vector<16xf32> to vector<16xf32>
          tpu.vector_store %arg7[%swap3A_166], %swap3A_169 {add = true, strides = array<i32>} : memref<40960xf32, #tpu.memory_space<vmem>>, vector<16xf32>,
        }
        %scan3A_52 = arith.constant 120 : i32
        %add3A_53 = arith.addi %scan3A_19, %min3A_46 : i32
        scf.yield %add3A_53 : i32
      } else {
        scf.yield %scan3A_19 : i32
      }
      scf.yield %cond3A_21 : i32
    }
    %scan3A_17 = arith.constant 2668 : i32
    "tpu.region"() ({
      %run_scoped3A = tpu.sem_alloc : memref<!tpu.dma_semaphore, #tpu.memory_space<semaphore_mem>>
      %dma_start3A = arith.constant 0 : i32
      %dma_start3A_18 = tpu.memref_slice %arg6[%add3A, %dma_start3A] : memref<32x40960xf32, #tpu.memory_space<hbm>> -> memref<1x40960xf32, #tpu.memory_space<hbm>>
      %dma_start3A_19 = tpu.memref_squeeze %dma_start3A_18 : memref<1x40960xf32, #tpu.memory_space<hbm>> -> memref<40960xf32, #tpu.memory_space<hbm>>
      %dma_start3A_20 = arith.constant 0 : i32
      %dma_start3A_21 = tpu.memref_slice %arg6[%add3A, %dma_start3A_20] : memref<32x40960xf32, #tpu.memory_space<hbm>> -> memref<1x40960xf32, #tpu.memory_space<hbm>>
      %dma_start3A_22 = tpu.memref_squeeze %dma_start3A_21 : memref<1x40960xf32, #tpu.memory_space<hbm>> -> memref<40960xf32, #tpu.memory_space<hbm>>
      tpu.enqueue_dma source(%arg7 : memref<40960xf32, #tpu.memory_space<vmem>>) target(%dma_start3A_22 : memref<40960xf32, #tpu.memory_space<hbm>>) target_semaphore(%run_scoped3A : memref<!tpu.dma_semaphore, #tpu.memory_space<semaphore_mem>>)
      %dma_wait3A = arith.constant 0 : i32
      %dma_wait3A_23 = tpu.memref_slice %arg6[%add3A, %dma_wait3A] : memref<32x40960xf32, #tpu.memory_space<hbm>> -> memref<1x40960xf32, #tpu.memory_space<hbm>>
      %dma_wait3A_24 = tpu.memref_squeeze %dma_wait3A_23 : memref<1x40960xf32, #tpu.memory_space<hbm>> -> memref<40960xf32, #tpu.memory_space<hbm>>
      %dma_wait3A_25 = arith.constant 0 : i32
      %dma_wait3A_26 = tpu.memref_slice %arg6[%add3A, %dma_wait3A_25] : memref<32x40960xf32, #tpu.memory_space<hbm>> -> memref<1x40960xf32, #tpu.memory_space<hbm>>
      %dma_wait3A_27 = tpu.memref_squeeze %dma_wait3A_26 : memref<1x40960xf32, #tpu.memory_space<hbm>> -> memref<40960xf32, #tpu.memory_space<hbm>>
      tpu.wait_dma2 semaphore(%run_scoped3A : memref<!tpu.dma_semaphore, #tpu.memory_space<semaphore_mem>>) src(%arg7 : memref<40960xf32, #tpu.memory_space<vmem>>) dst(%dma_wait3A_27 : memref<40960xf32, #tpu.memory_space<hbm>>)
      tpu.yield
    }) : () -> ()
    return
  }
}

#map = affine_map<(d0, d1) -> (0, 0)>
#map1 = affine_map<(d0, d1) -> (0, 0, 0)>
module attributes {stable_mosaic.version = 14 : i64} {
  func.func @body(%arg0: i32, %arg1: i32, %arg2: memref<10000x128xf32, #tpu.memory_space<hbm>>, %arg3: memref<32x250x40xi32, #tpu.memory_space<hbm>>, %arg4: memref<32x250x40xi32, #tpu.memory_space<hbm>>, %arg5: memref<320000x128xf32, #tpu.memory_space<hbm>>, %arg6: memref<320000x128xf32, #tpu.memory_space<hbm>>, %arg7: memref<250x40xi32, #tpu.memory_space<vmem>>, %arg8: memref<250x40xi32, #tpu.memory_space<vmem>>, %arg9: memref<40x128xf32, #tpu.memory_space<vmem>>, %arg10: memref<40x128xf32, #tpu.memory_space<vmem>>, %arg11: memref<40x128xf32, #tpu.memory_space<vmem>>, %arg12: memref<40x128xf32, #tpu.memory_space<vmem>>, %arg13: memref<40x128xf32, #tpu.memory_space<vmem>>, %arg14: memref<40x128xf32, #tpu.memory_space<vmem>>, %arg15: memref<40x128xf32, #tpu.memory_space<vmem>>, %arg16: memref<40x128xf32, #tpu.memory_space<vmem>>, %arg17: memref<40x128xf32, #tpu.memory_space<vmem>>, %arg18: memref<40x128xf32, #tpu.memory_space<vmem>>, %arg19: memref<!tpu.dma_semaphore, #tpu.memory_space<semaphore_mem>>, %arg20: memref<!tpu.dma_semaphore, #tpu.memory_space<semaphore_mem>>, %arg21: memref<!tpu.dma_semaphore, #tpu.memory_space<semaphore_mem>>, %arg22: memref<!tpu.dma_semaphore, #tpu.memory_space<semaphore_mem>>, %arg23: memref<!tpu.dma_semaphore, #tpu.memory_space<semaphore_mem>>, %arg24: memref<!tpu.dma_semaphore, #tpu.memory_space<semaphore_mem>>, %arg25: memref<!tpu.dma_semaphore, #tpu.memory_space<semaphore_mem>>, %arg26: memref<!tpu.dma_semaphore, #tpu.memory_space<semaphore_mem>>, %arg27: memref<!tpu.dma_semaphore, #tpu.memory_space<semaphore_mem>>, %arg28: memref<!tpu.dma_semaphore, #tpu.memory_space<semaphore_mem>>) attributes {dimension_semantics = [#tpu.dimension_semantics<core_parallel>, #tpu.dimension_semantics<subcore_parallel>], iteration_bounds = array<i64: 2, 16>, scalar_prefetch = 0 : i64, scratch_operands = 22 : i64, tpu.core_type = #tpu.core_type<sc_vector_subcore>, window_params = [{transform_indices = #map}, {transform_indices = #map1}, {transform_indices = #map1}, {transform_indices = #map}, {transform_indices = #map}]} {
    %mul3A = arith.constant 2 : i32
    %mul3A_0 = arith.muli %arg1, %mul3A : i32
    %add3A = arith.addi %mul3A_0, %arg0 : i32
    "tpu.region"() ({
      %run_scoped3A = tpu.sem_alloc : memref<!tpu.dma_semaphore, #tpu.memory_space<semaphore_mem>>
      %dma_start3A = arith.constant 0 : i32
      %dma_start3A_8 = arith.constant 0 : i32
      %dma_start3A_9 = tpu.memref_slice %arg3[%add3A, %dma_start3A, %dma_start3A_8] : memref<32x250x40xi32, #tpu.memory_space<hbm>> -> memref<1x250x40xi32, #tpu.memory_space<hbm>>
      %dma_start3A_10 = tpu.memref_squeeze %dma_start3A_9 : memref<1x250x40xi32, #tpu.memory_space<hbm>> -> memref<250x40xi32, #tpu.memory_space<hbm>>
      %dma_start3A_11 = arith.constant 0 : i32
      %dma_start3A_12 = arith.constant 0 : i32
      %dma_start3A_13 = tpu.memref_slice %arg3[%add3A, %dma_start3A_11, %dma_start3A_12] : memref<32x250x40xi32, #tpu.memory_space<hbm>> -> memref<1x250x40xi32, #tpu.memory_space<hbm>>
      %dma_start3A_14 = tpu.memref_squeeze %dma_start3A_13 : memref<1x250x40xi32, #tpu.memory_space<hbm>> -> memref<250x40xi32, #tpu.memory_space<hbm>>
      tpu.enqueue_dma source(%dma_start3A_14 : memref<250x40xi32, #tpu.memory_space<hbm>>) target(%arg7 : memref<250x40xi32, #tpu.memory_space<vmem>>) target_semaphore(%run_scoped3A : memref<!tpu.dma_semaphore, #tpu.memory_space<semaphore_mem>>)
      %dma_wait3A = arith.constant 0 : i32
      %dma_wait3A_15 = arith.constant 0 : i32
      %dma_wait3A_16 = tpu.memref_slice %arg3[%add3A, %dma_wait3A, %dma_wait3A_15] : memref<32x250x40xi32, #tpu.memory_space<hbm>> -> memref<1x250x40xi32, #tpu.memory_space<hbm>>
      %dma_wait3A_17 = tpu.memref_squeeze %dma_wait3A_16 : memref<1x250x40xi32, #tpu.memory_space<hbm>> -> memref<250x40xi32, #tpu.memory_space<hbm>>
      %dma_wait3A_18 = arith.constant 0 : i32
      %dma_wait3A_19 = arith.constant 0 : i32
      %dma_wait3A_20 = tpu.memref_slice %arg3[%add3A, %dma_wait3A_18, %dma_wait3A_19] : memref<32x250x40xi32, #tpu.memory_space<hbm>> -> memref<1x250x40xi32, #tpu.memory_space<hbm>>
      %dma_wait3A_21 = tpu.memref_squeeze %dma_wait3A_20 : memref<1x250x40xi32, #tpu.memory_space<hbm>> -> memref<250x40xi32, #tpu.memory_space<hbm>>
      tpu.wait_dma2 semaphore(%run_scoped3A : memref<!tpu.dma_semaphore, #tpu.memory_space<semaphore_mem>>) src(%dma_wait3A_21 : memref<250x40xi32, #tpu.memory_space<hbm>>) dst(%arg7 : memref<250x40xi32, #tpu.memory_space<vmem>>)
      tpu.yield
    }) : () -> ()
    "tpu.region"() ({
      %run_scoped3A = tpu.sem_alloc : memref<!tpu.dma_semaphore, #tpu.memory_space<semaphore_mem>>
      %dma_start3A = arith.constant 0 : i32
      %dma_start3A_8 = arith.constant 0 : i32
      %dma_start3A_9 = tpu.memref_slice %arg4[%add3A, %dma_start3A, %dma_start3A_8] : memref<32x250x40xi32, #tpu.memory_space<hbm>> -> memref<1x250x40xi32, #tpu.memory_space<hbm>>
      %dma_start3A_10 = tpu.memref_squeeze %dma_start3A_9 : memref<1x250x40xi32, #tpu.memory_space<hbm>> -> memref<250x40xi32, #tpu.memory_space<hbm>>
      %dma_start3A_11 = arith.constant 0 : i32
      %dma_start3A_12 = arith.constant 0 : i32
      %dma_start3A_13 = tpu.memref_slice %arg4[%add3A, %dma_start3A_11, %dma_start3A_12] : memref<32x250x40xi32, #tpu.memory_space<hbm>> -> memref<1x250x40xi32, #tpu.memory_space<hbm>>
      %dma_start3A_14 = tpu.memref_squeeze %dma_start3A_13 : memref<1x250x40xi32, #tpu.memory_space<hbm>> -> memref<250x40xi32, #tpu.memory_space<hbm>>
      tpu.enqueue_dma source(%dma_start3A_14 : memref<250x40xi32, #tpu.memory_space<hbm>>) target(%arg8 : memref<250x40xi32, #tpu.memory_space<vmem>>) target_semaphore(%run_scoped3A : memref<!tpu.dma_semaphore, #tpu.memory_space<semaphore_mem>>)
      %dma_wait3A = arith.constant 0 : i32
      %dma_wait3A_15 = arith.constant 0 : i32
      %dma_wait3A_16 = tpu.memref_slice %arg4[%add3A, %dma_wait3A, %dma_wait3A_15] : memref<32x250x40xi32, #tpu.memory_space<hbm>> -> memref<1x250x40xi32, #tpu.memory_space<hbm>>
      %dma_wait3A_17 = tpu.memref_squeeze %dma_wait3A_16 : memref<1x250x40xi32, #tpu.memory_space<hbm>> -> memref<250x40xi32, #tpu.memory_space<hbm>>
      %dma_wait3A_18 = arith.constant 0 : i32
      %dma_wait3A_19 = arith.constant 0 : i32
      %dma_wait3A_20 = tpu.memref_slice %arg4[%add3A, %dma_wait3A_18, %dma_wait3A_19] : memref<32x250x40xi32, #tpu.memory_space<hbm>> -> memref<1x250x40xi32, #tpu.memory_space<hbm>>
      %dma_wait3A_21 = tpu.memref_squeeze %dma_wait3A_20 : memref<1x250x40xi32, #tpu.memory_space<hbm>> -> memref<250x40xi32, #tpu.memory_space<hbm>>
      tpu.wait_dma2 semaphore(%run_scoped3A : memref<!tpu.dma_semaphore, #tpu.memory_space<semaphore_mem>>) src(%dma_wait3A_21 : memref<250x40xi32, #tpu.memory_space<hbm>>) dst(%arg8 : memref<250x40xi32, #tpu.memory_space<vmem>>)
      tpu.yield
    }) : () -> ()
    %mul3A_1 = arith.constant 10000 : i32
    %mul3A_2 = arith.muli %add3A, %mul3A_1 : i32
    %scan3A = arith.constant 0 : i32
    %scan3A_3 = arith.constant 0 : i32
    %scan3A_4 = arith.constant 50 : i32
    %scan3A_5 = arith.addi %scan3A_3, %scan3A_4 : i32
    %scan3A_6 = arith.constant 1 : i32
    scf.for %scan3A_8 = %scan3A_3 to %scan3A_5 step %scan3A_6  : i32 {
      %mul3A_9 = arith.constant 5 : i32
      %mul3A_10 = arith.muli %scan3A_8, %mul3A_9 : i32
      %add3A_11 = arith.constant 0 : i32
      %add3A_12 = arith.addi %mul3A_10, %add3A_11 : i32
      %dma_start3A = arith.constant 0 : i32
      %dma_start3A_13 = tpu.memref_slice %arg7[%add3A_12, %dma_start3A] : memref<250x40xi32, #tpu.memory_space<vmem>> -> memref<1x40xi32, #tpu.memory_space<vmem>>
      %dma_start3A_14 = tpu.memref_squeeze %dma_start3A_13 : memref<1x40xi32, #tpu.memory_space<vmem>> -> memref<40xi32, #tpu.memory_space<vmem>>
      %dma_start3A_15 = arith.constant 0 : i32
      %dma_start3A_16 = arith.constant 0 : i32
      %dma_start3A_17 = tpu.memref_slice %arg2[%dma_start3A_15, %dma_start3A_16] : memref<10000x128xf32, #tpu.memory_space<hbm>> -> memref<10000x128xf32, #tpu.memory_space<hbm>>
      tpu.enqueue_indirect_dma source(%dma_start3A_17 : memref<10000x128xf32, #tpu.memory_space<hbm>>) target(%arg9 : memref<40x128xf32, #tpu.memory_space<vmem>>) offsets(%dma_start3A_14 : memref<40xi32, #tpu.memory_space<vmem>>) semaphore(%arg19 : memref<!tpu.dma_semaphore, #tpu.memory_space<semaphore_mem>>)
      %add3A_18 = arith.constant 0 : i32
      %add3A_19 = arith.addi %mul3A_10, %add3A_18 : i32
      %dma_start3A_20 = arith.constant 0 : i32
      %dma_start3A_21 = tpu.memref_slice %arg8[%add3A_19, %dma_start3A_20] : memref<250x40xi32, #tpu.memory_space<vmem>> -> memref<1x40xi32, #tpu.memory_space<vmem>>
      %dma_start3A_22 = tpu.memref_squeeze %dma_start3A_21 : memref<1x40xi32, #tpu.memory_space<vmem>> -> memref<40xi32, #tpu.memory_space<vmem>>
      %dma_start3A_23 = arith.constant 0 : i32
      %dma_start3A_24 = arith.constant 0 : i32
      %dma_start3A_25 = tpu.memref_slice %arg2[%dma_start3A_23, %dma_start3A_24] : memref<10000x128xf32, #tpu.memory_space<hbm>> -> memref<10000x128xf32, #tpu.memory_space<hbm>>
      tpu.enqueue_indirect_dma source(%dma_start3A_25 : memref<10000x128xf32, #tpu.memory_space<hbm>>) target(%arg14 : memref<40x128xf32, #tpu.memory_space<vmem>>) offsets(%dma_start3A_22 : memref<40xi32, #tpu.memory_space<vmem>>) semaphore(%arg24 : memref<!tpu.dma_semaphore, #tpu.memory_space<semaphore_mem>>)
      %add3A_26 = arith.constant 1 : i32
      %add3A_27 = arith.addi %mul3A_10, %add3A_26 : i32
      %dma_start3A_28 = arith.constant 0 : i32
      %dma_start3A_29 = tpu.memref_slice %arg7[%add3A_27, %dma_start3A_28] : memref<250x40xi32, #tpu.memory_space<vmem>> -> memref<1x40xi32, #tpu.memory_space<vmem>>
      %dma_start3A_30 = tpu.memref_squeeze %dma_start3A_29 : memref<1x40xi32, #tpu.memory_space<vmem>> -> memref<40xi32, #tpu.memory_space<vmem>>
      %dma_start3A_31 = arith.constant 0 : i32
      %dma_start3A_32 = arith.constant 0 : i32
      %dma_start3A_33 = tpu.memref_slice %arg2[%dma_start3A_31, %dma_start3A_32] : memref<10000x128xf32, #tpu.memory_space<hbm>> -> memref<10000x128xf32, #tpu.memory_space<hbm>>
      tpu.enqueue_indirect_dma source(%dma_start3A_33 : memref<10000x128xf32, #tpu.memory_space<hbm>>) target(%arg10 : memref<40x128xf32, #tpu.memory_space<vmem>>) offsets(%dma_start3A_30 : memref<40xi32, #tpu.memory_space<vmem>>) semaphore(%arg20 : memref<!tpu.dma_semaphore, #tpu.memory_space<semaphore_mem>>)
      %add3A_34 = arith.constant 1 : i32
      %add3A_35 = arith.addi %mul3A_10, %add3A_34 : i32
      %dma_start3A_36 = arith.constant 0 : i32
      %dma_start3A_37 = tpu.memref_slice %arg8[%add3A_35, %dma_start3A_36] : memref<250x40xi32, #tpu.memory_space<vmem>> -> memref<1x40xi32, #tpu.memory_space<vmem>>
      %dma_start3A_38 = tpu.memref_squeeze %dma_start3A_37 : memref<1x40xi32, #tpu.memory_space<vmem>> -> memref<40xi32, #tpu.memory_space<vmem>>
      %dma_start3A_39 = arith.constant 0 : i32
      %dma_start3A_40 = arith.constant 0 : i32
      %dma_start3A_41 = tpu.memref_slice %arg2[%dma_start3A_39, %dma_start3A_40] : memref<10000x128xf32, #tpu.memory_space<hbm>> -> memref<10000x128xf32, #tpu.memory_space<hbm>>
      tpu.enqueue_indirect_dma source(%dma_start3A_41 : memref<10000x128xf32, #tpu.memory_space<hbm>>) target(%arg15 : memref<40x128xf32, #tpu.memory_space<vmem>>) offsets(%dma_start3A_38 : memref<40xi32, #tpu.memory_space<vmem>>) semaphore(%arg25 : memref<!tpu.dma_semaphore, #tpu.memory_space<semaphore_mem>>)
      %add3A_42 = arith.constant 2 : i32
      %add3A_43 = arith.addi %mul3A_10, %add3A_42 : i32
      %dma_start3A_44 = arith.constant 0 : i32
      %dma_start3A_45 = tpu.memref_slice %arg7[%add3A_43, %dma_start3A_44] : memref<250x40xi32, #tpu.memory_space<vmem>> -> memref<1x40xi32, #tpu.memory_space<vmem>>
      %dma_start3A_46 = tpu.memref_squeeze %dma_start3A_45 : memref<1x40xi32, #tpu.memory_space<vmem>> -> memref<40xi32, #tpu.memory_space<vmem>>
      %dma_start3A_47 = arith.constant 0 : i32
      %dma_start3A_48 = arith.constant 0 : i32
      %dma_start3A_49 = tpu.memref_slice %arg2[%dma_start3A_47, %dma_start3A_48] : memref<10000x128xf32, #tpu.memory_space<hbm>> -> memref<10000x128xf32, #tpu.memory_space<hbm>>
      tpu.enqueue_indirect_dma source(%dma_start3A_49 : memref<10000x128xf32, #tpu.memory_space<hbm>>) target(%arg11 : memref<40x128xf32, #tpu.memory_space<vmem>>) offsets(%dma_start3A_46 : memref<40xi32, #tpu.memory_space<vmem>>) semaphore(%arg21 : memref<!tpu.dma_semaphore, #tpu.memory_space<semaphore_mem>>)
      %add3A_50 = arith.constant 2 : i32
      %add3A_51 = arith.addi %mul3A_10, %add3A_50 : i32
      %dma_start3A_52 = arith.constant 0 : i32
      %dma_start3A_53 = tpu.memref_slice %arg8[%add3A_51, %dma_start3A_52] : memref<250x40xi32, #tpu.memory_space<vmem>> -> memref<1x40xi32, #tpu.memory_space<vmem>>
      %dma_start3A_54 = tpu.memref_squeeze %dma_start3A_53 : memref<1x40xi32, #tpu.memory_space<vmem>> -> memref<40xi32, #tpu.memory_space<vmem>>
      %dma_start3A_55 = arith.constant 0 : i32
      %dma_start3A_56 = arith.constant 0 : i32
      %dma_start3A_57 = tpu.memref_slice %arg2[%dma_start3A_55, %dma_start3A_56] : memref<10000x128xf32, #tpu.memory_space<hbm>> -> memref<10000x128xf32, #tpu.memory_space<hbm>>
      tpu.enqueue_indirect_dma source(%dma_start3A_57 : memref<10000x128xf32, #tpu.memory_space<hbm>>) target(%arg16 : memref<40x128xf32, #tpu.memory_space<vmem>>) offsets(%dma_start3A_54 : memref<40xi32, #tpu.memory_space<vmem>>) semaphore(%arg26 : memref<!tpu.dma_semaphore, #tpu.memory_space<semaphore_mem>>)
      %add3A_58 = arith.constant 3 : i32
      %add3A_59 = arith.addi %mul3A_10, %add3A_58 : i32
      %dma_start3A_60 = arith.constant 0 : i32
      %dma_start3A_61 = tpu.memref_slice %arg7[%add3A_59, %dma_start3A_60] : memref<250x40xi32, #tpu.memory_space<vmem>> -> memref<1x40xi32, #tpu.memory_space<vmem>>
      %dma_start3A_62 = tpu.memref_squeeze %dma_start3A_61 : memref<1x40xi32, #tpu.memory_space<vmem>> -> memref<40xi32, #tpu.memory_space<vmem>>
      %dma_start3A_63 = arith.constant 0 : i32
      %dma_start3A_64 = arith.constant 0 : i32
      %dma_start3A_65 = tpu.memref_slice %arg2[%dma_start3A_63, %dma_start3A_64] : memref<10000x128xf32, #tpu.memory_space<hbm>> -> memref<10000x128xf32, #tpu.memory_space<hbm>>
      tpu.enqueue_indirect_dma source(%dma_start3A_65 : memref<10000x128xf32, #tpu.memory_space<hbm>>) target(%arg12 : memref<40x128xf32, #tpu.memory_space<vmem>>) offsets(%dma_start3A_62 : memref<40xi32, #tpu.memory_space<vmem>>) semaphore(%arg22 : memref<!tpu.dma_semaphore, #tpu.memory_space<semaphore_mem>>)
      %add3A_66 = arith.constant 3 : i32
      %add3A_67 = arith.addi %mul3A_10, %add3A_66 : i32
      %dma_start3A_68 = arith.constant 0 : i32
      %dma_start3A_69 = tpu.memref_slice %arg8[%add3A_67, %dma_start3A_68] : memref<250x40xi32, #tpu.memory_space<vmem>> -> memref<1x40xi32, #tpu.memory_space<vmem>>
      %dma_start3A_70 = tpu.memref_squeeze %dma_start3A_69 : memref<1x40xi32, #tpu.memory_space<vmem>> -> memref<40xi32, #tpu.memory_space<vmem>>
      %dma_start3A_71 = arith.constant 0 : i32
      %dma_start3A_72 = arith.constant 0 : i32
      %dma_start3A_73 = tpu.memref_slice %arg2[%dma_start3A_71, %dma_start3A_72] : memref<10000x128xf32, #tpu.memory_space<hbm>> -> memref<10000x128xf32, #tpu.memory_space<hbm>>
      tpu.enqueue_indirect_dma source(%dma_start3A_73 : memref<10000x128xf32, #tpu.memory_space<hbm>>) target(%arg17 : memref<40x128xf32, #tpu.memory_space<vmem>>) offsets(%dma_start3A_70 : memref<40xi32, #tpu.memory_space<vmem>>) semaphore(%arg27 : memref<!tpu.dma_semaphore, #tpu.memory_space<semaphore_mem>>)
      %add3A_74 = arith.constant 4 : i32
      %add3A_75 = arith.addi %mul3A_10, %add3A_74 : i32
      %dma_start3A_76 = arith.constant 0 : i32
      %dma_start3A_77 = tpu.memref_slice %arg7[%add3A_75, %dma_start3A_76] : memref<250x40xi32, #tpu.memory_space<vmem>> -> memref<1x40xi32, #tpu.memory_space<vmem>>
      %dma_start3A_78 = tpu.memref_squeeze %dma_start3A_77 : memref<1x40xi32, #tpu.memory_space<vmem>> -> memref<40xi32, #tpu.memory_space<vmem>>
      %dma_start3A_79 = arith.constant 0 : i32
      %dma_start3A_80 = arith.constant 0 : i32
      %dma_start3A_81 = tpu.memref_slice %arg2[%dma_start3A_79, %dma_start3A_80] : memref<10000x128xf32, #tpu.memory_space<hbm>> -> memref<10000x128xf32, #tpu.memory_space<hbm>>
      tpu.enqueue_indirect_dma source(%dma_start3A_81 : memref<10000x128xf32, #tpu.memory_space<hbm>>) target(%arg13 : memref<40x128xf32, #tpu.memory_space<vmem>>) offsets(%dma_start3A_78 : memref<40xi32, #tpu.memory_space<vmem>>) semaphore(%arg23 : memref<!tpu.dma_semaphore, #tpu.memory_space<semaphore_mem>>)
      %add3A_82 = arith.constant 4 : i32
      %add3A_83 = arith.addi %mul3A_10, %add3A_82 : i32
      %dma_start3A_84 = arith.constant 0 : i32
      %dma_start3A_85 = tpu.memref_slice %arg8[%add3A_83, %dma_start3A_84] : memref<250x40xi32, #tpu.memory_space<vmem>> -> memref<1x40xi32, #tpu.memory_space<vmem>>
      %dma_start3A_86 = tpu.memref_squeeze %dma_start3A_85 : memref<1x40xi32, #tpu.memory_space<vmem>> -> memref<40xi32, #tpu.memory_space<vmem>>
      %dma_start3A_87 = arith.constant 0 : i32
      %dma_start3A_88 = arith.constant 0 : i32
      %dma_start3A_89 = tpu.memref_slice %arg2[%dma_start3A_87, %dma_start3A_88] : memref<10000x128xf32, #tpu.memory_space<hbm>> -> memref<10000x128xf32, #tpu.memory_space<hbm>>
      tpu.enqueue_indirect_dma source(%dma_start3A_89 : memref<10000x128xf32, #tpu.memory_space<hbm>>) target(%arg18 : memref<40x128xf32, #tpu.memory_space<vmem>>) offsets(%dma_start3A_86 : memref<40xi32, #tpu.memory_space<vmem>>) semaphore(%arg28 : memref<!tpu.dma_semaphore, #tpu.memory_space<semaphore_mem>>)
      %add3A_90 = arith.constant 0 : i32
      %add3A_91 = arith.addi %mul3A_10, %add3A_90 : i32
      %mul3A_92 = arith.constant 40 : i32
      %mul3A_93 = arith.muli %add3A_91, %mul3A_92 : i32
      %add3A_94 = arith.addi %mul3A_2, %mul3A_93 : i32
      %add3A_95 = arith.constant 0 : i32
      %add3A_96 = arith.addi %mul3A_10, %add3A_95 : i32
      %dma_wait3A = arith.constant 0 : i32
      %dma_wait3A_97 = tpu.memref_slice %arg7[%add3A_96, %dma_wait3A] : memref<250x40xi32, #tpu.memory_space<vmem>> -> memref<1x40xi32, #tpu.memory_space<vmem>>
      %dma_wait3A_98 = tpu.memref_squeeze %dma_wait3A_97 : memref<1x40xi32, #tpu.memory_space<vmem>> -> memref<40xi32, #tpu.memory_space<vmem>>
      %dma_wait3A_99 = arith.constant 0 : i32
      %dma_wait3A_100 = arith.constant 0 : i32
      %dma_wait3A_101 = tpu.memref_slice %arg2[%dma_wait3A_99, %dma_wait3A_100] : memref<10000x128xf32, #tpu.memory_space<hbm>> -> memref<10000x128xf32, #tpu.memory_space<hbm>>
      tpu.wait_indirect_dma semaphore(%arg19 : memref<!tpu.dma_semaphore, #tpu.memory_space<semaphore_mem>>) src(%dma_wait3A_101 : memref<10000x128xf32, #tpu.memory_space<hbm>>) dst(%arg9 : memref<40x128xf32, #tpu.memory_space<vmem>>)
      %dma_start3A_102 = arith.constant 0 : i32
      %dma_start3A_103 = tpu.memref_slice %arg5[%add3A_94, %dma_start3A_102] : memref<320000x128xf32, #tpu.memory_space<hbm>> -> memref<40x128xf32, #tpu.memory_space<hbm>>
      %dma_start3A_104 = arith.constant 0 : i32
      %dma_start3A_105 = tpu.memref_slice %arg5[%add3A_94, %dma_start3A_104] : memref<320000x128xf32, #tpu.memory_space<hbm>> -> memref<40x128xf32, #tpu.memory_space<hbm>>
      tpu.enqueue_dma source(%arg9 : memref<40x128xf32, #tpu.memory_space<vmem>>) target(%dma_start3A_105 : memref<40x128xf32, #tpu.memory_space<hbm>>) target_semaphore(%arg19 : memref<!tpu.dma_semaphore, #tpu.memory_space<semaphore_mem>>)
      %add3A_106 = arith.constant 0 : i32
      %add3A_107 = arith.addi %mul3A_10, %add3A_106 : i32
      %dma_wait3A_108 = arith.constant 0 : i32
      %dma_wait3A_109 = tpu.memref_slice %arg8[%add3A_107, %dma_wait3A_108] : memref<250x40xi32, #tpu.memory_space<vmem>> -> memref<1x40xi32, #tpu.memory_space<vmem>>
      %dma_wait3A_110 = tpu.memref_squeeze %dma_wait3A_109 : memref<1x40xi32, #tpu.memory_space<vmem>> -> memref<40xi32, #tpu.memory_space<vmem>>
      %dma_wait3A_111 = arith.constant 0 : i32
      %dma_wait3A_112 = arith.constant 0 : i32
      %dma_wait3A_113 = tpu.memref_slice %arg2[%dma_wait3A_111, %dma_wait3A_112] : memref<10000x128xf32, #tpu.memory_space<hbm>> -> memref<10000x128xf32, #tpu.memory_space<hbm>>
      tpu.wait_indirect_dma semaphore(%arg24 : memref<!tpu.dma_semaphore, #tpu.memory_space<semaphore_mem>>) src(%dma_wait3A_113 : memref<10000x128xf32, #tpu.memory_space<hbm>>) dst(%arg14 : memref<40x128xf32, #tpu.memory_space<vmem>>)
      %dma_start3A_114 = arith.constant 0 : i32
      %dma_start3A_115 = tpu.memref_slice %arg6[%add3A_94, %dma_start3A_114] : memref<320000x128xf32, #tpu.memory_space<hbm>> -> memref<40x128xf32, #tpu.memory_space<hbm>>
      %dma_start3A_116 = arith.constant 0 : i32
      %dma_start3A_117 = tpu.memref_slice %arg6[%add3A_94, %dma_start3A_116] : memref<320000x128xf32, #tpu.memory_space<hbm>> -> memref<40x128xf32, #tpu.memory_space<hbm>>
      tpu.enqueue_dma source(%arg14 : memref<40x128xf32, #tpu.memory_space<vmem>>) target(%dma_start3A_117 : memref<40x128xf32, #tpu.memory_space<hbm>>) target_semaphore(%arg24 : memref<!tpu.dma_semaphore, #tpu.memory_space<semaphore_mem>>)
      %add3A_118 = arith.constant 1 : i32
      %add3A_119 = arith.addi %mul3A_10, %add3A_118 : i32
      %mul3A_120 = arith.constant 40 : i32
      %mul3A_121 = arith.muli %add3A_119, %mul3A_120 : i32
      %add3A_122 = arith.addi %mul3A_2, %mul3A_121 : i32
      %add3A_123 = arith.constant 1 : i32
      %add3A_124 = arith.addi %mul3A_10, %add3A_123 : i32
      %dma_wait3A_125 = arith.constant 0 : i32
      %dma_wait3A_126 = tpu.memref_slice %arg7[%add3A_124, %dma_wait3A_125] : memref<250x40xi32, #tpu.memory_space<vmem>> -> memref<1x40xi32, #tpu.memory_space<vmem>>
      %dma_wait3A_127 = tpu.memref_squeeze %dma_wait3A_126 : memref<1x40xi32, #tpu.memory_space<vmem>> -> memref<40xi32, #tpu.memory_space<vmem>>
      %dma_wait3A_128 = arith.constant 0 : i32
      %dma_wait3A_129 = arith.constant 0 : i32
      %dma_wait3A_130 = tpu.memref_slice %arg2[%dma_wait3A_128, %dma_wait3A_129] : memref<10000x128xf32, #tpu.memory_space<hbm>> -> memref<10000x128xf32, #tpu.memory_space<hbm>>
      tpu.wait_indirect_dma semaphore(%arg20 : memref<!tpu.dma_semaphore, #tpu.memory_space<semaphore_mem>>) src(%dma_wait3A_130 : memref<10000x128xf32, #tpu.memory_space<hbm>>) dst(%arg10 : memref<40x128xf32, #tpu.memory_space<vmem>>)
      %dma_start3A_131 = arith.constant 0 : i32
      %dma_start3A_132 = tpu.memref_slice %arg5[%add3A_122, %dma_start3A_131] : memref<320000x128xf32, #tpu.memory_space<hbm>> -> memref<40x128xf32, #tpu.memory_space<hbm>>
      %dma_start3A_133 = arith.constant 0 : i32
      %dma_start3A_134 = tpu.memref_slice %arg5[%add3A_122, %dma_start3A_133] : memref<320000x128xf32, #tpu.memory_space<hbm>> -> memref<40x128xf32, #tpu.memory_space<hbm>>
      tpu.enqueue_dma source(%arg10 : memref<40x128xf32, #tpu.memory_space<vmem>>) target(%dma_start3A_134 : memref<40x128xf32, #tpu.memory_space<hbm>>) target_semaphore(%arg20 : memref<!tpu.dma_semaphore, #tpu.memory_space<semaphore_mem>>)
      %add3A_135 = arith.constant 1 : i32
      %add3A_136 = arith.addi %mul3A_10, %add3A_135 : i32
      %dma_wait3A_137 = arith.constant 0 : i32
      %dma_wait3A_138 = tpu.memref_slice %arg8[%add3A_136, %dma_wait3A_137] : memref<250x40xi32, #tpu.memory_space<vmem>> -> memref<1x40xi32, #tpu.memory_space<vmem>>
      %dma_wait3A_139 = tpu.memref_squeeze %dma_wait3A_138 : memref<1x40xi32, #tpu.memory_space<vmem>> -> memref<40xi32, #tpu.memory_space<vmem>>
      %dma_wait3A_140 = arith.constant 0 : i32
      %dma_wait3A_141 = arith.constant 0 : i32
      %dma_wait3A_142 = tpu.memref_slice %arg2[%dma_wait3A_140, %dma_wait3A_141] : memref<10000x128xf32, #tpu.memory_space<hbm>> -> memref<10000x128xf32, #tpu.memory_space<hbm>>
      tpu.wait_indirect_dma semaphore(%arg25 : memref<!tpu.dma_semaphore, #tpu.memory_space<semaphore_mem>>) src(%dma_wait3A_142 : memref<10000x128xf32, #tpu.memory_space<hbm>>) dst(%arg15 : memref<40x128xf32, #tpu.memory_space<vmem>>)
      %dma_start3A_143 = arith.constant 0 : i32
      %dma_start3A_144 = tpu.memref_slice %arg6[%add3A_122, %dma_start3A_143] : memref<320000x128xf32, #tpu.memory_space<hbm>> -> memref<40x128xf32, #tpu.memory_space<hbm>>
      %dma_start3A_145 = arith.constant 0 : i32
      %dma_start3A_146 = tpu.memref_slice %arg6[%add3A_122, %dma_start3A_145] : memref<320000x128xf32, #tpu.memory_space<hbm>> -> memref<40x128xf32, #tpu.memory_space<hbm>>
      tpu.enqueue_dma source(%arg15 : memref<40x128xf32, #tpu.memory_space<vmem>>) target(%dma_start3A_146 : memref<40x128xf32, #tpu.memory_space<hbm>>) target_semaphore(%arg25 : memref<!tpu.dma_semaphore, #tpu.memory_space<semaphore_mem>>)
      %add3A_147 = arith.constant 2 : i32
      %add3A_148 = arith.addi %mul3A_10, %add3A_147 : i32
      %mul3A_149 = arith.constant 40 : i32
      %mul3A_150 = arith.muli %add3A_148, %mul3A_149 : i32
      %add3A_151 = arith.addi %mul3A_2, %mul3A_150 : i32
      %add3A_152 = arith.constant 2 : i32
      %add3A_153 = arith.addi %mul3A_10, %add3A_152 : i32
      %dma_wait3A_154 = arith.constant 0 : i32
      %dma_wait3A_155 = tpu.memref_slice %arg7[%add3A_153, %dma_wait3A_154] : memref<250x40xi32, #tpu.memory_space<vmem>> -> memref<1x40xi32, #tpu.memory_space<vmem>>
      %dma_wait3A_156 = tpu.memref_squeeze %dma_wait3A_155 : memref<1x40xi32, #tpu.memory_space<vmem>> -> memref<40xi32, #tpu.memory_space<vmem>>
      %dma_wait3A_157 = arith.constant 0 : i32
      %dma_wait3A_158 = arith.constant 0 : i32
      %dma_wait3A_159 = tpu.memref_slice %arg2[%dma_wait3A_157, %dma_wait3A_158] : memref<10000x128xf32, #tpu.memory_space<hbm>> -> memref<10000x128xf32, #tpu.memory_space<hbm>>
      tpu.wait_indirect_dma semaphore(%arg21 : memref<!tpu.dma_semaphore, #tpu.memory_space<semaphore_mem>>) src(%dma_wait3A_159 : memref<10000x128xf32, #tpu.memory_space<hbm>>) dst(%arg11 : memref<40x128xf32, #tpu.memory_space<vmem>>)
      %dma_start3A_160 = arith.constant 0 : i32
      %dma_start3A_161 = tpu.memref_slice %arg5[%add3A_151, %dma_start3A_160] : memref<320000x128xf32, #tpu.memory_space<hbm>> -> memref<40x128xf32, #tpu.memory_space<hbm>>
      %dma_start3A_162 = arith.constant 0 : i32
      %dma_start3A_163 = tpu.memref_slice %arg5[%add3A_151, %dma_start3A_162] : memref<320000x128xf32, #tpu.memory_space<hbm>> -> memref<40x128xf32, #tpu.memory_space<hbm>>
      tpu.enqueue_dma source(%arg11 : memref<40x128xf32, #tpu.memory_space<vmem>>) target(%dma_start3A_163 : memref<40x128xf32, #tpu.memory_space<hbm>>) target_semaphore(%arg21 : memref<!tpu.dma_semaphore, #tpu.memory_space<semaphore_mem>>)
      %add3A_164 = arith.constant 2 : i32
      %add3A_165 = arith.addi %mul3A_10, %add3A_164 : i32
      %dma_wait3A_166 = arith.constant 0 : i32
      %dma_wait3A_167 = tpu.memref_slice %arg8[%add3A_165, %dma_wait3A_166] : memref<250x40xi32, #tpu.memory_space<vmem>> -> memref<1x40xi32, #tpu.memory_space<vmem>>
      %dma_wait3A_168 = tpu.memref_squeeze %dma_wait3A_167 : memref<1x40xi32, #tpu.memory_space<vmem>> -> memref<40xi32, #tpu.memory_space<vmem>>
      %dma_wait3A_169 = arith.constant 0 : i32
      %dma_wait3A_170 = arith.constant 0 : i32
      %dma_wait3A_171 = tpu.memref_slice %arg2[%dma_wait3A_169, %dma_wait3A_170] : memref<10000x128xf32, #tpu.memory_space<hbm>> -> memref<10000x128xf32, #tpu.memory_space<hbm>>
      tpu.wait_indirect_dma semaphore(%arg26 : memref<!tpu.dma_semaphore, #tpu.memory_space<semaphore_mem>>) src(%dma_wait3A_171 : memref<10000x128xf32, #tpu.memory_space<hbm>>) dst(%arg16 : memref<40x128xf32, #tpu.memory_space<vmem>>)
      %dma_start3A_172 = arith.constant 0 : i32
      %dma_start3A_173 = tpu.memref_slice %arg6[%add3A_151, %dma_start3A_172] : memref<320000x128xf32, #tpu.memory_space<hbm>> -> memref<40x128xf32, #tpu.memory_space<hbm>>
      %dma_start3A_174 = arith.constant 0 : i32
      %dma_start3A_175 = tpu.memref_slice %arg6[%add3A_151, %dma_start3A_174] : memref<320000x128xf32, #tpu.memory_space<hbm>> -> memref<40x128xf32, #tpu.memory_space<hbm>>
      tpu.enqueue_dma source(%arg16 : memref<40x128xf32, #tpu.memory_space<vmem>>) target(%dma_start3A_175 : memref<40x128xf32, #tpu.memory_space<hbm>>) target_semaphore(%arg26 : memref<!tpu.dma_semaphore, #tpu.memory_space<semaphore_mem>>)
      %add3A_176 = arith.constant 3 : i32
      %add3A_177 = arith.addi %mul3A_10, %add3A_176 : i32
      %mul3A_178 = arith.constant 40 : i32
      %mul3A_179 = arith.muli %add3A_177, %mul3A_178 : i32
      %add3A_180 = arith.addi %mul3A_2, %mul3A_179 : i32
      %add3A_181 = arith.constant 3 : i32
      %add3A_182 = arith.addi %mul3A_10, %add3A_181 : i32
      %dma_wait3A_183 = arith.constant 0 : i32
      %dma_wait3A_184 = tpu.memref_slice %arg7[%add3A_182, %dma_wait3A_183] : memref<250x40xi32, #tpu.memory_space<vmem>> -> memref<1x40xi32, #tpu.memory_space<vmem>>
      %dma_wait3A_185 = tpu.memref_squeeze %dma_wait3A_184 : memref<1x40xi32, #tpu.memory_space<vmem>> -> memref<40xi32, #tpu.memory_space<vmem>>
      %dma_wait3A_186 = arith.constant 0 : i32
      %dma_wait3A_187 = arith.constant 0 : i32
      %dma_wait3A_188 = tpu.memref_slice %arg2[%dma_wait3A_186, %dma_wait3A_187] : memref<10000x128xf32, #tpu.memory_space<hbm>> -> memref<10000x128xf32, #tpu.memory_space<hbm>>
      tpu.wait_indirect_dma semaphore(%arg22 : memref<!tpu.dma_semaphore, #tpu.memory_space<semaphore_mem>>) src(%dma_wait3A_188 : memref<10000x128xf32, #tpu.memory_space<hbm>>) dst(%arg12 : memref<40x128xf32, #tpu.memory_space<vmem>>)
      %dma_start3A_189 = arith.constant 0 : i32
      %dma_start3A_190 = tpu.memref_slice %arg5[%add3A_180, %dma_start3A_189] : memref<320000x128xf32, #tpu.memory_space<hbm>> -> memref<40x128xf32, #tpu.memory_space<hbm>>
      %dma_start3A_191 = arith.constant 0 : i32
      %dma_start3A_192 = tpu.memref_slice %arg5[%add3A_180, %dma_start3A_191] : memref<320000x128xf32, #tpu.memory_space<hbm>> -> memref<40x128xf32, #tpu.memory_space<hbm>>
      tpu.enqueue_dma source(%arg12 : memref<40x128xf32, #tpu.memory_space<vmem>>) target(%dma_start3A_192 : memref<40x128xf32, #tpu.memory_space<hbm>>) target_semaphore(%arg22 : memref<!tpu.dma_semaphore, #tpu.memory_space<semaphore_mem>>)
      %add3A_193 = arith.constant 3 : i32
      %add3A_194 = arith.addi %mul3A_10, %add3A_193 : i32
      %dma_wait3A_195 = arith.constant 0 : i32
      %dma_wait3A_196 = tpu.memref_slice %arg8[%add3A_194, %dma_wait3A_195] : memref<250x40xi32, #tpu.memory_space<vmem>> -> memref<1x40xi32, #tpu.memory_space<vmem>>
      %dma_wait3A_197 = tpu.memref_squeeze %dma_wait3A_196 : memref<1x40xi32, #tpu.memory_space<vmem>> -> memref<40xi32, #tpu.memory_space<vmem>>
      %dma_wait3A_198 = arith.constant 0 : i32
      %dma_wait3A_199 = arith.constant 0 : i32
      %dma_wait3A_200 = tpu.memref_slice %arg2[%dma_wait3A_198, %dma_wait3A_199] : memref<10000x128xf32, #tpu.memory_space<hbm>> -> memref<10000x128xf32, #tpu.memory_space<hbm>>
      tpu.wait_indirect_dma semaphore(%arg27 : memref<!tpu.dma_semaphore, #tpu.memory_space<semaphore_mem>>) src(%dma_wait3A_200 : memref<10000x128xf32, #tpu.memory_space<hbm>>) dst(%arg17 : memref<40x128xf32, #tpu.memory_space<vmem>>)
      %dma_start3A_201 = arith.constant 0 : i32
      %dma_start3A_202 = tpu.memref_slice %arg6[%add3A_180, %dma_start3A_201] : memref<320000x128xf32, #tpu.memory_space<hbm>> -> memref<40x128xf32, #tpu.memory_space<hbm>>
      %dma_start3A_203 = arith.constant 0 : i32
      %dma_start3A_204 = tpu.memref_slice %arg6[%add3A_180, %dma_start3A_203] : memref<320000x128xf32, #tpu.memory_space<hbm>> -> memref<40x128xf32, #tpu.memory_space<hbm>>
      tpu.enqueue_dma source(%arg17 : memref<40x128xf32, #tpu.memory_space<vmem>>) target(%dma_start3A_204 : memref<40x128xf32, #tpu.memory_space<hbm>>) target_semaphore(%arg27 : memref<!tpu.dma_semaphore, #tpu.memory_space<semaphore_mem>>)
      %add3A_205 = arith.constant 4 : i32
      %add3A_206 = arith.addi %mul3A_10, %add3A_205 : i32
      %mul3A_207 = arith.constant 40 : i32
      %mul3A_208 = arith.muli %add3A_206, %mul3A_207 : i32
      %add3A_209 = arith.addi %mul3A_2, %mul3A_208 : i32
      %add3A_210 = arith.constant 4 : i32
      %add3A_211 = arith.addi %mul3A_10, %add3A_210 : i32
      %dma_wait3A_212 = arith.constant 0 : i32
      %dma_wait3A_213 = tpu.memref_slice %arg7[%add3A_211, %dma_wait3A_212] : memref<250x40xi32, #tpu.memory_space<vmem>> -> memref<1x40xi32, #tpu.memory_space<vmem>>
      %dma_wait3A_214 = tpu.memref_squeeze %dma_wait3A_213 : memref<1x40xi32, #tpu.memory_space<vmem>> -> memref<40xi32, #tpu.memory_space<vmem>>
      %dma_wait3A_215 = arith.constant 0 : i32
      %dma_wait3A_216 = arith.constant 0 : i32
      %dma_wait3A_217 = tpu.memref_slice %arg2[%dma_wait3A_215, %dma_wait3A_216] : memref<10000x128xf32, #tpu.memory_space<hbm>> -> memref<10000x128xf32, #tpu.memory_space<hbm>>
      tpu.wait_indirect_dma semaphore(%arg23 : memref<!tpu.dma_semaphore, #tpu.memory_space<semaphore_mem>>) src(%dma_wait3A_217 : memref<10000x128xf32, #tpu.memory_space<hbm>>) dst(%arg13 : memref<40x128xf32, #tpu.memory_space<vmem>>)
      %dma_start3A_218 = arith.constant 0 : i32
      %dma_start3A_219 = tpu.memref_slice %arg5[%add3A_209, %dma_start3A_218] : memref<320000x128xf32, #tpu.memory_space<hbm>> -> memref<40x128xf32, #tpu.memory_space<hbm>>
      %dma_start3A_220 = arith.constant 0 : i32
      %dma_start3A_221 = tpu.memref_slice %arg5[%add3A_209, %dma_start3A_220] : memref<320000x128xf32, #tpu.memory_space<hbm>> -> memref<40x128xf32, #tpu.memory_space<hbm>>
      tpu.enqueue_dma source(%arg13 : memref<40x128xf32, #tpu.memory_space<vmem>>) target(%dma_start3A_221 : memref<40x128xf32, #tpu.memory_space<hbm>>) target_semaphore(%arg23 : memref<!tpu.dma_semaphore, #tpu.memory_space<semaphore_mem>>)
      %add3A_222 = arith.constant 4 : i32
      %add3A_223 = arith.addi %mul3A_10, %add3A_222 : i32
      %dma_wait3A_224 = arith.constant 0 : i32
      %dma_wait3A_225 = tpu.memref_slice %arg8[%add3A_223, %dma_wait3A_224] : memref<250x40xi32, #tpu.memory_space<vmem>> -> memref<1x40xi32, #tpu.memory_space<vmem>>
      %dma_wait3A_226 = tpu.memref_squeeze %dma_wait3A_225 : memref<1x40xi32, #tpu.memory_space<vmem>> -> memref<40xi32, #tpu.memory_space<vmem>>
      %dma_wait3A_227 = arith.constant 0 : i32
      %dma_wait3A_228 = arith.constant 0 : i32
      %dma_wait3A_229 = tpu.memref_slice %arg2[%dma_wait3A_227, %dma_wait3A_228] : memref<10000x128xf32, #tpu.memory_space<hbm>> -> memref<10000x128xf32, #tpu.memory_space<hbm>>
      tpu.wait_indirect_dma semaphore(%arg28 : memref<!tpu.dma_semaphore, #tpu.memory_space<semaphore_mem>>) src(%dma_wait3A_229 : memref<10000x128xf32, #tpu.memory_space<hbm>>) dst(%arg18 : memref<40x128xf32, #tpu.memory_space<vmem>>)
      %dma_start3A_230 = arith.constant 0 : i32
      %dma_start3A_231 = tpu.memref_slice %arg6[%add3A_209, %dma_start3A_230] : memref<320000x128xf32, #tpu.memory_space<hbm>> -> memref<40x128xf32, #tpu.memory_space<hbm>>
      %dma_start3A_232 = arith.constant 0 : i32
      %dma_start3A_233 = tpu.memref_slice %arg6[%add3A_209, %dma_start3A_232] : memref<320000x128xf32, #tpu.memory_space<hbm>> -> memref<40x128xf32, #tpu.memory_space<hbm>>
      tpu.enqueue_dma source(%arg18 : memref<40x128xf32, #tpu.memory_space<vmem>>) target(%dma_start3A_233 : memref<40x128xf32, #tpu.memory_space<hbm>>) target_semaphore(%arg28 : memref<!tpu.dma_semaphore, #tpu.memory_space<semaphore_mem>>)
      %add3A_234 = arith.constant 0 : i32
      %add3A_235 = arith.addi %mul3A_10, %add3A_234 : i32
      %mul3A_236 = arith.constant 40 : i32
      %mul3A_237 = arith.muli %add3A_235, %mul3A_236 : i32
      %add3A_238 = arith.addi %mul3A_2, %mul3A_237 : i32
      %dma_wait3A_239 = arith.constant 0 : i32
      %dma_wait3A_240 = tpu.memref_slice %arg5[%add3A_238, %dma_wait3A_239] : memref<320000x128xf32, #tpu.memory_space<hbm>> -> memref<40x128xf32, #tpu.memory_space<hbm>>
      %dma_wait3A_241 = arith.constant 0 : i32
      %dma_wait3A_242 = tpu.memref_slice %arg5[%add3A_238, %dma_wait3A_241] : memref<320000x128xf32, #tpu.memory_space<hbm>> -> memref<40x128xf32, #tpu.memory_space<hbm>>
      tpu.wait_dma2 semaphore(%arg19 : memref<!tpu.dma_semaphore, #tpu.memory_space<semaphore_mem>>) src(%arg9 : memref<40x128xf32, #tpu.memory_space<vmem>>) dst(%dma_wait3A_242 : memref<40x128xf32, #tpu.memory_space<hbm>>)
      %dma_wait3A_243 = arith.constant 0 : i32
      %dma_wait3A_244 = tpu.memref_slice %arg6[%add3A_238, %dma_wait3A_243] : memref<320000x128xf32, #tpu.memory_space<hbm>> -> memref<40x128xf32, #tpu.memory_space<hbm>>
      %dma_wait3A_245 = arith.constant 0 : i32
      %dma_wait3A_246 = tpu.memref_slice %arg6[%add3A_238, %dma_wait3A_245] : memref<320000x128xf32, #tpu.memory_space<hbm>> -> memref<40x128xf32, #tpu.memory_space<hbm>>
      tpu.wait_dma2 semaphore(%arg24 : memref<!tpu.dma_semaphore, #tpu.memory_space<semaphore_mem>>) src(%arg14 : memref<40x128xf32, #tpu.memory_space<vmem>>) dst(%dma_wait3A_246 : memref<40x128xf32, #tpu.memory_space<hbm>>)
      %add3A_247 = arith.constant 1 : i32
      %add3A_248 = arith.addi %mul3A_10, %add3A_247 : i32
      %mul3A_249 = arith.constant 40 : i32
      %mul3A_250 = arith.muli %add3A_248, %mul3A_249 : i32
      %add3A_251 = arith.addi %mul3A_2, %mul3A_250 : i32
      %dma_wait3A_252 = arith.constant 0 : i32
      %dma_wait3A_253 = tpu.memref_slice %arg5[%add3A_251, %dma_wait3A_252] : memref<320000x128xf32, #tpu.memory_space<hbm>> -> memref<40x128xf32, #tpu.memory_space<hbm>>
      %dma_wait3A_254 = arith.constant 0 : i32
      %dma_wait3A_255 = tpu.memref_slice %arg5[%add3A_251, %dma_wait3A_254] : memref<320000x128xf32, #tpu.memory_space<hbm>> -> memref<40x128xf32, #tpu.memory_space<hbm>>
      tpu.wait_dma2 semaphore(%arg20 : memref<!tpu.dma_semaphore, #tpu.memory_space<semaphore_mem>>) src(%arg10 : memref<40x128xf32, #tpu.memory_space<vmem>>) dst(%dma_wait3A_255 : memref<40x128xf32, #tpu.memory_space<hbm>>)
      %dma_wait3A_256 = arith.constant 0 : i32
      %dma_wait3A_257 = tpu.memref_slice %arg6[%add3A_251, %dma_wait3A_256] : memref<320000x128xf32, #tpu.memory_space<hbm>> -> memref<40x128xf32, #tpu.memory_space<hbm>>
      %dma_wait3A_258 = arith.constant 0 : i32
      %dma_wait3A_259 = tpu.memref_slice %arg6[%add3A_251, %dma_wait3A_258] : memref<320000x128xf32, #tpu.memory_space<hbm>> -> memref<40x128xf32, #tpu.memory_space<hbm>>
      tpu.wait_dma2 semaphore(%arg25 : memref<!tpu.dma_semaphore, #tpu.memory_space<semaphore_mem>>) src(%arg15 : memref<40x128xf32, #tpu.memory_space<vmem>>) dst(%dma_wait3A_259 : memref<40x128xf32, #tpu.memory_space<hbm>>)
      %add3A_260 = arith.constant 2 : i32
      %add3A_261 = arith.addi %mul3A_10, %add3A_260 : i32
      %mul3A_262 = arith.constant 40 : i32
      %mul3A_263 = arith.muli %add3A_261, %mul3A_262 : i32
      %add3A_264 = arith.addi %mul3A_2, %mul3A_263 : i32
      %dma_wait3A_265 = arith.constant 0 : i32
      %dma_wait3A_266 = tpu.memref_slice %arg5[%add3A_264, %dma_wait3A_265] : memref<320000x128xf32, #tpu.memory_space<hbm>> -> memref<40x128xf32, #tpu.memory_space<hbm>>
      %dma_wait3A_267 = arith.constant 0 : i32
      %dma_wait3A_268 = tpu.memref_slice %arg5[%add3A_264, %dma_wait3A_267] : memref<320000x128xf32, #tpu.memory_space<hbm>> -> memref<40x128xf32, #tpu.memory_space<hbm>>
      tpu.wait_dma2 semaphore(%arg21 : memref<!tpu.dma_semaphore, #tpu.memory_space<semaphore_mem>>) src(%arg11 : memref<40x128xf32, #tpu.memory_space<vmem>>) dst(%dma_wait3A_268 : memref<40x128xf32, #tpu.memory_space<hbm>>)
      %dma_wait3A_269 = arith.constant 0 : i32
      %dma_wait3A_270 = tpu.memref_slice %arg6[%add3A_264, %dma_wait3A_269] : memref<320000x128xf32, #tpu.memory_space<hbm>> -> memref<40x128xf32, #tpu.memory_space<hbm>>
      %dma_wait3A_271 = arith.constant 0 : i32
      %dma_wait3A_272 = tpu.memref_slice %arg6[%add3A_264, %dma_wait3A_271] : memref<320000x128xf32, #tpu.memory_space<hbm>> -> memref<40x128xf32, #tpu.memory_space<hbm>>
      tpu.wait_dma2 semaphore(%arg26 : memref<!tpu.dma_semaphore, #tpu.memory_space<semaphore_mem>>) src(%arg16 : memref<40x128xf32, #tpu.memory_space<vmem>>) dst(%dma_wait3A_272 : memref<40x128xf32, #tpu.memory_space<hbm>>)
      %add3A_273 = arith.constant 3 : i32
      %add3A_274 = arith.addi %mul3A_10, %add3A_273 : i32
      %mul3A_275 = arith.constant 40 : i32
      %mul3A_276 = arith.muli %add3A_274, %mul3A_275 : i32
      %add3A_277 = arith.addi %mul3A_2, %mul3A_276 : i32
      %dma_wait3A_278 = arith.constant 0 : i32
      %dma_wait3A_279 = tpu.memref_slice %arg5[%add3A_277, %dma_wait3A_278] : memref<320000x128xf32, #tpu.memory_space<hbm>> -> memref<40x128xf32, #tpu.memory_space<hbm>>
      %dma_wait3A_280 = arith.constant 0 : i32
      %dma_wait3A_281 = tpu.memref_slice %arg5[%add3A_277, %dma_wait3A_280] : memref<320000x128xf32, #tpu.memory_space<hbm>> -> memref<40x128xf32, #tpu.memory_space<hbm>>
      tpu.wait_dma2 semaphore(%arg22 : memref<!tpu.dma_semaphore, #tpu.memory_space<semaphore_mem>>) src(%arg12 : memref<40x128xf32, #tpu.memory_space<vmem>>) dst(%dma_wait3A_281 : memref<40x128xf32, #tpu.memory_space<hbm>>)
      %dma_wait3A_282 = arith.constant 0 : i32
      %dma_wait3A_283 = tpu.memref_slice %arg6[%add3A_277, %dma_wait3A_282] : memref<320000x128xf32, #tpu.memory_space<hbm>> -> memref<40x128xf32, #tpu.memory_space<hbm>>
      %dma_wait3A_284 = arith.constant 0 : i32
      %dma_wait3A_285 = tpu.memref_slice %arg6[%add3A_277, %dma_wait3A_284] : memref<320000x128xf32, #tpu.memory_space<hbm>> -> memref<40x128xf32, #tpu.memory_space<hbm>>
      tpu.wait_dma2 semaphore(%arg27 : memref<!tpu.dma_semaphore, #tpu.memory_space<semaphore_mem>>) src(%arg17 : memref<40x128xf32, #tpu.memory_space<vmem>>) dst(%dma_wait3A_285 : memref<40x128xf32, #tpu.memory_space<hbm>>)
      %add3A_286 = arith.constant 4 : i32
      %add3A_287 = arith.addi %mul3A_10, %add3A_286 : i32
      %mul3A_288 = arith.constant 40 : i32
      %mul3A_289 = arith.muli %add3A_287, %mul3A_288 : i32
      %add3A_290 = arith.addi %mul3A_2, %mul3A_289 : i32
      %dma_wait3A_291 = arith.constant 0 : i32
      %dma_wait3A_292 = tpu.memref_slice %arg5[%add3A_290, %dma_wait3A_291] : memref<320000x128xf32, #tpu.memory_space<hbm>> -> memref<40x128xf32, #tpu.memory_space<hbm>>
      %dma_wait3A_293 = arith.constant 0 : i32
      %dma_wait3A_294 = tpu.memref_slice %arg5[%add3A_290, %dma_wait3A_293] : memref<320000x128xf32, #tpu.memory_space<hbm>> -> memref<40x128xf32, #tpu.memory_space<hbm>>
      tpu.wait_dma2 semaphore(%arg23 : memref<!tpu.dma_semaphore, #tpu.memory_space<semaphore_mem>>) src(%arg13 : memref<40x128xf32, #tpu.memory_space<vmem>>) dst(%dma_wait3A_294 : memref<40x128xf32, #tpu.memory_space<hbm>>)
      %dma_wait3A_295 = arith.constant 0 : i32
      %dma_wait3A_296 = tpu.memref_slice %arg6[%add3A_290, %dma_wait3A_295] : memref<320000x128xf32, #tpu.memory_space<hbm>> -> memref<40x128xf32, #tpu.memory_space<hbm>>
      %dma_wait3A_297 = arith.constant 0 : i32
      %dma_wait3A_298 = tpu.memref_slice %arg6[%add3A_290, %dma_wait3A_297] : memref<320000x128xf32, #tpu.memory_space<hbm>> -> memref<40x128xf32, #tpu.memory_space<hbm>>
      tpu.wait_dma2 semaphore(%arg28 : memref<!tpu.dma_semaphore, #tpu.memory_space<semaphore_mem>>) src(%arg18 : memref<40x128xf32, #tpu.memory_space<vmem>>) dst(%dma_wait3A_298 : memref<40x128xf32, #tpu.memory_space<hbm>>)
    }
    %scan3A_7 = arith.constant 50 : i32
    return
  }
}

#map = affine_map<(d0, d1) -> (0, 0)>
#map1 = affine_map<(d0, d1) -> (0)>
module attributes {stable_mosaic.version = 14 : i64} {
  func.func @body(%arg0: i32, %arg1: i32, %arg2: memref<320000x128xf32, #tpu.memory_space<hbm>>, %arg3: memref<320128xi32, #tpu.memory_space<hbm>>, %arg4: memref<320128xi32, #tpu.memory_space<hbm>>, %arg5: memref<48xi32, #tpu.memory_space<hbm>>, %arg6: memref<32x40960xf32, #tpu.memory_space<hbm>>, %arg7: memref<40960xf32, #tpu.memory_space<vmem>>, %arg8: memref<128x128xf32, #tpu.memory_space<vmem>>, %arg9: memref<128xi32, #tpu.memory_space<vmem>>, %arg10: memref<144xi32, #tpu.memory_space<vmem>>, %arg11: memref<48xi32, #tpu.memory_space<vmem>>, %arg12: memref<!tpu.dma_semaphore, #tpu.memory_space<semaphore_mem>>) attributes {dimension_semantics = [#tpu.dimension_semantics<core_parallel>, #tpu.dimension_semantics<subcore_parallel>], iteration_bounds = array<i64: 2, 16>, scalar_prefetch = 0 : i64, scratch_operands = 6 : i64, tpu.core_type = #tpu.core_type<sc_vector_subcore>, window_params = [{transform_indices = #map}, {transform_indices = #map1}, {transform_indices = #map1}, {transform_indices = #map1}, {transform_indices = #map}]} {
    %mul3A = arith.constant 2 : i32
    %mul3A_0 = arith.muli %arg1, %mul3A : i32
    %add3A = arith.addi %mul3A_0, %arg0 : i32
    "tpu.region"() ({
      %run_scoped3A = tpu.sem_alloc : memref<!tpu.dma_semaphore, #tpu.memory_space<semaphore_mem>>
      tpu.enqueue_dma source(%arg5 : memref<48xi32, #tpu.memory_space<hbm>>) target(%arg11 : memref<48xi32, #tpu.memory_space<vmem>>) target_semaphore(%run_scoped3A : memref<!tpu.dma_semaphore, #tpu.memory_space<semaphore_mem>>)
      tpu.wait_dma2 semaphore(%run_scoped3A : memref<!tpu.dma_semaphore, #tpu.memory_space<semaphore_mem>>) src(%arg5 : memref<48xi32, #tpu.memory_space<hbm>>) dst(%arg11 : memref<48xi32, #tpu.memory_space<vmem>>)
      tpu.yield
    }) : () -> ()
    %mul3A_1 = arith.constant 320 : i32
    %mul3A_2 = arith.muli %add3A, %mul3A_1 : i32
    %get3A = arith.index_cast %add3A : i32 to index
    %get3A_3 = tpu.vector_load %arg11[%get3A] {strides = array<i32>} : memref<48xi32, #tpu.memory_space<vmem>>, vector<16xi32>,
    %get3A_4 = vector.shape_cast %get3A_3 : vector<16xi32> to vector<16xi32>
    %slice3A = vector.extract_strided_slice %get3A_4 {offsets = [0], sizes = [1], strides = [1]} : vector<16xi32> to vector<1xi32>
    %squeeze3A = vector.extract %slice3A[0] : i32 from vector<1xi32>
    %slice3A_5 = vector.extract_strided_slice %get3A_4 {offsets = [1], sizes = [1], strides = [1]} : vector<16xi32> to vector<1xi32>
    %squeeze3A_6 = vector.extract %slice3A_5[0] : i32 from vector<1xi32>
    %scan3A = arith.constant 0 : i32
    %scan3A_7 = arith.constant 0 : i32
    %scan3A_8 = arith.constant 2560 : i32
    %scan3A_9 = arith.addi %scan3A_7, %scan3A_8 : i32
    %scan3A_10 = arith.constant 1 : i32
    scf.for %scan3A_18 = %scan3A_7 to %scan3A_9 step %scan3A_10  : i32 {
      %broadcast_in_dim3A = arith.constant 0.000000e+00 : f32
      %broadcast_in_dim3A_19 = vector.broadcast %broadcast_in_dim3A : f32 to vector<16xf32>
      %mul3A_20 = arith.constant 16 : i32
      %mul3A_21 = arith.muli %scan3A_18, %mul3A_20 : i32
      %swap3A = arith.index_cast %mul3A_21 : i32 to index
      %swap3A_22 = tpu.vector_load %arg7[%swap3A] {strides = array<i32>} : memref<40960xf32, #tpu.memory_space<vmem>>, vector<16xf32>,
      %swap3A_23 = vector.shape_cast %swap3A_22 : vector<16xf32> to vector<16xf32>
      %swap3A_24 = vector.shape_cast %broadcast_in_dim3A_19 : vector<16xf32> to vector<16xf32>
      tpu.vector_store %arg7[%swap3A], %swap3A_24 {strides = array<i32>} : memref<40960xf32, #tpu.memory_space<vmem>>, vector<16xf32>,
    }
    %scan3A_11 = arith.constant 2560 : i32
    %scan3A_12 = arith.constant 0 : i32
    %scan3A_13 = arith.constant 2668 : i32
    %scan3A_14 = arith.addi %scan3A_12, %scan3A_13 : i32
    %scan3A_15 = arith.constant 1 : i32
    %scan3A_16 = scf.for %scan3A_18 = %scan3A_12 to %scan3A_14 step %scan3A_15 iter_args(%scan3A_19 = %squeeze3A) -> (i32)  : i32 {
      %lt3A = arith.cmpi slt, %scan3A_19, %squeeze3A_6 : i32
      %convert_element_type3A = arith.extui %lt3A : i1 to i32
      %cond3A = arith.constant 0 : i32
      %cond3A_20 = arith.cmpi ne, %convert_element_type3A, %cond3A : i32
      %cond3A_21 = scf.if %cond3A_20 -> (i32) {
        %jit3A = arith.constant 8 : i32
        %div3A = arith.divsi %scan3A_19, %jit3A : i32
        %sign3A = arith.constant 0 : i32
        %sign3A_22 = arith.cmpi sgt, %scan3A_19, %sign3A : i32
        %sign3A_23 = arith.extui %sign3A_22 : i1 to i32
        %sign3A_24 = arith.constant 0 : i32
        %sign3A_25 = arith.cmpi slt, %scan3A_19, %sign3A_24 : i32
        %sign3A_26 = arith.extui %sign3A_25 : i1 to i32
        %sign3A_27 = arith.subi %sign3A_23, %sign3A_26 : i32
        %sign3A_28 = arith.constant 0 : i32
        %sign3A_29 = arith.cmpi sgt, %jit3A, %sign3A_28 : i32
        %sign3A_30 = arith.extui %sign3A_29 : i1 to i32
        %sign3A_31 = arith.constant 0 : i32
        %sign3A_32 = arith.cmpi slt, %jit3A, %sign3A_31 : i32
        %sign3A_33 = arith.extui %sign3A_32 : i1 to i32
        %sign3A_34 = arith.subi %sign3A_30, %sign3A_33 : i32
        %ne3A = arith.cmpi ne, %sign3A_27, %sign3A_34 : i32
        %rem3A = arith.remsi %scan3A_19, %jit3A : i32
        %ne3A_35 = arith.constant 0 : i32
        %ne3A_36 = arith.cmpi ne, %rem3A, %ne3A_35 : i32
        %and3A = arith.andi %ne3A, %ne3A_36 : i1
        %sub3A = arith.constant 1 : i32
        %sub3A_37 = arith.subi %div3A, %sub3A : i32
        %select_n3A = arith.select %and3A, %sub3A_37, %div3A : i32
        %mul3A_38 = arith.constant 8 : i32
        %mul3A_39 = arith.muli %select_n3A, %mul3A_38 : i32
        %sub3A_40 = arith.subi %scan3A_19, %mul3A_39 : i32
        "tpu.region"() ({
          %run_scoped3A = tpu.sem_alloc : memref<!tpu.dma_semaphore, #tpu.memory_space<semaphore_mem>>
          %dma_start3A_54 = tpu.memref_slice %arg3[%mul3A_39] : memref<320128xi32, #tpu.memory_space<hbm>> -> memref<128xi32, #tpu.memory_space<hbm>>
          %dma_start3A_55 = tpu.memref_slice %arg3[%mul3A_39] : memref<320128xi32, #tpu.memory_space<hbm>> -> memref<128xi32, #tpu.memory_space<hbm>>
          tpu.enqueue_dma source(%dma_start3A_55 : memref<128xi32, #tpu.memory_space<hbm>>) target(%arg9 : memref<128xi32, #tpu.memory_space<vmem>>) target_semaphore(%run_scoped3A : memref<!tpu.dma_semaphore, #tpu.memory_space<semaphore_mem>>)
          %dma_wait3A_56 = tpu.memref_slice %arg3[%mul3A_39] : memref<320128xi32, #tpu.memory_space<hbm>> -> memref<128xi32, #tpu.memory_space<hbm>>
          %dma_wait3A_57 = tpu.memref_slice %arg3[%mul3A_39] : memref<320128xi32, #tpu.memory_space<hbm>> -> memref<128xi32, #tpu.memory_space<hbm>>
          tpu.wait_dma2 semaphore(%run_scoped3A : memref<!tpu.dma_semaphore, #tpu.memory_space<semaphore_mem>>) src(%dma_wait3A_57 : memref<128xi32, #tpu.memory_space<hbm>>) dst(%arg9 : memref<128xi32, #tpu.memory_space<vmem>>)
          tpu.yield
        }) : () -> ()
        "tpu.region"() ({
          %run_scoped3A = tpu.sem_alloc : memref<!tpu.dma_semaphore, #tpu.memory_space<semaphore_mem>>
          %dma_start3A_54 = arith.constant 0 : i32
          %dma_start3A_55 = tpu.memref_slice %arg10[%dma_start3A_54] : memref<144xi32, #tpu.memory_space<vmem>> -> memref<128xi32, #tpu.memory_space<vmem>>
          %dma_start3A_56 = tpu.memref_slice %arg4[%mul3A_39] : memref<320128xi32, #tpu.memory_space<hbm>> -> memref<128xi32, #tpu.memory_space<hbm>>
          %dma_start3A_57 = arith.constant 0 : i32
          %dma_start3A_58 = tpu.memref_slice %arg10[%dma_start3A_57] : memref<144xi32, #tpu.memory_space<vmem>> -> memref<128xi32, #tpu.memory_space<vmem>>
          %dma_start3A_59 = tpu.memref_slice %arg4[%mul3A_39] : memref<320128xi32, #tpu.memory_space<hbm>> -> memref<128xi32, #tpu.memory_space<hbm>>
          tpu.enqueue_dma source(%dma_start3A_59 : memref<128xi32, #tpu.memory_space<hbm>>) target(%dma_start3A_58 : memref<128xi32, #tpu.memory_space<vmem>>) target_semaphore(%run_scoped3A : memref<!tpu.dma_semaphore, #tpu.memory_space<semaphore_mem>>)
          %dma_wait3A_60 = arith.constant 0 : i32
          %dma_wait3A_61 = tpu.memref_slice %arg10[%dma_wait3A_60] : memref<144xi32, #tpu.memory_space<vmem>> -> memref<128xi32, #tpu.memory_space<vmem>>
          %dma_wait3A_62 = tpu.memref_slice %arg4[%mul3A_39] : memref<320128xi32, #tpu.memory_space<hbm>> -> memref<128xi32, #tpu.memory_space<hbm>>
          %dma_wait3A_63 = arith.constant 0 : i32
          %dma_wait3A_64 = tpu.memref_slice %arg10[%dma_wait3A_63] : memref<144xi32, #tpu.memory_space<vmem>> -> memref<128xi32, #tpu.memory_space<vmem>>
          %dma_wait3A_65 = tpu.memref_slice %arg4[%mul3A_39] : memref<320128xi32, #tpu.memory_space<hbm>> -> memref<128xi32, #tpu.memory_space<hbm>>
          tpu.wait_dma2 semaphore(%run_scoped3A : memref<!tpu.dma_semaphore, #tpu.memory_space<semaphore_mem>>) src(%dma_wait3A_65 : memref<128xi32, #tpu.memory_space<hbm>>) dst(%dma_wait3A_64 : memref<128xi32, #tpu.memory_space<vmem>>)
          tpu.yield
        }) : () -> ()
        %dma_start3A = arith.constant 0 : i32
        %dma_start3A_41 = arith.constant 0 : i32
        %dma_start3A_42 = tpu.memref_slice %arg2[%dma_start3A, %dma_start3A_41] : memref<320000x128xf32, #tpu.memory_space<hbm>> -> memref<320000x128xf32, #tpu.memory_space<hbm>>
        tpu.enqueue_indirect_dma source(%dma_start3A_42 : memref<320000x128xf32, #tpu.memory_space<hbm>>) target(%arg8 : memref<128x128xf32, #tpu.memory_space<vmem>>) offsets(%arg9 : memref<128xi32, #tpu.memory_space<vmem>>) semaphore(%arg12 : memref<!tpu.dma_semaphore, #tpu.memory_space<semaphore_mem>>)
        %dma_wait3A = arith.constant 0 : i32
        %dma_wait3A_43 = arith.constant 0 : i32
        %dma_wait3A_44 = tpu.memref_slice %arg2[%dma_wait3A, %dma_wait3A_43] : memref<320000x128xf32, #tpu.memory_space<hbm>> -> memref<320000x128xf32, #tpu.memory_space<hbm>>
        tpu.wait_indirect_dma semaphore(%arg12 : memref<!tpu.dma_semaphore, #tpu.memory_space<semaphore_mem>>) src(%dma_wait3A_44 : memref<320000x128xf32, #tpu.memory_space<hbm>>) dst(%arg8 : memref<128x128xf32, #tpu.memory_space<vmem>>)
        %sub3A_45 = arith.subi %squeeze3A_6, %scan3A_19 : i32
        %min3A = arith.constant 120 : i32
        %min3A_46 = arith.minsi %min3A, %sub3A_45 : i32
        %scan3A_47 = arith.constant 0 : i32
        %scan3A_48 = arith.constant 0 : i32
        %scan3A_49 = arith.constant 120 : i32
        %scan3A_50 = arith.addi %scan3A_48, %scan3A_49 : i32
        %scan3A_51 = arith.constant 1 : i32
        scf.for %scan3A_54 = %scan3A_48 to %scan3A_50 step %scan3A_51  : i32 {
          %add3A_55 = arith.addi %sub3A_40, %scan3A_54 : i32
          %get3A_56 = arith.index_cast %add3A_55 : i32 to index
          %get3A_57 = tpu.vector_load %arg10[%get3A_56] {strides = array<i32>} : memref<144xi32, #tpu.memory_space<vmem>>, vector<16xi32>,
          %get3A_58 = vector.shape_cast %get3A_57 : vector<16xi32> to vector<16xi32>
          %slice3A_59 = vector.extract_strided_slice %get3A_58 {offsets = [0], sizes = [1], strides = [1]} : vector<16xi32> to vector<1xi32>
          %squeeze3A_60 = vector.extract %slice3A_59[0] : i32 from vector<1xi32>
          %sub3A_61 = arith.subi %squeeze3A_60, %mul3A_2 : i32
          %max3A = arith.constant 0 : i32
          %max3A_62 = arith.maxsi %sub3A_61, %max3A : i32
          %min3A_63 = arith.constant 319 : i32
          %min3A_64 = arith.minsi %max3A_62, %min3A_63 : i32
          %lt3A_65 = arith.cmpi slt, %scan3A_54, %min3A_46 : i32
          %mul3A_66 = arith.constant 128 : i32
          %mul3A_67 = arith.muli %min3A_64, %mul3A_66 : i32
          %get3A_68 = arith.index_cast %add3A_55 : i32 to index
          %get3A_69 = arith.constant 0 : index
          %get3A_70 = tpu.vector_load %arg8[%get3A_68, %get3A_69] {strides = array<i32>} : memref<128x128xf32, #tpu.memory_space<vmem>>, vector<1x16xf32>,
          %get3A_71 = vector.shape_cast %get3A_70 : vector<1x16xf32> to vector<16xf32>
          %broadcast_in_dim3A = arith.constant 0.000000e+00 : f32
          %broadcast_in_dim3A_72 = vector.broadcast %broadcast_in_dim3A : f32 to vector<16xf32>
          %select_n3A_73 = arith.select %lt3A_65, %get3A_71, %broadcast_in_dim3A_72 : vector<16xf32>
          %add3A_74 = arith.constant 0 : i32
          %add3A_75 = arith.addi %mul3A_67, %add3A_74 : i32
          %swap3A = arith.index_cast %add3A_75 : i32 to index
          %swap3A_76 = tpu.vector_load %arg7[%swap3A] {strides = array<i32>} : memref<40960xf32, #tpu.memory_space<vmem>>, vector<16xf32>,
          %swap3A_77 = vector.shape_cast %swap3A_76 : vector<16xf32> to vector<16xf32>
          %swap3A_78 = vector.shape_cast %select_n3A_73 : vector<16xf32> to vector<16xf32>
          tpu.vector_store %arg7[%swap3A], %swap3A_78 {add = true, strides = array<i32>} : memref<40960xf32, #tpu.memory_space<vmem>>, vector<16xf32>,
          %get3A_79 = arith.index_cast %add3A_55 : i32 to index
          %get3A_80 = arith.constant 16 : index
          %get3A_81 = tpu.vector_load %arg8[%get3A_79, %get3A_80] {strides = array<i32>} : memref<128x128xf32, #tpu.memory_space<vmem>>, vector<1x16xf32>,
          %get3A_82 = vector.shape_cast %get3A_81 : vector<1x16xf32> to vector<16xf32>
          %broadcast_in_dim3A_83 = arith.constant 0.000000e+00 : f32
          %broadcast_in_dim3A_84 = vector.broadcast %broadcast_in_dim3A_83 : f32 to vector<16xf32>
          %select_n3A_85 = arith.select %lt3A_65, %get3A_82, %broadcast_in_dim3A_84 : vector<16xf32>
          %add3A_86 = arith.constant 16 : i32
          %add3A_87 = arith.addi %mul3A_67, %add3A_86 : i32
          %swap3A_88 = arith.index_cast %add3A_87 : i32 to index
          %swap3A_89 = tpu.vector_load %arg7[%swap3A_88] {strides = array<i32>} : memref<40960xf32, #tpu.memory_space<vmem>>, vector<16xf32>,
          %swap3A_90 = vector.shape_cast %swap3A_89 : vector<16xf32> to vector<16xf32>
          %swap3A_91 = vector.shape_cast %select_n3A_85 : vector<16xf32> to vector<16xf32>
          tpu.vector_store %arg7[%swap3A_88], %swap3A_91 {add = true, strides = array<i32>} : memref<40960xf32, #tpu.memory_space<vmem>>, vector<16xf32>,
          %get3A_92 = arith.index_cast %add3A_55 : i32 to index
          %get3A_93 = arith.constant 32 : index
          %get3A_94 = tpu.vector_load %arg8[%get3A_92, %get3A_93] {strides = array<i32>} : memref<128x128xf32, #tpu.memory_space<vmem>>, vector<1x16xf32>,
          %get3A_95 = vector.shape_cast %get3A_94 : vector<1x16xf32> to vector<16xf32>
          %broadcast_in_dim3A_96 = arith.constant 0.000000e+00 : f32
          %broadcast_in_dim3A_97 = vector.broadcast %broadcast_in_dim3A_96 : f32 to vector<16xf32>
          %select_n3A_98 = arith.select %lt3A_65, %get3A_95, %broadcast_in_dim3A_97 : vector<16xf32>
          %add3A_99 = arith.constant 32 : i32
          %add3A_100 = arith.addi %mul3A_67, %add3A_99 : i32
          %swap3A_101 = arith.index_cast %add3A_100 : i32 to index
          %swap3A_102 = tpu.vector_load %arg7[%swap3A_101] {strides = array<i32>} : memref<40960xf32, #tpu.memory_space<vmem>>, vector<16xf32>,
          %swap3A_103 = vector.shape_cast %swap3A_102 : vector<16xf32> to vector<16xf32>
          %swap3A_104 = vector.shape_cast %select_n3A_98 : vector<16xf32> to vector<16xf32>
          tpu.vector_store %arg7[%swap3A_101], %swap3A_104 {add = true, strides = array<i32>} : memref<40960xf32, #tpu.memory_space<vmem>>, vector<16xf32>,
          %get3A_105 = arith.index_cast %add3A_55 : i32 to index
          %get3A_106 = arith.constant 48 : index
          %get3A_107 = tpu.vector_load %arg8[%get3A_105, %get3A_106] {strides = array<i32>} : memref<128x128xf32, #tpu.memory_space<vmem>>, vector<1x16xf32>,
          %get3A_108 = vector.shape_cast %get3A_107 : vector<1x16xf32> to vector<16xf32>
          %broadcast_in_dim3A_109 = arith.constant 0.000000e+00 : f32
          %broadcast_in_dim3A_110 = vector.broadcast %broadcast_in_dim3A_109 : f32 to vector<16xf32>
          %select_n3A_111 = arith.select %lt3A_65, %get3A_108, %broadcast_in_dim3A_110 : vector<16xf32>
          %add3A_112 = arith.constant 48 : i32
          %add3A_113 = arith.addi %mul3A_67, %add3A_112 : i32
          %swap3A_114 = arith.index_cast %add3A_113 : i32 to index
          %swap3A_115 = tpu.vector_load %arg7[%swap3A_114] {strides = array<i32>} : memref<40960xf32, #tpu.memory_space<vmem>>, vector<16xf32>,
          %swap3A_116 = vector.shape_cast %swap3A_115 : vector<16xf32> to vector<16xf32>
          %swap3A_117 = vector.shape_cast %select_n3A_111 : vector<16xf32> to vector<16xf32>
          tpu.vector_store %arg7[%swap3A_114], %swap3A_117 {add = true, strides = array<i32>} : memref<40960xf32, #tpu.memory_space<vmem>>, vector<16xf32>,
          %get3A_118 = arith.index_cast %add3A_55 : i32 to index
          %get3A_119 = arith.constant 64 : index
          %get3A_120 = tpu.vector_load %arg8[%get3A_118, %get3A_119] {strides = array<i32>} : memref<128x128xf32, #tpu.memory_space<vmem>>, vector<1x16xf32>,
          %get3A_121 = vector.shape_cast %get3A_120 : vector<1x16xf32> to vector<16xf32>
          %broadcast_in_dim3A_122 = arith.constant 0.000000e+00 : f32
          %broadcast_in_dim3A_123 = vector.broadcast %broadcast_in_dim3A_122 : f32 to vector<16xf32>
          %select_n3A_124 = arith.select %lt3A_65, %get3A_121, %broadcast_in_dim3A_123 : vector<16xf32>
          %add3A_125 = arith.constant 64 : i32
          %add3A_126 = arith.addi %mul3A_67, %add3A_125 : i32
          %swap3A_127 = arith.index_cast %add3A_126 : i32 to index
          %swap3A_128 = tpu.vector_load %arg7[%swap3A_127] {strides = array<i32>} : memref<40960xf32, #tpu.memory_space<vmem>>, vector<16xf32>,
          %swap3A_129 = vector.shape_cast %swap3A_128 : vector<16xf32> to vector<16xf32>
          %swap3A_130 = vector.shape_cast %select_n3A_124 : vector<16xf32> to vector<16xf32>
          tpu.vector_store %arg7[%swap3A_127], %swap3A_130 {add = true, strides = array<i32>} : memref<40960xf32, #tpu.memory_space<vmem>>, vector<16xf32>,
          %get3A_131 = arith.index_cast %add3A_55 : i32 to index
          %get3A_132 = arith.constant 80 : index
          %get3A_133 = tpu.vector_load %arg8[%get3A_131, %get3A_132] {strides = array<i32>} : memref<128x128xf32, #tpu.memory_space<vmem>>, vector<1x16xf32>,
          %get3A_134 = vector.shape_cast %get3A_133 : vector<1x16xf32> to vector<16xf32>
          %broadcast_in_dim3A_135 = arith.constant 0.000000e+00 : f32
          %broadcast_in_dim3A_136 = vector.broadcast %broadcast_in_dim3A_135 : f32 to vector<16xf32>
          %select_n3A_137 = arith.select %lt3A_65, %get3A_134, %broadcast_in_dim3A_136 : vector<16xf32>
          %add3A_138 = arith.constant 80 : i32
          %add3A_139 = arith.addi %mul3A_67, %add3A_138 : i32
          %swap3A_140 = arith.index_cast %add3A_139 : i32 to index
          %swap3A_141 = tpu.vector_load %arg7[%swap3A_140] {strides = array<i32>} : memref<40960xf32, #tpu.memory_space<vmem>>, vector<16xf32>,
          %swap3A_142 = vector.shape_cast %swap3A_141 : vector<16xf32> to vector<16xf32>
          %swap3A_143 = vector.shape_cast %select_n3A_137 : vector<16xf32> to vector<16xf32>
          tpu.vector_store %arg7[%swap3A_140], %swap3A_143 {add = true, strides = array<i32>} : memref<40960xf32, #tpu.memory_space<vmem>>, vector<16xf32>,
          %get3A_144 = arith.index_cast %add3A_55 : i32 to index
          %get3A_145 = arith.constant 96 : index
          %get3A_146 = tpu.vector_load %arg8[%get3A_144, %get3A_145] {strides = array<i32>} : memref<128x128xf32, #tpu.memory_space<vmem>>, vector<1x16xf32>,
          %get3A_147 = vector.shape_cast %get3A_146 : vector<1x16xf32> to vector<16xf32>
          %broadcast_in_dim3A_148 = arith.constant 0.000000e+00 : f32
          %broadcast_in_dim3A_149 = vector.broadcast %broadcast_in_dim3A_148 : f32 to vector<16xf32>
          %select_n3A_150 = arith.select %lt3A_65, %get3A_147, %broadcast_in_dim3A_149 : vector<16xf32>
          %add3A_151 = arith.constant 96 : i32
          %add3A_152 = arith.addi %mul3A_67, %add3A_151 : i32
          %swap3A_153 = arith.index_cast %add3A_152 : i32 to index
          %swap3A_154 = tpu.vector_load %arg7[%swap3A_153] {strides = array<i32>} : memref<40960xf32, #tpu.memory_space<vmem>>, vector<16xf32>,
          %swap3A_155 = vector.shape_cast %swap3A_154 : vector<16xf32> to vector<16xf32>
          %swap3A_156 = vector.shape_cast %select_n3A_150 : vector<16xf32> to vector<16xf32>
          tpu.vector_store %arg7[%swap3A_153], %swap3A_156 {add = true, strides = array<i32>} : memref<40960xf32, #tpu.memory_space<vmem>>, vector<16xf32>,
          %get3A_157 = arith.index_cast %add3A_55 : i32 to index
          %get3A_158 = arith.constant 112 : index
          %get3A_159 = tpu.vector_load %arg8[%get3A_157, %get3A_158] {strides = array<i32>} : memref<128x128xf32, #tpu.memory_space<vmem>>, vector<1x16xf32>,
          %get3A_160 = vector.shape_cast %get3A_159 : vector<1x16xf32> to vector<16xf32>
          %broadcast_in_dim3A_161 = arith.constant 0.000000e+00 : f32
          %broadcast_in_dim3A_162 = vector.broadcast %broadcast_in_dim3A_161 : f32 to vector<16xf32>
          %select_n3A_163 = arith.select %lt3A_65, %get3A_160, %broadcast_in_dim3A_162 : vector<16xf32>
          %add3A_164 = arith.constant 112 : i32
          %add3A_165 = arith.addi %mul3A_67, %add3A_164 : i32
          %swap3A_166 = arith.index_cast %add3A_165 : i32 to index
          %swap3A_167 = tpu.vector_load %arg7[%swap3A_166] {strides = array<i32>} : memref<40960xf32, #tpu.memory_space<vmem>>, vector<16xf32>,
          %swap3A_168 = vector.shape_cast %swap3A_167 : vector<16xf32> to vector<16xf32>
          %swap3A_169 = vector.shape_cast %select_n3A_163 : vector<16xf32> to vector<16xf32>
          tpu.vector_store %arg7[%swap3A_166], %swap3A_169 {add = true, strides = array<i32>} : memref<40960xf32, #tpu.memory_space<vmem>>, vector<16xf32>,
        }
        %scan3A_52 = arith.constant 120 : i32
        %add3A_53 = arith.addi %scan3A_19, %min3A_46 : i32
        scf.yield %add3A_53 : i32
      } else {
        scf.yield %scan3A_19 : i32
      }
      scf.yield %cond3A_21 : i32
    }
    %scan3A_17 = arith.constant 2668 : i32
    "tpu.region"() ({
      %run_scoped3A = tpu.sem_alloc : memref<!tpu.dma_semaphore, #tpu.memory_space<semaphore_mem>>
      %dma_start3A = arith.constant 0 : i32
      %dma_start3A_18 = tpu.memref_slice %arg6[%add3A, %dma_start3A] : memref<32x40960xf32, #tpu.memory_space<hbm>> -> memref<1x40960xf32, #tpu.memory_space<hbm>>
      %dma_start3A_19 = tpu.memref_squeeze %dma_start3A_18 : memref<1x40960xf32, #tpu.memory_space<hbm>> -> memref<40960xf32, #tpu.memory_space<hbm>>
      %dma_start3A_20 = arith.constant 0 : i32
      %dma_start3A_21 = tpu.memref_slice %arg6[%add3A, %dma_start3A_20] : memref<32x40960xf32, #tpu.memory_space<hbm>> -> memref<1x40960xf32, #tpu.memory_space<hbm>>
      %dma_start3A_22 = tpu.memref_squeeze %dma_start3A_21 : memref<1x40960xf32, #tpu.memory_space<hbm>> -> memref<40960xf32, #tpu.memory_space<hbm>>
      tpu.enqueue_dma source(%arg7 : memref<40960xf32, #tpu.memory_space<vmem>>) target(%dma_start3A_22 : memref<40960xf32, #tpu.memory_space<hbm>>) target_semaphore(%run_scoped3A : memref<!tpu.dma_semaphore, #tpu.memory_space<semaphore_mem>>)
      %dma_wait3A = arith.constant 0 : i32
      %dma_wait3A_23 = tpu.memref_slice %arg6[%add3A, %dma_wait3A] : memref<32x40960xf32, #tpu.memory_space<hbm>> -> memref<1x40960xf32, #tpu.memory_space<hbm>>
      %dma_wait3A_24 = tpu.memref_squeeze %dma_wait3A_23 : memref<1x40960xf32, #tpu.memory_space<hbm>> -> memref<40960xf32, #tpu.memory_space<hbm>>
      %dma_wait3A_25 = arith.constant 0 : i32
      %dma_wait3A_26 = tpu.memref_slice %arg6[%add3A, %dma_wait3A_25] : memref<32x40960xf32, #tpu.memory_space<hbm>> -> memref<1x40960xf32, #tpu.memory_space<hbm>>
      %dma_wait3A_27 = tpu.memref_squeeze %dma_wait3A_26 : memref<1x40960xf32, #tpu.memory_space<hbm>> -> memref<40960xf32, #tpu.memory_space<hbm>>
      tpu.wait_dma2 semaphore(%run_scoped3A : memref<!tpu.dma_semaphore, #tpu.memory_space<semaphore_mem>>) src(%arg7 : memref<40960xf32, #tpu.memory_space<vmem>>) dst(%dma_wait3A_27 : memref<40960xf32, #tpu.memory_space<hbm>>)
      tpu.yield
    }) : () -> ()
    return
  }
}

#map = affine_map<(d0, d1) -> (0, 0)>
#map1 = affine_map<(d0, d1) -> (0)>
module attributes {stable_mosaic.version = 14 : i64} {
  func.func @body(%arg0: i32, %arg1: i32, %arg2: memref<2x10000xf32, #tpu.memory_space<hbm>>, %arg3: memref<32x10000xi32, #tpu.memory_space<hbm>>, %arg4: memref<32x10000xi32, #tpu.memory_space<hbm>>, %arg5: memref<320000xf32, #tpu.memory_space<hbm>>, %arg6: memref<320000xf32, #tpu.memory_space<hbm>>, %arg7: memref<320000xf32, #tpu.memory_space<hbm>>, %arg8: memref<320000xf32, #tpu.memory_space<hbm>>, %arg9: memref<10000xf32, #tpu.memory_space<vmem>>, %arg10: memref<10000xf32, #tpu.memory_space<vmem>>, %arg11: memref<10000xi32, #tpu.memory_space<vmem>>, %arg12: memref<10000xi32, #tpu.memory_space<vmem>>, %arg13: memref<10000xf32, #tpu.memory_space<vmem>>, %arg14: memref<10000xf32, #tpu.memory_space<vmem>>, %arg15: memref<10000xf32, #tpu.memory_space<vmem>>, %arg16: memref<10000xf32, #tpu.memory_space<vmem>>) attributes {dimension_semantics = [#tpu.dimension_semantics<core_parallel>, #tpu.dimension_semantics<subcore_parallel>], iteration_bounds = array<i64: 2, 16>, scalar_prefetch = 0 : i64, scratch_operands = 8 : i64, tpu.core_type = #tpu.core_type<sc_vector_subcore>, window_params = [{transform_indices = #map}, {transform_indices = #map}, {transform_indices = #map}, {transform_indices = #map1}, {transform_indices = #map1}, {transform_indices = #map1}, {transform_indices = #map1}]} {
    %mul3A = arith.constant 2 : i32
    %mul3A_0 = arith.muli %arg1, %mul3A : i32
    %add3A = arith.addi %mul3A_0, %arg0 : i32
    %run_scoped3A = arith.constant 0 : i32
    "tpu.region"() ({
      %run_scoped3A_9 = tpu.sem_alloc : memref<!tpu.dma_semaphore, #tpu.memory_space<semaphore_mem>>
      %dma_start3A = arith.constant 0 : i32
      %dma_start3A_10 = tpu.memref_slice %arg2[%run_scoped3A, %dma_start3A] : memref<2x10000xf32, #tpu.memory_space<hbm>> -> memref<1x10000xf32, #tpu.memory_space<hbm>>
      %dma_start3A_11 = tpu.memref_squeeze %dma_start3A_10 : memref<1x10000xf32, #tpu.memory_space<hbm>> -> memref<10000xf32, #tpu.memory_space<hbm>>
      %dma_start3A_12 = arith.constant 0 : i32
      %dma_start3A_13 = tpu.memref_slice %arg2[%run_scoped3A, %dma_start3A_12] : memref<2x10000xf32, #tpu.memory_space<hbm>> -> memref<1x10000xf32, #tpu.memory_space<hbm>>
      %dma_start3A_14 = tpu.memref_squeeze %dma_start3A_13 : memref<1x10000xf32, #tpu.memory_space<hbm>> -> memref<10000xf32, #tpu.memory_space<hbm>>
      tpu.enqueue_dma source(%dma_start3A_14 : memref<10000xf32, #tpu.memory_space<hbm>>) target(%arg9 : memref<10000xf32, #tpu.memory_space<vmem>>) target_semaphore(%run_scoped3A_9 : memref<!tpu.dma_semaphore, #tpu.memory_space<semaphore_mem>>)
      %dma_wait3A = arith.constant 0 : i32
      %dma_wait3A_15 = tpu.memref_slice %arg2[%run_scoped3A, %dma_wait3A] : memref<2x10000xf32, #tpu.memory_space<hbm>> -> memref<1x10000xf32, #tpu.memory_space<hbm>>
      %dma_wait3A_16 = tpu.memref_squeeze %dma_wait3A_15 : memref<1x10000xf32, #tpu.memory_space<hbm>> -> memref<10000xf32, #tpu.memory_space<hbm>>
      %dma_wait3A_17 = arith.constant 0 : i32
      %dma_wait3A_18 = tpu.memref_slice %arg2[%run_scoped3A, %dma_wait3A_17] : memref<2x10000xf32, #tpu.memory_space<hbm>> -> memref<1x10000xf32, #tpu.memory_space<hbm>>
      %dma_wait3A_19 = tpu.memref_squeeze %dma_wait3A_18 : memref<1x10000xf32, #tpu.memory_space<hbm>> -> memref<10000xf32, #tpu.memory_space<hbm>>
      tpu.wait_dma2 semaphore(%run_scoped3A_9 : memref<!tpu.dma_semaphore, #tpu.memory_space<semaphore_mem>>) src(%dma_wait3A_19 : memref<10000xf32, #tpu.memory_space<hbm>>) dst(%arg9 : memref<10000xf32, #tpu.memory_space<vmem>>)
      tpu.yield
    }) : () -> ()
    %run_scoped3A_1 = arith.constant 1 : i32
    "tpu.region"() ({
      %run_scoped3A_9 = tpu.sem_alloc : memref<!tpu.dma_semaphore, #tpu.memory_space<semaphore_mem>>
      %dma_start3A = arith.constant 0 : i32
      %dma_start3A_10 = tpu.memref_slice %arg2[%run_scoped3A_1, %dma_start3A] : memref<2x10000xf32, #tpu.memory_space<hbm>> -> memref<1x10000xf32, #tpu.memory_space<hbm>>
      %dma_start3A_11 = tpu.memref_squeeze %dma_start3A_10 : memref<1x10000xf32, #tpu.memory_space<hbm>> -> memref<10000xf32, #tpu.memory_space<hbm>>
      %dma_start3A_12 = arith.constant 0 : i32
      %dma_start3A_13 = tpu.memref_slice %arg2[%run_scoped3A_1, %dma_start3A_12] : memref<2x10000xf32, #tpu.memory_space<hbm>> -> memref<1x10000xf32, #tpu.memory_space<hbm>>
      %dma_start3A_14 = tpu.memref_squeeze %dma_start3A_13 : memref<1x10000xf32, #tpu.memory_space<hbm>> -> memref<10000xf32, #tpu.memory_space<hbm>>
      tpu.enqueue_dma source(%dma_start3A_14 : memref<10000xf32, #tpu.memory_space<hbm>>) target(%arg10 : memref<10000xf32, #tpu.memory_space<vmem>>) target_semaphore(%run_scoped3A_9 : memref<!tpu.dma_semaphore, #tpu.memory_space<semaphore_mem>>)
      %dma_wait3A = arith.constant 0 : i32
      %dma_wait3A_15 = tpu.memref_slice %arg2[%run_scoped3A_1, %dma_wait3A] : memref<2x10000xf32, #tpu.memory_space<hbm>> -> memref<1x10000xf32, #tpu.memory_space<hbm>>
      %dma_wait3A_16 = tpu.memref_squeeze %dma_wait3A_15 : memref<1x10000xf32, #tpu.memory_space<hbm>> -> memref<10000xf32, #tpu.memory_space<hbm>>
      %dma_wait3A_17 = arith.constant 0 : i32
      %dma_wait3A_18 = tpu.memref_slice %arg2[%run_scoped3A_1, %dma_wait3A_17] : memref<2x10000xf32, #tpu.memory_space<hbm>> -> memref<1x10000xf32, #tpu.memory_space<hbm>>
      %dma_wait3A_19 = tpu.memref_squeeze %dma_wait3A_18 : memref<1x10000xf32, #tpu.memory_space<hbm>> -> memref<10000xf32, #tpu.memory_space<hbm>>
      tpu.wait_dma2 semaphore(%run_scoped3A_9 : memref<!tpu.dma_semaphore, #tpu.memory_space<semaphore_mem>>) src(%dma_wait3A_19 : memref<10000xf32, #tpu.memory_space<hbm>>) dst(%arg10 : memref<10000xf32, #tpu.memory_space<vmem>>)
      tpu.yield
    }) : () -> ()
    "tpu.region"() ({
      %run_scoped3A_9 = tpu.sem_alloc : memref<!tpu.dma_semaphore, #tpu.memory_space<semaphore_mem>>
      %dma_start3A = arith.constant 0 : i32
      %dma_start3A_10 = tpu.memref_slice %arg3[%add3A, %dma_start3A] : memref<32x10000xi32, #tpu.memory_space<hbm>> -> memref<1x10000xi32, #tpu.memory_space<hbm>>
      %dma_start3A_11 = tpu.memref_squeeze %dma_start3A_10 : memref<1x10000xi32, #tpu.memory_space<hbm>> -> memref<10000xi32, #tpu.memory_space<hbm>>
      %dma_start3A_12 = arith.constant 0 : i32
      %dma_start3A_13 = tpu.memref_slice %arg3[%add3A, %dma_start3A_12] : memref<32x10000xi32, #tpu.memory_space<hbm>> -> memref<1x10000xi32, #tpu.memory_space<hbm>>
      %dma_start3A_14 = tpu.memref_squeeze %dma_start3A_13 : memref<1x10000xi32, #tpu.memory_space<hbm>> -> memref<10000xi32, #tpu.memory_space<hbm>>
      tpu.enqueue_dma source(%dma_start3A_14 : memref<10000xi32, #tpu.memory_space<hbm>>) target(%arg11 : memref<10000xi32, #tpu.memory_space<vmem>>) target_semaphore(%run_scoped3A_9 : memref<!tpu.dma_semaphore, #tpu.memory_space<semaphore_mem>>)
      %dma_wait3A = arith.constant 0 : i32
      %dma_wait3A_15 = tpu.memref_slice %arg3[%add3A, %dma_wait3A] : memref<32x10000xi32, #tpu.memory_space<hbm>> -> memref<1x10000xi32, #tpu.memory_space<hbm>>
      %dma_wait3A_16 = tpu.memref_squeeze %dma_wait3A_15 : memref<1x10000xi32, #tpu.memory_space<hbm>> -> memref<10000xi32, #tpu.memory_space<hbm>>
      %dma_wait3A_17 = arith.constant 0 : i32
      %dma_wait3A_18 = tpu.memref_slice %arg3[%add3A, %dma_wait3A_17] : memref<32x10000xi32, #tpu.memory_space<hbm>> -> memref<1x10000xi32, #tpu.memory_space<hbm>>
      %dma_wait3A_19 = tpu.memref_squeeze %dma_wait3A_18 : memref<1x10000xi32, #tpu.memory_space<hbm>> -> memref<10000xi32, #tpu.memory_space<hbm>>
      tpu.wait_dma2 semaphore(%run_scoped3A_9 : memref<!tpu.dma_semaphore, #tpu.memory_space<semaphore_mem>>) src(%dma_wait3A_19 : memref<10000xi32, #tpu.memory_space<hbm>>) dst(%arg11 : memref<10000xi32, #tpu.memory_space<vmem>>)
      tpu.yield
    }) : () -> ()
    "tpu.region"() ({
      %run_scoped3A_9 = tpu.sem_alloc : memref<!tpu.dma_semaphore, #tpu.memory_space<semaphore_mem>>
      %dma_start3A = arith.constant 0 : i32
      %dma_start3A_10 = tpu.memref_slice %arg4[%add3A, %dma_start3A] : memref<32x10000xi32, #tpu.memory_space<hbm>> -> memref<1x10000xi32, #tpu.memory_space<hbm>>
      %dma_start3A_11 = tpu.memref_squeeze %dma_start3A_10 : memref<1x10000xi32, #tpu.memory_space<hbm>> -> memref<10000xi32, #tpu.memory_space<hbm>>
      %dma_start3A_12 = arith.constant 0 : i32
      %dma_start3A_13 = tpu.memref_slice %arg4[%add3A, %dma_start3A_12] : memref<32x10000xi32, #tpu.memory_space<hbm>> -> memref<1x10000xi32, #tpu.memory_space<hbm>>
      %dma_start3A_14 = tpu.memref_squeeze %dma_start3A_13 : memref<1x10000xi32, #tpu.memory_space<hbm>> -> memref<10000xi32, #tpu.memory_space<hbm>>
      tpu.enqueue_dma source(%dma_start3A_14 : memref<10000xi32, #tpu.memory_space<hbm>>) target(%arg12 : memref<10000xi32, #tpu.memory_space<vmem>>) target_semaphore(%run_scoped3A_9 : memref<!tpu.dma_semaphore, #tpu.memory_space<semaphore_mem>>)
      %dma_wait3A = arith.constant 0 : i32
      %dma_wait3A_15 = tpu.memref_slice %arg4[%add3A, %dma_wait3A] : memref<32x10000xi32, #tpu.memory_space<hbm>> -> memref<1x10000xi32, #tpu.memory_space<hbm>>
      %dma_wait3A_16 = tpu.memref_squeeze %dma_wait3A_15 : memref<1x10000xi32, #tpu.memory_space<hbm>> -> memref<10000xi32, #tpu.memory_space<hbm>>
      %dma_wait3A_17 = arith.constant 0 : i32
      %dma_wait3A_18 = tpu.memref_slice %arg4[%add3A, %dma_wait3A_17] : memref<32x10000xi32, #tpu.memory_space<hbm>> -> memref<1x10000xi32, #tpu.memory_space<hbm>>
      %dma_wait3A_19 = tpu.memref_squeeze %dma_wait3A_18 : memref<1x10000xi32, #tpu.memory_space<hbm>> -> memref<10000xi32, #tpu.memory_space<hbm>>
      tpu.wait_dma2 semaphore(%run_scoped3A_9 : memref<!tpu.dma_semaphore, #tpu.memory_space<semaphore_mem>>) src(%dma_wait3A_19 : memref<10000xi32, #tpu.memory_space<hbm>>) dst(%arg12 : memref<10000xi32, #tpu.memory_space<vmem>>)
      tpu.yield
    }) : () -> ()
    %scan3A = arith.constant 0 : i32
    %scan3A_2 = arith.constant 0 : i32
    %scan3A_3 = arith.constant 625 : i32
    %scan3A_4 = arith.addi %scan3A_2, %scan3A_3 : i32
    %scan3A_5 = arith.constant 1 : i32
    scf.for %scan3A_9 = %scan3A_2 to %scan3A_4 step %scan3A_5  : i32 {
      %mul3A_10 = arith.constant 16 : i32
      %mul3A_11 = arith.muli %scan3A_9, %mul3A_10 : i32
      %get3A = arith.index_cast %mul3A_11 : i32 to index
      %get3A_12 = tpu.vector_load %arg11[%get3A] {strides = array<i32>} : memref<10000xi32, #tpu.memory_space<vmem>>, vector<16xi32>,
      %get3A_13 = arith.index_cast %mul3A_11 : i32 to index
      %get3A_14 = tpu.vector_load %arg12[%get3A_13] {strides = array<i32>} : memref<10000xi32, #tpu.memory_space<vmem>>, vector<16xi32>,
      %gather3A = tpu.vector_load_idx %arg9[%get3A_12] : memref<10000xf32, #tpu.memory_space<vmem>>[vector<16xi32>], vector<16xf32>,
      %swap3A = arith.index_cast %mul3A_11 : i32 to index
      %swap3A_15 = tpu.vector_load %arg13[%swap3A] {strides = array<i32>} : memref<10000xf32, #tpu.memory_space<vmem>>, vector<16xf32>,
      tpu.vector_store %arg13[%swap3A], %gather3A {strides = array<i32>} : memref<10000xf32, #tpu.memory_space<vmem>>, vector<16xf32>,
      %gather3A_16 = tpu.vector_load_idx %arg10[%get3A_12] : memref<10000xf32, #tpu.memory_space<vmem>>[vector<16xi32>], vector<16xf32>,
      %swap3A_17 = arith.index_cast %mul3A_11 : i32 to index
      %swap3A_18 = tpu.vector_load %arg14[%swap3A_17] {strides = array<i32>} : memref<10000xf32, #tpu.memory_space<vmem>>, vector<16xf32>,
      tpu.vector_store %arg14[%swap3A_17], %gather3A_16 {strides = array<i32>} : memref<10000xf32, #tpu.memory_space<vmem>>, vector<16xf32>,
      %gather3A_19 = tpu.vector_load_idx %arg9[%get3A_14] : memref<10000xf32, #tpu.memory_space<vmem>>[vector<16xi32>], vector<16xf32>,
      %swap3A_20 = arith.index_cast %mul3A_11 : i32 to index
      %swap3A_21 = tpu.vector_load %arg15[%swap3A_20] {strides = array<i32>} : memref<10000xf32, #tpu.memory_space<vmem>>, vector<16xf32>,
      tpu.vector_store %arg15[%swap3A_20], %gather3A_19 {strides = array<i32>} : memref<10000xf32, #tpu.memory_space<vmem>>, vector<16xf32>,
      %gather3A_22 = tpu.vector_load_idx %arg10[%get3A_14] : memref<10000xf32, #tpu.memory_space<vmem>>[vector<16xi32>], vector<16xf32>,
      %swap3A_23 = arith.index_cast %mul3A_11 : i32 to index
      %swap3A_24 = tpu.vector_load %arg16[%swap3A_23] {strides = array<i32>} : memref<10000xf32, #tpu.memory_space<vmem>>, vector<16xf32>,
      tpu.vector_store %arg16[%swap3A_23], %gather3A_22 {strides = array<i32>} : memref<10000xf32, #tpu.memory_space<vmem>>, vector<16xf32>,
    }
    %scan3A_6 = arith.constant 625 : i32
    %mul3A_7 = arith.constant 10000 : i32
    %mul3A_8 = arith.muli %add3A, %mul3A_7 : i32
    "tpu.region"() ({
      %run_scoped3A_9 = tpu.sem_alloc : memref<!tpu.dma_semaphore, #tpu.memory_space<semaphore_mem>>
      %dma_start3A = tpu.memref_slice %arg5[%mul3A_8] : memref<320000xf32, #tpu.memory_space<hbm>> -> memref<10000xf32, #tpu.memory_space<hbm>>
      %dma_start3A_10 = tpu.memref_slice %arg5[%mul3A_8] : memref<320000xf32, #tpu.memory_space<hbm>> -> memref<10000xf32, #tpu.memory_space<hbm>>
      tpu.enqueue_dma source(%arg13 : memref<10000xf32, #tpu.memory_space<vmem>>) target(%dma_start3A_10 : memref<10000xf32, #tpu.memory_space<hbm>>) target_semaphore(%run_scoped3A_9 : memref<!tpu.dma_semaphore, #tpu.memory_space<semaphore_mem>>)
      %dma_wait3A = tpu.memref_slice %arg5[%mul3A_8] : memref<320000xf32, #tpu.memory_space<hbm>> -> memref<10000xf32, #tpu.memory_space<hbm>>
      %dma_wait3A_11 = tpu.memref_slice %arg5[%mul3A_8] : memref<320000xf32, #tpu.memory_space<hbm>> -> memref<10000xf32, #tpu.memory_space<hbm>>
      tpu.wait_dma2 semaphore(%run_scoped3A_9 : memref<!tpu.dma_semaphore, #tpu.memory_space<semaphore_mem>>) src(%arg13 : memref<10000xf32, #tpu.memory_space<vmem>>) dst(%dma_wait3A_11 : memref<10000xf32, #tpu.memory_space<hbm>>)
      tpu.yield
    }) : () -> ()
    "tpu.region"() ({
      %run_scoped3A_9 = tpu.sem_alloc : memref<!tpu.dma_semaphore, #tpu.memory_space<semaphore_mem>>
      %dma_start3A = tpu.memref_slice %arg6[%mul3A_8] : memref<320000xf32, #tpu.memory_space<hbm>> -> memref<10000xf32, #tpu.memory_space<hbm>>
      %dma_start3A_10 = tpu.memref_slice %arg6[%mul3A_8] : memref<320000xf32, #tpu.memory_space<hbm>> -> memref<10000xf32, #tpu.memory_space<hbm>>
      tpu.enqueue_dma source(%arg14 : memref<10000xf32, #tpu.memory_space<vmem>>) target(%dma_start3A_10 : memref<10000xf32, #tpu.memory_space<hbm>>) target_semaphore(%run_scoped3A_9 : memref<!tpu.dma_semaphore, #tpu.memory_space<semaphore_mem>>)
      %dma_wait3A = tpu.memref_slice %arg6[%mul3A_8] : memref<320000xf32, #tpu.memory_space<hbm>> -> memref<10000xf32, #tpu.memory_space<hbm>>
      %dma_wait3A_11 = tpu.memref_slice %arg6[%mul3A_8] : memref<320000xf32, #tpu.memory_space<hbm>> -> memref<10000xf32, #tpu.memory_space<hbm>>
      tpu.wait_dma2 semaphore(%run_scoped3A_9 : memref<!tpu.dma_semaphore, #tpu.memory_space<semaphore_mem>>) src(%arg14 : memref<10000xf32, #tpu.memory_space<vmem>>) dst(%dma_wait3A_11 : memref<10000xf32, #tpu.memory_space<hbm>>)
      tpu.yield
    }) : () -> ()
    "tpu.region"() ({
      %run_scoped3A_9 = tpu.sem_alloc : memref<!tpu.dma_semaphore, #tpu.memory_space<semaphore_mem>>
      %dma_start3A = tpu.memref_slice %arg7[%mul3A_8] : memref<320000xf32, #tpu.memory_space<hbm>> -> memref<10000xf32, #tpu.memory_space<hbm>>
      %dma_start3A_10 = tpu.memref_slice %arg7[%mul3A_8] : memref<320000xf32, #tpu.memory_space<hbm>> -> memref<10000xf32, #tpu.memory_space<hbm>>
      tpu.enqueue_dma source(%arg15 : memref<10000xf32, #tpu.memory_space<vmem>>) target(%dma_start3A_10 : memref<10000xf32, #tpu.memory_space<hbm>>) target_semaphore(%run_scoped3A_9 : memref<!tpu.dma_semaphore, #tpu.memory_space<semaphore_mem>>)
      %dma_wait3A = tpu.memref_slice %arg7[%mul3A_8] : memref<320000xf32, #tpu.memory_space<hbm>> -> memref<10000xf32, #tpu.memory_space<hbm>>
      %dma_wait3A_11 = tpu.memref_slice %arg7[%mul3A_8] : memref<320000xf32, #tpu.memory_space<hbm>> -> memref<10000xf32, #tpu.memory_space<hbm>>
      tpu.wait_dma2 semaphore(%run_scoped3A_9 : memref<!tpu.dma_semaphore, #tpu.memory_space<semaphore_mem>>) src(%arg15 : memref<10000xf32, #tpu.memory_space<vmem>>) dst(%dma_wait3A_11 : memref<10000xf32, #tpu.memory_space<hbm>>)
      tpu.yield
    }) : () -> ()
    "tpu.region"() ({
      %run_scoped3A_9 = tpu.sem_alloc : memref<!tpu.dma_semaphore, #tpu.memory_space<semaphore_mem>>
      %dma_start3A = tpu.memref_slice %arg8[%mul3A_8] : memref<320000xf32, #tpu.memory_space<hbm>> -> memref<10000xf32, #tpu.memory_space<hbm>>
      %dma_start3A_10 = tpu.memref_slice %arg8[%mul3A_8] : memref<320000xf32, #tpu.memory_space<hbm>> -> memref<10000xf32, #tpu.memory_space<hbm>>
      tpu.enqueue_dma source(%arg16 : memref<10000xf32, #tpu.memory_space<vmem>>) target(%dma_start3A_10 : memref<10000xf32, #tpu.memory_space<hbm>>) target_semaphore(%run_scoped3A_9 : memref<!tpu.dma_semaphore, #tpu.memory_space<semaphore_mem>>)
      %dma_wait3A = tpu.memref_slice %arg8[%mul3A_8] : memref<320000xf32, #tpu.memory_space<hbm>> -> memref<10000xf32, #tpu.memory_space<hbm>>
      %dma_wait3A_11 = tpu.memref_slice %arg8[%mul3A_8] : memref<320000xf32, #tpu.memory_space<hbm>> -> memref<10000xf32, #tpu.memory_space<hbm>>
      tpu.wait_dma2 semaphore(%run_scoped3A_9 : memref<!tpu.dma_semaphore, #tpu.memory_space<semaphore_mem>>) src(%arg16 : memref<10000xf32, #tpu.memory_space<vmem>>) dst(%dma_wait3A_11 : memref<10000xf32, #tpu.memory_space<hbm>>)
      tpu.yield
    }) : () -> ()
    return
  }
}

module attributes {stable_mosaic.version = 14 : i64} {
  func.func @body(%arg0: memref<10000x16xf32, #tpu.memory_space<vmem>>, %arg1: memref<16x128xf32, #tpu.memory_space<vmem>>, %arg2: memref<1x128xf32, #tpu.memory_space<vmem>>, %arg3: memref<10000x128xf32, #tpu.memory_space<vmem>>) attributes {dimension_semantics = [], scalar_prefetch = 0 : i64, scratch_operands = 0 : i64, tpu.core_type = #tpu.core_type<tc>} {
    %get3A = arith.constant 0 : index
    %get3A_0 = arith.constant 0 : index
    %get3A_1 = vector.load %arg0[%get3A, %get3A_0] : memref<10000x16xf32, #tpu.memory_space<vmem>>, vector<10000x16xf32>
    %get3A_2 = arith.constant 0 : index
    %get3A_3 = arith.constant 0 : index
    %get3A_4 = vector.load %arg1[%get3A_2, %get3A_3] : memref<16x128xf32, #tpu.memory_space<vmem>>, vector<16x128xf32>
    %dot_general3A = arith.constant dense<0.000000e+00> : vector<10000x128xf32>
    %dot_general3A_5 = tpu.matmul %get3A_1, %get3A_4, %dot_general3A {dimension_numbers = #tpu.dot_dimension_numbers<[1], [0], [0], [1], [0, 0, 1, 1], [], []>, transpose_lhs_hint = false} : vector<10000x16xf32>, vector<16x128xf32>, vector<10000x128xf32> -> vector<10000x128xf32>
    %get3A_6 = arith.constant 0 : index
    %get3A_7 = arith.constant 0 : index
    %get3A_8 = vector.load %arg2[%get3A_6, %get3A_7] : memref<1x128xf32, #tpu.memory_space<vmem>>, vector<1x128xf32>
    %add3A = vector.broadcast %get3A_8 : vector<1x128xf32> to vector<10000x128xf32>
    %add3A_9 = arith.addf %dot_general3A_5, %add3A : vector<10000x128xf32>
    %max3A = arith.constant 0.000000e+00 : f32
    %max3A_10 = vector.broadcast %max3A : f32 to vector<10000x128xf32>
    %max3A_11 = arith.maximumf %add3A_9, %max3A_10 : vector<10000x128xf32>
    %swap3A = arith.constant 0 : index
    %swap3A_12 = arith.constant 0 : index
    %swap3A_13 = vector.load %arg3[%swap3A, %swap3A_12] : memref<10000x128xf32, #tpu.memory_space<vmem>>, vector<10000x128xf32>
    tpu.vector_store %arg3[%swap3A, %swap3A_12], %max3A_11 {strides = array<i32>} : memref<10000x128xf32, #tpu.memory_space<vmem>>, vector<10000x128xf32>,
    return
  }
}

module attributes {stable_mosaic.version = 14 : i64} {
  func.func @body0(%arg0: i32, %arg1: memref<512x128xf32, #tpu.memory_space<vmem>>, %arg2: memref<512x128xf32, #tpu.memory_space<vmem>>, %arg3: memref<512x8xf32, #tpu.memory_space<vmem>>, %arg4: memref<8x128xf32, #tpu.memory_space<vmem>>, %arg5: memref<1x128xf32, #tpu.memory_space<vmem>>, %arg6: memref<256x128xf32, #tpu.memory_space<vmem>>, %arg7: memref<128x128xf32, #tpu.memory_space<vmem>>, %arg8: memref<1x128xf32, #tpu.memory_space<vmem>>, %arg9: memref<512x128xf32, #tpu.memory_space<vmem>>) attributes {dimension_semantics = [#tpu.dimension_semantics<arbitrary>], iteration_bounds = array<i64: 625>, scalar_prefetch = 0 : i64, scratch_operands = 0 : i64, tpu.core_type = #tpu.core_type<tc>, window_params = [{transform_indices = @transform_0, window_bounds = array<i64: 512, 128>}, {transform_indices = @transform_1, window_bounds = array<i64: 512, 128>}, {transform_indices = @transform_2, window_bounds = array<i64: 512, 8>}, {pipeline_mode = #tpu.pipeline_mode<synchronous>, transform_indices = @transform_3, window_bounds = array<i64: 8, 128>}, {pipeline_mode = #tpu.pipeline_mode<synchronous>, transform_indices = @transform_4, window_bounds = array<i64: 1, 128>}, {pipeline_mode = #tpu.pipeline_mode<synchronous>, transform_indices = @transform_5, window_bounds = array<i64: 256, 128>}, {pipeline_mode = #tpu.pipeline_mode<synchronous>, transform_indices = @transform_6, window_bounds = array<i64: 128, 128>}, {pipeline_mode = #tpu.pipeline_mode<synchronous>, transform_indices = @transform_7, window_bounds = array<i64: 1, 128>}, {transform_indices = @transform_8, window_bounds = array<i64: 512, 128>}]} {
    %get3A = arith.constant 0 : index
    %get3A_0 = arith.constant 0 : index
    %get3A_1 = vector.load %arg3[%get3A, %get3A_0] : memref<512x8xf32, #tpu.memory_space<vmem>>, vector<512x8xf32>
    %get3A_2 = arith.constant 0 : index
    %get3A_3 = arith.constant 0 : index
    %get3A_4 = vector.load %arg4[%get3A_2, %get3A_3] : memref<8x128xf32, #tpu.memory_space<vmem>>, vector<8x128xf32>
    %dot_general3A = arith.constant dense<0.000000e+00> : vector<512x128xf32>
    %dot_general3A_5 = tpu.matmul %get3A_1, %get3A_4, %dot_general3A {dimension_numbers = #tpu.dot_dimension_numbers<[1], [0], [0], [1], [0, 0, 1, 1], [], []>, transpose_lhs_hint = false} : vector<512x8xf32>, vector<8x128xf32>, vector<512x128xf32> -> vector<512x128xf32>
    %get3A_6 = arith.constant 0 : index
    %get3A_7 = arith.constant 0 : index
    %get3A_8 = vector.load %arg5[%get3A_6, %get3A_7] : memref<1x128xf32, #tpu.memory_space<vmem>>, vector<1x128xf32>
    %add3A = vector.broadcast %get3A_8 : vector<1x128xf32> to vector<512x128xf32>
    %add3A_9 = arith.addf %dot_general3A_5, %add3A : vector<512x128xf32>
    %max3A = arith.constant 0.000000e+00 : f32
    %max3A_10 = vector.broadcast %max3A : f32 to vector<512x128xf32>
    %max3A_11 = arith.maximumf %add3A_9, %max3A_10 : vector<512x128xf32>
    %get3A_12 = arith.constant 0 : index
    %get3A_13 = arith.constant 0 : index
    %get3A_14 = vector.load %arg1[%get3A_12, %get3A_13] : memref<512x128xf32, #tpu.memory_space<vmem>>, vector<512x128xf32>
    %get3A_15 = arith.constant 0 : index
    %get3A_16 = arith.constant 0 : index
    %get3A_17 = vector.load %arg2[%get3A_15, %get3A_16] : memref<512x128xf32, #tpu.memory_space<vmem>>, vector<512x128xf32>
    %concatenate3A = tpu.concatenate %get3A_14, %get3A_17 in 1 : vector<512x128xf32>, vector<512x128xf32> -> vector<512x256xf32>
    %get3A_18 = arith.constant 0 : index
    %get3A_19 = arith.constant 0 : index
    %get3A_20 = vector.load %arg6[%get3A_18, %get3A_19] : memref<256x128xf32, #tpu.memory_space<vmem>>, vector<256x128xf32>
    %dot_general3A_21 = arith.constant dense<0.000000e+00> : vector<512x128xf32>
    %dot_general3A_22 = tpu.matmul %concatenate3A, %get3A_20, %dot_general3A_21 {dimension_numbers = #tpu.dot_dimension_numbers<[1], [0], [0], [1], [0, 0, 1, 1], [], []>, transpose_lhs_hint = false} : vector<512x256xf32>, vector<256x128xf32>, vector<512x128xf32> -> vector<512x128xf32>
    %get3A_23 = arith.constant 0 : index
    %get3A_24 = arith.constant 0 : index
    %get3A_25 = vector.load %arg7[%get3A_23, %get3A_24] : memref<128x128xf32, #tpu.memory_space<vmem>>, vector<128x128xf32>
    %dot_general3A_26 = arith.constant dense<0.000000e+00> : vector<512x128xf32>
    %dot_general3A_27 = tpu.matmul %max3A_11, %get3A_25, %dot_general3A_26 {dimension_numbers = #tpu.dot_dimension_numbers<[1], [0], [0], [1], [0, 0, 1, 1], [], []>, transpose_lhs_hint = false} : vector<512x128xf32>, vector<128x128xf32>, vector<512x128xf32> -> vector<512x128xf32>
    %add3A_28 = arith.addf %dot_general3A_22, %dot_general3A_27 : vector<512x128xf32>
    %get3A_29 = arith.constant 0 : index
    %get3A_30 = arith.constant 0 : index
    %get3A_31 = vector.load %arg8[%get3A_29, %get3A_30] : memref<1x128xf32, #tpu.memory_space<vmem>>, vector<1x128xf32>
    %add3A_32 = vector.broadcast %get3A_31 : vector<1x128xf32> to vector<512x128xf32>
    %add3A_33 = arith.addf %add3A_28, %add3A_32 : vector<512x128xf32>
    %max3A_34 = arith.constant 0.000000e+00 : f32
    %max3A_35 = vector.broadcast %max3A_34 : f32 to vector<512x128xf32>
    %max3A_36 = arith.maximumf %add3A_33, %max3A_35 : vector<512x128xf32>
    %add3A_37 = arith.addf %max3A_11, %max3A_36 : vector<512x128xf32>
    %swap3A = arith.constant 0 : index
    %swap3A_38 = arith.constant 0 : index
    %swap3A_39 = vector.load %arg9[%swap3A, %swap3A_38] : memref<512x128xf32, #tpu.memory_space<vmem>>, vector<512x128xf32>
    tpu.vector_store %arg9[%swap3A, %swap3A_38], %add3A_37 {strides = array<i32>} : memref<512x128xf32, #tpu.memory_space<vmem>>, vector<512x128xf32>,
    return
  }
  func.func @transform_0(%arg0: i32) -> (i32, i32) {
    %c0_i32 = arith.constant 0 : i32
    %c0_i32_0 = arith.constant 0 : i32
    return %arg0, %c0_i32 : i32, i32
  }
  func.func @transform_1(%arg0: i32) -> (i32, i32) {
    %c0_i32 = arith.constant 0 : i32
    %c0_i32_0 = arith.constant 0 : i32
    return %arg0, %c0_i32 : i32, i32
  }
  func.func @transform_2(%arg0: i32) -> (i32, i32) {
    %c0_i32 = arith.constant 0 : i32
    %c0_i32_0 = arith.constant 0 : i32
    return %arg0, %c0_i32 : i32, i32
  }
  func.func @transform_3(%arg0: i32) -> (i32, i32) {
    %c0_i32 = arith.constant 0 : i32
    %c0_i32_0 = arith.constant 0 : i32
    %c0_i32_1 = arith.constant 0 : i32
    return %c0_i32, %c0_i32_0 : i32, i32
  }
  func.func @transform_4(%arg0: i32) -> (i32, i32) {
    %c0_i32 = arith.constant 0 : i32
    %c0_i32_0 = arith.constant 0 : i32
    %c0_i32_1 = arith.constant 0 : i32
    return %c0_i32, %c0_i32_0 : i32, i32
  }
  func.func @transform_5(%arg0: i32) -> (i32, i32) {
    %c0_i32 = arith.constant 0 : i32
    %c0_i32_0 = arith.constant 0 : i32
    %c0_i32_1 = arith.constant 0 : i32
    return %c0_i32, %c0_i32_0 : i32, i32
  }
  func.func @transform_6(%arg0: i32) -> (i32, i32) {
    %c0_i32 = arith.constant 0 : i32
    %c0_i32_0 = arith.constant 0 : i32
    %c0_i32_1 = arith.constant 0 : i32
    return %c0_i32, %c0_i32_0 : i32, i32
  }
  func.func @transform_7(%arg0: i32) -> (i32, i32) {
    %c0_i32 = arith.constant 0 : i32
    %c0_i32_0 = arith.constant 0 : i32
    %c0_i32_1 = arith.constant 0 : i32
    return %c0_i32, %c0_i32_0 : i32, i32
  }
  func.func @transform_8(%arg0: i32) -> (i32, i32) {
    %c0_i32 = arith.constant 0 : i32
    %c0_i32_0 = arith.constant 0 : i32
    return %arg0, %c0_i32 : i32, i32
  }
}

module attributes {stable_mosaic.version = 14 : i64} {
  func.func @body(%arg0: i32, %arg1: memref<2000x128xf32, #tpu.memory_space<vmem>>, %arg2: memref<2000x128xf32, #tpu.memory_space<vmem>>, %arg3: memref<256x128xf32, #tpu.memory_space<vmem>>, %arg4: memref<1x128xf32, #tpu.memory_space<vmem>>, %arg5: memref<2000x128xf32, #tpu.memory_space<vmem>>) attributes {dimension_semantics = [#tpu.dimension_semantics<arbitrary>], iteration_bounds = array<i64: 5>, scalar_prefetch = 0 : i64, scratch_operands = 0 : i64, tpu.core_type = #tpu.core_type<tc>, window_params = [{transform_indices = @transform_0, window_bounds = array<i64: 2000, 128>}, {transform_indices = @transform_1, window_bounds = array<i64: 2000, 128>}, {pipeline_mode = #tpu.pipeline_mode<synchronous>, transform_indices = @transform_2, window_bounds = array<i64: 256, 128>}, {pipeline_mode = #tpu.pipeline_mode<synchronous>, transform_indices = @transform_3, window_bounds = array<i64: 1, 128>}, {transform_indices = @transform_4, window_bounds = array<i64: 2000, 128>}]} {
    %get3A = arith.constant 0 : index
    %get3A_0 = arith.constant 0 : index
    %get3A_1 = vector.load %arg1[%get3A, %get3A_0] : memref<2000x128xf32, #tpu.memory_space<vmem>>, vector<2000x128xf32>
    %get3A_2 = arith.constant 0 : index
    %get3A_3 = arith.constant 0 : index
    %get3A_4 = vector.load %arg2[%get3A_2, %get3A_3] : memref<2000x128xf32, #tpu.memory_space<vmem>>, vector<2000x128xf32>
    %concatenate3A = tpu.concatenate %get3A_1, %get3A_4 in 1 : vector<2000x128xf32>, vector<2000x128xf32> -> vector<2000x256xf32>
    %get3A_5 = arith.constant 0 : index
    %get3A_6 = arith.constant 0 : index
    %get3A_7 = vector.load %arg3[%get3A_5, %get3A_6] : memref<256x128xf32, #tpu.memory_space<vmem>>, vector<256x128xf32>
    %dot_general3A = arith.constant dense<0.000000e+00> : vector<2000x128xf32>
    %dot_general3A_8 = tpu.matmul %concatenate3A, %get3A_7, %dot_general3A {dimension_numbers = #tpu.dot_dimension_numbers<[1], [0], [0], [1], [0, 0, 1, 1], [], []>, transpose_lhs_hint = false} : vector<2000x256xf32>, vector<256x128xf32>, vector<2000x128xf32> -> vector<2000x128xf32>
    %get3A_9 = arith.constant 0 : index
    %get3A_10 = arith.constant 0 : index
    %get3A_11 = vector.load %arg4[%get3A_9, %get3A_10] : memref<1x128xf32, #tpu.memory_space<vmem>>, vector<1x128xf32>
    %add3A = vector.broadcast %get3A_11 : vector<1x128xf32> to vector<2000x128xf32>
    %add3A_12 = arith.addf %dot_general3A_8, %add3A : vector<2000x128xf32>
    %max3A = arith.constant 0.000000e+00 : f32
    %max3A_13 = vector.broadcast %max3A : f32 to vector<2000x128xf32>
    %max3A_14 = arith.maximumf %add3A_12, %max3A_13 : vector<2000x128xf32>
    %add3A_15 = arith.addf %get3A_1, %max3A_14 : vector<2000x128xf32>
    %swap3A = arith.constant 0 : index
    %swap3A_16 = arith.constant 0 : index
    %swap3A_17 = vector.load %arg5[%swap3A, %swap3A_16] : memref<2000x128xf32, #tpu.memory_space<vmem>>, vector<2000x128xf32>
    tpu.vector_store %arg5[%swap3A, %swap3A_16], %add3A_15 {strides = array<i32>} : memref<2000x128xf32, #tpu.memory_space<vmem>>, vector<2000x128xf32>,
    return
  }
  func.func @transform_0(%arg0: i32) -> (i32, i32) {
    %c0_i32 = arith.constant 0 : i32
    %c0_i32_0 = arith.constant 0 : i32
    return %arg0, %c0_i32 : i32, i32
  }
  func.func @transform_1(%arg0: i32) -> (i32, i32) {
    %c0_i32 = arith.constant 0 : i32
    %c0_i32_0 = arith.constant 0 : i32
    return %arg0, %c0_i32 : i32, i32
  }
  func.func @transform_2(%arg0: i32) -> (i32, i32) {
    %c0_i32 = arith.constant 0 : i32
    %c0_i32_0 = arith.constant 0 : i32
    %c0_i32_1 = arith.constant 0 : i32
    return %c0_i32, %c0_i32_0 : i32, i32
  }
  func.func @transform_3(%arg0: i32) -> (i32, i32) {
    %c0_i32 = arith.constant 0 : i32
    %c0_i32_0 = arith.constant 0 : i32
    %c0_i32_1 = arith.constant 0 : i32
    return %c0_i32, %c0_i32_0 : i32, i32
  }
  func.func @transform_4(%arg0: i32) -> (i32, i32) {
    %c0_i32 = arith.constant 0 : i32
    %c0_i32_0 = arith.constant 0 : i32
    return %arg0, %c0_i32 : i32, i32
  }
}

module attributes {stable_mosaic.version = 14 : i64} {
  func.func @body(%arg0: i32, %arg1: memref<512x128xf32, #tpu.memory_space<vmem>>, %arg2: memref<512x128xf32, #tpu.memory_space<vmem>>, %arg3: memref<512x128xf32, #tpu.memory_space<vmem>>, %arg4: memref<256x128xf32, #tpu.memory_space<vmem>>, %arg5: memref<128x128xf32, #tpu.memory_space<vmem>>, %arg6: memref<1x128xf32, #tpu.memory_space<vmem>>, %arg7: memref<512x128xf32, #tpu.memory_space<vmem>>) attributes {dimension_semantics = [#tpu.dimension_semantics<arbitrary>], iteration_bounds = array<i64: 625>, scalar_prefetch = 0 : i64, scratch_operands = 0 : i64, tpu.core_type = #tpu.core_type<tc>, window_params = [{transform_indices = @transform_0, window_bounds = array<i64: 512, 128>}, {transform_indices = @transform_1, window_bounds = array<i64: 512, 128>}, {transform_indices = @transform_2, window_bounds = array<i64: 512, 128>}, {pipeline_mode = #tpu.pipeline_mode<synchronous>, transform_indices = @transform_3, window_bounds = array<i64: 256, 128>}, {pipeline_mode = #tpu.pipeline_mode<synchronous>, transform_indices = @transform_4, window_bounds = array<i64: 128, 128>}, {pipeline_mode = #tpu.pipeline_mode<synchronous>, transform_indices = @transform_5, window_bounds = array<i64: 1, 128>}, {transform_indices = @transform_6, window_bounds = array<i64: 512, 128>}]} {
    %get3A = arith.constant 0 : index
    %get3A_0 = arith.constant 0 : index
    %get3A_1 = vector.load %arg3[%get3A, %get3A_0] : memref<512x128xf32, #tpu.memory_space<vmem>>, vector<512x128xf32>
    %get3A_2 = arith.constant 0 : index
    %get3A_3 = arith.constant 0 : index
    %get3A_4 = vector.load %arg1[%get3A_2, %get3A_3] : memref<512x128xf32, #tpu.memory_space<vmem>>, vector<512x128xf32>
    %get3A_5 = arith.constant 0 : index
    %get3A_6 = arith.constant 0 : index
    %get3A_7 = vector.load %arg2[%get3A_5, %get3A_6] : memref<512x128xf32, #tpu.memory_space<vmem>>, vector<512x128xf32>
    %concatenate3A = tpu.concatenate %get3A_4, %get3A_7 in 1 : vector<512x128xf32>, vector<512x128xf32> -> vector<512x256xf32>
    %get3A_8 = arith.constant 0 : index
    %get3A_9 = arith.constant 0 : index
    %get3A_10 = vector.load %arg4[%get3A_8, %get3A_9] : memref<256x128xf32, #tpu.memory_space<vmem>>, vector<256x128xf32>
    %dot_general3A = arith.constant dense<0.000000e+00> : vector<512x128xf32>
    %dot_general3A_11 = tpu.matmul %concatenate3A, %get3A_10, %dot_general3A {dimension_numbers = #tpu.dot_dimension_numbers<[1], [0], [0], [1], [0, 0, 1, 1], [], []>, transpose_lhs_hint = false} : vector<512x256xf32>, vector<256x128xf32>, vector<512x128xf32> -> vector<512x128xf32>
    %get3A_12 = arith.constant 0 : index
    %get3A_13 = arith.constant 0 : index
    %get3A_14 = vector.load %arg5[%get3A_12, %get3A_13] : memref<128x128xf32, #tpu.memory_space<vmem>>, vector<128x128xf32>
    %dot_general3A_15 = arith.constant dense<0.000000e+00> : vector<512x128xf32>
    %dot_general3A_16 = tpu.matmul %get3A_1, %get3A_14, %dot_general3A_15 {dimension_numbers = #tpu.dot_dimension_numbers<[1], [0], [0], [1], [0, 0, 1, 1], [], []>, transpose_lhs_hint = false} : vector<512x128xf32>, vector<128x128xf32>, vector<512x128xf32> -> vector<512x128xf32>
    %add3A = arith.addf %dot_general3A_11, %dot_general3A_16 : vector<512x128xf32>
    %get3A_17 = arith.constant 0 : index
    %get3A_18 = arith.constant 0 : index
    %get3A_19 = vector.load %arg6[%get3A_17, %get3A_18] : memref<1x128xf32, #tpu.memory_space<vmem>>, vector<1x128xf32>
    %add3A_20 = vector.broadcast %get3A_19 : vector<1x128xf32> to vector<512x128xf32>
    %add3A_21 = arith.addf %add3A, %add3A_20 : vector<512x128xf32>
    %max3A = arith.constant 0.000000e+00 : f32
    %max3A_22 = vector.broadcast %max3A : f32 to vector<512x128xf32>
    %max3A_23 = arith.maximumf %add3A_21, %max3A_22 : vector<512x128xf32>
    %add3A_24 = arith.addf %get3A_1, %max3A_23 : vector<512x128xf32>
    %swap3A = arith.constant 0 : index
    %swap3A_25 = arith.constant 0 : index
    %swap3A_26 = vector.load %arg7[%swap3A, %swap3A_25] : memref<512x128xf32, #tpu.memory_space<vmem>>, vector<512x128xf32>
    tpu.vector_store %arg7[%swap3A, %swap3A_25], %add3A_24 {strides = array<i32>} : memref<512x128xf32, #tpu.memory_space<vmem>>, vector<512x128xf32>,
    return
  }
  func.func @transform_0(%arg0: i32) -> (i32, i32) {
    %c0_i32 = arith.constant 0 : i32
    %c0_i32_0 = arith.constant 0 : i32
    return %arg0, %c0_i32 : i32, i32
  }
  func.func @transform_1(%arg0: i32) -> (i32, i32) {
    %c0_i32 = arith.constant 0 : i32
    %c0_i32_0 = arith.constant 0 : i32
    return %arg0, %c0_i32 : i32, i32
  }
  func.func @transform_2(%arg0: i32) -> (i32, i32) {
    %c0_i32 = arith.constant 0 : i32
    %c0_i32_0 = arith.constant 0 : i32
    return %arg0, %c0_i32 : i32, i32
  }
  func.func @transform_3(%arg0: i32) -> (i32, i32) {
    %c0_i32 = arith.constant 0 : i32
    %c0_i32_0 = arith.constant 0 : i32
    %c0_i32_1 = arith.constant 0 : i32
    return %c0_i32, %c0_i32_0 : i32, i32
  }
  func.func @transform_4(%arg0: i32) -> (i32, i32) {
    %c0_i32 = arith.constant 0 : i32
    %c0_i32_0 = arith.constant 0 : i32
    %c0_i32_1 = arith.constant 0 : i32
    return %c0_i32, %c0_i32_0 : i32, i32
  }
  func.func @transform_5(%arg0: i32) -> (i32, i32) {
    %c0_i32 = arith.constant 0 : i32
    %c0_i32_0 = arith.constant 0 : i32
    %c0_i32_1 = arith.constant 0 : i32
    return %c0_i32, %c0_i32_0 : i32, i32
  }
  func.func @transform_6(%arg0: i32) -> (i32, i32) {
    %c0_i32 = arith.constant 0 : i32
    %c0_i32_0 = arith.constant 0 : i32
    return %arg0, %c0_i32 : i32, i32
  }
}

module attributes {stable_mosaic.version = 14 : i64} {
  func.func @body(%arg0: i32, %arg1: memref<2000x128xf32, #tpu.memory_space<vmem>>, %arg2: memref<2000x128xf32, #tpu.memory_space<vmem>>, %arg3: memref<256x128xf32, #tpu.memory_space<vmem>>, %arg4: memref<1x128xf32, #tpu.memory_space<vmem>>, %arg5: memref<128x128xf32, #tpu.memory_space<vmem>>, %arg6: memref<1x128xf32, #tpu.memory_space<vmem>>, %arg7: memref<2000x2xf32, #tpu.memory_space<vmem>>, %arg8: memref<1xi32, #tpu.memory_space<smem>>, %arg9: memref<2000x128xf32, #tpu.memory_space<vmem>>, %arg10: memref<2000x128xf32, #tpu.memory_space<vmem>>, %arg11: memref<8x128xf32, #tpu.memory_space<vmem>>) attributes {dimension_semantics = [#tpu.dimension_semantics<arbitrary>], iteration_bounds = array<i64: 5>, scalar_prefetch = 0 : i64, scratch_operands = 0 : i64, tpu.core_type = #tpu.core_type<tc>, window_params = [{transform_indices = @transform_0, window_bounds = array<i64: 2000, 128>}, {transform_indices = @transform_1, window_bounds = array<i64: 2000, 128>}, {pipeline_mode = #tpu.pipeline_mode<synchronous>, transform_indices = @transform_2, window_bounds = array<i64: 256, 128>}, {pipeline_mode = #tpu.pipeline_mode<synchronous>, transform_indices = @transform_3, window_bounds = array<i64: 1, 128>}, {pipeline_mode = #tpu.pipeline_mode<synchronous>, transform_indices = @transform_4, window_bounds = array<i64: 128, 128>}, {pipeline_mode = #tpu.pipeline_mode<synchronous>, transform_indices = @transform_5, window_bounds = array<i64: 1, 128>}, {transform_indices = @transform_6, window_bounds = array<i64: 2000, 2>}, {transform_indices = @transform_7, window_bounds = array<i64: 1>}, {transform_indices = @transform_8, window_bounds = array<i64: 2000, 128>}, {transform_indices = @transform_9, window_bounds = array<i64: 2000, 128>}, {pipeline_mode = #tpu.pipeline_mode<synchronous>, transform_indices = @transform_10, window_bounds = array<i64: 8, 128>}]} {
    %get3A = arith.constant 0 : index
    %get3A_0 = arith.constant 0 : index
    %get3A_1 = vector.load %arg1[%get3A, %get3A_0] : memref<2000x128xf32, #tpu.memory_space<vmem>>, vector<2000x128xf32>
    %get3A_2 = arith.constant 0 : index
    %get3A_3 = arith.constant 0 : index
    %get3A_4 = vector.load %arg2[%get3A_2, %get3A_3] : memref<2000x128xf32, #tpu.memory_space<vmem>>, vector<2000x128xf32>
    %concatenate3A = tpu.concatenate %get3A_1, %get3A_4 in 1 : vector<2000x128xf32>, vector<2000x128xf32> -> vector<2000x256xf32>
    %get3A_5 = arith.constant 0 : index
    %get3A_6 = arith.constant 0 : index
    %get3A_7 = vector.load %arg3[%get3A_5, %get3A_6] : memref<256x128xf32, #tpu.memory_space<vmem>>, vector<256x128xf32>
    %dot_general3A = arith.constant dense<0.000000e+00> : vector<2000x128xf32>
    %dot_general3A_8 = tpu.matmul %concatenate3A, %get3A_7, %dot_general3A {dimension_numbers = #tpu.dot_dimension_numbers<[1], [0], [0], [1], [0, 0, 1, 1], [], []>, transpose_lhs_hint = false} : vector<2000x256xf32>, vector<256x128xf32>, vector<2000x128xf32> -> vector<2000x128xf32>
    %get3A_9 = arith.constant 0 : index
    %get3A_10 = arith.constant 0 : index
    %get3A_11 = vector.load %arg4[%get3A_9, %get3A_10] : memref<1x128xf32, #tpu.memory_space<vmem>>, vector<1x128xf32>
    %add3A = vector.broadcast %get3A_11 : vector<1x128xf32> to vector<2000x128xf32>
    %add3A_12 = arith.addf %dot_general3A_8, %add3A : vector<2000x128xf32>
    %max3A = arith.constant 0.000000e+00 : f32
    %max3A_13 = vector.broadcast %max3A : f32 to vector<2000x128xf32>
    %max3A_14 = arith.maximumf %add3A_12, %max3A_13 : vector<2000x128xf32>
    %add3A_15 = arith.addf %get3A_1, %max3A_14 : vector<2000x128xf32>
    %get3A_16 = arith.constant 0 : index
    %get3A_17 = arith.constant 0 : index
    %get3A_18 = vector.load %arg5[%get3A_16, %get3A_17] : memref<128x128xf32, #tpu.memory_space<vmem>>, vector<128x128xf32>
    %dot_general3A_19 = arith.constant dense<0.000000e+00> : vector<2000x128xf32>
    %dot_general3A_20 = tpu.matmul %add3A_15, %get3A_18, %dot_general3A_19 {dimension_numbers = #tpu.dot_dimension_numbers<[1], [0], [0], [1], [0, 0, 1, 1], [], []>, transpose_lhs_hint = false} : vector<2000x128xf32>, vector<128x128xf32>, vector<2000x128xf32> -> vector<2000x128xf32>
    %get3A_21 = arith.constant 0 : index
    %get3A_22 = arith.constant 0 : index
    %get3A_23 = vector.load %arg6[%get3A_21, %get3A_22] : memref<1x128xf32, #tpu.memory_space<vmem>>, vector<1x128xf32>
    %add3A_24 = vector.broadcast %get3A_23 : vector<1x128xf32> to vector<2000x128xf32>
    %add3A_25 = arith.addf %dot_general3A_20, %add3A_24 : vector<2000x128xf32>
    %swap3A = arith.constant 0 : index
    %swap3A_26 = arith.constant 0 : index
    %swap3A_27 = vector.load %arg9[%swap3A, %swap3A_26] : memref<2000x128xf32, #tpu.memory_space<vmem>>, vector<2000x128xf32>
    tpu.vector_store %arg9[%swap3A, %swap3A_26], %add3A_25 {strides = array<i32>} : memref<2000x128xf32, #tpu.memory_space<vmem>>, vector<2000x128xf32>,
    %slice3A = vector.extract_strided_slice %add3A_25 {offsets = [0, 0], sizes = [2000, 1], strides = [1, 1]} : vector<2000x128xf32> to vector<2000x1xf32>
    %slice3A_28 = vector.extract_strided_slice %add3A_25 {offsets = [0, 1], sizes = [2000, 1], strides = [1, 1]} : vector<2000x128xf32> to vector<2000x1xf32>
    %cos3A = math.cos %slice3A : vector<2000x1xf32>
    %mul3A = arith.mulf %slice3A_28, %cos3A : vector<2000x1xf32>
    %sin3A = math.sin %slice3A : vector<2000x1xf32>
    %mul3A_29 = arith.mulf %slice3A_28, %sin3A : vector<2000x1xf32>
    %iota3A = tpu.iota {dimensions = array<i32: 1>} : vector<2000x128xi32>
    %eq3A = arith.constant 0 : i32
    %eq3A_30 = vector.broadcast %eq3A : i32 to vector<2000x128xi32>
    %eq3A_31 = arith.cmpi eq, %iota3A, %eq3A_30 : vector<2000x128xi32>
    %jit3A = arith.constant 0.000000e+00 : f32
    %broadcast_in_dim3A = vector.shape_cast %mul3A : vector<2000x1xf32> to vector<2000x1xf32>
    %broadcast_in_dim3A_32 = vector.broadcast %broadcast_in_dim3A : vector<2000x1xf32> to vector<2000x128xf32>
    %broadcast_in_dim3A_33 = vector.broadcast %jit3A : f32 to vector<2000x128xf32>
    %select_n3A = arith.select %eq3A_31, %broadcast_in_dim3A_32, %broadcast_in_dim3A_33 : vector<2000x128xi1>, vector<2000x128xf32>
    %eq3A_34 = arith.constant 1 : i32
    %eq3A_35 = vector.broadcast %eq3A_34 : i32 to vector<2000x128xi32>
    %eq3A_36 = arith.cmpi eq, %iota3A, %eq3A_35 : vector<2000x128xi32>
    %jit3A_37 = arith.constant 0.000000e+00 : f32
    %broadcast_in_dim3A_38 = vector.shape_cast %mul3A_29 : vector<2000x1xf32> to vector<2000x1xf32>
    %broadcast_in_dim3A_39 = vector.broadcast %broadcast_in_dim3A_38 : vector<2000x1xf32> to vector<2000x128xf32>
    %broadcast_in_dim3A_40 = vector.broadcast %jit3A_37 : f32 to vector<2000x128xf32>
    %select_n3A_41 = arith.select %eq3A_36, %broadcast_in_dim3A_39, %broadcast_in_dim3A_40 : vector<2000x128xi1>, vector<2000x128xf32>
    %add3A_42 = arith.addf %select_n3A, %select_n3A_41 : vector<2000x128xf32>
    %swap3A_43 = arith.constant 0 : index
    %swap3A_44 = arith.constant 0 : index
    %swap3A_45 = vector.load %arg10[%swap3A_43, %swap3A_44] : memref<2000x128xf32, #tpu.memory_space<vmem>>, vector<2000x128xf32>
    tpu.vector_store %arg10[%swap3A_43, %swap3A_44], %add3A_42 {strides = array<i32>} : memref<2000x128xf32, #tpu.memory_space<vmem>>, vector<2000x128xf32>,
    %iota3A_46 = tpu.iota {dimensions = array<i32: 0>} : vector<2000x1xi32>
    %mul3A_47 = arith.constant 2000 : i32
    %mul3A_48 = arith.muli %arg0, %mul3A_47 : i32
    %add3A_49 = vector.broadcast %mul3A_48 : i32 to vector<2000x1xi32>
    %add3A_50 = arith.addi %iota3A_46, %add3A_49 : vector<2000x1xi32>
    %get3A_51 = arith.constant 0 : index
    %get3A_52 = memref.load %arg8[%get3A_51] : memref<1xi32, #tpu.memory_space<smem>>
    %eq3A_53 = vector.broadcast %get3A_52 : i32 to vector<2000x1xi32>
    %eq3A_54 = arith.cmpi eq, %add3A_50, %eq3A_53 : vector<2000x1xi32>
    %mul3A_55 = arith.mulf %slice3A_28, %slice3A_28 : vector<2000x1xf32>
    %get3A_56 = arith.constant 0 : index
    %get3A_57 = arith.constant 1 : index
    %get3A_58 = vector.load %arg7[%get3A_56, %get3A_57] : memref<2000x2xf32, #tpu.memory_space<vmem>>, vector<2000x1xf32>
    %mul3A_59 = arith.mulf %mul3A_55, %get3A_58 : vector<2000x1xf32>
    %jit3A_60 = arith.constant 0.000000e+00 : f32
    %broadcast_in_dim3A_61 = vector.broadcast %jit3A_60 : f32 to vector<2000x1xf32>
    %select_n3A_62 = arith.select %eq3A_54, %mul3A_59, %broadcast_in_dim3A_61 : vector<2000x1xi1>, vector<2000x1xf32>
    %reduce_sum3A = vector.shape_cast %select_n3A_62 : vector<2000x1xf32> to vector<1x2000x1xf32>
    %reduce_sum3A_63 = arith.constant dense<0.000000e+00> : vector<1xf32>
    %reduce_sum3A_64 = vector.multi_reduction <add>, %reduce_sum3A, %reduce_sum3A_63 [1, 2] : vector<1x2000x1xf32> to vector<1xf32>
    %reduce_sum3A_65 = vector.shape_cast %reduce_sum3A_64 : vector<1xf32> to vector<1x1x1xf32>
    %reduce_sum3A_66 = vector.extract %reduce_sum3A_65[0, 0, 0] : f32 from vector<1x1x1xf32>
    %get3A_67 = arith.constant 0 : index
    %get3A_68 = arith.constant 0 : index
    %get3A_69 = vector.load %arg7[%get3A_67, %get3A_68] : memref<2000x2xf32, #tpu.memory_space<vmem>>, vector<2000x1xf32>
    %mul3A_70 = arith.mulf %mul3A_55, %get3A_69 : vector<2000x1xf32>
    %jit3A_71 = arith.constant 0.000000e+00 : f32
    %broadcast_in_dim3A_72 = vector.broadcast %jit3A_71 : f32 to vector<2000x1xf32>
    %select_n3A_73 = arith.select %eq3A_54, %mul3A_70, %broadcast_in_dim3A_72 : vector<2000x1xi1>, vector<2000x1xf32>
    %reduce_sum3A_74 = vector.shape_cast %select_n3A_73 : vector<2000x1xf32> to vector<1x2000x1xf32>
    %reduce_sum3A_75 = arith.constant dense<0.000000e+00> : vector<1xf32>
    %reduce_sum3A_76 = vector.multi_reduction <add>, %reduce_sum3A_74, %reduce_sum3A_75 [1, 2] : vector<1x2000x1xf32> to vector<1xf32>
    %reduce_sum3A_77 = vector.shape_cast %reduce_sum3A_76 : vector<1xf32> to vector<1x1x1xf32>
    %reduce_sum3A_78 = vector.extract %reduce_sum3A_77[0, 0, 0] : f32 from vector<1x1x1xf32>
    %iota3A_79 = tpu.iota {dimensions = array<i32: 1>} : vector<8x128xi32>
    %eq3A_80 = arith.constant 0 : i32
    %eq3A_81 = vector.broadcast %eq3A_80 : i32 to vector<8x128xi32>
    %eq3A_82 = arith.cmpi eq, %iota3A_79, %eq3A_81 : vector<8x128xi32>
    %jit3A_83 = arith.constant 0.000000e+00 : f32
    %broadcast_in_dim3A_84 = vector.broadcast %reduce_sum3A_66 : f32 to vector<8x128xf32>
    %broadcast_in_dim3A_85 = vector.broadcast %jit3A_83 : f32 to vector<8x128xf32>
    %select_n3A_86 = arith.select %eq3A_82, %broadcast_in_dim3A_84, %broadcast_in_dim3A_85 : vector<8x128xi1>, vector<8x128xf32>
    %eq3A_87 = arith.constant 1 : i32
    %eq3A_88 = vector.broadcast %eq3A_87 : i32 to vector<8x128xi32>
    %eq3A_89 = arith.cmpi eq, %iota3A_79, %eq3A_88 : vector<8x128xi32>
    %jit3A_90 = arith.constant 0.000000e+00 : f32
    %broadcast_in_dim3A_91 = vector.broadcast %reduce_sum3A_78 : f32 to vector<8x128xf32>
    %broadcast_in_dim3A_92 = vector.broadcast %jit3A_90 : f32 to vector<8x128xf32>
    %select_n3A_93 = arith.select %eq3A_89, %broadcast_in_dim3A_91, %broadcast_in_dim3A_92 : vector<8x128xi1>, vector<8x128xf32>
    %add3A_94 = arith.addf %select_n3A_86, %select_n3A_93 : vector<8x128xf32>
    %eq3A_95 = arith.constant 0 : i32
    %eq3A_96 = arith.cmpi eq, %arg0, %eq3A_95 : i32
    %convert_element_type3A = arith.extui %eq3A_96 : i1 to i32
    %cond3A = arith.constant 0 : i32
    %cond3A_97 = arith.cmpi ne, %convert_element_type3A, %cond3A : i32
    scf.if %cond3A_97 {
      %swap3A_102 = arith.constant 0 : index
      %swap3A_103 = arith.constant 0 : index
      %swap3A_104 = vector.load %arg11[%swap3A_102, %swap3A_103] : memref<8x128xf32, #tpu.memory_space<vmem>>, vector<8x128xf32>
      tpu.vector_store %arg11[%swap3A_102, %swap3A_103], %add3A_94 {strides = array<i32>} : memref<8x128xf32, #tpu.memory_space<vmem>>, vector<8x128xf32>,
    } else {
    }
    %ne3A = arith.constant 0 : i32
    %ne3A_98 = arith.cmpi ne, %arg0, %ne3A : i32
    %convert_element_type3A_99 = arith.extui %ne3A_98 : i1 to i32
    %cond3A_100 = arith.constant 0 : i32
    %cond3A_101 = arith.cmpi ne, %convert_element_type3A_99, %cond3A_100 : i32
    scf.if %cond3A_101 {
      %get3A_102 = arith.constant 0 : index
      %get3A_103 = arith.constant 0 : index
      %get3A_104 = vector.load %arg11[%get3A_102, %get3A_103] : memref<8x128xf32, #tpu.memory_space<vmem>>, vector<8x128xf32>
      %add3A_105 = arith.addf %get3A_104, %add3A_94 : vector<8x128xf32>
      %swap3A_106 = arith.constant 0 : index
      %swap3A_107 = arith.constant 0 : index
      %swap3A_108 = vector.load %arg11[%swap3A_106, %swap3A_107] : memref<8x128xf32, #tpu.memory_space<vmem>>, vector<8x128xf32>
      tpu.vector_store %arg11[%swap3A_106, %swap3A_107], %add3A_105 {strides = array<i32>} : memref<8x128xf32, #tpu.memory_space<vmem>>, vector<8x128xf32>,
    } else {
    }
    return
  }
  func.func @transform_0(%arg0: i32) -> (i32, i32) {
    %c0_i32 = arith.constant 0 : i32
    %c0_i32_0 = arith.constant 0 : i32
    return %arg0, %c0_i32 : i32, i32
  }
  func.func @transform_1(%arg0: i32) -> (i32, i32) {
    %c0_i32 = arith.constant 0 : i32
    %c0_i32_0 = arith.constant 0 : i32
    return %arg0, %c0_i32 : i32, i32
  }
  func.func @transform_2(%arg0: i32) -> (i32, i32) {
    %c0_i32 = arith.constant 0 : i32
    %c0_i32_0 = arith.constant 0 : i32
    %c0_i32_1 = arith.constant 0 : i32
    return %c0_i32, %c0_i32_0 : i32, i32
  }
  func.func @transform_3(%arg0: i32) -> (i32, i32) {
    %c0_i32 = arith.constant 0 : i32
    %c0_i32_0 = arith.constant 0 : i32
    %c0_i32_1 = arith.constant 0 : i32
    return %c0_i32, %c0_i32_0 : i32, i32
  }
  func.func @transform_4(%arg0: i32) -> (i32, i32) {
    %c0_i32 = arith.constant 0 : i32
    %c0_i32_0 = arith.constant 0 : i32
    %c0_i32_1 = arith.constant 0 : i32
    return %c0_i32, %c0_i32_0 : i32, i32
  }
  func.func @transform_5(%arg0: i32) -> (i32, i32) {
    %c0_i32 = arith.constant 0 : i32
    %c0_i32_0 = arith.constant 0 : i32
    %c0_i32_1 = arith.constant 0 : i32
    return %c0_i32, %c0_i32_0 : i32, i32
  }
  func.func @transform_6(%arg0: i32) -> (i32, i32) {
    %c0_i32 = arith.constant 0 : i32
    %c0_i32_0 = arith.constant 0 : i32
    return %arg0, %c0_i32 : i32, i32
  }
  func.func @transform_7(%arg0: i32) -> i32 {
    %c0_i32 = arith.constant 0 : i32
    %c0_i32_0 = arith.constant 0 : i32
    return %c0_i32 : i32
  }
  func.func @transform_8(%arg0: i32) -> (i32, i32) {
    %c0_i32 = arith.constant 0 : i32
    %c0_i32_0 = arith.constant 0 : i32
    return %arg0, %c0_i32 : i32, i32
  }
  func.func @transform_9(%arg0: i32) -> (i32, i32) {
    %c0_i32 = arith.constant 0 : i32
    %c0_i32_0 = arith.constant 0 : i32
    return %arg0, %c0_i32 : i32, i32
  }
  func.func @transform_10(%arg0: i32) -> (i32, i32) {
    %c0_i32 = arith.constant 0 : i32
    %c0_i32_0 = arith.constant 0 : i32
    %c0_i32_1 = arith.constant 0 : i32
    return %c0_i32, %c0_i32_0 : i32, i32
  }
}

module attributes {stable_mosaic.version = 14 : i64} {
  func.func @body(%arg0: i32, %arg1: memref<512x8xf32, #tpu.memory_space<vmem>>, %arg2: memref<1x1x512xf32, #tpu.memory_space<vmem>>, %arg3: memref<1x1x512xf32, #tpu.memory_space<vmem>>, %arg4: memref<1x1x512xf32, #tpu.memory_space<vmem>>, %arg5: memref<1x1x512xf32, #tpu.memory_space<vmem>>, %arg6: memref<1x1x512xi32, #tpu.memory_space<vmem>>, %arg7: memref<1x1x512xi32, #tpu.memory_space<vmem>>, %arg8: memref<1xi32, #tpu.memory_space<smem>>, %arg9: memref<8x128xf32, #tpu.memory_space<vmem>>, %arg10: memref<512x4xf32, #tpu.memory_space<vmem>>, %arg11: memref<8x128xf32, #tpu.memory_space<vmem>>) attributes {dimension_semantics = [#tpu.dimension_semantics<arbitrary>], iteration_bounds = array<i64: 625>, scalar_prefetch = 0 : i64, scratch_operands = 0 : i64, tpu.core_type = #tpu.core_type<tc>, window_params = [{transform_indices = @transform_0, window_bounds = array<i64: 512, 8>}, {transform_indices = @transform_1, window_bounds = array<i64: 1, 1, 512>}, {transform_indices = @transform_2, window_bounds = array<i64: 1, 1, 512>}, {transform_indices = @transform_3, window_bounds = array<i64: 1, 1, 512>}, {transform_indices = @transform_4, window_bounds = array<i64: 1, 1, 512>}, {transform_indices = @transform_5, window_bounds = array<i64: 1, 1, 512>}, {transform_indices = @transform_6, window_bounds = array<i64: 1, 1, 512>}, {transform_indices = @transform_7, window_bounds = array<i64: 1>}, {pipeline_mode = #tpu.pipeline_mode<synchronous>, transform_indices = @transform_8, window_bounds = array<i64: 8, 128>}, {transform_indices = @transform_9, window_bounds = array<i64: 512, 4>}, {pipeline_mode = #tpu.pipeline_mode<synchronous>, transform_indices = @transform_10, window_bounds = array<i64: 8, 128>}]} {
    %get3A = arith.constant 0 : index
    %get3A_0 = arith.constant 0 : index
    %get3A_1 = vector.load %arg1[%get3A, %get3A_0] : memref<512x8xf32, #tpu.memory_space<vmem>>, vector<512x8xf32>
    %slice3A = vector.extract_strided_slice %get3A_1 {offsets = [0, 0], sizes = [512, 1], strides = [1, 1]} : vector<512x8xf32> to vector<512x1xf32>
    %squeeze3A = vector.shape_cast %slice3A : vector<512x1xf32> to vector<512xf32>
    %slice3A_2 = vector.extract_strided_slice %get3A_1 {offsets = [0, 1], sizes = [512, 1], strides = [1, 1]} : vector<512x8xf32> to vector<512x1xf32>
    %squeeze3A_3 = vector.shape_cast %slice3A_2 : vector<512x1xf32> to vector<512xf32>
    %slice3A_4 = vector.extract_strided_slice %get3A_1 {offsets = [0, 3], sizes = [512, 1], strides = [1, 1]} : vector<512x8xf32> to vector<512x1xf32>
    %squeeze3A_5 = vector.shape_cast %slice3A_4 : vector<512x1xf32> to vector<512xf32>
    %slice3A_6 = vector.extract_strided_slice %get3A_1 {offsets = [0, 5], sizes = [512, 1], strides = [1, 1]} : vector<512x8xf32> to vector<512x1xf32>
    %squeeze3A_7 = vector.shape_cast %slice3A_6 : vector<512x1xf32> to vector<512xf32>
    %slice3A_8 = vector.extract_strided_slice %get3A_1 {offsets = [0, 6], sizes = [512, 1], strides = [1, 1]} : vector<512x8xf32> to vector<512x1xf32>
    %squeeze3A_9 = vector.shape_cast %slice3A_8 : vector<512x1xf32> to vector<512xf32>
    %slice3A_10 = vector.extract_strided_slice %get3A_1 {offsets = [0, 7], sizes = [512, 1], strides = [1, 1]} : vector<512x8xf32> to vector<512x1xf32>
    %squeeze3A_11 = vector.shape_cast %slice3A_10 : vector<512x1xf32> to vector<512xf32>
    %get3A_12 = arith.constant 0 : index
    %get3A_13 = arith.constant 0 : index
    %get3A_14 = arith.constant 0 : index
    %get3A_15 = vector.load %arg2[%get3A_12, %get3A_13, %get3A_14] : memref<1x1x512xf32, #tpu.memory_space<vmem>>, vector<1x1x512xf32>
    %get3A_16 = vector.shape_cast %get3A_15 : vector<1x1x512xf32> to vector<512xf32>
    %get3A_17 = arith.constant 0 : index
    %get3A_18 = arith.constant 0 : index
    %get3A_19 = arith.constant 0 : index
    %get3A_20 = vector.load %arg3[%get3A_17, %get3A_18, %get3A_19] : memref<1x1x512xf32, #tpu.memory_space<vmem>>, vector<1x1x512xf32>
    %get3A_21 = vector.shape_cast %get3A_20 : vector<1x1x512xf32> to vector<512xf32>
    %get3A_22 = arith.constant 0 : index
    %get3A_23 = arith.constant 0 : index
    %get3A_24 = arith.constant 0 : index
    %get3A_25 = vector.load %arg4[%get3A_22, %get3A_23, %get3A_24] : memref<1x1x512xf32, #tpu.memory_space<vmem>>, vector<1x1x512xf32>
    %get3A_26 = vector.shape_cast %get3A_25 : vector<1x1x512xf32> to vector<512xf32>
    %get3A_27 = arith.constant 0 : index
    %get3A_28 = arith.constant 0 : index
    %get3A_29 = arith.constant 0 : index
    %get3A_30 = vector.load %arg5[%get3A_27, %get3A_28, %get3A_29] : memref<1x1x512xf32, #tpu.memory_space<vmem>>, vector<1x1x512xf32>
    %get3A_31 = vector.shape_cast %get3A_30 : vector<1x1x512xf32> to vector<512xf32>
    %mul3A = arith.mulf %squeeze3A, %squeeze3A : vector<512xf32>
    %mul3A_32 = arith.mulf %squeeze3A_3, %squeeze3A_3 : vector<512xf32>
    %add3A = arith.addf %mul3A, %mul3A_32 : vector<512xf32>
    %div3A = arith.divf %squeeze3A, %add3A : vector<512xf32>
    %neg3A = arith.constant 0.000000e+00 : f32
    %neg3A_33 = vector.broadcast %neg3A : f32 to vector<512xf32>
    %neg3A_34 = arith.subf %neg3A_33, %squeeze3A_3 : vector<512xf32>
    %div3A_35 = arith.divf %neg3A_34, %add3A : vector<512xf32>
    %cos3A = math.cos %squeeze3A_11 : vector<512xf32>
    %sin3A = math.sin %squeeze3A_11 : vector<512xf32>
    %mul3A_36 = arith.mulf %get3A_16, %get3A_16 : vector<512xf32>
    %mul3A_37 = arith.mulf %get3A_21, %get3A_21 : vector<512xf32>
    %add3A_38 = arith.addf %mul3A_36, %mul3A_37 : vector<512xf32>
    %mul3A_39 = arith.mulf %get3A_26, %get3A_26 : vector<512xf32>
    %mul3A_40 = arith.mulf %get3A_31, %get3A_31 : vector<512xf32>
    %add3A_41 = arith.addf %mul3A_39, %mul3A_40 : vector<512xf32>
    %mul3A_42 = arith.mulf %get3A_16, %get3A_26 : vector<512xf32>
    %mul3A_43 = arith.mulf %get3A_21, %get3A_31 : vector<512xf32>
    %add3A_44 = arith.addf %mul3A_42, %mul3A_43 : vector<512xf32>
    %mul3A_45 = arith.mulf %get3A_21, %get3A_26 : vector<512xf32>
    %mul3A_46 = arith.mulf %get3A_16, %get3A_31 : vector<512xf32>
    %sub3A = arith.subf %mul3A_45, %mul3A_46 : vector<512xf32>
    %div3A_47 = arith.constant 1.000000e+00 : f32
    %div3A_48 = vector.broadcast %div3A_47 : f32 to vector<512xf32>
    %div3A_49 = arith.divf %div3A_48, %squeeze3A_9 : vector<512xf32>
    %mul3A_50 = arith.mulf %div3A_49, %div3A_49 : vector<512xf32>
    %mul3A_51 = arith.mulf %div3A, %add3A_44 : vector<512xf32>
    %mul3A_52 = arith.mulf %div3A_35, %sub3A : vector<512xf32>
    %add3A_53 = arith.addf %mul3A_51, %mul3A_52 : vector<512xf32>
    %mul3A_54 = arith.mulf %div3A, %sub3A : vector<512xf32>
    %mul3A_55 = arith.mulf %div3A_35, %add3A_44 : vector<512xf32>
    %sub3A_56 = arith.subf %mul3A_54, %mul3A_55 : vector<512xf32>
    %mul3A_57 = arith.mulf %div3A, %add3A_38 : vector<512xf32>
    %mul3A_58 = arith.mulf %mul3A_57, %mul3A_50 : vector<512xf32>
    %mul3A_59 = arith.mulf %add3A_53, %cos3A : vector<512xf32>
    %mul3A_60 = arith.mulf %sub3A_56, %sin3A : vector<512xf32>
    %add3A_61 = arith.addf %mul3A_59, %mul3A_60 : vector<512xf32>
    %mul3A_62 = arith.mulf %add3A_61, %div3A_49 : vector<512xf32>
    %sub3A_63 = arith.subf %mul3A_58, %mul3A_62 : vector<512xf32>
    %add3A_64 = arith.addf %div3A_35, %squeeze3A_5 : vector<512xf32>
    %neg3A_65 = arith.constant 0.000000e+00 : f32
    %neg3A_66 = vector.broadcast %neg3A_65 : f32 to vector<512xf32>
    %neg3A_67 = arith.subf %neg3A_66, %add3A_64 : vector<512xf32>
    %mul3A_68 = arith.mulf %neg3A_67, %add3A_38 : vector<512xf32>
    %mul3A_69 = arith.mulf %mul3A_68, %mul3A_50 : vector<512xf32>
    %mul3A_70 = arith.mulf %sub3A_56, %cos3A : vector<512xf32>
    %mul3A_71 = arith.mulf %add3A_53, %sin3A : vector<512xf32>
    %sub3A_72 = arith.subf %mul3A_70, %mul3A_71 : vector<512xf32>
    %mul3A_73 = arith.mulf %sub3A_72, %div3A_49 : vector<512xf32>
    %sub3A_74 = arith.subf %mul3A_69, %mul3A_73 : vector<512xf32>
    %mul3A_75 = arith.mulf %div3A, %add3A_44 : vector<512xf32>
    %mul3A_76 = arith.mulf %div3A_35, %sub3A : vector<512xf32>
    %sub3A_77 = arith.subf %mul3A_75, %mul3A_76 : vector<512xf32>
    %mul3A_78 = arith.mulf %div3A, %sub3A : vector<512xf32>
    %mul3A_79 = arith.mulf %div3A_35, %add3A_44 : vector<512xf32>
    %add3A_80 = arith.addf %mul3A_78, %mul3A_79 : vector<512xf32>
    %neg3A_81 = arith.constant 0.000000e+00 : f32
    %neg3A_82 = vector.broadcast %neg3A_81 : f32 to vector<512xf32>
    %neg3A_83 = arith.subf %neg3A_82, %add3A_80 : vector<512xf32>
    %mul3A_84 = arith.mulf %div3A, %add3A_41 : vector<512xf32>
    %mul3A_85 = arith.mulf %sub3A_77, %cos3A : vector<512xf32>
    %mul3A_86 = arith.mulf %neg3A_83, %sin3A : vector<512xf32>
    %sub3A_87 = arith.subf %mul3A_85, %mul3A_86 : vector<512xf32>
    %mul3A_88 = arith.mulf %sub3A_87, %div3A_49 : vector<512xf32>
    %sub3A_89 = arith.subf %mul3A_84, %mul3A_88 : vector<512xf32>
    %add3A_90 = arith.addf %div3A_35, %squeeze3A_7 : vector<512xf32>
    %neg3A_91 = arith.constant 0.000000e+00 : f32
    %neg3A_92 = vector.broadcast %neg3A_91 : f32 to vector<512xf32>
    %neg3A_93 = arith.subf %neg3A_92, %add3A_90 : vector<512xf32>
    %mul3A_94 = arith.mulf %neg3A_93, %add3A_41 : vector<512xf32>
    %mul3A_95 = arith.mulf %sub3A_77, %sin3A : vector<512xf32>
    %mul3A_96 = arith.mulf %neg3A_83, %cos3A : vector<512xf32>
    %add3A_97 = arith.addf %mul3A_95, %mul3A_96 : vector<512xf32>
    %mul3A_98 = arith.mulf %add3A_97, %div3A_49 : vector<512xf32>
    %sub3A_99 = arith.subf %mul3A_94, %mul3A_98 : vector<512xf32>
    %broadcast_in_dim3A = vector.shape_cast %sub3A_63 : vector<512xf32> to vector<512x1xf32>
    %broadcast_in_dim3A_100 = vector.shape_cast %sub3A_74 : vector<512xf32> to vector<512x1xf32>
    %broadcast_in_dim3A_101 = vector.shape_cast %sub3A_89 : vector<512xf32> to vector<512x1xf32>
    %broadcast_in_dim3A_102 = vector.shape_cast %sub3A_99 : vector<512xf32> to vector<512x1xf32>
    %concatenate3A = tpu.concatenate %broadcast_in_dim3A, %broadcast_in_dim3A_100, %broadcast_in_dim3A_101, %broadcast_in_dim3A_102 in 1 : vector<512x1xf32>, vector<512x1xf32>, vector<512x1xf32>, vector<512x1xf32> -> vector<512x4xf32>
    %swap3A = arith.constant 0 : index
    %swap3A_103 = arith.constant 0 : index
    %swap3A_104 = vector.load %arg10[%swap3A, %swap3A_103] : memref<512x4xf32, #tpu.memory_space<vmem>>, vector<512x4xf32>
    tpu.vector_store %arg10[%swap3A, %swap3A_103], %concatenate3A {strides = array<i32>} : memref<512x4xf32, #tpu.memory_space<vmem>>, vector<512x4xf32>,
    %get3A_105 = arith.constant 0 : index
    %get3A_106 = memref.load %arg8[%get3A_105] : memref<1xi32, #tpu.memory_space<smem>>
    %get3A_107 = arith.constant 0 : index
    %get3A_108 = arith.constant 0 : index
    %get3A_109 = arith.constant 0 : index
    %get3A_110 = vector.load %arg6[%get3A_107, %get3A_108, %get3A_109] : memref<1x1x512xi32, #tpu.memory_space<vmem>>, vector<1x1x512xi32>
    %get3A_111 = vector.shape_cast %get3A_110 : vector<1x1x512xi32> to vector<512xi32>
    %eq3A = vector.broadcast %get3A_106 : i32 to vector<512xi32>
    %eq3A_112 = arith.cmpi eq, %get3A_111, %eq3A : vector<512xi32>
    %get3A_113 = arith.constant 0 : index
    %get3A_114 = arith.constant 0 : index
    %get3A_115 = arith.constant 0 : index
    %get3A_116 = vector.load %arg7[%get3A_113, %get3A_114, %get3A_115] : memref<1x1x512xi32, #tpu.memory_space<vmem>>, vector<1x1x512xi32>
    %get3A_117 = vector.shape_cast %get3A_116 : vector<1x1x512xi32> to vector<512xi32>
    %eq3A_118 = vector.broadcast %get3A_106 : i32 to vector<512xi32>
    %eq3A_119 = arith.cmpi eq, %get3A_117, %eq3A_118 : vector<512xi32>
    %jit3A = arith.constant 0.000000e+00 : f32
    %broadcast_in_dim3A_120 = vector.broadcast %jit3A : f32 to vector<512xf32>
    %select_n3A = arith.select %eq3A_112, %sub3A_63, %broadcast_in_dim3A_120 : vector<512xi1>, vector<512xf32>
    %reduce_sum3A = vector.shape_cast %select_n3A : vector<512xf32> to vector<1x512xf32>
    %reduce_sum3A_121 = arith.constant dense<0.000000e+00> : vector<1xf32>
    %reduce_sum3A_122 = vector.multi_reduction <add>, %reduce_sum3A, %reduce_sum3A_121 [1] : vector<1x512xf32> to vector<1xf32>
    %reduce_sum3A_123 = vector.shape_cast %reduce_sum3A_122 : vector<1xf32> to vector<1x1xf32>
    %reduce_sum3A_124 = vector.extract %reduce_sum3A_123[0, 0] : f32 from vector<1x1xf32>
    %jit3A_125 = arith.constant 0.000000e+00 : f32
    %broadcast_in_dim3A_126 = vector.broadcast %jit3A_125 : f32 to vector<512xf32>
    %select_n3A_127 = arith.select %eq3A_119, %sub3A_89, %broadcast_in_dim3A_126 : vector<512xi1>, vector<512xf32>
    %reduce_sum3A_128 = vector.shape_cast %select_n3A_127 : vector<512xf32> to vector<1x512xf32>
    %reduce_sum3A_129 = arith.constant dense<0.000000e+00> : vector<1xf32>
    %reduce_sum3A_130 = vector.multi_reduction <add>, %reduce_sum3A_128, %reduce_sum3A_129 [1] : vector<1x512xf32> to vector<1xf32>
    %reduce_sum3A_131 = vector.shape_cast %reduce_sum3A_130 : vector<1xf32> to vector<1x1xf32>
    %reduce_sum3A_132 = vector.extract %reduce_sum3A_131[0, 0] : f32 from vector<1x1xf32>
    %add3A_133 = arith.addf %reduce_sum3A_124, %reduce_sum3A_132 : f32
    %jit3A_134 = arith.constant 0.000000e+00 : f32
    %broadcast_in_dim3A_135 = vector.broadcast %jit3A_134 : f32 to vector<512xf32>
    %select_n3A_136 = arith.select %eq3A_112, %sub3A_74, %broadcast_in_dim3A_135 : vector<512xi1>, vector<512xf32>
    %reduce_sum3A_137 = vector.shape_cast %select_n3A_136 : vector<512xf32> to vector<1x512xf32>
    %reduce_sum3A_138 = arith.constant dense<0.000000e+00> : vector<1xf32>
    %reduce_sum3A_139 = vector.multi_reduction <add>, %reduce_sum3A_137, %reduce_sum3A_138 [1] : vector<1x512xf32> to vector<1xf32>
    %reduce_sum3A_140 = vector.shape_cast %reduce_sum3A_139 : vector<1xf32> to vector<1x1xf32>
    %reduce_sum3A_141 = vector.extract %reduce_sum3A_140[0, 0] : f32 from vector<1x1xf32>
    %jit3A_142 = arith.constant 0.000000e+00 : f32
    %broadcast_in_dim3A_143 = vector.broadcast %jit3A_142 : f32 to vector<512xf32>
    %select_n3A_144 = arith.select %eq3A_119, %sub3A_99, %broadcast_in_dim3A_143 : vector<512xi1>, vector<512xf32>
    %reduce_sum3A_145 = vector.shape_cast %select_n3A_144 : vector<512xf32> to vector<1x512xf32>
    %reduce_sum3A_146 = arith.constant dense<0.000000e+00> : vector<1xf32>
    %reduce_sum3A_147 = vector.multi_reduction <add>, %reduce_sum3A_145, %reduce_sum3A_146 [1] : vector<1x512xf32> to vector<1xf32>
    %reduce_sum3A_148 = vector.shape_cast %reduce_sum3A_147 : vector<1xf32> to vector<1x1xf32>
    %reduce_sum3A_149 = vector.extract %reduce_sum3A_148[0, 0] : f32 from vector<1x1xf32>
    %add3A_150 = arith.addf %reduce_sum3A_141, %reduce_sum3A_149 : f32
    %iota3A = tpu.iota {dimensions = array<i32: 1>} : vector<8x128xi32>
    %eq3A_151 = arith.constant 0 : i32
    %eq3A_152 = vector.broadcast %eq3A_151 : i32 to vector<8x128xi32>
    %eq3A_153 = arith.cmpi eq, %iota3A, %eq3A_152 : vector<8x128xi32>
    %jit3A_154 = arith.constant 0.000000e+00 : f32
    %broadcast_in_dim3A_155 = vector.broadcast %add3A_133 : f32 to vector<8x128xf32>
    %broadcast_in_dim3A_156 = vector.broadcast %jit3A_154 : f32 to vector<8x128xf32>
    %select_n3A_157 = arith.select %eq3A_153, %broadcast_in_dim3A_155, %broadcast_in_dim3A_156 : vector<8x128xi1>, vector<8x128xf32>
    %eq3A_158 = arith.constant 1 : i32
    %eq3A_159 = vector.broadcast %eq3A_158 : i32 to vector<8x128xi32>
    %eq3A_160 = arith.cmpi eq, %iota3A, %eq3A_159 : vector<8x128xi32>
    %jit3A_161 = arith.constant 0.000000e+00 : f32
    %broadcast_in_dim3A_162 = vector.broadcast %add3A_150 : f32 to vector<8x128xf32>
    %broadcast_in_dim3A_163 = vector.broadcast %jit3A_161 : f32 to vector<8x128xf32>
    %select_n3A_164 = arith.select %eq3A_160, %broadcast_in_dim3A_162, %broadcast_in_dim3A_163 : vector<8x128xi1>, vector<8x128xf32>
    %add3A_165 = arith.addf %select_n3A_157, %select_n3A_164 : vector<8x128xf32>
    %eq3A_166 = arith.constant 0 : i32
    %eq3A_167 = arith.cmpi eq, %arg0, %eq3A_166 : i32
    %convert_element_type3A = arith.extui %eq3A_167 : i1 to i32
    %cond3A = arith.constant 0 : i32
    %cond3A_168 = arith.cmpi ne, %convert_element_type3A, %cond3A : i32
    scf.if %cond3A_168 {
      %get3A_173 = arith.constant 0 : index
      %get3A_174 = arith.constant 0 : index
      %get3A_175 = vector.load %arg9[%get3A_173, %get3A_174] : memref<8x128xf32, #tpu.memory_space<vmem>>, vector<8x128xf32>
      %add3A_176 = arith.addf %get3A_175, %add3A_165 : vector<8x128xf32>
      %swap3A_177 = arith.constant 0 : index
      %swap3A_178 = arith.constant 0 : index
      %swap3A_179 = vector.load %arg11[%swap3A_177, %swap3A_178] : memref<8x128xf32, #tpu.memory_space<vmem>>, vector<8x128xf32>
      tpu.vector_store %arg11[%swap3A_177, %swap3A_178], %add3A_176 {strides = array<i32>} : memref<8x128xf32, #tpu.memory_space<vmem>>, vector<8x128xf32>,
    } else {
    }
    %ne3A = arith.constant 0 : i32
    %ne3A_169 = arith.cmpi ne, %arg0, %ne3A : i32
    %convert_element_type3A_170 = arith.extui %ne3A_169 : i1 to i32
    %cond3A_171 = arith.constant 0 : i32
    %cond3A_172 = arith.cmpi ne, %convert_element_type3A_170, %cond3A_171 : i32
    scf.if %cond3A_172 {
      %get3A_173 = arith.constant 0 : index
      %get3A_174 = arith.constant 0 : index
      %get3A_175 = vector.load %arg11[%get3A_173, %get3A_174] : memref<8x128xf32, #tpu.memory_space<vmem>>, vector<8x128xf32>
      %add3A_176 = arith.addf %get3A_175, %add3A_165 : vector<8x128xf32>
      %swap3A_177 = arith.constant 0 : index
      %swap3A_178 = arith.constant 0 : index
      %swap3A_179 = vector.load %arg11[%swap3A_177, %swap3A_178] : memref<8x128xf32, #tpu.memory_space<vmem>>, vector<8x128xf32>
      tpu.vector_store %arg11[%swap3A_177, %swap3A_178], %add3A_176 {strides = array<i32>} : memref<8x128xf32, #tpu.memory_space<vmem>>, vector<8x128xf32>,
    } else {
    }
    return
  }
  func.func @transform_0(%arg0: i32) -> (i32, i32) {
    %c0_i32 = arith.constant 0 : i32
    %c0_i32_0 = arith.constant 0 : i32
    return %arg0, %c0_i32 : i32, i32
  }
  func.func @transform_1(%arg0: i32) -> (i32, i32, i32) {
    %c0_i32 = arith.constant 0 : i32
    %c0_i32_0 = arith.constant 0 : i32
    %c0_i32_1 = arith.constant 0 : i32
    return %arg0, %c0_i32, %c0_i32_0 : i32, i32, i32
  }
  func.func @transform_2(%arg0: i32) -> (i32, i32, i32) {
    %c0_i32 = arith.constant 0 : i32
    %c0_i32_0 = arith.constant 0 : i32
    %c0_i32_1 = arith.constant 0 : i32
    return %arg0, %c0_i32, %c0_i32_0 : i32, i32, i32
  }
  func.func @transform_3(%arg0: i32) -> (i32, i32, i32) {
    %c0_i32 = arith.constant 0 : i32
    %c0_i32_0 = arith.constant 0 : i32
    %c0_i32_1 = arith.constant 0 : i32
    return %arg0, %c0_i32, %c0_i32_0 : i32, i32, i32
  }
  func.func @transform_4(%arg0: i32) -> (i32, i32, i32) {
    %c0_i32 = arith.constant 0 : i32
    %c0_i32_0 = arith.constant 0 : i32
    %c0_i32_1 = arith.constant 0 : i32
    return %arg0, %c0_i32, %c0_i32_0 : i32, i32, i32
  }
  func.func @transform_5(%arg0: i32) -> (i32, i32, i32) {
    %c0_i32 = arith.constant 0 : i32
    %c0_i32_0 = arith.constant 0 : i32
    %c0_i32_1 = arith.constant 0 : i32
    return %arg0, %c0_i32, %c0_i32_0 : i32, i32, i32
  }
  func.func @transform_6(%arg0: i32) -> (i32, i32, i32) {
    %c0_i32 = arith.constant 0 : i32
    %c0_i32_0 = arith.constant 0 : i32
    %c0_i32_1 = arith.constant 0 : i32
    return %arg0, %c0_i32, %c0_i32_0 : i32, i32, i32
  }
  func.func @transform_7(%arg0: i32) -> i32 {
    %c0_i32 = arith.constant 0 : i32
    %c0_i32_0 = arith.constant 0 : i32
    return %c0_i32 : i32
  }
  func.func @transform_8(%arg0: i32) -> (i32, i32) {
    %c0_i32 = arith.constant 0 : i32
    %c0_i32_0 = arith.constant 0 : i32
    %c0_i32_1 = arith.constant 0 : i32
    return %c0_i32, %c0_i32_0 : i32, i32
  }
  func.func @transform_9(%arg0: i32) -> (i32, i32) {
    %c0_i32 = arith.constant 0 : i32
    %c0_i32_0 = arith.constant 0 : i32
    return %arg0, %c0_i32 : i32, i32
  }
  func.func @transform_10(%arg0: i32) -> (i32, i32) {
    %c0_i32 = arith.constant 0 : i32
    %c0_i32_0 = arith.constant 0 : i32
    %c0_i32_1 = arith.constant 0 : i32
    return %c0_i32, %c0_i32_0 : i32, i32
  }
}

</mosaic_0001>

<sc_bundles>
// kernel: gather_offload_async_start
scs
__scs_entry_jumppad:
0x0: {  	(pc) =	sbr.rel $0x88, $3  }
0x1: {  	(tag) =	ssettag $0x0;
	lr =	simm.s32 $0x1  }
0x2: {  	[smem:$0x3F92] =	sst lr;
	_ =	strace $0xD0000000  }
0x3: {  	_ = 	snop  }
0x4: {  	_ = 	snop  }
0x5: {  	_ = 	snop  }
0x6: {  	_ = 	snop  }
0x7: {  	_ = 	snop  }
__scs_overlays_trampoline_lowered:
0x8: {  	[smem:$0x3FA1] =	sst s0  }
0x9: {  	[smem:$0x3FA2] =	sst s1  }
0xa: {  	[smem:$0x3FA3] =	sst s2  }
0xb: {  	[smem:$0x3FA4] =	sst s3  }
0xc: {  	[smem:$0x3FA5] =	sst s4  }
0xd: {  	[smem:$0x3FA6] =	sst s5  }
0xe: {  	[smem:$0x3FA7] =	sst s6  }
0xf: {  	[smem:$0x3FA8] =	sst s7  }
0x10: {  	[smem:$0x3FA9] =	sst s8  }
0x11: {  	[smem:$0x3FAA] =	sst s9;
	s0 =	simm.s32 @!p0 $0x0  }
0x12: {  	s1 =	sld [smem:$0x3F90];
	s0 =	simm.s32 @p0 $0x1  }
0x13: {  	[smem:$0x3FAB] =	sst s0;
	s0 =	simm.s32 @!p1 $0x0  }
0x14: {  	s2 =	sld [smem:$0x3F8F];
	s0 =	simm.s32 @p1 $0x1  }
0x15: {  	[smem:$0x3FAC] =	sst s0;
	s0 =	simm.s32 @!p2 $0x0  }
0x16: {  	s3 =	sld [smem:$0x3FDB];
	s0 =	simm.s32 @p2 $0x1  }
0x17: {  	s4 =	simm.s32 $0x1BF5;
	[smem:$0x3FAE] =	sst s0  }
0x18: {  	s0 =	sld [smem:$0x3F91];
	_ =	swait.ge [sflag:s4], $0x0  }
0x19: {  	s7 =	sld [smem:$0x3F92]  }
0x1a: {  	s8 =	sadd.s32 $0xFFFFE003, lr  }
0x1b: {  	s9 =	sadd.s32 $0xFFFFFEF7, lr;
	s5 =	simm.s32 $0xFFFFFFFF;
	p2 =	slt.u32 s8, $0xFFFFF086  }
0x1c: {  	p1 =	slt.u32 s9, $0xF7A;
	s5 =	simm.s32 @!p2 $0x0  }
0x1d: {  	s5 =	simm.s32 @p1 $0x1;
	p0 =	seq.s32 s7, s2  }
0x1e: {  	s7 =	smul.u32 @!p0 $0xF7A, s2;
	p2 =	seq.s32 @!p0 s5, $0x0  }
0x1f: {  	s9 =	smul.u32 $0xF7A, s1;
	s8 =	simm.s32 @!p0 $0x1BF5;
	p2 =	por !p2, p0  }
0x20: {  	[sflag:s8] =	ssyncset.s32 @!p0 $0xFFFFF086;
	s6 =	sadd.s32 @!p0 s3, s7;
	s7 =	simm.s32 @!p0 $0x108  }
0x21: {  	s3 =	sadd.s32 s3, s9;
	s6 =	sadd.s32 @!p0 $0x88, s6;
	s7 =	simm.s32 @p2 $0x1082  }
0x22: {  	[simem:s7], [sflag:s8] =	dma.local @!p0 [hbm:s6], $0xF7A  }
0x23: {  	s9 =	sor.u32 $0xD0000000, s2;
	s6 =	simm.s32 $0x108;
	_ =	swait.ge @!p0 [sflag:s8], $0x0  }
0x24: {  	s3 =	sadd.s32 $0x88, s3;
	s6 =	simm.s32 @!p1 $0x1082;
	[sflag:s4] =	ssyncset.s32 $0xFFFFF086  }
0x25: {  	[simem:s6], [sflag:s4] =	dma.local [hbm:s3], $0xF7A  }
0x26: {  	[smem:$0x3F92] =	sst s1;
	(tag) =	ssettag s2;
	_ =	strace s9  }
0x27: {  	s1 =	sld [smem:$0x3FA2]  }
0x28: {  	s2 =	sld [smem:$0x3FA3]  }
0x29: {  	s4 =	sld [smem:$0x3FA5]  }
0x2a: {  	p0 =	seq.s32 s5, $0x0;
	s5 =	sld [smem:$0x3FA6]  }
0x2b: {  	s6 =	sld [smem:$0x3FA7]  }
0x2c: {  	s7 =	sld [smem:$0x3FA8]  }
0x2d: {  	s3 =	simm.s32 $0x108;
	s8 =	sld [smem:$0x3FA9]  }
0x2e: {  	s3 =	simm.s32 @!p0 $0x1082;
	s9 =	sld [smem:$0x3FAA]  }
0x2f: {  	lr =	sadd.s32 s0, s3;
	s0 =	sld [smem:$0x3FA1]  }
0x30: {  	s3 =	sld [smem:$0x3FA4]  }
0x31: {  	[smem:$0x3FAD] =	sst s10  }
0x32: {  	s10 =	sld [smem:$0x3FAB];
	_ =	sdelay $0x3  }
0x33: {  	p0 =	seq.s32 s10, $0x1;
	s10 =	sld [smem:$0x3FAD];
	_ =	sdelay $0x3  }
0x34: {  	[smem:$0x3FAD] =	sst s10  }
0x35: {  	s10 =	sld [smem:$0x3FAC];
	_ =	sdelay $0x3  }
0x36: {  	p1 =	seq.s32 s10, $0x1;
	s10 =	sld [smem:$0x3FAD];
	_ =	sdelay $0x3  }
0x37: {  	[smem:$0x3FAD] =	sst s10  }
0x38: {  	s10 =	sld [smem:$0x3FAE]  }
0x39: {  	_ = 	snop;
	(pc) =	sbr.ind lr, $3  }
0x3a: {  	_ = 	snop  }
0x3b: {  	_ = 	snop  }
0x3c: {  	p2 =	seq.s32 s10, $0x1;
	s10 =	sld [smem:$0x3FAD]  }
0x3d: {  	_ =	shalt  }
0x3e: {  	_ =	shalt  }
0x3f: {  	_ =	shalt  }
0x40: {  	_ =	shalt  }
0x41: {  	_ =	shalt  }
0x42: {  	_ =	shalt  }
0x43: {  	_ =	shalt  }
0x44: {  	_ =	shalt  }
0x45: {  	_ =	shalt  }
0x46: {  	_ =	shalt  }
0x47: {  	_ =	shalt  }
0x48: {  	_ =	shalt  }
0x49: {  	_ =	shalt  }
0x4a: {  	_ =	shalt  }
0x4b: {  	_ =	shalt  }
0x4c: {  	_ =	shalt  }
0x4d: {  	_ =	shalt  }
0x4e: {  	_ =	shalt  }
0x4f: {  	_ =	shalt  }
0x50: {  	_ =	shalt  }
0x51: {  	_ =	shalt  }
0x52: {  	_ =	shalt  }
0x53: {  	_ =	shalt  }
0x54: {  	_ =	shalt  }
0x55: {  	_ =	shalt  }
0x56: {  	_ =	shalt  }
0x57: {  	_ =	shalt  }
0x58: {  	_ =	shalt  }
0x59: {  	_ =	shalt  }
0x5a: {  	_ =	shalt  }
0x5b: {  	_ =	shalt  }
0x5c: {  	_ =	shalt  }
0x5d: {  	_ =	shalt  }
0x5e: {  	_ =	shalt  }
0x5f: {  	_ =	shalt  }
0x60: {  	_ =	shalt  }
0x61: {  	_ =	shalt  }
0x62: {  	_ =	shalt  }
0x63: {  	_ =	shalt  }
0x64: {  	_ =	shalt  }
0x65: {  	_ =	shalt  }
0x66: {  	_ =	shalt  }
0x67: {  	_ =	shalt  }
0x68: {  	_ =	shalt  }
0x69: {  	_ =	shalt  }
0x6a: {  	_ =	shalt  }
0x6b: {  	_ =	shalt  }
0x6c: {  	_ =	shalt  }
0x6d: {  	_ =	shalt  }
0x6e: {  	_ =	shalt  }
0x6f: {  	_ =	shalt  }
0x70: {  	_ =	shalt  }
0x71: {  	_ =	shalt  }
0x72: {  	_ =	shalt  }
0x73: {  	_ =	shalt  }
0x74: {  	_ =	shalt  }
0x75: {  	_ =	shalt  }
0x76: {  	_ =	shalt  }
0x77: {  	_ =	shalt  }
0x78: {  	_ =	shalt  }
0x79: {  	_ =	shalt  }
0x7a: {  	_ =	shalt  }
0x7b: {  	_ =	shalt  }
0x7c: {  	_ =	shalt  }
0x7d: {  	_ =	shalt  }
0x7e: {  	_ =	shalt  }
0x7f: {  	_ =	shalt  }
0x80: {  	_ =	shalt  }
0x81: {  	_ =	shalt  }
0x82: {  	_ =	shalt  }
0x83: {  	_ =	shalt  }
0x84: {  	_ =	shalt  }
0x85: {  	_ =	shalt  }
0x86: {  	_ =	shalt  }
0x87: {  	_ =	shalt  }
.Lfunc_end0:
.L_simem_size_0:
called_computation_lowered:
.L_overlay_start_0:
0x88: {  	s2 =	sld [smem:$0x3FD9]  }
0x89: {  	s3 =	sld [smem:$0x3FFE];
	_ =	sdelay $0x1  }
0x8a: {  	s1 =	srdreg.scid  }
0x8b: {  	s0 =	sand.u32 $0x1, s1  }
0x8c: {  	s16 =	sshll.u32 s0, $0xA;
	s2 =	sadd.s32 s3, s2  }
0x8d: {  	s2 =	sadd.s32 s2, s16  }
0x8e: {  	[smem:$0x3FB9] =	sst s2  }
0x8f: {  	_ = 	snop  }
0x90: {  	(tm) =	ssettm $0x1  }
0x91: {  	s17 =	sld [smem:$0x3FFB];
	_ =	sdelay $0x3  }
0x92: {  	_ =	strace s17  }
0x93: {  	s2 =	sld [smem:$0x3FFC];
	_ =	sdelay $0x3  }
0x94: {  	_ =	strace s2  }
0x95: {  	s2 =	sld [smem:$0x3FFD];
	_ =	sdelay $0x3  }
0x96: {  	_ =	strace s2  }
0x97: {  	_ =	strace $0x8FFFFFFF  }
0x98: {  	s18 =	sld [smem:$0x3FDB];
	_ =	sdelay $0x1  }
0x99: {  	s19 =	simm.s32 $_scs_section_size  }
0x9a: {  	s4 =	simm.s32 $_size__tile_overlayer_lowered;
	s5 =	simm.s32 $_tile_overlayer_lowered  }
0x9b: {  	s22 =	simm.s32 $0x1BFF;
	s21 =	sshll.u32 s5, $0x1;
	s2 =	sadd.s32 s19, s18  }
0x9c: {  	s6 =	simm.s32 $0x0;
	s20 =	sshll.u32 s4, $0x1;
	s4 =	sadd.s32 s21, s2  }
0x9d: {  	[timem:s6], [sflag:s22] =	dma.local [hbm:s4], s20  }
0x9e: {  	_ =	swait.ge [sflag:s22], s20  }
0x9f: {  	s3 =	ssub.s32 $0x0, s20;
	[sflag:s22] =	ssyncset.done $0x0  }
0xa0: {  	[sflag:s22] =	ssyncadd.s32 s3;
	_ =	sdelay $0x1  }
0xa1: {  	s23 =	simm.s32 $0x1B8B  }
0xa2: {  	_ =	swait.ge [sflag:s23], $0x1  }
0xa3: {  	[sflag:s23] =	ssyncset.done $0x0  }
0xa4: {  	s25 =	simm.s32 $0x1B8E;
	s24 =	sld [smem:$0x3FFE];
	[sflag:s23] =	ssyncadd.s32 $0xFFFFFFFF  }
0xa5: {  	s26 =	simm.s32 $execute0_lowered;
	[smem:$0x3FD2] =	sst s25  }
0xa6: {  	s4 =	sshll.u32 s26, $0x1;
	_ =	strace $0x80000046;
	[dreg:$0x1] =	wrdreg $0xFFFFFFFF  }
0xa7: {  	s28 =	simm.s32 $_size_execute0_lowered;
	s2 =	sadd.s32 s2, s4;
	[dreg:$0x0] =	wrdreg $0x0  }
0xa8: {  	s4 =	sshll.u32 s28, $0x1;
	[dreg:$0x2] =	wrdreg s2  }
0xa9: {  	[dreg:$0x3] =	wrdreg s4  }
0xaa: {  	[dreg:$0x4] =	wrdreg $0xC0  }
0xab: {  	_ =	task [dreg:s6], $0x5FFFF  }
0xac: {  	[dreg:$0x1] =	wrdreg $0xFFFFFFFF  }
0xad: {  	[dreg:$0x0] =	wrdreg $0x60  }
0xae: {  	[dreg:$0x2] =	wrdreg s24  }
0xaf: {  	[dreg:$0x3] =	wrdreg $0x9  }
0xb0: {  	_ =	task.clear_ibuf [dreg:s6], $0x4FFFF;
	_ =	strace $0x90000046  }
0xb1: {  	s29 =	simm.s32 $0x9;
	_ =	strace $0x80000048  }
0xb2: {  	_ =	swait.ge [sflag:s29], $0x1  }
0xb3: {  	[sflag:s29] =	ssyncadd.s32 $0xFFFFFFFF  }
0xb4: {  	_ =	strace $0x90000048  }
0xb5: {  	_ =	sfence  }
0xb6: {  	s30 =	sld [smem:$0x0];
	_ =	sdelay $0x2  }
0xb7: {  	s31 =	sshll.u32 s1, $0xD;
	s1 =	sshrl.u32 s1, $0x2  }
0xb8: {  	s3 =	sand.u32 $0x4000, s31;
	s1 =	sadd.s32 s1, s30  }
0xb9: {  	s0 =	sor.u32 s3, s0;
	s1 =	sshll.u32 s1, $0x11  }
0xba: {  	s0 =	sor.u32 s1, s0  }
0xbb: {  	s0 =	sadd.s32 $0x8F2B, s0  }
0xbc: {  	[sflag:s0] =	ssyncadd.remote.s32 $0x1  }
0xbd: {  	_ =	sfence.sel $0xFFFF  }
0xbe: {  	[dreg:$0x0] =	wrdreg $0xFFFFFFFF;
	(pc) =	sbr.abs _section_cstart, $3  }
0xbf: {  	[dreg:$0x1] =	wrdreg $0xFFFFFFFF  }
0xc0: {  	_ =	task.clear_ibuf [dreg:s6], $0x2FFFF;
	_ =	strace $0x9FFFFFFF  }
0xc1: {  	(tm) =	ssettm $0x7FFFFFFF  }
tec
execute0_lowered:
.L_overlay_start_1:
0x0: {  	(tag) =	ssettag $0x1  }
0x1: {  	s8 =	rddreg [dreg:$0x0]  }
0x2: {  	s0 =	rddreg [dreg:$0x1];
	_ =	strace $0x80000047;
	s1 =	stileid.u32  }
0x3: {  	s3 =	srdreg.scid;
	s4 =	simm.s32 $0x1;
	s7 =	simm.s32 $0x1  }
0x4: {  	s9 =	simm.s32 $0x1;
	s10 =	simm.s32 $0x3;
	s13 =	simm.s32 $0x0  }
0x5: {  	s12 =	simm.s32 $0x0;
	s5 =	sand.u32 $0x1, s3;
	s6 =	sshll.u32 s1, $0x1  }
0x6: {  	s2 =	sadd.s32 $0x26C00, s8;
	s3 =	sadd.s32 $0x7A800, s8;
	s5 =	sor.u32 s6, s5  }
.Ltmp0:
0x7: {  	[sflag:s4] =	ssyncpa.u1 $0x0;
	p0 =	slt.u32 s5, $0x9;
	(pc) =	sbr.rel .LBB2_1-.Ltmp0, $4  }
0x8: {  	s6 =	simm.s32 $0x2;
	s7 =	simm.s32 @!p0 $0x0;
	p0 =	sne.s32 s5, $0x8  }
0x9: {  	[sflag:s6] =	ssyncpa.u1 $0x0;
	s5 =	smul.u32 $0x1F40, s5;
	s9 =	simm.s32 @!p0 $0x0  }
0xa: {  	s8 =	sadd.s32 $0x84600, s8;
	[sflag:s10] =	ssyncpa.u1 $0x0;
	s7 =	sadd.s32 s9, s7  }
0xb: {  	vm0 =	vmmov $0xffff;
	s10 =	simm.s32 $0x0;
	s11 =	smov.u32 s5;
	s9 =	sadd.s32 $0x1, s7  }
.LBB2_4:
0xc: {  	v2 =	vnsel vm1, $0x0, v2  }
0xd: {  	vm1 =	vgt.s32 v0, $0x0;
	v2 =	vmin.u32 v2, $0x4E1FF  }
0xe: {  	v0 =	vnsel vm1, $0x0, v0  }
0xf: {  	v0 =	vmin.u32 v0, $0x4E1FF  }
0x10: {  	[tilespmem:s18], [sflag:$0x1] =	stream.indirect_vreg.gather [hbm4b:s2+s10], $0x1, v1, vm0, $0x4038;
	[tilespmem:$0x7D00] =	vst v63  }
0x11: {  	(ifvalue) =	ssetifvalue $0x7FFFFFFF  }
0x12: {  	[tilespmem:s15], [sflag:$0x1] =	stream.indirect_vreg.gather [hbm4b:s2+s10], $0x1, v2, vm0, $0x4038;
	[tilespmem:$0x7D00] =	vst v63  }
0x13: {  	s29 =	sadd.s32 $0x10, s15;
	(ifvalue) =	ssetifvalue $0x7FFFFFFF  }
0x14: {  	[tilespmem:s29], [sflag:$0x1] =	stream.indirect_vreg.gather [hbm4b:s2+s10], $0x1, v0, vm0, $0x4038;
	[tilespmem:$0x7D00] =	vst v63  }
0x15: {  	_ =	swait.ge [sflag:s4], $0x1F40  }
0x16: {  	s30 =	sshrl.u32 s13, $0x3;
	[sflag:s4] =	ssyncset.done $0x0  }
0x17: {  	s31 =	sand.u32 $0x7, s13;
	s15 =	sadd.s32 s8, s30;
	[sflag:s4] =	ssyncadd.s32 $0xFFFFE0C0  }
0x18: {  	[hbm4b:s15+s31] =	stream.linear.scatter [tilespmem:s14], [sflag:$0x3], $0x1F40, $0x38;
	[tilespmem:$0x7D00] =	vst v63  }
.LBB2_5:
0x19: {  	s15 =	sadd.s32 $0x3E800, s11  }
0x1a: {  	p1 =	sgt.s32 s15, $0x4E1FF  }
0x1b: {  	s15 =	smov.u32 @p1 s5;
	p1 =	sne.s32 s12, s9  }
.Ltmp1:
0x1c: {  	p0 =	slt.u32 s12, $0x2;
	(pc) =	sbr.rel @!p1 .LBB2_6-.Ltmp1, $4  }
0x1d: {  	s14 =	simm.s32 @!p0 $0x3  }
0x1e: {  	_ =	swait.ge @!p0 [sflag:s14], $0x1F40  }
0x1f: {  	s16 =	sadd.s32 $0x1, s12;
	s13 =	smov.u32 s11;
	[sflag:s14] =	ssyncset.done @!p0 $0x0  }
0x20: {  	s12 =	smov.u32 s16;
	s11 =	smov.u32 s15;
	[sflag:s14] =	ssyncadd.s32 @!p0 $0xFFFFE0C0  }
.LBB2_1:
0x21: {  	p0 =	sge.u32 s12, s7  }
0x22: {  	s14 =	sxor.u32 @!p0 $0x1, s12  }
0x23: {  	s14 =	smul.u32 @!p0 $0x7D00, s14  }
0x24: {  	s31 =	sadd.s32 $0xFFFFFFFF, s12;
	s15 =	sshrl.u32 @!p0 s11, $0x3  }
0x25: {  	s16 =	sand.u32 @!p0 $0x7, s11;
	s15 =	sadd.s32 @!p0 s3, s15;
	s14 =	sshra.s32 @!p0 s14, $0x2  }
0x26: {  	[tilespmem:s14], [sflag:$0x2] =	stream.linear.gather @!p0 [hbm4b:s15+s16], $0x1F40, $0x38;
	[tilespmem:$0x7D00] =	vst v63  }
0x27: {  	p0 =	sge.u32 s31, s7  }
.Ltmp2:
0x28: {  	_ = 	snop;
	(pc) =	sbr.rel @p0 .LBB2_5-.Ltmp2, $1  }
0x29: {  	_ =	sdelay $0x3  }
0x2a: {  	s14 =	sand.u32 $0x1, s12  }
0x2b: {  	_ =	swait.ge [sflag:s6], $0x1F40;
	p0 =	seq.s32 s14, $0x1;
	s14 =	simm.s32 $0x1F40  }
0x2c: {  	[sflag:s6] =	ssyncset.done $0x0;
	s14 =	simm.s32 @!p0 $0x0  }
0x2d: {  	[sflag:s6] =	ssyncadd.s32 $0xFFFFE0C0;
	(ifvalue) =	ssetifvalue $0x7FFFFFFF;
	v0 =	vld.msk [tilespmem:s14+$0x0 ss:$0x1], $0xffff;
	_ =	sdelay $0x4  }
0x2e: {  	s15 =	sadd.s32 $0x10, s14;
	vm1 =	vgt.s32 v0, $0x0  }
0x2f: {  	v2 =	vld.msk [tilespmem:s15+$0x0 ss:$0x1], $0xffff;
	v1 =	vnsel vm1, $0x0, v0  }
0x30: {  	v1 =	vmin.u32 v1, $0x4E1FF;
	_ =	sdelay $0x2  }
0x31: {  	s17 =	simm.s32 $0x20;
	s14 =	sadd.s32 $0x3E80, s14;
	s16 =	sadd.s32 $0x10, s15  }
0x32: {  	s15 =	sadd.s32 $0x10, s14;
	s18 =	smov.u32 s14;
	v0 =	vld.msk [tilespmem:s16+$0x0 ss:$0x1], $0xffff;
	vm1 =	vgt.s32 v2, $0x0;
	(ifvalue) =	ssetifvalue $0x7FFFFFFF  }
.LBB2_3:
0x33: {  	[tilespmem:s18], [sflag:$0x1] =	stream.indirect_vreg.gather [hbm4b:s2+s10], $0x1, v1, vm0, $0x4038;
	[tilespmem:$0x7D00] =	vst v63  }
0x34: {  	s17 =	sadd.s32 $0x10, s17  }
0x35: {  	v2 =	vnsel vm1, $0x0, v2;
	p0 =	slt.u32 s17, $0x1F30  }
.Ltmp3:
0x36: {  	s18 =	smov.u32 s15;
	v1 =	vmin.u32 v2, $0x4E1FF;
	(pc) =	sbr.rel @p0 .LBB2_3-.Ltmp3, $3  }
0x37: {  	_ =	sdelay $0x1  }
0x38: {  	s16 =	sadd.s32 $0x10, s16  }
0x39: {  	vm1 =	vgt.s32 v0, $0x0;
	s15 =	sadd.s32 $0x10, s15;
	v2 =	vmov v0;
	(ifvalue) =	ssetifvalue $0x7FFFFFFF;
	v0 =	vld.msk [tilespmem:s16+$0x0 ss:$0x1], $0xffff  }
.Ltmp4:
0x3a: {  	_ = 	snop;
	(pc) =	sbr.rel .LBB2_4-.Ltmp4, $1  }
0x3b: {  	_ =	sdelay $0x3  }
.LBB2_6:
0x3c: {  	_ =	sfence.sel $0x180000  }
0x3d: {  	s2 =	simm.s32 $0x2;
	[bflag:$0x0] =	sbarrier.arrive $0xFFFF  }
0x3e: {  	s30 =	simm.s32 $0x3;
	[sflag:s2] =	ssyncpa.u1 $0x1  }
0x3f: {  	s31 =	simm.s32 $0x1;
	[sflag:s30] =	ssyncpa.u1 $0x1  }
0x40: {  	[sflag:s31] =	ssyncpa.u1 $0x1  }
0x41: {  	p0 =	sne.s32 s1, $0x0;
	_ =	strace $0x90000047  }
0x42: {  	s0 =	sadd.s32 @!p0 $0x100000, s0;
	[bflag:$0x2] =	sbarrier.arrive $0xFFFF  }
0x43: {  	[sflag:s0] =	ssyncadd.tile.s32 @!p0 $0x1;
	_ =	shalt  }
.Lfunc_end2:
_tile_overlayer_lowered:
.L_overlay_start_2:
0x44: {  	(tag) =	ssettag $0x2  }
0x45: {  	s0 =	rddreg [dreg:$0x0];
	s2 =	stileid.u32  }
0x46: {  	s1 =	rddreg [dreg:$0x1];
	p0 =	sne.s32 s2, $0x0  }
0x47: {  	s3 =	rddreg [dreg:$0x2];
	[bflag:$0x3] =	sbarrier.arrive $0xFFFF;
	s2 =	simm.s32 @!p0 $0x1C01  }
0x48: {  	[timem:s3], [sflag:s2] =	dma.local @!p0 [hbm:s0], s1  }
0x49: {  	s0 =	simm.s32 @!p0 $0x1  }
0x4a: {  	_ =	swait.ge @!p0 [sflag:s0], s1  }
0x4b: {  	s1 =	ssub.s32 @!p0 $0x0, s1;
	[sflag:s0] =	ssyncset.done @!p0 $0x0  }
0x4c: {  	[sflag:s0] =	ssyncadd.s32 @!p0 s1  }
0x4d: {  	[bflag:$0x3] =	sbarrier.arrive $0xFFFF  }
0x4e: {  	_ =	shalt  }

// kernel: kernel.17.cloned.1.call-start
scs
__scs_entry_jumppad:
0x0: {  	(pc) =	sbr.rel $0x88, $3  }
0x1: {  	(tag) =	ssettag $0x0;
	lr =	simm.s32 $0x1  }
0x2: {  	[smem:$0x3F92] =	sst lr;
	_ =	strace $0xD0000000  }
0x3: {  	_ = 	snop  }
0x4: {  	_ = 	snop  }
0x5: {  	_ = 	snop  }
0x6: {  	_ = 	snop  }
0x7: {  	_ = 	snop  }
__scs_overlays_trampoline_lowered:
0x8: {  	[smem:$0x3FA1] =	sst s0  }
0x9: {  	[smem:$0x3FA2] =	sst s1  }
0xa: {  	[smem:$0x3FA3] =	sst s2  }
0xb: {  	[smem:$0x3FA4] =	sst s3  }
0xc: {  	[smem:$0x3FA5] =	sst s4  }
0xd: {  	[smem:$0x3FA6] =	sst s5  }
0xe: {  	[smem:$0x3FA7] =	sst s6  }
0xf: {  	[smem:$0x3FA8] =	sst s7  }
0x10: {  	[smem:$0x3FA9] =	sst s8  }
0x11: {  	[smem:$0x3FAA] =	sst s9;
	s0 =	simm.s32 @!p0 $0x0  }
0x12: {  	s1 =	sld [smem:$0x3F90];
	s0 =	simm.s32 @p0 $0x1  }
0x13: {  	[smem:$0x3FAB] =	sst s0;
	s0 =	simm.s32 @!p1 $0x0  }
0x14: {  	s2 =	sld [smem:$0x3F8F];
	s0 =	simm.s32 @p1 $0x1  }
0x15: {  	[smem:$0x3FAC] =	sst s0;
	s0 =	simm.s32 @!p2 $0x0  }
0x16: {  	s3 =	sld [smem:$0x3FDB];
	s0 =	simm.s32 @p2 $0x1  }
0x17: {  	s4 =	simm.s32 $0x1BF5;
	[smem:$0x3FAE] =	sst s0  }
0x18: {  	s0 =	sld [smem:$0x3F91];
	_ =	swait.ge [sflag:s4], $0x0  }
0x19: {  	s7 =	sld [smem:$0x3F92]  }
0x1a: {  	s8 =	sadd.s32 $0xFFFFE003, lr  }
0x1b: {  	s9 =	sadd.s32 $0xFFFFFEF7, lr;
	s5 =	simm.s32 $0xFFFFFFFF;
	p2 =	slt.u32 s8, $0xFFFFF086  }
0x1c: {  	p1 =	slt.u32 s9, $0xF7A;
	s5 =	simm.s32 @!p2 $0x0  }
0x1d: {  	s5 =	simm.s32 @p1 $0x1;
	p0 =	seq.s32 s7, s2  }
0x1e: {  	s7 =	smul.u32 @!p0 $0xF7A, s2;
	p2 =	seq.s32 @!p0 s5, $0x0  }
0x1f: {  	s9 =	smul.u32 $0xF7A, s1;
	s8 =	simm.s32 @!p0 $0x1BF5;
	p2 =	por !p2, p0  }
0x20: {  	[sflag:s8] =	ssyncset.s32 @!p0 $0xFFFFF086;
	s6 =	sadd.s32 @!p0 s3, s7;
	s7 =	simm.s32 @!p0 $0x108  }
0x21: {  	s3 =	sadd.s32 s3, s9;
	s6 =	sadd.s32 @!p0 $0x88, s6;
	s7 =	simm.s32 @p2 $0x1082  }
0x22: {  	[simem:s7], [sflag:s8] =	dma.local @!p0 [hbm:s6], $0xF7A  }
0x23: {  	s9 =	sor.u32 $0xD0000000, s2;
	s6 =	simm.s32 $0x108;
	_ =	swait.ge @!p0 [sflag:s8], $0x0  }
0x24: {  	s3 =	sadd.s32 $0x88, s3;
	s6 =	simm.s32 @!p1 $0x1082;
	[sflag:s4] =	ssyncset.s32 $0xFFFFF086  }
0x25: {  	[simem:s6], [sflag:s4] =	dma.local [hbm:s3], $0xF7A  }
0x26: {  	[smem:$0x3F92] =	sst s1;
	(tag) =	ssettag s2;
	_ =	strace s9  }
0x27: {  	s1 =	sld [smem:$0x3FA2]  }
0x28: {  	s2 =	sld [smem:$0x3FA3]  }
0x29: {  	s4 =	sld [smem:$0x3FA5]  }
0x2a: {  	p0 =	seq.s32 s5, $0x0;
	s5 =	sld [smem:$0x3FA6]  }
0x2b: {  	s6 =	sld [smem:$0x3FA7]  }
0x2c: {  	s7 =	sld [smem:$0x3FA8]  }
0x2d: {  	s3 =	simm.s32 $0x108;
	s8 =	sld [smem:$0x3FA9]  }
0x2e: {  	s3 =	simm.s32 @!p0 $0x1082;
	s9 =	sld [smem:$0x3FAA]  }
0x2f: {  	lr =	sadd.s32 s0, s3;
	s0 =	sld [smem:$0x3FA1]  }
0x30: {  	s3 =	sld [smem:$0x3FA4]  }
0x31: {  	[smem:$0x3FAD] =	sst s10  }
0x32: {  	s10 =	sld [smem:$0x3FAB];
	_ =	sdelay $0x3  }
0x33: {  	p0 =	seq.s32 s10, $0x1;
	s10 =	sld [smem:$0x3FAD];
	_ =	sdelay $0x3  }
0x34: {  	[smem:$0x3FAD] =	sst s10  }
0x35: {  	s10 =	sld [smem:$0x3FAC];
	_ =	sdelay $0x3  }
0x36: {  	p1 =	seq.s32 s10, $0x1;
	s10 =	sld [smem:$0x3FAD];
	_ =	sdelay $0x3  }
0x37: {  	[smem:$0x3FAD] =	sst s10  }
0x38: {  	s10 =	sld [smem:$0x3FAE]  }
0x39: {  	_ = 	snop;
	(pc) =	sbr.ind lr, $3  }
0x3a: {  	_ = 	snop  }
0x3b: {  	_ = 	snop  }
0x3c: {  	p2 =	seq.s32 s10, $0x1;
	s10 =	sld [smem:$0x3FAD]  }
0x3d: {  	_ =	shalt  }
0x3e: {  	_ =	shalt  }
0x3f: {  	_ =	shalt  }
0x40: {  	_ =	shalt  }
0x41: {  	_ =	shalt  }
0x42: {  	_ =	shalt  }
0x43: {  	_ =	shalt  }
0x44: {  	_ =	shalt  }
0x45: {  	_ =	shalt  }
0x46: {  	_ =	shalt  }
0x47: {  	_ =	shalt  }
0x48: {  	_ =	shalt  }
0x49: {  	_ =	shalt  }
0x4a: {  	_ =	shalt  }
0x4b: {  	_ =	shalt  }
0x4c: {  	_ =	shalt  }
0x4d: {  	_ =	shalt  }
0x4e: {  	_ =	shalt  }
0x4f: {  	_ =	shalt  }
0x50: {  	_ =	shalt  }
0x51: {  	_ =	shalt  }
0x52: {  	_ =	shalt  }
0x53: {  	_ =	shalt  }
0x54: {  	_ =	shalt  }
0x55: {  	_ =	shalt  }
0x56: {  	_ =	shalt  }
0x57: {  	_ =	shalt  }
0x58: {  	_ =	shalt  }
0x59: {  	_ =	shalt  }
0x5a: {  	_ =	shalt  }
0x5b: {  	_ =	shalt  }
0x5c: {  	_ =	shalt  }
0x5d: {  	_ =	shalt  }
0x5e: {  	_ =	shalt  }
0x5f: {  	_ =	shalt  }
0x60: {  	_ =	shalt  }
0x61: {  	_ =	shalt  }
0x62: {  	_ =	shalt  }
0x63: {  	_ =	shalt  }
0x64: {  	_ =	shalt  }
0x65: {  	_ =	shalt  }
0x66: {  	_ =	shalt  }
0x67: {  	_ =	shalt  }
0x68: {  	_ =	shalt  }
0x69: {  	_ =	shalt  }
0x6a: {  	_ =	shalt  }
0x6b: {  	_ =	shalt  }
0x6c: {  	_ =	shalt  }
0x6d: {  	_ =	shalt  }
0x6e: {  	_ =	shalt  }
0x6f: {  	_ =	shalt  }
0x70: {  	_ =	shalt  }
0x71: {  	_ =	shalt  }
0x72: {  	_ =	shalt  }
0x73: {  	_ =	shalt  }
0x74: {  	_ =	shalt  }
0x75: {  	_ =	shalt  }
0x76: {  	_ =	shalt  }
0x77: {  	_ =	shalt  }
0x78: {  	_ =	shalt  }
0x79: {  	_ =	shalt  }
0x7a: {  	_ =	shalt  }
0x7b: {  	_ =	shalt  }
0x7c: {  	_ =	shalt  }
0x7d: {  	_ =	shalt  }
0x7e: {  	_ =	shalt  }
0x7f: {  	_ =	shalt  }
0x80: {  	_ =	shalt  }
0x81: {  	_ =	shalt  }
0x82: {  	_ =	shalt  }
0x83: {  	_ =	shalt  }
0x84: {  	_ =	shalt  }
0x85: {  	_ =	shalt  }
0x86: {  	_ =	shalt  }
0x87: {  	_ =	shalt  }
.Lfunc_end0:
.L_simem_size_0:
called_computation.1_lowered:
.L_overlay_start_0:
0x88: {  	s2 =	sld [smem:$0x3FD9]  }
0x89: {  	s3 =	sld [smem:$0x3FFE];
	_ =	sdelay $0x1  }
0x8a: {  	s1 =	srdreg.scid  }
0x8b: {  	s0 =	sand.u32 $0x1, s1  }
0x8c: {  	s15 =	sshll.u32 s0, $0xA;
	s2 =	sadd.s32 s3, s2  }
0x8d: {  	s2 =	sadd.s32 s2, s15  }
0x8e: {  	[smem:$0x3FB9] =	sst s2  }
0x8f: {  	_ = 	snop  }
0x90: {  	s2 =	sld [smem:$0x3FD0];
	_ =	sdelay $0x2  }
0x91: {  	s16 =	simm.s32 $0xB;
	s4 =	simm.s32 $0x10  }
0x92: {  	[smem:s4], [sflag:s16] =	dma.local [hbm:s2], $0x1  }
0x93: {  	_ =	swait.eq [sflag:s16], $0x1  }
0x94: {  	[sflag:s16] =	ssyncset.done $0x0  }
0x95: {  	[sflag:s16] =	ssyncadd.s32 $0xFFFFFFFF  }
0x96: {  	s17 =	sld [smem:$0x11];
	(tm) =	ssettm $0x1  }
0x97: {  	s18 =	sld [smem:$0x3FFB];
	_ =	sdelay $0x3  }
0x98: {  	_ =	strace s18  }
0x99: {  	s2 =	sld [smem:$0x3FFC];
	_ =	sdelay $0x3  }
0x9a: {  	_ =	strace s2  }
0x9b: {  	s2 =	sld [smem:$0x3FFD];
	_ =	sdelay $0x3  }
0x9c: {  	_ =	strace s2  }
0x9d: {  	_ =	strace $0x8FFFFFFF  }
0x9e: {  	s19 =	sld [smem:$0x3FDB];
	_ =	sdelay $0x1  }
0x9f: {  	s20 =	simm.s32 $_scs_section_size  }
0xa0: {  	s5 =	simm.s32 $_size__tile_overlayer_lowered;
	s6 =	simm.s32 $_tile_overlayer_lowered  }
0xa1: {  	s7 =	simm.s32 $0x1BFF;
	s21 =	sshll.u32 s6, $0x1;
	s4 =	sadd.s32 s20, s19  }
0xa2: {  	s22 =	simm.s32 $0x0;
	s5 =	sshll.u32 s5, $0x1;
	s6 =	sadd.s32 s21, s4  }
0xa3: {  	[timem:s22], [sflag:s7] =	dma.local [hbm:s6], s5  }
0xa4: {  	_ =	swait.ge [sflag:s7], s5  }
0xa5: {  	s5 =	ssub.s32 $0x0, s5;
	[sflag:s7] =	ssyncset.done $0x0  }
0xa6: {  	[sflag:s7] =	ssyncadd.s32 s5;
	_ =	sdelay $0x1  }
0xa7: {  	s23 =	simm.s32 $0x1B8B  }
0xa8: {  	_ =	swait.ge [sflag:s23], $0x1  }
0xa9: {  	[sflag:s23] =	ssyncset.done $0x0  }
0xaa: {  	[sflag:s23] =	ssyncadd.s32 $0xFFFFFFFF  }
0xab: {  	s5 =	sld [smem:$0x0]  }
0xac: {  	s6 =	sand.u32 $0xFFFFFFFE, s1  }
0xad: {  	p0 =	sne.s32 s1, s6  }
0xae: {  	s6 =	sshll.u32 @p0 s6, $0xE  }
0xaf: {  	s6 =	sadd.s32 @p0 $0x11B8D, s6;
	s7 =	sshll.u32 @p0 s5, $0x11  }
0xb0: {  	s6 =	sor.u32 @p0 s7, s6  }
0xb1: {  	[sflag:s6] =	ssyncadd.remote.s32 @p0 $0x1;
	_ =	sdelay $0x1  }
0xb2: {  	s6 =	simm.s32 @p0 $0x1B8D  }
0xb3: {  	_ =	swait.eq @p0 [sflag:s6], $0x1  }
0xb4: {  	[sflag:s6] =	ssyncadd.s32 @p0 $0xFFFFFFFF  }
0xb5: {  	s7 =	sshll.u32 @!p0 s1, $0xE  }
0xb6: {  	s7 =	sor.u32 @!p0 $0x4000, s7;
	s6 =	simm.s32 @!p0 $0x1B8D  }
0xb7: {  	s5 =	sshll.u32 @!p0 s5, $0x11;
	s7 =	sadd.s32 @!p0 $0x11B8D, s7;
	_ =	swait.eq @!p0 [sflag:s6], $0x1  }
0xb8: {  	s5 =	sor.u32 @!p0 s5, s7;
	[sflag:s6] =	ssyncadd.s32 @!p0 $0xFFFFFFFF  }
0xb9: {  	s25 =	simm.s32 $0x1B8E;
	s24 =	sld [smem:$0x3FFE];
	[sflag:s5] =	ssyncadd.remote.s32 @!p0 $0x1  }
0xba: {  	s26 =	simm.s32 $execute0_lowered;
	[smem:$0x3FD2] =	sst s25  }
0xbb: {  	s6 =	sshll.u32 s26, $0x1;
	_ =	strace $0x80000049;
	[dreg:$0x1] =	wrdreg $0xFFFFFFFF  }
0xbc: {  	s28 =	simm.s32 $_size_execute0_lowered;
	s4 =	sadd.s32 s4, s6;
	[dreg:$0x0] =	wrdreg $0x0  }
0xbd: {  	s6 =	sshll.u32 s28, $0x1;
	[dreg:$0x2] =	wrdreg s4  }
0xbe: {  	[dreg:$0x3] =	wrdreg s6  }
0xbf: {  	[dreg:$0x4] =	wrdreg $0xC0  }
0xc0: {  	_ =	task [dreg:s22], $0x5FFFF  }
0xc1: {  	[dreg:$0x1] =	wrdreg $0xFFFFFFFF  }
0xc2: {  	[dreg:$0x0] =	wrdreg $0x60  }
0xc3: {  	[dreg:$0x2] =	wrdreg s17  }
0xc4: {  	[dreg:$0x3] =	wrdreg s24  }
0xc5: {  	[dreg:$0x4] =	wrdreg $0xA  }
0xc6: {  	_ =	task.clear_ibuf [dreg:s22], $0x5FFFF;
	_ =	strace $0x90000049  }
0xc7: {  	s29 =	simm.s32 $0xA;
	_ =	strace $0x8000004B  }
0xc8: {  	_ =	swait.ge [sflag:s29], $0x1  }
0xc9: {  	[sflag:s29] =	ssyncadd.s32 $0xFFFFFFFF  }
0xca: {  	_ =	strace $0x9000004B  }
0xcb: {  	_ =	sfence  }
0xcc: {  	s30 =	sld [smem:$0x0];
	_ =	sdelay $0x2  }
0xcd: {  	s31 =	sshll.u32 s1, $0xD;
	s1 =	sshrl.u32 s1, $0x2  }
0xce: {  	s4 =	sand.u32 $0x4000, s31;
	s1 =	sadd.s32 s1, s30  }
0xcf: {  	s0 =	sor.u32 s4, s0;
	s1 =	sshll.u32 s1, $0x11  }
0xd0: {  	s0 =	sor.u32 s1, s0  }
0xd1: {  	s0 =	sadd.s32 $0x8F2B, s0  }
0xd2: {  	[sflag:s0] =	ssyncadd.remote.s32 $0x1  }
0xd3: {  	_ =	sfence.sel $0xFFFF  }
0xd4: {  	[dreg:$0x0] =	wrdreg $0xFFFFFFFF;
	(pc) =	sbr.abs _section_cstart, $3  }
0xd5: {  	[dreg:$0x1] =	wrdreg $0xFFFFFFFF  }
0xd6: {  	_ =	task.clear_ibuf [dreg:s22], $0x2FFFF;
	_ =	strace $0x9FFFFFFF  }
0xd7: {  	(tm) =	ssettm $0x7FFFFFFF  }
tec
execute0_lowered:
.L_overlay_start_1:
0x0: {  	(tag) =	ssettag $0x1  }
0x1: {  	s1 =	rddreg [dreg:$0x0]  }
0x2: {  	s0 =	rddreg [dreg:$0x1];
	s3 =	simm.s32 $0x0;
	s2 =	srdreg.scid  }
0x3: {  	s5 =	stileid.u32;
	s9 =	simm.s32 $0x28;
	s10 =	simm.s32 $0x10000  }
0x4: {  	s11 =	simm.s32 $0x16400;
	s12 =	simm.s32 $0x11400;
	s13 =	simm.s32 $0x17800  }
0x5: {  	s14 =	simm.s32 $0x12800;
	s15 =	simm.s32 $0x18C00;
	s16 =	simm.s32 $0x13C00  }
0x6: {  	s17 =	simm.s32 $0x1A000;
	s18 =	simm.s32 $0x15000;
	s19 =	simm.s32 $0x1B400  }
0x7: {  	s20 =	simm.s32 $0x1;
	s21 =	simm.s32 $0x6;
	s22 =	simm.s32 $0x2  }
0x8: {  	s28 =	simm.s32 $0x9;
	s29 =	simm.s32 $0x5;
	s2 =	sand.u32 $0x1, s2  }
0x9: {  	s4 =	smul.u32 $0x4E200, s5;
	s5 =	sshll.u32 s5, $0xD;
	s7 =	sshll.u32 s2, $0xC  }
0xa: {  	[smem:$0x7FF] =	sst s3;
	s6 =	smul.u32 $0x27100, s2;
	s5 =	sor.u32 s7, s5  }
0xb: {  	_ =	strace $0x8000004A;
	s4 =	sadd.s32 s4, s0;
	s0 =	sadd.s32 s5, s0  }
0xc: {  	s2 =	ssub.s32 $0x2, s2;
	s4 =	sadd.s32 s6, s4;
	s25 =	sadd.s32 $0x50A00, s0  }
0xd: {  	s23 =	sshrl.u32 s2, $0x1;
	s24 =	sadd.s32 $0x8E400, s4;
	[dreg:$0x5] =	wrdreg s25  }
0xe: {  	s2 =	ssub.s32 s2, s23;
	s0 =	sadd.s32 $0x30A00, s0;
	[dreg:$0x3] =	wrdreg s24  }
0xf: {  	s30 =	simm.s32 $0xA;
	s26 =	smax.u32 s2, $0x1;
	[dreg:$0x6] =	wrdreg s0  }
0x10: {  	s31 =	simm.s32 $0x0;
	s4 =	sadd.s32 $0x570400, s4;
	[dreg:$0x7] =	wrdreg s26  }
0x11: {  	s7 =	simm.s32 $0xB;
	s23 =	simm.s32 $0x7;
	[dreg:$0x4] =	wrdreg s4  }
0x12: {  	s24 =	simm.s32 $0x3;
	s25 =	simm.s32 $0x8;
	s26 =	simm.s32 $0x4  }
.LBB2_1:
0x13: {  	s0 =	rddreg [dreg:$0x5]  }
0x14: {  	[tilespmem:s3], [sflag:$0xB] =	stream.linear.gather [hbm4b:s0+s3], $0x7D00, $0x38;
	[tilespmem:$0x1C800] =	vst v63  }
0x15: {  	_ =	swait.ge [sflag:s7], $0x7D00  }
0x16: {  	[sflag:s7] =	ssyncset.done $0x0  }
0x17: {  	s2 =	simm.s32 $0x8000;
	s8 =	rddreg [dreg:$0x6];
	[sflag:s7] =	ssyncadd.s32 $0xFFFF8300  }
0x18: {  	[tilespmem:s2], [sflag:$0xB] =	stream.linear.gather [hbm4b:s8+s3], $0x7D00, $0x38;
	[tilespmem:$0x1C800] =	vst v63  }
0x19: {  	_ =	swait.ge [sflag:s7], $0x7D00  }
0x1a: {  	[sflag:s7] =	ssyncset.done $0x0  }
0x1b: {  	s2 =	simm.s32 $0x0;
	[sflag:s7] =	ssyncadd.s32 $0xFFFF8300  }
0x1c: {  	[tilespmem:s10], [sflag:$0x1] =	stream.indirect.gather [hbm4b:s1+s9], $0x80, s2, s9, $0xb8;
	[tilespmem:$0x1C800] =	vst v63  }
0x1d: {  	s4 =	simm.s32 $0x8000  }
0x1e: {  	[tilespmem:s11], [sflag:$0x6] =	stream.indirect.gather [hbm4b:s1+s9], $0x80, s4, s9, $0xb8;
	[tilespmem:$0x1C800] =	vst v63  }
0x1f: {  	s5 =	simm.s32 $0x80  }
0x20: {  	[tilespmem:s12], [sflag:$0x2] =	stream.indirect.gather [hbm4b:s1+s9], $0x80, s5, s9, $0xb8;
	[tilespmem:$0x1C800] =	vst v63  }
0x21: {  	s6 =	simm.s32 $0x8080  }
0x22: {  	[tilespmem:s13], [sflag:$0x7] =	stream.indirect.gather [hbm4b:s1+s9], $0x80, s6, s9, $0xb8;
	[tilespmem:$0x1C800] =	vst v63  }
0x23: {  	s8 =	simm.s32 $0x100  }
0x24: {  	[tilespmem:s14], [sflag:$0x3] =	stream.indirect.gather [hbm4b:s1+s9], $0x80, s8, s9, $0xb8;
	[tilespmem:$0x1C800] =	vst v63  }
0x25: {  	s2 =	simm.s32 $0x8100  }
0x26: {  	[tilespmem:s15], [sflag:$0x8] =	stream.indirect.gather [hbm4b:s1+s9], $0x80, s2, s9, $0xb8;
	[tilespmem:$0x1C800] =	vst v63  }
0x27: {  	s4 =	simm.s32 $0x180  }
0x28: {  	[tilespmem:s16], [sflag:$0x4] =	stream.indirect.gather [hbm4b:s1+s9], $0x80, s4, s9, $0xb8;
	[tilespmem:$0x1C800] =	vst v63  }
0x29: {  	s5 =	simm.s32 $0x8180  }
0x2a: {  	[tilespmem:s17], [sflag:$0x9] =	stream.indirect.gather [hbm4b:s1+s9], $0x80, s5, s9, $0xb8;
	[tilespmem:$0x1C800] =	vst v63  }
0x2b: {  	s6 =	simm.s32 $0x200  }
0x2c: {  	[tilespmem:s18], [sflag:$0x5] =	stream.indirect.gather [hbm4b:s1+s9], $0x80, s6, s9, $0xb8;
	[tilespmem:$0x1C800] =	vst v63  }
0x2d: {  	s8 =	simm.s32 $0x8200  }
0x2e: {  	[tilespmem:s19], [sflag:$0xA] =	stream.indirect.gather [hbm4b:s1+s9], $0x80, s8, s9, $0xb8;
	[tilespmem:$0x1C800] =	vst v63  }
0x2f: {  	_ =	swait.ge [sflag:s20], $0x1400  }
0x30: {  	s2 =	rddreg [dreg:$0x3];
	[sflag:s20] =	ssyncset.done $0x0  }
0x31: {  	[sflag:s20] =	ssyncadd.s32 $0xFFFFEC00;
	s0 =	sadd.s32 $0x0, s2  }
0x32: {  	[hbm4b:s0+s3] =	stream.linear.scatter [tilespmem:s10], [sflag:$0x1], $0x1400, $0x38;
	[tilespmem:$0x1C800] =	vst v63  }
0x33: {  	_ =	swait.ge [sflag:s21], $0x1400  }
0x34: {  	s4 =	rddreg [dreg:$0x4];
	[sflag:s21] =	ssyncset.done $0x0  }
0x35: {  	[sflag:s21] =	ssyncadd.s32 $0xFFFFEC00;
	s2 =	sadd.s32 $0x0, s4  }
0x36: {  	[hbm4b:s2+s3] =	stream.linear.scatter [tilespmem:s11], [sflag:$0x6], $0x1400, $0x38;
	[tilespmem:$0x1C800] =	vst v63  }
0x37: {  	_ =	swait.ge [sflag:s22], $0x1400  }
0x38: {  	[sflag:s22] =	ssyncset.done $0x0  }
0x39: {  	s4 =	sadd.s32 $0x280, s0;
	[sflag:s22] =	ssyncadd.s32 $0xFFFFEC00  }
0x3a: {  	[hbm4b:s4+s3] =	stream.linear.scatter [tilespmem:s12], [sflag:$0x2], $0x1400, $0x38;
	[tilespmem:$0x1C800] =	vst v63  }
0x3b: {  	_ =	swait.ge [sflag:s23], $0x1400  }
0x3c: {  	[sflag:s23] =	ssyncset.done $0x0  }
0x3d: {  	s5 =	sadd.s32 $0x280, s2;
	[sflag:s23] =	ssyncadd.s32 $0xFFFFEC00  }
0x3e: {  	[hbm4b:s5+s3] =	stream.linear.scatter [tilespmem:s13], [sflag:$0x7], $0x1400, $0x38;
	[tilespmem:$0x1C800] =	vst v63  }
0x3f: {  	_ =	swait.ge [sflag:s24], $0x1400  }
0x40: {  	[sflag:s24] =	ssyncset.done $0x0  }
0x41: {  	s6 =	sadd.s32 $0x500, s0;
	[sflag:s24] =	ssyncadd.s32 $0xFFFFEC00  }
0x42: {  	[hbm4b:s6+s3] =	stream.linear.scatter [tilespmem:s14], [sflag:$0x3], $0x1400, $0x38;
	[tilespmem:$0x1C800] =	vst v63  }
0x43: {  	_ =	swait.ge [sflag:s25], $0x1400  }
0x44: {  	[sflag:s25] =	ssyncset.done $0x0  }
0x45: {  	s8 =	sadd.s32 $0x500, s2;
	[sflag:s25] =	ssyncadd.s32 $0xFFFFEC00  }
0x46: {  	[hbm4b:s8+s3] =	stream.linear.scatter [tilespmem:s15], [sflag:$0x8], $0x1400, $0x38;
	[tilespmem:$0x1C800] =	vst v63  }
0x47: {  	_ =	swait.ge [sflag:s26], $0x1400  }
0x48: {  	[sflag:s26] =	ssyncset.done $0x0  }
0x49: {  	s5 =	sadd.s32 $0x780, s0;
	[sflag:s26] =	ssyncadd.s32 $0xFFFFEC00  }
0x4a: {  	[hbm4b:s5+s3] =	stream.linear.scatter [tilespmem:s16], [sflag:$0x4], $0x1400, $0x38;
	[tilespmem:$0x1C800] =	vst v63  }
0x4b: {  	_ =	swait.ge [sflag:s28], $0x1400  }
0x4c: {  	[sflag:s28] =	ssyncset.done $0x0  }
0x4d: {  	s6 =	sadd.s32 $0x780, s2;
	[sflag:s28] =	ssyncadd.s32 $0xFFFFEC00  }
0x4e: {  	[hbm4b:s6+s3] =	stream.linear.scatter [tilespmem:s17], [sflag:$0x9], $0x1400, $0x38;
	[tilespmem:$0x1C800] =	vst v63  }
0x4f: {  	_ =	swait.ge [sflag:s29], $0x1400  }
0x50: {  	[sflag:s29] =	ssyncset.done $0x0  }
0x51: {  	s0 =	sadd.s32 $0xA00, s0;
	[sflag:s29] =	ssyncadd.s32 $0xFFFFEC00  }
0x52: {  	[hbm4b:s0+s3] =	stream.linear.scatter [tilespmem:s18], [sflag:$0x5], $0x1400, $0x38;
	[tilespmem:$0x1C800] =	vst v63  }
0x53: {  	_ =	swait.ge [sflag:s30], $0x1400  }
0x54: {  	[sflag:s30] =	ssyncset.done $0x0  }
0x55: {  	s8 =	sadd.s32 $0xA00, s2;
	[sflag:s30] =	ssyncadd.s32 $0xFFFFEC00  }
0x56: {  	[hbm4b:s8+s3] =	stream.linear.scatter [tilespmem:s19], [sflag:$0xA], $0x1400, $0x38;
	[tilespmem:$0x1C800] =	vst v63  }
0x57: {  	_ =	swait.ge [sflag:s20], $0x1400  }
0x58: {  	[sflag:s20] =	ssyncset.done $0x0  }
0x59: {  	[sflag:s20] =	ssyncadd.s32 $0xFFFFEC00  }
0x5a: {  	_ =	swait.ge [sflag:s21], $0x1400  }
0x5b: {  	[sflag:s21] =	ssyncset.done $0x0  }
0x5c: {  	[sflag:s21] =	ssyncadd.s32 $0xFFFFEC00  }
0x5d: {  	_ =	swait.ge [sflag:s22], $0x1400  }
0x5e: {  	[sflag:s22] =	ssyncset.done $0x0  }
0x5f: {  	[sflag:s22] =	ssyncadd.s32 $0xFFFFEC00  }
0x60: {  	_ =	swait.ge [sflag:s23], $0x1400  }
0x61: {  	[sflag:s23] =	ssyncset.done $0x0  }
0x62: {  	[sflag:s23] =	ssyncadd.s32 $0xFFFFEC00  }
0x63: {  	_ =	swait.ge [sflag:s24], $0x1400  }
0x64: {  	[sflag:s24] =	ssyncset.done $0x0  }
0x65: {  	[sflag:s24] =	ssyncadd.s32 $0xFFFFEC00  }
0x66: {  	_ =	swait.ge [sflag:s25], $0x1400  }
0x67: {  	[sflag:s25] =	ssyncset.done $0x0  }
0x68: {  	[sflag:s25] =	ssyncadd.s32 $0xFFFFEC00  }
0x69: {  	_ =	swait.ge [sflag:s26], $0x1400  }
0x6a: {  	[sflag:s26] =	ssyncset.done $0x0  }
0x6b: {  	[sflag:s26] =	ssyncadd.s32 $0xFFFFEC00  }
0x6c: {  	_ =	swait.ge [sflag:s28], $0x1400  }
0x6d: {  	[sflag:s28] =	ssyncset.done $0x0  }
0x6e: {  	[sflag:s28] =	ssyncadd.s32 $0xFFFFEC00  }
0x6f: {  	_ =	swait.ge [sflag:s29], $0x1400  }
0x70: {  	[sflag:s29] =	ssyncset.done $0x0  }
0x71: {  	[sflag:s29] =	ssyncadd.s32 $0xFFFFEC00  }
0x72: {  	s2 =	simm.s32 $0x1900;
	_ =	swait.ge [sflag:s30], $0x1400  }
0x73: {  	s0 =	simm.s32 $0xC80;
	s8 =	simm.s32 $0xA00;
	[sflag:s30] =	ssyncset.done $0x0  }
.LBB2_2:
0x74: {  	s4 =	sshra.s32 s8, $0x2;
	[sflag:s30] =	ssyncadd.s32 $0xFFFFEC00  }
0x75: {  	[tilespmem:s10], [sflag:$0x1] =	stream.indirect.gather [hbm4b:s1+s9], $0x80, s4, s9, $0xb8;
	[tilespmem:$0x1C800] =	vst v63  }
0x76: {  	s5 =	sadd.s32 $0x8000, s4  }
0x77: {  	[tilespmem:s11], [sflag:$0x6] =	stream.indirect.gather [hbm4b:s1+s9], $0x80, s5, s9, $0xb8;
	[tilespmem:$0x1C800] =	vst v63  }
0x78: {  	s5 =	sadd.s32 $0x80, s4  }
0x79: {  	[tilespmem:s12], [sflag:$0x2] =	stream.indirect.gather [hbm4b:s1+s9], $0x80, s5, s9, $0xb8;
	[tilespmem:$0x1C800] =	vst v63  }
0x7a: {  	s5 =	sadd.s32 $0x8080, s4  }
0x7b: {  	[tilespmem:s13], [sflag:$0x7] =	stream.indirect.gather [hbm4b:s1+s9], $0x80, s5, s9, $0xb8;
	[tilespmem:$0x1C800] =	vst v63  }
0x7c: {  	s5 =	sadd.s32 $0x100, s4  }
0x7d: {  	[tilespmem:s14], [sflag:$0x3] =	stream.indirect.gather [hbm4b:s1+s9], $0x80, s5, s9, $0xb8;
	[tilespmem:$0x1C800] =	vst v63  }
0x7e: {  	s5 =	sadd.s32 $0x8100, s4  }
0x7f: {  	[tilespmem:s15], [sflag:$0x8] =	stream.indirect.gather [hbm4b:s1+s9], $0x80, s5, s9, $0xb8;
	[tilespmem:$0x1C800] =	vst v63  }
0x80: {  	s5 =	sadd.s32 $0x180, s4  }
0x81: {  	[tilespmem:s16], [sflag:$0x4] =	stream.indirect.gather [hbm4b:s1+s9], $0x80, s5, s9, $0xb8;
	[tilespmem:$0x1C800] =	vst v63  }
0x82: {  	s5 =	sadd.s32 $0x8180, s4  }
0x83: {  	[tilespmem:s17], [sflag:$0x9] =	stream.indirect.gather [hbm4b:s1+s9], $0x80, s5, s9, $0xb8;
	[tilespmem:$0x1C800] =	vst v63  }
0x84: {  	s5 =	sadd.s32 $0x200, s4  }
0x85: {  	[tilespmem:s18], [sflag:$0x5] =	stream.indirect.gather [hbm4b:s1+s9], $0x80, s5, s9, $0xb8;
	[tilespmem:$0x1C800] =	vst v63  }
0x86: {  	s4 =	sadd.s32 $0x8200, s4  }
0x87: {  	[tilespmem:s19], [sflag:$0xA] =	stream.indirect.gather [hbm4b:s1+s9], $0x80, s4, s9, $0xb8;
	[tilespmem:$0x1C800] =	vst v63  }
0x88: {  	_ =	swait.ge [sflag:s20], $0x1400  }
0x89: {  	s5 =	rddreg [dreg:$0x3];
	[sflag:s20] =	ssyncset.done $0x0  }
0x8a: {  	[sflag:s20] =	ssyncadd.s32 $0xFFFFEC00;
	s4 =	sadd.s32 s0, s5  }
0x8b: {  	[hbm4b:s4+s3] =	stream.linear.scatter [tilespmem:s10], [sflag:$0x1], $0x1400, $0x38;
	[tilespmem:$0x1C800] =	vst v63  }
0x8c: {  	_ =	swait.ge [sflag:s21], $0x1400  }
0x8d: {  	s5 =	rddreg [dreg:$0x4];
	[sflag:s21] =	ssyncset.done $0x0  }
0x8e: {  	[sflag:s21] =	ssyncadd.s32 $0xFFFFEC00;
	s5 =	sadd.s32 s0, s5  }
0x8f: {  	[hbm4b:s5+s3] =	stream.linear.scatter [tilespmem:s11], [sflag:$0x6], $0x1400, $0x38;
	[tilespmem:$0x1C800] =	vst v63  }
0x90: {  	_ =	swait.ge [sflag:s22], $0x1400  }
0x91: {  	s6 =	smov.u32 s2;
	[sflag:s22] =	ssyncset.done $0x0  }
0x92: {  	s0 =	smov.u32 s6;
	s6 =	sadd.s32 $0x280, s4;
	[sflag:s22] =	ssyncadd.s32 $0xFFFFEC00  }
0x93: {  	[hbm4b:s6+s3] =	stream.linear.scatter [tilespmem:s12], [sflag:$0x2], $0x1400, $0x38;
	[tilespmem:$0x1C800] =	vst v63  }
0x94: {  	_ =	swait.ge [sflag:s23], $0x1400  }
0x95: {  	[sflag:s23] =	ssyncset.done $0x0  }
0x96: {  	s6 =	sadd.s32 $0x280, s5;
	[sflag:s23] =	ssyncadd.s32 $0xFFFFEC00  }
0x97: {  	[hbm4b:s6+s3] =	stream.linear.scatter [tilespmem:s13], [sflag:$0x7], $0x1400, $0x38;
	[tilespmem:$0x1C800] =	vst v63  }
0x98: {  	_ =	swait.ge [sflag:s24], $0x1400  }
0x99: {  	[sflag:s24] =	ssyncset.done $0x0  }
0x9a: {  	s6 =	sadd.s32 $0x500, s4;
	[sflag:s24] =	ssyncadd.s32 $0xFFFFEC00  }
0x9b: {  	[hbm4b:s6+s3] =	stream.linear.scatter [tilespmem:s14], [sflag:$0x3], $0x1400, $0x38;
	[tilespmem:$0x1C800] =	vst v63  }
0x9c: {  	_ =	swait.ge [sflag:s25], $0x1400  }
0x9d: {  	[sflag:s25] =	ssyncset.done $0x0  }
0x9e: {  	s6 =	sadd.s32 $0x500, s5;
	[sflag:s25] =	ssyncadd.s32 $0xFFFFEC00  }
0x9f: {  	[hbm4b:s6+s3] =	stream.linear.scatter [tilespmem:s15], [sflag:$0x8], $0x1400, $0x38;
	[tilespmem:$0x1C800] =	vst v63  }
0xa0: {  	_ =	swait.ge [sflag:s26], $0x1400  }
0xa1: {  	[sflag:s26] =	ssyncset.done $0x0  }
0xa2: {  	s6 =	sadd.s32 $0x780, s4;
	[sflag:s26] =	ssyncadd.s32 $0xFFFFEC00  }
0xa3: {  	[hbm4b:s6+s3] =	stream.linear.scatter [tilespmem:s16], [sflag:$0x4], $0x1400, $0x38;
	[tilespmem:$0x1C800] =	vst v63  }
0xa4: {  	_ =	swait.ge [sflag:s28], $0x1400  }
0xa5: {  	[sflag:s28] =	ssyncset.done $0x0  }
0xa6: {  	s6 =	sadd.s32 $0x780, s5;
	[sflag:s28] =	ssyncadd.s32 $0xFFFFEC00  }
0xa7: {  	[hbm4b:s6+s3] =	stream.linear.scatter [tilespmem:s17], [sflag:$0x9], $0x1400, $0x38;
	[tilespmem:$0x1C800] =	vst v63  }
0xa8: {  	_ =	swait.ge [sflag:s29], $0x1400  }
0xa9: {  	[sflag:s29] =	ssyncset.done $0x0  }
0xaa: {  	s4 =	sadd.s32 $0xA00, s4;
	[sflag:s29] =	ssyncadd.s32 $0xFFFFEC00  }
0xab: {  	[hbm4b:s4+s3] =	stream.linear.scatter [tilespmem:s18], [sflag:$0x5], $0x1400, $0x38;
	[tilespmem:$0x1C800] =	vst v63  }
0xac: {  	_ =	swait.ge [sflag:s30], $0x1400  }
0xad: {  	[sflag:s30] =	ssyncset.done $0x0  }
0xae: {  	s6 =	sadd.s32 $0xA00, s5;
	[sflag:s30] =	ssyncadd.s32 $0xFFFFEC00  }
0xaf: {  	[hbm4b:s6+s3] =	stream.linear.scatter [tilespmem:s19], [sflag:$0xA], $0x1400, $0x38;
	[tilespmem:$0x1C800] =	vst v63  }
0xb0: {  	_ =	swait.ge [sflag:s20], $0x1400  }
0xb1: {  	[sflag:s20] =	ssyncset.done $0x0  }
0xb2: {  	[sflag:s20] =	ssyncadd.s32 $0xFFFFEC00  }
0xb3: {  	_ =	swait.ge [sflag:s21], $0x1400  }
0xb4: {  	[sflag:s21] =	ssyncset.done $0x0  }
0xb5: {  	[sflag:s21] =	ssyncadd.s32 $0xFFFFEC00  }
0xb6: {  	_ =	swait.ge [sflag:s22], $0x1400  }
0xb7: {  	[sflag:s22] =	ssyncset.done $0x0  }
0xb8: {  	[sflag:s22] =	ssyncadd.s32 $0xFFFFEC00  }
0xb9: {  	_ =	swait.ge [sflag:s23], $0x1400  }
0xba: {  	[sflag:s23] =	ssyncset.done $0x0  }
0xbb: {  	[sflag:s23] =	ssyncadd.s32 $0xFFFFEC00  }
0xbc: {  	_ =	swait.ge [sflag:s24], $0x1400  }
0xbd: {  	[sflag:s24] =	ssyncset.done $0x0  }
0xbe: {  	[sflag:s24] =	ssyncadd.s32 $0xFFFFEC00  }
0xbf: {  	_ =	swait.ge [sflag:s25], $0x1400  }
0xc0: {  	[sflag:s25] =	ssyncset.done $0x0  }
0xc1: {  	[sflag:s25] =	ssyncadd.s32 $0xFFFFEC00  }
0xc2: {  	_ =	swait.ge [sflag:s26], $0x1400  }
0xc3: {  	[sflag:s26] =	ssyncset.done $0x0  }
0xc4: {  	[sflag:s26] =	ssyncadd.s32 $0xFFFFEC00  }
0xc5: {  	_ =	swait.ge [sflag:s28], $0x1400  }
0xc6: {  	[sflag:s28] =	ssyncset.done $0x0  }
0xc7: {  	p0 =	sne.s32 s2, $0x26480;
	[sflag:s28] =	ssyncadd.s32 $0xFFFFEC00  }
.Ltmp0:
0xc8: {  	_ =	swait.ge [sflag:s29], $0x1400;
	(pc) =	sbr.rel @p0 .LBB2_2-.Ltmp0, $4  }
0xc9: {  	[sflag:s29] =	ssyncset.done $0x0  }
0xca: {  	[sflag:s29] =	ssyncadd.s32 $0xFFFFEC00  }
0xcb: {  	_ =	swait.ge [sflag:s30], $0x1400  }
0xcc: {  	s2 =	sadd.s32 $0xC80, s2;
	s8 =	sadd.s32 $0xA00, s8;
	[sflag:s30] =	ssyncset.done $0x0  }
0xcd: {  	s2 =	sshra.s32 s8, $0x2;
	[sflag:s30] =	ssyncadd.s32 $0xFFFFEC00  }
0xce: {  	[tilespmem:s10], [sflag:$0x1] =	stream.indirect.gather [hbm4b:s1+s9], $0x80, s2, s9, $0xb8;
	[tilespmem:$0x1C800] =	vst v63  }
0xcf: {  	s4 =	sadd.s32 $0x8000, s2  }
0xd0: {  	[tilespmem:s11], [sflag:$0x6] =	stream.indirect.gather [hbm4b:s1+s9], $0x80, s4, s9, $0xb8;
	[tilespmem:$0x1C800] =	vst v63  }
0xd1: {  	s8 =	sadd.s32 $0x80, s2  }
0xd2: {  	[tilespmem:s12], [sflag:$0x2] =	stream.indirect.gather [hbm4b:s1+s9], $0x80, s8, s9, $0xb8;
	[tilespmem:$0x1C800] =	vst v63  }
0xd3: {  	s5 =	sadd.s32 $0x8080, s2  }
0xd4: {  	[tilespmem:s13], [sflag:$0x7] =	stream.indirect.gather [hbm4b:s1+s9], $0x80, s5, s9, $0xb8;
	[tilespmem:$0x1C800] =	vst v63  }
0xd5: {  	s6 =	sadd.s32 $0x100, s2  }
0xd6: {  	[tilespmem:s14], [sflag:$0x3] =	stream.indirect.gather [hbm4b:s1+s9], $0x80, s6, s9, $0xb8;
	[tilespmem:$0x1C800] =	vst v63  }
0xd7: {  	s8 =	sadd.s32 $0x8100, s2  }
0xd8: {  	[tilespmem:s15], [sflag:$0x8] =	stream.indirect.gather [hbm4b:s1+s9], $0x80, s8, s9, $0xb8;
	[tilespmem:$0x1C800] =	vst v63  }
0xd9: {  	s5 =	sadd.s32 $0x180, s2  }
0xda: {  	[tilespmem:s16], [sflag:$0x4] =	stream.indirect.gather [hbm4b:s1+s9], $0x80, s5, s9, $0xb8;
	[tilespmem:$0x1C800] =	vst v63  }
0xdb: {  	s6 =	sadd.s32 $0x8180, s2  }
0xdc: {  	[tilespmem:s17], [sflag:$0x9] =	stream.indirect.gather [hbm4b:s1+s9], $0x80, s6, s9, $0xb8;
	[tilespmem:$0x1C800] =	vst v63  }
0xdd: {  	s8 =	sadd.s32 $0x200, s2  }
0xde: {  	[tilespmem:s18], [sflag:$0x5] =	stream.indirect.gather [hbm4b:s1+s9], $0x80, s8, s9, $0xb8;
	[tilespmem:$0x1C800] =	vst v63  }
0xdf: {  	s2 =	sadd.s32 $0x8200, s2  }
0xe0: {  	[tilespmem:s19], [sflag:$0xA] =	stream.indirect.gather [hbm4b:s1+s9], $0x80, s2, s9, $0xb8;
	[tilespmem:$0x1C800] =	vst v63  }
0xe1: {  	_ =	swait.ge [sflag:s20], $0x1400  }
0xe2: {  	s5 =	rddreg [dreg:$0x3];
	[sflag:s20] =	ssyncset.done $0x0  }
0xe3: {  	[sflag:s20] =	ssyncadd.s32 $0xFFFFEC00;
	s2 =	sadd.s32 s0, s5  }
0xe4: {  	[hbm4b:s2+s3] =	stream.linear.scatter [tilespmem:s10], [sflag:$0x1], $0x1400, $0x38;
	[tilespmem:$0x1C800] =	vst v63  }
0xe5: {  	_ =	swait.ge [sflag:s21], $0x1400  }
0xe6: {  	s6 =	rddreg [dreg:$0x4];
	[sflag:s21] =	ssyncset.done $0x0  }
0xe7: {  	[sflag:s21] =	ssyncadd.s32 $0xFFFFEC00;
	s0 =	sadd.s32 s0, s6  }
0xe8: {  	[hbm4b:s0+s3] =	stream.linear.scatter [tilespmem:s11], [sflag:$0x6], $0x1400, $0x38;
	[tilespmem:$0x1C800] =	vst v63  }
0xe9: {  	_ =	swait.ge [sflag:s22], $0x1400  }
0xea: {  	[sflag:s22] =	ssyncset.done $0x0  }
0xeb: {  	s8 =	sadd.s32 $0x280, s2;
	[sflag:s22] =	ssyncadd.s32 $0xFFFFEC00  }
0xec: {  	[hbm4b:s8+s3] =	stream.linear.scatter [tilespmem:s12], [sflag:$0x2], $0x1400, $0x38;
	[tilespmem:$0x1C800] =	vst v63  }
0xed: {  	_ =	swait.ge [sflag:s23], $0x1400  }
0xee: {  	[sflag:s23] =	ssyncset.done $0x0  }
0xef: {  	s5 =	sadd.s32 $0x280, s0;
	[sflag:s23] =	ssyncadd.s32 $0xFFFFEC00  }
0xf0: {  	[hbm4b:s5+s3] =	stream.linear.scatter [tilespmem:s13], [sflag:$0x7], $0x1400, $0x38;
	[tilespmem:$0x1C800] =	vst v63  }
0xf1: {  	_ =	swait.ge [sflag:s24], $0x1400  }
0xf2: {  	[sflag:s24] =	ssyncset.done $0x0  }
0xf3: {  	s6 =	sadd.s32 $0x500, s2;
	[sflag:s24] =	ssyncadd.s32 $0xFFFFEC00  }
0xf4: {  	[hbm4b:s6+s3] =	stream.linear.scatter [tilespmem:s14], [sflag:$0x3], $0x1400, $0x38;
	[tilespmem:$0x1C800] =	vst v63  }
0xf5: {  	_ =	swait.ge [sflag:s25], $0x1400  }
0xf6: {  	[sflag:s25] =	ssyncset.done $0x0  }
0xf7: {  	s8 =	sadd.s32 $0x500, s0;
	[sflag:s25] =	ssyncadd.s32 $0xFFFFEC00  }
0xf8: {  	[hbm4b:s8+s3] =	stream.linear.scatter [tilespmem:s15], [sflag:$0x8], $0x1400, $0x38;
	[tilespmem:$0x1C800] =	vst v63  }
0xf9: {  	_ =	swait.ge [sflag:s26], $0x1400  }
0xfa: {  	[sflag:s26] =	ssyncset.done $0x0  }
0xfb: {  	s5 =	sadd.s32 $0x780, s2;
	[sflag:s26] =	ssyncadd.s32 $0xFFFFEC00  }
0xfc: {  	[hbm4b:s5+s3] =	stream.linear.scatter [tilespmem:s16], [sflag:$0x4], $0x1400, $0x38;
	[tilespmem:$0x1C800] =	vst v63  }
0xfd: {  	_ =	swait.ge [sflag:s28], $0x1400  }
0xfe: {  	[sflag:s28] =	ssyncset.done $0x0  }
0xff: {  	s6 =	sadd.s32 $0x780, s0;
	[sflag:s28] =	ssyncadd.s32 $0xFFFFEC00  }
0x100: {  	[hbm4b:s6+s3] =	stream.linear.scatter [tilespmem:s17], [sflag:$0x9], $0x1400, $0x38;
	[tilespmem:$0x1C800] =	vst v63  }
0x101: {  	_ =	swait.ge [sflag:s29], $0x1400  }
0x102: {  	[sflag:s29] =	ssyncset.done $0x0  }
0x103: {  	s2 =	sadd.s32 $0xA00, s2;
	[sflag:s29] =	ssyncadd.s32 $0xFFFFEC00  }
0x104: {  	[hbm4b:s2+s3] =	stream.linear.scatter [tilespmem:s18], [sflag:$0x5], $0x1400, $0x38;
	[tilespmem:$0x1C800] =	vst v63  }
0x105: {  	_ =	swait.ge [sflag:s30], $0x1400  }
0x106: {  	[sflag:s30] =	ssyncset.done $0x0  }
0x107: {  	s0 =	sadd.s32 $0xA00, s0;
	[sflag:s30] =	ssyncadd.s32 $0xFFFFEC00  }
0x108: {  	[hbm4b:s0+s3] =	stream.linear.scatter [tilespmem:s19], [sflag:$0xA], $0x1400, $0x38;
	[tilespmem:$0x1C800] =	vst v63  }
0x109: {  	_ =	swait.ge [sflag:s20], $0x1400  }
0x10a: {  	[sflag:s20] =	ssyncset.done $0x0  }
0x10b: {  	[sflag:s20] =	ssyncadd.s32 $0xFFFFEC00  }
0x10c: {  	_ =	swait.ge [sflag:s21], $0x1400  }
0x10d: {  	[sflag:s21] =	ssyncset.done $0x0  }
0x10e: {  	[sflag:s21] =	ssyncadd.s32 $0xFFFFEC00  }
0x10f: {  	_ =	swait.ge [sflag:s22], $0x1400  }
0x110: {  	[sflag:s22] =	ssyncset.done $0x0  }
0x111: {  	[sflag:s22] =	ssyncadd.s32 $0xFFFFEC00  }
0x112: {  	_ =	swait.ge [sflag:s23], $0x1400  }
0x113: {  	[sflag:s23] =	ssyncset.done $0x0  }
0x114: {  	[sflag:s23] =	ssyncadd.s32 $0xFFFFEC00  }
0x115: {  	_ =	swait.ge [sflag:s24], $0x1400  }
0x116: {  	[sflag:s24] =	ssyncset.done $0x0  }
0x117: {  	[sflag:s24] =	ssyncadd.s32 $0xFFFFEC00  }
0x118: {  	_ =	swait.ge [sflag:s25], $0x1400  }
0x119: {  	[sflag:s25] =	ssyncset.done $0x0  }
0x11a: {  	[sflag:s25] =	ssyncadd.s32 $0xFFFFEC00  }
0x11b: {  	_ =	swait.ge [sflag:s26], $0x1400  }
0x11c: {  	[sflag:s26] =	ssyncset.done $0x0  }
0x11d: {  	[sflag:s26] =	ssyncadd.s32 $0xFFFFEC00  }
0x11e: {  	_ =	swait.ge [sflag:s28], $0x1400  }
0x11f: {  	[sflag:s28] =	ssyncset.done $0x0  }
0x120: {  	[sflag:s28] =	ssyncadd.s32 $0xFFFFEC00  }
0x121: {  	_ =	swait.ge [sflag:s29], $0x1400  }
0x122: {  	[sflag:s29] =	ssyncset.done $0x0  }
0x123: {  	[sflag:s29] =	ssyncadd.s32 $0xFFFFEC00  }
0x124: {  	_ =	swait.ge [sflag:s30], $0x1400  }
0x125: {  	s31 =	sadd.s32 $0x1, s31;
	s8 =	rddreg [dreg:$0x7]  }
0x126: {  	p0 =	sne.s32 s31, s8  }
.Ltmp1:
0x127: {  	_ = 	snop;
	(pc) =	sbr.rel @p0 .LBB2_1-.Ltmp1, $3  }
0x128: {  	_ =	sdelay $0x1  }
0x129: {  	[sflag:s30] =	ssyncset.done $0x0  }
0x12a: {  	[sflag:s30] =	ssyncadd.s32 $0xFFFFEC00  }
0x12b: {  	_ =	sfence.sel $0x180000  }
0x12c: {  	[bflag:$0x0] =	sbarrier.arrive $0xFFFF  }
0x12d: {  	_ =	strace $0x9000004A  }
0x12e: {  	s0 =	stileid.u32;
	[bflag:$0x2] =	sbarrier.arrive $0xFFFF  }
0x12f: {  	p0 =	sne.s32 s0, $0x0;
	s0 =	rddreg [dreg:$0x2]  }
0x130: {  	s0 =	sadd.s32 @!p0 $0x100000, s0  }
0x131: {  	[sflag:s0] =	ssyncadd.tile.s32 @!p0 $0x1;
	_ =	shalt  }
.Lfunc_end2:
_tile_overlayer_lowered:
.L_overlay_start_2:
0x132: {  	(tag) =	ssettag $0x2  }
0x133: {  	s0 =	rddreg [dreg:$0x0];
	s2 =	stileid.u32  }
0x134: {  	s1 =	rddreg [dreg:$0x1];
	p0 =	sne.s32 s2, $0x0  }
0x135: {  	s3 =	rddreg [dreg:$0x2];
	[bflag:$0x3] =	sbarrier.arrive $0xFFFF;
	s2 =	simm.s32 @!p0 $0x1C0B  }
0x136: {  	[timem:s3], [sflag:s2] =	dma.local @!p0 [hbm:s0], s1  }
0x137: {  	s0 =	simm.s32 @!p0 $0xB  }
0x138: {  	_ =	swait.ge @!p0 [sflag:s0], s1  }
0x139: {  	s1 =	ssub.s32 @!p0 $0x0, s1;
	[sflag:s0] =	ssyncset.done @!p0 $0x0  }
0x13a: {  	[sflag:s0] =	ssyncadd.s32 @!p0 s1  }
0x13b: {  	[bflag:$0x3] =	sbarrier.arrive $0xFFFF  }
0x13c: {  	_ =	shalt  }

// kernel: kernel.20.cloned.1.call-start
scs
__scs_entry_jumppad:
0x0: {  	(pc) =	sbr.rel $0x88, $3  }
0x1: {  	(tag) =	ssettag $0x0;
	lr =	simm.s32 $0x1  }
0x2: {  	[smem:$0x3F92] =	sst lr;
	_ =	strace $0xD0000000  }
0x3: {  	_ = 	snop  }
0x4: {  	_ = 	snop  }
0x5: {  	_ = 	snop  }
0x6: {  	_ = 	snop  }
0x7: {  	_ = 	snop  }
__scs_overlays_trampoline_lowered:
0x8: {  	[smem:$0x3FA1] =	sst s0  }
0x9: {  	[smem:$0x3FA2] =	sst s1  }
0xa: {  	[smem:$0x3FA3] =	sst s2  }
0xb: {  	[smem:$0x3FA4] =	sst s3  }
0xc: {  	[smem:$0x3FA5] =	sst s4  }
0xd: {  	[smem:$0x3FA6] =	sst s5  }
0xe: {  	[smem:$0x3FA7] =	sst s6  }
0xf: {  	[smem:$0x3FA8] =	sst s7  }
0x10: {  	[smem:$0x3FA9] =	sst s8  }
0x11: {  	[smem:$0x3FAA] =	sst s9;
	s0 =	simm.s32 @!p0 $0x0  }
0x12: {  	s1 =	sld [smem:$0x3F90];
	s0 =	simm.s32 @p0 $0x1  }
0x13: {  	[smem:$0x3FAB] =	sst s0;
	s0 =	simm.s32 @!p1 $0x0  }
0x14: {  	s2 =	sld [smem:$0x3F8F];
	s0 =	simm.s32 @p1 $0x1  }
0x15: {  	[smem:$0x3FAC] =	sst s0;
	s0 =	simm.s32 @!p2 $0x0  }
0x16: {  	s3 =	sld [smem:$0x3FDB];
	s0 =	simm.s32 @p2 $0x1  }
0x17: {  	s4 =	simm.s32 $0x1BF5;
	[smem:$0x3FAE] =	sst s0  }
0x18: {  	s0 =	sld [smem:$0x3F91];
	_ =	swait.ge [sflag:s4], $0x0  }
0x19: {  	s7 =	sld [smem:$0x3F92]  }
0x1a: {  	s8 =	sadd.s32 $0xFFFFE003, lr  }
0x1b: {  	s9 =	sadd.s32 $0xFFFFFEF7, lr;
	s5 =	simm.s32 $0xFFFFFFFF;
	p2 =	slt.u32 s8, $0xFFFFF086  }
0x1c: {  	p1 =	slt.u32 s9, $0xF7A;
	s5 =	simm.s32 @!p2 $0x0  }
0x1d: {  	s5 =	simm.s32 @p1 $0x1;
	p0 =	seq.s32 s7, s2  }
0x1e: {  	s7 =	smul.u32 @!p0 $0xF7A, s2;
	p2 =	seq.s32 @!p0 s5, $0x0  }
0x1f: {  	s9 =	smul.u32 $0xF7A, s1;
	s8 =	simm.s32 @!p0 $0x1BF5;
	p2 =	por !p2, p0  }
0x20: {  	[sflag:s8] =	ssyncset.s32 @!p0 $0xFFFFF086;
	s6 =	sadd.s32 @!p0 s3, s7;
	s7 =	simm.s32 @!p0 $0x108  }
0x21: {  	s3 =	sadd.s32 s3, s9;
	s6 =	sadd.s32 @!p0 $0x88, s6;
	s7 =	simm.s32 @p2 $0x1082  }
0x22: {  	[simem:s7], [sflag:s8] =	dma.local @!p0 [hbm:s6], $0xF7A  }
0x23: {  	s9 =	sor.u32 $0xD0000000, s2;
	s6 =	simm.s32 $0x108;
	_ =	swait.ge @!p0 [sflag:s8], $0x0  }
0x24: {  	s3 =	sadd.s32 $0x88, s3;
	s6 =	simm.s32 @!p1 $0x1082;
	[sflag:s4] =	ssyncset.s32 $0xFFFFF086  }
0x25: {  	[simem:s6], [sflag:s4] =	dma.local [hbm:s3], $0xF7A  }
0x26: {  	[smem:$0x3F92] =	sst s1;
	(tag) =	ssettag s2;
	_ =	strace s9  }
0x27: {  	s1 =	sld [smem:$0x3FA2]  }
0x28: {  	s2 =	sld [smem:$0x3FA3]  }
0x29: {  	s4 =	sld [smem:$0x3FA5]  }
0x2a: {  	p0 =	seq.s32 s5, $0x0;
	s5 =	sld [smem:$0x3FA6]  }
0x2b: {  	s6 =	sld [smem:$0x3FA7]  }
0x2c: {  	s7 =	sld [smem:$0x3FA8]  }
0x2d: {  	s3 =	simm.s32 $0x108;
	s8 =	sld [smem:$0x3FA9]  }
0x2e: {  	s3 =	simm.s32 @!p0 $0x1082;
	s9 =	sld [smem:$0x3FAA]  }
0x2f: {  	lr =	sadd.s32 s0, s3;
	s0 =	sld [smem:$0x3FA1]  }
0x30: {  	s3 =	sld [smem:$0x3FA4]  }
0x31: {  	[smem:$0x3FAD] =	sst s10  }
0x32: {  	s10 =	sld [smem:$0x3FAB];
	_ =	sdelay $0x3  }
0x33: {  	p0 =	seq.s32 s10, $0x1;
	s10 =	sld [smem:$0x3FAD];
	_ =	sdelay $0x3  }
0x34: {  	[smem:$0x3FAD] =	sst s10  }
0x35: {  	s10 =	sld [smem:$0x3FAC];
	_ =	sdelay $0x3  }
0x36: {  	p1 =	seq.s32 s10, $0x1;
	s10 =	sld [smem:$0x3FAD];
	_ =	sdelay $0x3  }
0x37: {  	[smem:$0x3FAD] =	sst s10  }
0x38: {  	s10 =	sld [smem:$0x3FAE]  }
0x39: {  	_ = 	snop;
	(pc) =	sbr.ind lr, $3  }
0x3a: {  	_ = 	snop  }
0x3b: {  	_ = 	snop  }
0x3c: {  	p2 =	seq.s32 s10, $0x1;
	s10 =	sld [smem:$0x3FAD]  }
0x3d: {  	_ =	shalt  }
0x3e: {  	_ =	shalt  }
0x3f: {  	_ =	shalt  }
0x40: {  	_ =	shalt  }
0x41: {  	_ =	shalt  }
0x42: {  	_ =	shalt  }
0x43: {  	_ =	shalt  }
0x44: {  	_ =	shalt  }
0x45: {  	_ =	shalt  }
0x46: {  	_ =	shalt  }
0x47: {  	_ =	shalt  }
0x48: {  	_ =	shalt  }
0x49: {  	_ =	shalt  }
0x4a: {  	_ =	shalt  }
0x4b: {  	_ =	shalt  }
0x4c: {  	_ =	shalt  }
0x4d: {  	_ =	shalt  }
0x4e: {  	_ =	shalt  }
0x4f: {  	_ =	shalt  }
0x50: {  	_ =	shalt  }
0x51: {  	_ =	shalt  }
0x52: {  	_ =	shalt  }
0x53: {  	_ =	shalt  }
0x54: {  	_ =	shalt  }
0x55: {  	_ =	shalt  }
0x56: {  	_ =	shalt  }
0x57: {  	_ =	shalt  }
0x58: {  	_ =	shalt  }
0x59: {  	_ =	shalt  }
0x5a: {  	_ =	shalt  }
0x5b: {  	_ =	shalt  }
0x5c: {  	_ =	shalt  }
0x5d: {  	_ =	shalt  }
0x5e: {  	_ =	shalt  }
0x5f: {  	_ =	shalt  }
0x60: {  	_ =	shalt  }
0x61: {  	_ =	shalt  }
0x62: {  	_ =	shalt  }
0x63: {  	_ =	shalt  }
0x64: {  	_ =	shalt  }
0x65: {  	_ =	shalt  }
0x66: {  	_ =	shalt  }
0x67: {  	_ =	shalt  }
0x68: {  	_ =	shalt  }
0x69: {  	_ =	shalt  }
0x6a: {  	_ =	shalt  }
0x6b: {  	_ =	shalt  }
0x6c: {  	_ =	shalt  }
0x6d: {  	_ =	shalt  }
0x6e: {  	_ =	shalt  }
0x6f: {  	_ =	shalt  }
0x70: {  	_ =	shalt  }
0x71: {  	_ =	shalt  }
0x72: {  	_ =	shalt  }
0x73: {  	_ =	shalt  }
0x74: {  	_ =	shalt  }
0x75: {  	_ =	shalt  }
0x76: {  	_ =	shalt  }
0x77: {  	_ =	shalt  }
0x78: {  	_ =	shalt  }
0x79: {  	_ =	shalt  }
0x7a: {  	_ =	shalt  }
0x7b: {  	_ =	shalt  }
0x7c: {  	_ =	shalt  }
0x7d: {  	_ =	shalt  }
0x7e: {  	_ =	shalt  }
0x7f: {  	_ =	shalt  }
0x80: {  	_ =	shalt  }
0x81: {  	_ =	shalt  }
0x82: {  	_ =	shalt  }
0x83: {  	_ =	shalt  }
0x84: {  	_ =	shalt  }
0x85: {  	_ =	shalt  }
0x86: {  	_ =	shalt  }
0x87: {  	_ =	shalt  }
.Lfunc_end0:
.L_simem_size_0:
called_computation.2_lowered:
.L_overlay_start_0:
0x88: {  	s2 =	sld [smem:$0x3FD9]  }
0x89: {  	s3 =	sld [smem:$0x3FFE];
	_ =	sdelay $0x1  }
0x8a: {  	s1 =	srdreg.scid  }
0x8b: {  	s0 =	sand.u32 $0x1, s1  }
0x8c: {  	s16 =	sshll.u32 s0, $0xA;
	s2 =	sadd.s32 s3, s2  }
0x8d: {  	s2 =	sadd.s32 s2, s16  }
0x8e: {  	[smem:$0x3FB9] =	sst s2  }
0x8f: {  	_ = 	snop  }
0x90: {  	(tm) =	ssettm $0x1  }
0x91: {  	s17 =	sld [smem:$0x3FFB];
	_ =	sdelay $0x3  }
0x92: {  	_ =	strace s17  }
0x93: {  	s2 =	sld [smem:$0x3FFC];
	_ =	sdelay $0x3  }
0x94: {  	_ =	strace s2  }
0x95: {  	s2 =	sld [smem:$0x3FFD];
	_ =	sdelay $0x3  }
0x96: {  	_ =	strace s2  }
0x97: {  	_ =	strace $0x8FFFFFFF  }
0x98: {  	s18 =	sld [smem:$0x3FDB];
	_ =	sdelay $0x1  }
0x99: {  	s19 =	simm.s32 $_scs_section_size  }
0x9a: {  	s4 =	simm.s32 $_size__tile_overlayer_lowered;
	s5 =	simm.s32 $_tile_overlayer_lowered  }
0x9b: {  	s22 =	simm.s32 $0x1BFF;
	s21 =	sshll.u32 s5, $0x1;
	s2 =	sadd.s32 s19, s18  }
0x9c: {  	s6 =	simm.s32 $0x0;
	s20 =	sshll.u32 s4, $0x1;
	s4 =	sadd.s32 s21, s2  }
0x9d: {  	[timem:s6], [sflag:s22] =	dma.local [hbm:s4], s20  }
0x9e: {  	_ =	swait.ge [sflag:s22], s20  }
0x9f: {  	s3 =	ssub.s32 $0x0, s20;
	[sflag:s22] =	ssyncset.done $0x0  }
0xa0: {  	[sflag:s22] =	ssyncadd.s32 s3;
	_ =	sdelay $0x1  }
0xa1: {  	s23 =	simm.s32 $0x1B8B  }
0xa2: {  	_ =	swait.ge [sflag:s23], $0x1  }
0xa3: {  	[sflag:s23] =	ssyncset.done $0x0  }
0xa4: {  	s25 =	simm.s32 $0x1B8E;
	s24 =	sld [smem:$0x3FFE];
	[sflag:s23] =	ssyncadd.s32 $0xFFFFFFFF  }
0xa5: {  	s26 =	simm.s32 $execute0_lowered;
	[smem:$0x3FD2] =	sst s25  }
0xa6: {  	s4 =	sshll.u32 s26, $0x1;
	_ =	strace $0x8000004C;
	[dreg:$0x1] =	wrdreg $0xFFFFFFFF  }
0xa7: {  	s28 =	simm.s32 $_size_execute0_lowered;
	s2 =	sadd.s32 s2, s4;
	[dreg:$0x0] =	wrdreg $0x0  }
0xa8: {  	s4 =	sshll.u32 s28, $0x1;
	[dreg:$0x2] =	wrdreg s2  }
0xa9: {  	[dreg:$0x3] =	wrdreg s4  }
0xaa: {  	[dreg:$0x4] =	wrdreg $0xC0  }
0xab: {  	_ =	task [dreg:s6], $0x5FFFF  }
0xac: {  	[dreg:$0x1] =	wrdreg $0xFFFFFFFF  }
0xad: {  	[dreg:$0x0] =	wrdreg $0x60  }
0xae: {  	[dreg:$0x2] =	wrdreg s24  }
0xaf: {  	[dreg:$0x3] =	wrdreg $0x9  }
0xb0: {  	_ =	task.clear_ibuf [dreg:s6], $0x4FFFF;
	_ =	strace $0x9000004C  }
0xb1: {  	s29 =	simm.s32 $0x9;
	_ =	strace $0x8000004E  }
0xb2: {  	_ =	swait.ge [sflag:s29], $0x1  }
0xb3: {  	[sflag:s29] =	ssyncadd.s32 $0xFFFFFFFF  }
0xb4: {  	_ =	strace $0x9000004E  }
0xb5: {  	_ =	sfence  }
0xb6: {  	s30 =	sld [smem:$0x0];
	_ =	sdelay $0x2  }
0xb7: {  	s31 =	sshll.u32 s1, $0xD;
	s1 =	sshrl.u32 s1, $0x2  }
0xb8: {  	s3 =	sand.u32 $0x4000, s31;
	s1 =	sadd.s32 s1, s30  }
0xb9: {  	s0 =	sor.u32 s3, s0;
	s1 =	sshll.u32 s1, $0x11  }
0xba: {  	s0 =	sor.u32 s1, s0  }
0xbb: {  	s0 =	sadd.s32 $0x8F2B, s0  }
0xbc: {  	[sflag:s0] =	ssyncadd.remote.s32 $0x1  }
0xbd: {  	_ =	sfence.sel $0xFFFF  }
0xbe: {  	[dreg:$0x0] =	wrdreg $0xFFFFFFFF;
	(pc) =	sbr.abs _section_cstart, $3  }
0xbf: {  	[dreg:$0x1] =	wrdreg $0xFFFFFFFF  }
0xc0: {  	_ =	task.clear_ibuf [dreg:s6], $0x2FFFF;
	_ =	strace $0x9FFFFFFF  }
0xc1: {  	(tm) =	ssettm $0x7FFFFFFF  }
tec
execute0_lowered:
.L_overlay_start_1:
0x0: {  	(tag) =	ssettag $0x1  }
0x1: {  	s8 =	rddreg [dreg:$0x0];
	s2 =	srdreg.scid  }
0x2: {  	s1 =	stileid.u32;
	s0 =	rddreg [dreg:$0x1]  }
0x3: {  	s12 =	simm.s32 $0x2;
	s13 =	simm.s32 $0x1;
	s14 =	simm.s32 $0xE000  }
0x4: {  	s15 =	simm.s32 $0xE080;
	s16 =	simm.s32 $0x80;
	s17 =	simm.s32 $0xA000  }
0x5: {  	s18 =	simm.s32 $0x400;
	s19 =	simm.s32 $0x0;
	s6 =	sand.u32 $0x1, s2  }
0x6: {  	s3 =	sshll.u32 s1, $0x1;
	s2 =	simm.s32 $0x0;
	s4 =	sshrl.u32 s1, $0x2  }
0x7: {  	s3 =	sor.u32 s6, s3;
	[smem:$0x7FF] =	sst s2;
	s7 =	smul.u32 $0x50000, s4  }
0x8: {  	s4 =	sadd.s32 $0xF37000, s8;
	s31 =	ssub.s32 $0x2, s6;
	s5 =	sshll.u32 s3, $0x7  }
.Ltmp0:
0x9: {  	s6 =	sadd.s32 $0x7A800, s8;
	s9 =	sand.u32 $0x380, s5;
	(pc) =	sbr.rel .LBB2_1-.Ltmp0, $4  }
0xa: {  	_ =	strace $0x8000004D;
	s11 =	sshrl.u32 s31, $0x1;
	s7 =	sor.u32 s7, s9  }
0xb: {  	s5 =	sadd.s32 $0x70A00, s8;
	s11 =	ssub.s32 s31, s11;
	s10 =	sshrl.u32 s7, $0x3  }
0xc: {  	s7 =	sadd.s32 $0xA52400, s8;
	s10 =	sadd.s32 s10, s8;
	s8 =	smul.u32 $0xFFFFFEC0, s3  }
0xd: {  	v0 =	vimm.f32 $0.0e+00;
	s9 =	sadd.s32 $0x84600, s10;
	s10 =	smax.u32 s11, $0x1;
	s11 =	simm.s32 $0xE180  }
.LBB2_9:
0xe: {  	s19 =	sadd.s32 $0x1, s19  }
0xf: {  	p0 =	sne.s32 s19, s10  }
.Ltmp1:
0x10: {  	_ = 	snop;
	(pc) =	sbr.rel @!p0 .LBB2_10-.Ltmp1, $4  }
0x11: {  	[hbm4b:s9+s16] =	stream.strided.scatter [tilespmem:s2], [sflag:$0x2], $0xA000, s18, s16, $0x38;
	[tilespmem:$0xE200] =	vst v63  }
0x12: {  	_ =	swait.ge [sflag:s12], $0xA000  }
0x13: {  	[sflag:s12] =	ssyncset.done $0x0  }
0x14: {  	[sflag:s12] =	ssyncadd.s32 $0xFFFF6000  }
.LBB2_1:
0x15: {  	[tilespmem:s11], [sflag:$0x2] =	stream.linear.gather [hbm4b:s7+s2], $0x80, $0x38;
	[tilespmem:$0xE200] =	vst v63  }
0x16: {  	_ =	swait.ge [sflag:s12], $0x80  }
0x17: {  	[sflag:s12] =	ssyncset.done $0x0  }
0x18: {  	[sflag:s12] =	ssyncadd.s32 $0xFFFFFF80  }
0x19: {  	s20 =	simm.s32 $0x40;
	s21 =	simm.s32 $0x0;
	v1 =	vld [tilespmem:s3+$0xE180]  }
.LBB2_2:
0x1a: {  	p0 =	sne.s32 s20, $0x27FC0;
	[tilespmem:s21+$0x0] =	vst v0;
	s21 =	smov.u32 s20;
	s20 =	sadd.s32 $0x40, s20  }
.Ltmp2:
0x1b: {  	(pc) =	sbr.rel @p0 .LBB2_2-.Ltmp2, $2  }
0x1c: {  	_ =	sdelay $0x2  }
0x1d: {  	s21 =	sshra.s32 s21, $0x2  }
0x1e: {  	(v2sf) =	vpush v1, $0x0  }
0x1f: {  	(v2sf) =	vpush v1, $0x1;
	_ =	sdelay $0xa  }
.Ltmp3:
0x20: {  	_ = 	snop;
	(pc) =	sbr.rel .LBB2_4-.Ltmp3, $3  }
0x21: {  	_ =	sdelay $0x1  }
0x22: {  	s20 =	spop (v2sf)  }
0x23: {  	[tilespmem:s21+$0x0] =	vst v0;
	s22 =	simm.s32 $0x0;
	s21 =	spop (v2sf)  }
.LBB2_8:
0x24: {  	s22 =	sadd.s32 $0x1, s22  }
0x25: {  	p0 =	sne.s32 s22, $0xA6C  }
.Ltmp4:
0x26: {  	_ = 	snop;
	(pc) =	sbr.rel @!p0 .LBB2_9-.Ltmp4, $1  }
0x27: {  	_ =	sdelay $0x3  }
.LBB2_4:
0x28: {  	p0 =	sle.s32 s21, s20  }
.Ltmp5:
0x29: {  	_ = 	snop;
	(pc) =	sbr.rel @p0 .LBB2_8-.Ltmp5, $1  }
0x2a: {  	_ =	sdelay $0x3  }
0x2b: {  	s23 =	sand.u32 $0x7, s20  }
0x2c: {  	s24 =	sshra.s32 s20, $0x1F;
	p0 =	slt.s32 s20, $0x1;
	p1 =	sne.s32 s23, $0x0  }
0x2d: {  	s29 =	sshrl.u32 s24, $0x1D;
	p0 =	por !p0, !p1  }
0x2e: {  	s24 =	simm.s32 $0x1;
	s23 =	sadd.s32 s29, s20;
	p0 =	por !p0, !p0  }
0x2f: {  	s23 =	sshra.s32 s23, $0x3;
	s24 =	simm.s32 @!p0 $0x0  }
0x30: {  	s24 =	ssub.s32 s23, s24  }
0x31: {  	s23 =	sand.u32 $0x1FFFFFFF, s24  }
0x32: {  	s26 =	simm.s32 $0x0;
	s25 =	sadd.s32 s5, s23  }
0x33: {  	[tilespmem:s14], [sflag:$0x2] =	stream.linear.gather [hbm4b:s25+s26], $0x80, $0x38;
	[tilespmem:$0xE200] =	vst v63  }
0x34: {  	_ =	swait.ge [sflag:s12], $0x80  }
0x35: {  	[sflag:s12] =	ssyncset.done $0x0  }
0x36: {  	s23 =	sadd.s32 s6, s23;
	[sflag:s12] =	ssyncadd.s32 $0xFFFFFF80  }
0x37: {  	[tilespmem:s15], [sflag:$0x2] =	stream.linear.gather [hbm4b:s23+s26], $0x80, $0x38;
	[tilespmem:$0xE200] =	vst v63  }
0x38: {  	_ =	swait.ge [sflag:s12], $0x80  }
0x39: {  	[sflag:s12] =	ssyncset.done $0x0  }
0x3a: {  	s30 =	sshll.u32 s20, $0x2;
	s31 =	sshll.u32 s24, $0x5;
	[sflag:s12] =	ssyncadd.s32 $0xFFFFFF80  }
0x3b: {  	[tilespmem:s17], [sflag:$0x1] =	stream.indirect.gather [hbm4b:s4+s16], $0x80, s14, s16, $0xb8;
	[tilespmem:$0xE200] =	vst v63  }
0x3c: {  	s23 =	ssub.s32 s30, s31;
	_ =	swait.ge [sflag:s13], $0x4000  }
0x3d: {  	s23 =	sshra.s32 s23, $0x2;
	[sflag:s13] =	ssyncset.done $0x0  }
0x3e: {  	s23 =	sadd.s32 $0xE080, s23;
	[sflag:s13] =	ssyncadd.s32 $0xFFFFC000  }
0x3f: {  	v1 =	vld [tilespmem:s23+$0x0];
	_ =	sdelay $0x4  }
0x40: {  	(v2sf) =	vpush v1, $0x0;
	_ =	sdelay $0xa  }
0x41: {  	s24 =	sshll.u32 s24, $0xC;
	s26 =	sshll.u32 s20, $0x9  }
0x42: {  	s24 =	ssub.s32 s26, s24  }
0x43: {  	s24 =	sshra.s32 s24, $0x2  }
0x44: {  	s24 =	sadd.s32 $0xA040, s24  }
0x45: {  	v1 =	vld [tilespmem:s24+$0xFFFFFFC0];
	s29 =	spop (v2sf)  }
0x46: {  	s26 =	sadd.s32 s8, s29  }
0x47: {  	p0 =	sgt.s32 s26, $0x0  }
0x48: {  	s25 =	ssub.s32 s21, s20;
	s26 =	simm.s32 @!p0 $0x0  }
0x49: {  	p6 =	sgt.s32 s25, $0x0;
	s26 =	smin.u32 s26, $0x13F  }
0x4a: {  	v1 =	vpsel !p6, $0x0, v1;
	s28 =	sshll.u32 s26, $0x7  }
0x4b: {  	[tilespmem:s28+$0x0] =	vst.add.f32.msk $0xffff, v1  }
0x4c: {  	v1 =	vld [tilespmem:s24+$0xFFFFFFD0];
	_ =	sdelay $0x4  }
0x4d: {  	s26 =	sor.u32 $0x10, s28;
	v1 =	vpsel !p6, $0x0, v1  }
0x4e: {  	[tilespmem:s26+$0x0] =	vst.add.f32.msk $0xffff, v1  }
0x4f: {  	v1 =	vld [tilespmem:s24+$0xFFFFFFE0];
	_ =	sdelay $0x4  }
0x50: {  	s30 =	sor.u32 $0x20, s28;
	v1 =	vpsel !p6, $0x0, v1  }
0x51: {  	[tilespmem:s30+$0x0] =	vst.add.f32.msk $0xffff, v1  }
0x52: {  	v1 =	vld [tilespmem:s24+$0xFFFFFFF0];
	_ =	sdelay $0x4  }
0x53: {  	s31 =	sor.u32 $0x30, s28;
	v1 =	vpsel !p6, $0x0, v1  }
0x54: {  	[tilespmem:s31+$0x0] =	vst.add.f32.msk $0xffff, v1  }
0x55: {  	v1 =	vld [tilespmem:s24+$0x0];
	_ =	sdelay $0x4  }
0x56: {  	s29 =	sor.u32 $0x40, s28;
	v1 =	vpsel !p6, $0x0, v1  }
0x57: {  	[tilespmem:s29+$0x0] =	vst.add.f32.msk $0xffff, v1  }
0x58: {  	v1 =	vld [tilespmem:s24+$0x10];
	_ =	sdelay $0x4  }
0x59: {  	s30 =	sor.u32 $0x50, s28;
	v1 =	vpsel !p6, $0x0, v1  }
0x5a: {  	[tilespmem:s30+$0x0] =	vst.add.f32.msk $0xffff, v1  }
0x5b: {  	v1 =	vld [tilespmem:s24+$0x20];
	_ =	sdelay $0x4  }
0x5c: {  	s31 =	sor.u32 $0x60, s28;
	v1 =	vpsel !p6, $0x0, v1  }
0x5d: {  	[tilespmem:s31+$0x0] =	vst.add.f32.msk $0xffff, v1  }
0x5e: {  	v1 =	vld [tilespmem:s24+$0x30];
	_ =	sdelay $0x4  }
0x5f: {  	s26 =	simm.s32 $0x1;
	s28 =	sor.u32 $0x70, s28;
	v1 =	vpsel !p6, $0x0, v1  }
.LBB2_6:
0x60: {  	p0 =	sne.s32 s26, $0x77;
	[tilespmem:s28+$0x0] =	vst.add.f32.msk $0xffff, v1;
	s23 =	sadd.s32 $0x1, s23;
	s24 =	sadd.s32 $0x80, s24  }
0x61: {  	s28 =	smov.u32 s26;
	s26 =	sadd.s32 $0x1, s26;
	v1 =	vld [tilespmem:s23+$0x0];
	_ =	sdelay $0x4  }
0x62: {  	(v2sf) =	vpush v1, $0x0;
	_ =	sdelay $0xe  }
0x63: {  	v1 =	vld [tilespmem:s24+$0xFFFFFFC0];
	s29 =	spop (v2sf)  }
0x64: {  	s29 =	sadd.s32 s8, s29  }
0x65: {  	p1 =	sgt.s32 s29, $0x0  }
0x66: {  	s29 =	simm.s32 @!p1 $0x0  }
0x67: {  	p1 =	sgt.s32 s25, s28;
	s29 =	smin.u32 s29, $0x13F  }
0x68: {  	v1 =	vpsel !p1, $0x0, v1;
	s28 =	sshll.u32 s29, $0x7  }
0x69: {  	[tilespmem:s28+$0x0] =	vst.add.f32.msk $0xffff, v1  }
0x6a: {  	v1 =	vld [tilespmem:s24+$0xFFFFFFD0];
	_ =	sdelay $0x4  }
0x6b: {  	s29 =	sor.u32 $0x10, s28;
	v1 =	vpsel !p1, $0x0, v1  }
0x6c: {  	[tilespmem:s29+$0x0] =	vst.add.f32.msk $0xffff, v1  }
0x6d: {  	v1 =	vld [tilespmem:s24+$0xFFFFFFE0];
	_ =	sdelay $0x4  }
0x6e: {  	s29 =	sor.u32 $0x20, s28;
	v1 =	vpsel !p1, $0x0, v1  }
0x6f: {  	[tilespmem:s29+$0x0] =	vst.add.f32.msk $0xffff, v1  }
0x70: {  	v1 =	vld [tilespmem:s24+$0xFFFFFFF0];
	_ =	sdelay $0x4  }
0x71: {  	s29 =	sor.u32 $0x30, s28;
	v1 =	vpsel !p1, $0x0, v1  }
0x72: {  	[tilespmem:s29+$0x0] =	vst.add.f32.msk $0xffff, v1  }
0x73: {  	v1 =	vld [tilespmem:s24+$0x0];
	_ =	sdelay $0x4  }
0x74: {  	s29 =	sor.u32 $0x40, s28;
	v1 =	vpsel !p1, $0x0, v1  }
0x75: {  	[tilespmem:s29+$0x0] =	vst.add.f32.msk $0xffff, v1  }
0x76: {  	v1 =	vld [tilespmem:s24+$0x10];
	_ =	sdelay $0x4  }
0x77: {  	s29 =	sor.u32 $0x50, s28;
	v1 =	vpsel !p1, $0x0, v1  }
0x78: {  	[tilespmem:s29+$0x0] =	vst.add.f32.msk $0xffff, v1  }
0x79: {  	v1 =	vld [tilespmem:s24+$0x20];
	_ =	sdelay $0x4  }
0x7a: {  	s29 =	sor.u32 $0x60, s28;
	v1 =	vpsel !p1, $0x0, v1  }
0x7b: {  	[tilespmem:s29+$0x0] =	vst.add.f32.msk $0xffff, v1  }
0x7c: {  	v1 =	vld [tilespmem:s24+$0x30]  }
.Ltmp6:
0x7d: {  	(pc) =	sbr.rel @p0 .LBB2_6-.Ltmp6, $2  }
0x7e: {  	_ =	sdelay $0x2  }
0x7f: {  	s28 =	sor.u32 $0x70, s28;
	v1 =	vpsel !p1, $0x0, v1  }
.Ltmp7:
0x80: {  	(pc) =	sbr.rel .LBB2_8-.Ltmp7, $4  }
0x81: {  	_ = 	snop  }
0x82: {  	p0 =	slt.s32 s25, $0x78  }
0x83: {  	s25 =	simm.s32 @!p0 $0x78  }
0x84: {  	[tilespmem:s28+$0x0] =	vst.add.f32.msk $0xffff, v1;
	s20 =	sadd.s32 s20, s25  }
.LBB2_10:
0x85: {  	_ =	sfence.sel $0x180000  }
0x86: {  	[bflag:$0x0] =	sbarrier.arrive $0xFFFF  }
0x87: {  	p0 =	sne.s32 s1, $0x0;
	_ =	strace $0x9000004D  }
0x88: {  	s0 =	sadd.s32 @!p0 $0x100000, s0;
	[bflag:$0x2] =	sbarrier.arrive $0xFFFF  }
0x89: {  	[sflag:s0] =	ssyncadd.tile.s32 @!p0 $0x1;
	_ =	shalt  }
.Lfunc_end2:
_tile_overlayer_lowered:
.L_overlay_start_2:
0x8a: {  	(tag) =	ssettag $0x2  }
0x8b: {  	s0 =	rddreg [dreg:$0x0];
	s2 =	stileid.u32  }
0x8c: {  	s1 =	rddreg [dreg:$0x1];
	p0 =	sne.s32 s2, $0x0  }
0x8d: {  	s3 =	rddreg [dreg:$0x2];
	[bflag:$0x3] =	sbarrier.arrive $0xFFFF;
	s2 =	simm.s32 @!p0 $0x1C02  }
0x8e: {  	[timem:s3], [sflag:s2] =	dma.local @!p0 [hbm:s0], s1  }
0x8f: {  	s0 =	simm.s32 @!p0 $0x2  }
0x90: {  	_ =	swait.ge @!p0 [sflag:s0], s1  }
0x91: {  	s1 =	ssub.s32 @!p0 $0x0, s1;
	[sflag:s0] =	ssyncset.done @!p0 $0x0  }
0x92: {  	[sflag:s0] =	ssyncadd.s32 @!p0 s1  }
0x93: {  	[bflag:$0x3] =	sbarrier.arrive $0xFFFF  }
0x94: {  	_ =	shalt  }

// kernel: kernel.23.cloned.1.call-start
scs
__scs_entry_jumppad:
0x0: {  	(pc) =	sbr.rel $0x88, $3  }
0x1: {  	(tag) =	ssettag $0x0;
	lr =	simm.s32 $0x1  }
0x2: {  	[smem:$0x3F92] =	sst lr;
	_ =	strace $0xD0000000  }
0x3: {  	_ = 	snop  }
0x4: {  	_ = 	snop  }
0x5: {  	_ = 	snop  }
0x6: {  	_ = 	snop  }
0x7: {  	_ = 	snop  }
__scs_overlays_trampoline_lowered:
0x8: {  	[smem:$0x3FA1] =	sst s0  }
0x9: {  	[smem:$0x3FA2] =	sst s1  }
0xa: {  	[smem:$0x3FA3] =	sst s2  }
0xb: {  	[smem:$0x3FA4] =	sst s3  }
0xc: {  	[smem:$0x3FA5] =	sst s4  }
0xd: {  	[smem:$0x3FA6] =	sst s5  }
0xe: {  	[smem:$0x3FA7] =	sst s6  }
0xf: {  	[smem:$0x3FA8] =	sst s7  }
0x10: {  	[smem:$0x3FA9] =	sst s8  }
0x11: {  	[smem:$0x3FAA] =	sst s9;
	s0 =	simm.s32 @!p0 $0x0  }
0x12: {  	s1 =	sld [smem:$0x3F90];
	s0 =	simm.s32 @p0 $0x1  }
0x13: {  	[smem:$0x3FAB] =	sst s0;
	s0 =	simm.s32 @!p1 $0x0  }
0x14: {  	s2 =	sld [smem:$0x3F8F];
	s0 =	simm.s32 @p1 $0x1  }
0x15: {  	[smem:$0x3FAC] =	sst s0;
	s0 =	simm.s32 @!p2 $0x0  }
0x16: {  	s3 =	sld [smem:$0x3FDB];
	s0 =	simm.s32 @p2 $0x1  }
0x17: {  	s4 =	simm.s32 $0x1BF5;
	[smem:$0x3FAE] =	sst s0  }
0x18: {  	s0 =	sld [smem:$0x3F91];
	_ =	swait.ge [sflag:s4], $0x0  }
0x19: {  	s7 =	sld [smem:$0x3F92]  }
0x1a: {  	s8 =	sadd.s32 $0xFFFFE003, lr  }
0x1b: {  	s9 =	sadd.s32 $0xFFFFFEF7, lr;
	s5 =	simm.s32 $0xFFFFFFFF;
	p2 =	slt.u32 s8, $0xFFFFF086  }
0x1c: {  	p1 =	slt.u32 s9, $0xF7A;
	s5 =	simm.s32 @!p2 $0x0  }
0x1d: {  	s5 =	simm.s32 @p1 $0x1;
	p0 =	seq.s32 s7, s2  }
0x1e: {  	s7 =	smul.u32 @!p0 $0xF7A, s2;
	p2 =	seq.s32 @!p0 s5, $0x0  }
0x1f: {  	s9 =	smul.u32 $0xF7A, s1;
	s8 =	simm.s32 @!p0 $0x1BF5;
	p2 =	por !p2, p0  }
0x20: {  	[sflag:s8] =	ssyncset.s32 @!p0 $0xFFFFF086;
	s6 =	sadd.s32 @!p0 s3, s7;
	s7 =	simm.s32 @!p0 $0x108  }
0x21: {  	s3 =	sadd.s32 s3, s9;
	s6 =	sadd.s32 @!p0 $0x88, s6;
	s7 =	simm.s32 @p2 $0x1082  }
0x22: {  	[simem:s7], [sflag:s8] =	dma.local @!p0 [hbm:s6], $0xF7A  }
0x23: {  	s9 =	sor.u32 $0xD0000000, s2;
	s6 =	simm.s32 $0x108;
	_ =	swait.ge @!p0 [sflag:s8], $0x0  }
0x24: {  	s3 =	sadd.s32 $0x88, s3;
	s6 =	simm.s32 @!p1 $0x1082;
	[sflag:s4] =	ssyncset.s32 $0xFFFFF086  }
0x25: {  	[simem:s6], [sflag:s4] =	dma.local [hbm:s3], $0xF7A  }
0x26: {  	[smem:$0x3F92] =	sst s1;
	(tag) =	ssettag s2;
	_ =	strace s9  }
0x27: {  	s1 =	sld [smem:$0x3FA2]  }
0x28: {  	s2 =	sld [smem:$0x3FA3]  }
0x29: {  	s4 =	sld [smem:$0x3FA5]  }
0x2a: {  	p0 =	seq.s32 s5, $0x0;
	s5 =	sld [smem:$0x3FA6]  }
0x2b: {  	s6 =	sld [smem:$0x3FA7]  }
0x2c: {  	s7 =	sld [smem:$0x3FA8]  }
0x2d: {  	s3 =	simm.s32 $0x108;
	s8 =	sld [smem:$0x3FA9]  }
0x2e: {  	s3 =	simm.s32 @!p0 $0x1082;
	s9 =	sld [smem:$0x3FAA]  }
0x2f: {  	lr =	sadd.s32 s0, s3;
	s0 =	sld [smem:$0x3FA1]  }
0x30: {  	s3 =	sld [smem:$0x3FA4]  }
0x31: {  	[smem:$0x3FAD] =	sst s10  }
0x32: {  	s10 =	sld [smem:$0x3FAB];
	_ =	sdelay $0x3  }
0x33: {  	p0 =	seq.s32 s10, $0x1;
	s10 =	sld [smem:$0x3FAD];
	_ =	sdelay $0x3  }
0x34: {  	[smem:$0x3FAD] =	sst s10  }
0x35: {  	s10 =	sld [smem:$0x3FAC];
	_ =	sdelay $0x3  }
0x36: {  	p1 =	seq.s32 s10, $0x1;
	s10 =	sld [smem:$0x3FAD];
	_ =	sdelay $0x3  }
0x37: {  	[smem:$0x3FAD] =	sst s10  }
0x38: {  	s10 =	sld [smem:$0x3FAE]  }
0x39: {  	_ = 	snop;
	(pc) =	sbr.ind lr, $3  }
0x3a: {  	_ = 	snop  }
0x3b: {  	_ = 	snop  }
0x3c: {  	p2 =	seq.s32 s10, $0x1;
	s10 =	sld [smem:$0x3FAD]  }
0x3d: {  	_ =	shalt  }
0x3e: {  	_ =	shalt  }
0x3f: {  	_ =	shalt  }
0x40: {  	_ =	shalt  }
0x41: {  	_ =	shalt  }
0x42: {  	_ =	shalt  }
0x43: {  	_ =	shalt  }
0x44: {  	_ =	shalt  }
0x45: {  	_ =	shalt  }
0x46: {  	_ =	shalt  }
0x47: {  	_ =	shalt  }
0x48: {  	_ =	shalt  }
0x49: {  	_ =	shalt  }
0x4a: {  	_ =	shalt  }
0x4b: {  	_ =	shalt  }
0x4c: {  	_ =	shalt  }
0x4d: {  	_ =	shalt  }
0x4e: {  	_ =	shalt  }
0x4f: {  	_ =	shalt  }
0x50: {  	_ =	shalt  }
0x51: {  	_ =	shalt  }
0x52: {  	_ =	shalt  }
0x53: {  	_ =	shalt  }
0x54: {  	_ =	shalt  }
0x55: {  	_ =	shalt  }
0x56: {  	_ =	shalt  }
0x57: {  	_ =	shalt  }
0x58: {  	_ =	shalt  }
0x59: {  	_ =	shalt  }
0x5a: {  	_ =	shalt  }
0x5b: {  	_ =	shalt  }
0x5c: {  	_ =	shalt  }
0x5d: {  	_ =	shalt  }
0x5e: {  	_ =	shalt  }
0x5f: {  	_ =	shalt  }
0x60: {  	_ =	shalt  }
0x61: {  	_ =	shalt  }
0x62: {  	_ =	shalt  }
0x63: {  	_ =	shalt  }
0x64: {  	_ =	shalt  }
0x65: {  	_ =	shalt  }
0x66: {  	_ =	shalt  }
0x67: {  	_ =	shalt  }
0x68: {  	_ =	shalt  }
0x69: {  	_ =	shalt  }
0x6a: {  	_ =	shalt  }
0x6b: {  	_ =	shalt  }
0x6c: {  	_ =	shalt  }
0x6d: {  	_ =	shalt  }
0x6e: {  	_ =	shalt  }
0x6f: {  	_ =	shalt  }
0x70: {  	_ =	shalt  }
0x71: {  	_ =	shalt  }
0x72: {  	_ =	shalt  }
0x73: {  	_ =	shalt  }
0x74: {  	_ =	shalt  }
0x75: {  	_ =	shalt  }
0x76: {  	_ =	shalt  }
0x77: {  	_ =	shalt  }
0x78: {  	_ =	shalt  }
0x79: {  	_ =	shalt  }
0x7a: {  	_ =	shalt  }
0x7b: {  	_ =	shalt  }
0x7c: {  	_ =	shalt  }
0x7d: {  	_ =	shalt  }
0x7e: {  	_ =	shalt  }
0x7f: {  	_ =	shalt  }
0x80: {  	_ =	shalt  }
0x81: {  	_ =	shalt  }
0x82: {  	_ =	shalt  }
0x83: {  	_ =	shalt  }
0x84: {  	_ =	shalt  }
0x85: {  	_ =	shalt  }
0x86: {  	_ =	shalt  }
0x87: {  	_ =	shalt  }
.Lfunc_end0:
.L_simem_size_0:
called_computation.3_lowered:
.L_overlay_start_0:
0x88: {  	s2 =	sld [smem:$0x3FD9]  }
0x89: {  	s3 =	sld [smem:$0x3FFE];
	_ =	sdelay $0x1  }
0x8a: {  	s1 =	srdreg.scid  }
0x8b: {  	s0 =	sand.u32 $0x1, s1  }
0x8c: {  	s14 =	sshll.u32 s0, $0xA;
	s2 =	sadd.s32 s3, s2  }
0x8d: {  	s2 =	sadd.s32 s2, s14  }
0x8e: {  	[smem:$0x3FB9] =	sst s2  }
0x8f: {  	_ = 	snop  }
0x90: {  	s2 =	sld [smem:$0x3FD0];
	_ =	sdelay $0x2  }
0x91: {  	s15 =	simm.s32 $0xB;
	s4 =	simm.s32 $0x10  }
0x92: {  	[smem:s4], [sflag:s15] =	dma.local [hbm:s2], $0x1  }
0x93: {  	_ =	swait.eq [sflag:s15], $0x1  }
0x94: {  	[sflag:s15] =	ssyncset.done $0x0  }
0x95: {  	[sflag:s15] =	ssyncadd.s32 $0xFFFFFFFF  }
0x96: {  	s16 =	sld [smem:$0x11];
	(tm) =	ssettm $0x1  }
0x97: {  	s17 =	sld [smem:$0x3FFB];
	_ =	sdelay $0x3  }
0x98: {  	_ =	strace s17  }
0x99: {  	s3 =	sld [smem:$0x3FFC];
	_ =	sdelay $0x3  }
0x9a: {  	_ =	strace s3  }
0x9b: {  	s3 =	sld [smem:$0x3FFD];
	_ =	sdelay $0x3  }
0x9c: {  	_ =	strace s3  }
0x9d: {  	_ =	strace $0x8FFFFFFF  }
0x9e: {  	s18 =	sld [smem:$0x3FDB];
	_ =	sdelay $0x1  }
0x9f: {  	s19 =	simm.s32 $_scs_section_size  }
0xa0: {  	s5 =	simm.s32 $_size__tile_overlayer_lowered;
	s6 =	simm.s32 $_tile_overlayer_lowered  }
0xa1: {  	s22 =	simm.s32 $0x1BFF;
	s21 =	sshll.u32 s6, $0x1;
	s3 =	sadd.s32 s19, s18  }
0xa2: {  	s7 =	simm.s32 $0x0;
	s20 =	sshll.u32 s5, $0x1;
	s5 =	sadd.s32 s21, s3  }
0xa3: {  	[timem:s7], [sflag:s22] =	dma.local [hbm:s5], s20  }
0xa4: {  	_ =	swait.ge [sflag:s22], s20  }
0xa5: {  	s4 =	ssub.s32 $0x0, s20;
	[sflag:s22] =	ssyncset.done $0x0  }
0xa6: {  	[sflag:s22] =	ssyncadd.s32 s4;
	_ =	sdelay $0x1  }
0xa7: {  	s23 =	simm.s32 $0x1B8B  }
0xa8: {  	_ =	swait.ge [sflag:s23], $0x1  }
0xa9: {  	[sflag:s23] =	ssyncset.done $0x0  }
0xaa: {  	s25 =	simm.s32 $0x1B8E;
	s24 =	sld [smem:$0x3FFE];
	[sflag:s23] =	ssyncadd.s32 $0xFFFFFFFF  }
0xab: {  	s26 =	simm.s32 $execute0_lowered;
	[smem:$0x3FD2] =	sst s25  }
0xac: {  	s5 =	sshll.u32 s26, $0x1;
	_ =	strace $0x8000004F;
	[dreg:$0x1] =	wrdreg $0xFFFFFFFF  }
0xad: {  	s28 =	simm.s32 $_size_execute0_lowered;
	s3 =	sadd.s32 s3, s5;
	[dreg:$0x0] =	wrdreg $0x0  }
0xae: {  	s5 =	sshll.u32 s28, $0x1;
	[dreg:$0x2] =	wrdreg s3  }
0xaf: {  	[dreg:$0x3] =	wrdreg s5  }
0xb0: {  	[dreg:$0x4] =	wrdreg $0xC0  }
0xb1: {  	_ =	task [dreg:s7], $0x5FFFF  }
0xb2: {  	[dreg:$0x1] =	wrdreg $0xFFFFFFFF  }
0xb3: {  	[dreg:$0x0] =	wrdreg $0x60  }
0xb4: {  	[dreg:$0x2] =	wrdreg s16  }
0xb5: {  	[dreg:$0x3] =	wrdreg s24  }
0xb6: {  	[dreg:$0x4] =	wrdreg $0x9  }
0xb7: {  	_ =	task.clear_ibuf [dreg:s7], $0x5FFFF;
	_ =	strace $0x9000004F  }
0xb8: {  	s29 =	simm.s32 $0x9;
	_ =	strace $0x80000051  }
0xb9: {  	_ =	swait.ge [sflag:s29], $0x1  }
0xba: {  	[sflag:s29] =	ssyncadd.s32 $0xFFFFFFFF  }
0xbb: {  	_ =	strace $0x90000051  }
0xbc: {  	_ =	sfence  }
0xbd: {  	s30 =	sld [smem:$0x0];
	_ =	sdelay $0x2  }
0xbe: {  	s31 =	sshll.u32 s1, $0xD;
	s1 =	sshrl.u32 s1, $0x2  }
0xbf: {  	s3 =	sand.u32 $0x4000, s31;
	s1 =	sadd.s32 s1, s30  }
0xc0: {  	s0 =	sor.u32 s3, s0;
	s1 =	sshll.u32 s1, $0x11  }
0xc1: {  	s0 =	sor.u32 s1, s0  }
0xc2: {  	s0 =	sadd.s32 $0x8F2B, s0  }
0xc3: {  	[sflag:s0] =	ssyncadd.remote.s32 $0x1  }
0xc4: {  	_ =	sfence.sel $0xFFFF  }
0xc5: {  	[dreg:$0x0] =	wrdreg $0xFFFFFFFF;
	(pc) =	sbr.abs _section_cstart, $3  }
0xc6: {  	[dreg:$0x1] =	wrdreg $0xFFFFFFFF  }
0xc7: {  	_ =	task.clear_ibuf [dreg:s7], $0x2FFFF;
	_ =	strace $0x9FFFFFFF  }
0xc8: {  	(tm) =	ssettm $0x7FFFFFFF  }
0xc9: {  	_ =	shalt  }
tec
execute0_lowered:
.L_overlay_start_1:
0x0: {  	(tag) =	ssettag $0x1  }
0x1: {  	s1 =	rddreg [dreg:$0x0]  }
0x2: {  	s0 =	rddreg [dreg:$0x1];
	s3 =	simm.s32 $0x0;
	s2 =	srdreg.scid  }
0x3: {  	s5 =	stileid.u32;
	s9 =	simm.s32 $0x28;
	s10 =	simm.s32 $0x10000  }
0x4: {  	s11 =	simm.s32 $0x16400;
	s12 =	simm.s32 $0x11400;
	s13 =	simm.s32 $0x17800  }
0x5: {  	s14 =	simm.s32 $0x12800;
	s15 =	simm.s32 $0x18C00;
	s16 =	simm.s32 $0x13C00  }
0x6: {  	s17 =	simm.s32 $0x1A000;
	s18 =	simm.s32 $0x15000;
	s19 =	simm.s32 $0x1B400  }
0x7: {  	s20 =	simm.s32 $0x1;
	s21 =	simm.s32 $0x6;
	s22 =	simm.s32 $0x2  }
0x8: {  	s28 =	simm.s32 $0x9;
	s29 =	simm.s32 $0x5;
	s2 =	sand.u32 $0x1, s2  }
0x9: {  	s4 =	smul.u32 $0x4E200, s5;
	s5 =	sshll.u32 s5, $0xD;
	s7 =	sshll.u32 s2, $0xC  }
0xa: {  	[smem:$0x7FF] =	sst s3;
	s6 =	smul.u32 $0x27100, s2;
	s5 =	sor.u32 s7, s5  }
0xb: {  	_ =	strace $0x80000050;
	s4 =	sadd.s32 s4, s0;
	s0 =	sadd.s32 s5, s0  }
0xc: {  	s2 =	ssub.s32 $0x2, s2;
	s4 =	sadd.s32 s6, s4;
	s25 =	sadd.s32 $0x50A00, s0  }
0xd: {  	s23 =	sshrl.u32 s2, $0x1;
	s24 =	sadd.s32 $0xAEA00, s4;
	[dreg:$0x5] =	wrdreg s25  }
0xe: {  	s2 =	ssub.s32 s2, s23;
	s0 =	sadd.s32 $0x30A00, s0;
	[dreg:$0x3] =	wrdreg s24  }
0xf: {  	s30 =	simm.s32 $0xA;
	s26 =	smax.u32 s2, $0x1;
	[dreg:$0x6] =	wrdreg s0  }
0x10: {  	s31 =	simm.s32 $0x0;
	s4 =	sadd.s32 $0x1419000, s4;
	[dreg:$0x7] =	wrdreg s26  }
0x11: {  	s7 =	simm.s32 $0xB;
	s23 =	simm.s32 $0x7;
	[dreg:$0x4] =	wrdreg s4  }
0x12: {  	s24 =	simm.s32 $0x3;
	s25 =	simm.s32 $0x8;
	s26 =	simm.s32 $0x4  }
.LBB2_1:
0x13: {  	s0 =	rddreg [dreg:$0x5]  }
0x14: {  	[tilespmem:s3], [sflag:$0xB] =	stream.linear.gather [hbm4b:s0+s3], $0x7D00, $0x38;
	[tilespmem:$0x1C800] =	vst v63  }
0x15: {  	_ =	swait.ge [sflag:s7], $0x7D00  }
0x16: {  	[sflag:s7] =	ssyncset.done $0x0  }
0x17: {  	s2 =	simm.s32 $0x8000;
	s8 =	rddreg [dreg:$0x6];
	[sflag:s7] =	ssyncadd.s32 $0xFFFF8300  }
0x18: {  	[tilespmem:s2], [sflag:$0xB] =	stream.linear.gather [hbm4b:s8+s3], $0x7D00, $0x38;
	[tilespmem:$0x1C800] =	vst v63  }
0x19: {  	_ =	swait.ge [sflag:s7], $0x7D00  }
0x1a: {  	[sflag:s7] =	ssyncset.done $0x0  }
0x1b: {  	s2 =	simm.s32 $0x0;
	[sflag:s7] =	ssyncadd.s32 $0xFFFF8300  }
0x1c: {  	[tilespmem:s10], [sflag:$0x1] =	stream.indirect.gather [hbm4b:s1+s9], $0x80, s2, s9, $0xb8;
	[tilespmem:$0x1C800] =	vst v63  }
0x1d: {  	s4 =	simm.s32 $0x8000  }
0x1e: {  	[tilespmem:s11], [sflag:$0x6] =	stream.indirect.gather [hbm4b:s1+s9], $0x80, s4, s9, $0xb8;
	[tilespmem:$0x1C800] =	vst v63  }
0x1f: {  	s5 =	simm.s32 $0x80  }
0x20: {  	[tilespmem:s12], [sflag:$0x2] =	stream.indirect.gather [hbm4b:s1+s9], $0x80, s5, s9, $0xb8;
	[tilespmem:$0x1C800] =	vst v63  }
0x21: {  	s6 =	simm.s32 $0x8080  }
0x22: {  	[tilespmem:s13], [sflag:$0x7] =	stream.indirect.gather [hbm4b:s1+s9], $0x80, s6, s9, $0xb8;
	[tilespmem:$0x1C800] =	vst v63  }
0x23: {  	s8 =	simm.s32 $0x100  }
0x24: {  	[tilespmem:s14], [sflag:$0x3] =	stream.indirect.gather [hbm4b:s1+s9], $0x80, s8, s9, $0xb8;
	[tilespmem:$0x1C800] =	vst v63  }
0x25: {  	s2 =	simm.s32 $0x8100  }
0x26: {  	[tilespmem:s15], [sflag:$0x8] =	stream.indirect.gather [hbm4b:s1+s9], $0x80, s2, s9, $0xb8;
	[tilespmem:$0x1C800] =	vst v63  }
0x27: {  	s4 =	simm.s32 $0x180  }
0x28: {  	[tilespmem:s16], [sflag:$0x4] =	stream.indirect.gather [hbm4b:s1+s9], $0x80, s4, s9, $0xb8;
	[tilespmem:$0x1C800] =	vst v63  }
0x29: {  	s5 =	simm.s32 $0x8180  }
0x2a: {  	[tilespmem:s17], [sflag:$0x9] =	stream.indirect.gather [hbm4b:s1+s9], $0x80, s5, s9, $0xb8;
	[tilespmem:$0x1C800] =	vst v63  }
0x2b: {  	s6 =	simm.s32 $0x200  }
0x2c: {  	[tilespmem:s18], [sflag:$0x5] =	stream.indirect.gather [hbm4b:s1+s9], $0x80, s6, s9, $0xb8;
	[tilespmem:$0x1C800] =	vst v63  }
0x2d: {  	s8 =	simm.s32 $0x8200  }
0x2e: {  	[tilespmem:s19], [sflag:$0xA] =	stream.indirect.gather [hbm4b:s1+s9], $0x80, s8, s9, $0xb8;
	[tilespmem:$0x1C800] =	vst v63  }
0x2f: {  	_ =	swait.ge [sflag:s20], $0x1400  }
0x30: {  	s2 =	rddreg [dreg:$0x3];
	[sflag:s20] =	ssyncset.done $0x0  }
0x31: {  	[sflag:s20] =	ssyncadd.s32 $0xFFFFEC00;
	s0 =	sadd.s32 $0x0, s2  }
0x32: {  	[hbm4b:s0+s3] =	stream.linear.scatter [tilespmem:s10], [sflag:$0x1], $0x1400, $0x38;
	[tilespmem:$0x1C800] =	vst v63  }
0x33: {  	_ =	swait.ge [sflag:s21], $0x1400  }
0x34: {  	s4 =	rddreg [dreg:$0x4];
	[sflag:s21] =	ssyncset.done $0x0  }
0x35: {  	[sflag:s21] =	ssyncadd.s32 $0xFFFFEC00;
	s2 =	sadd.s32 $0x0, s4  }
0x36: {  	[hbm4b:s2+s3] =	stream.linear.scatter [tilespmem:s11], [sflag:$0x6], $0x1400, $0x38;
	[tilespmem:$0x1C800] =	vst v63  }
0x37: {  	_ =	swait.ge [sflag:s22], $0x1400  }
0x38: {  	[sflag:s22] =	ssyncset.done $0x0  }
0x39: {  	s4 =	sadd.s32 $0x280, s0;
	[sflag:s22] =	ssyncadd.s32 $0xFFFFEC00  }
0x3a: {  	[hbm4b:s4+s3] =	stream.linear.scatter [tilespmem:s12], [sflag:$0x2], $0x1400, $0x38;
	[tilespmem:$0x1C800] =	vst v63  }
0x3b: {  	_ =	swait.ge [sflag:s23], $0x1400  }
0x3c: {  	[sflag:s23] =	ssyncset.done $0x0  }
0x3d: {  	s5 =	sadd.s32 $0x280, s2;
	[sflag:s23] =	ssyncadd.s32 $0xFFFFEC00  }
0x3e: {  	[hbm4b:s5+s3] =	stream.linear.scatter [tilespmem:s13], [sflag:$0x7], $0x1400, $0x38;
	[tilespmem:$0x1C800] =	vst v63  }
0x3f: {  	_ =	swait.ge [sflag:s24], $0x1400  }
0x40: {  	[sflag:s24] =	ssyncset.done $0x0  }
0x41: {  	s6 =	sadd.s32 $0x500, s0;
	[sflag:s24] =	ssyncadd.s32 $0xFFFFEC00  }
0x42: {  	[hbm4b:s6+s3] =	stream.linear.scatter [tilespmem:s14], [sflag:$0x3], $0x1400, $0x38;
	[tilespmem:$0x1C800] =	vst v63  }
0x43: {  	_ =	swait.ge [sflag:s25], $0x1400  }
0x44: {  	[sflag:s25] =	ssyncset.done $0x0  }
0x45: {  	s8 =	sadd.s32 $0x500, s2;
	[sflag:s25] =	ssyncadd.s32 $0xFFFFEC00  }
0x46: {  	[hbm4b:s8+s3] =	stream.linear.scatter [tilespmem:s15], [sflag:$0x8], $0x1400, $0x38;
	[tilespmem:$0x1C800] =	vst v63  }
0x47: {  	_ =	swait.ge [sflag:s26], $0x1400  }
0x48: {  	[sflag:s26] =	ssyncset.done $0x0  }
0x49: {  	s5 =	sadd.s32 $0x780, s0;
	[sflag:s26] =	ssyncadd.s32 $0xFFFFEC00  }
0x4a: {  	[hbm4b:s5+s3] =	stream.linear.scatter [tilespmem:s16], [sflag:$0x4], $0x1400, $0x38;
	[tilespmem:$0x1C800] =	vst v63  }
0x4b: {  	_ =	swait.ge [sflag:s28], $0x1400  }
0x4c: {  	[sflag:s28] =	ssyncset.done $0x0  }
0x4d: {  	s6 =	sadd.s32 $0x780, s2;
	[sflag:s28] =	ssyncadd.s32 $0xFFFFEC00  }
0x4e: {  	[hbm4b:s6+s3] =	stream.linear.scatter [tilespmem:s17], [sflag:$0x9], $0x1400, $0x38;
	[tilespmem:$0x1C800] =	vst v63  }
0x4f: {  	_ =	swait.ge [sflag:s29], $0x1400  }
0x50: {  	[sflag:s29] =	ssyncset.done $0x0  }
0x51: {  	s0 =	sadd.s32 $0xA00, s0;
	[sflag:s29] =	ssyncadd.s32 $0xFFFFEC00  }
0x52: {  	[hbm4b:s0+s3] =	stream.linear.scatter [tilespmem:s18], [sflag:$0x5], $0x1400, $0x38;
	[tilespmem:$0x1C800] =	vst v63  }
0x53: {  	_ =	swait.ge [sflag:s30], $0x1400  }
0x54: {  	[sflag:s30] =	ssyncset.done $0x0  }
0x55: {  	s8 =	sadd.s32 $0xA00, s2;
	[sflag:s30] =	ssyncadd.s32 $0xFFFFEC00  }
0x56: {  	[hbm4b:s8+s3] =	stream.linear.scatter [tilespmem:s19], [sflag:$0xA], $0x1400, $0x38;
	[tilespmem:$0x1C800] =	vst v63  }
0x57: {  	_ =	swait.ge [sflag:s20], $0x1400  }
0x58: {  	[sflag:s20] =	ssyncset.done $0x0  }
0x59: {  	[sflag:s20] =	ssyncadd.s32 $0xFFFFEC00  }
0x5a: {  	_ =	swait.ge [sflag:s21], $0x1400  }
0x5b: {  	[sflag:s21] =	ssyncset.done $0x0  }
0x5c: {  	[sflag:s21] =	ssyncadd.s32 $0xFFFFEC00  }
0x5d: {  	_ =	swait.ge [sflag:s22], $0x1400  }
0x5e: {  	[sflag:s22] =	ssyncset.done $0x0  }
0x5f: {  	[sflag:s22] =	ssyncadd.s32 $0xFFFFEC00  }
0x60: {  	_ =	swait.ge [sflag:s23], $0x1400  }
0x61: {  	[sflag:s23] =	ssyncset.done $0x0  }
0x62: {  	[sflag:s23] =	ssyncadd.s32 $0xFFFFEC00  }
0x63: {  	_ =	swait.ge [sflag:s24], $0x1400  }
0x64: {  	[sflag:s24] =	ssyncset.done $0x0  }
0x65: {  	[sflag:s24] =	ssyncadd.s32 $0xFFFFEC00  }
0x66: {  	_ =	swait.ge [sflag:s25], $0x1400  }
0x67: {  	[sflag:s25] =	ssyncset.done $0x0  }
0x68: {  	[sflag:s25] =	ssyncadd.s32 $0xFFFFEC00  }
0x69: {  	_ =	swait.ge [sflag:s26], $0x1400  }
0x6a: {  	[sflag:s26] =	ssyncset.done $0x0  }
0x6b: {  	[sflag:s26] =	ssyncadd.s32 $0xFFFFEC00  }
0x6c: {  	_ =	swait.ge [sflag:s28], $0x1400  }
0x6d: {  	[sflag:s28] =	ssyncset.done $0x0  }
0x6e: {  	[sflag:s28] =	ssyncadd.s32 $0xFFFFEC00  }
0x6f: {  	_ =	swait.ge [sflag:s29], $0x1400  }
0x70: {  	[sflag:s29] =	ssyncset.done $0x0  }
0x71: {  	[sflag:s29] =	ssyncadd.s32 $0xFFFFEC00  }
0x72: {  	s2 =	simm.s32 $0x1900;
	_ =	swait.ge [sflag:s30], $0x1400  }
0x73: {  	s0 =	simm.s32 $0xC80;
	s8 =	simm.s32 $0xA00;
	[sflag:s30] =	ssyncset.done $0x0  }
.LBB2_2:
0x74: {  	s4 =	sshra.s32 s8, $0x2;
	[sflag:s30] =	ssyncadd.s32 $0xFFFFEC00  }
0x75: {  	[tilespmem:s10], [sflag:$0x1] =	stream.indirect.gather [hbm4b:s1+s9], $0x80, s4, s9, $0xb8;
	[tilespmem:$0x1C800] =	vst v63  }
0x76: {  	s5 =	sadd.s32 $0x8000, s4  }
0x77: {  	[tilespmem:s11], [sflag:$0x6] =	stream.indirect.gather [hbm4b:s1+s9], $0x80, s5, s9, $0xb8;
	[tilespmem:$0x1C800] =	vst v63  }
0x78: {  	s5 =	sadd.s32 $0x80, s4  }
0x79: {  	[tilespmem:s12], [sflag:$0x2] =	stream.indirect.gather [hbm4b:s1+s9], $0x80, s5, s9, $0xb8;
	[tilespmem:$0x1C800] =	vst v63  }
0x7a: {  	s5 =	sadd.s32 $0x8080, s4  }
0x7b: {  	[tilespmem:s13], [sflag:$0x7] =	stream.indirect.gather [hbm4b:s1+s9], $0x80, s5, s9, $0xb8;
	[tilespmem:$0x1C800] =	vst v63  }
0x7c: {  	s5 =	sadd.s32 $0x100, s4  }
0x7d: {  	[tilespmem:s14], [sflag:$0x3] =	stream.indirect.gather [hbm4b:s1+s9], $0x80, s5, s9, $0xb8;
	[tilespmem:$0x1C800] =	vst v63  }
0x7e: {  	s5 =	sadd.s32 $0x8100, s4  }
0x7f: {  	[tilespmem:s15], [sflag:$0x8] =	stream.indirect.gather [hbm4b:s1+s9], $0x80, s5, s9, $0xb8;
	[tilespmem:$0x1C800] =	vst v63  }
0x80: {  	s5 =	sadd.s32 $0x180, s4  }
0x81: {  	[tilespmem:s16], [sflag:$0x4] =	stream.indirect.gather [hbm4b:s1+s9], $0x80, s5, s9, $0xb8;
	[tilespmem:$0x1C800] =	vst v63  }
0x82: {  	s5 =	sadd.s32 $0x8180, s4  }
0x83: {  	[tilespmem:s17], [sflag:$0x9] =	stream.indirect.gather [hbm4b:s1+s9], $0x80, s5, s9, $0xb8;
	[tilespmem:$0x1C800] =	vst v63  }
0x84: {  	s5 =	sadd.s32 $0x200, s4  }
0x85: {  	[tilespmem:s18], [sflag:$0x5] =	stream.indirect.gather [hbm4b:s1+s9], $0x80, s5, s9, $0xb8;
	[tilespmem:$0x1C800] =	vst v63  }
0x86: {  	s4 =	sadd.s32 $0x8200, s4  }
0x87: {  	[tilespmem:s19], [sflag:$0xA] =	stream.indirect.gather [hbm4b:s1+s9], $0x80, s4, s9, $0xb8;
	[tilespmem:$0x1C800] =	vst v63  }
0x88: {  	_ =	swait.ge [sflag:s20], $0x1400  }
0x89: {  	s5 =	rddreg [dreg:$0x3];
	[sflag:s20] =	ssyncset.done $0x0  }
0x8a: {  	[sflag:s20] =	ssyncadd.s32 $0xFFFFEC00;
	s4 =	sadd.s32 s0, s5  }
0x8b: {  	[hbm4b:s4+s3] =	stream.linear.scatter [tilespmem:s10], [sflag:$0x1], $0x1400, $0x38;
	[tilespmem:$0x1C800] =	vst v63  }
0x8c: {  	_ =	swait.ge [sflag:s21], $0x1400  }
0x8d: {  	s5 =	rddreg [dreg:$0x4];
	[sflag:s21] =	ssyncset.done $0x0  }
0x8e: {  	[sflag:s21] =	ssyncadd.s32 $0xFFFFEC00;
	s5 =	sadd.s32 s0, s5  }
0x8f: {  	[hbm4b:s5+s3] =	stream.linear.scatter [tilespmem:s11], [sflag:$0x6], $0x1400, $0x38;
	[tilespmem:$0x1C800] =	vst v63  }
0x90: {  	_ =	swait.ge [sflag:s22], $0x1400  }
0x91: {  	s6 =	smov.u32 s2;
	[sflag:s22] =	ssyncset.done $0x0  }
0x92: {  	s0 =	smov.u32 s6;
	s6 =	sadd.s32 $0x280, s4;
	[sflag:s22] =	ssyncadd.s32 $0xFFFFEC00  }
0x93: {  	[hbm4b:s6+s3] =	stream.linear.scatter [tilespmem:s12], [sflag:$0x2], $0x1400, $0x38;
	[tilespmem:$0x1C800] =	vst v63  }
0x94: {  	_ =	swait.ge [sflag:s23], $0x1400  }
0x95: {  	[sflag:s23] =	ssyncset.done $0x0  }
0x96: {  	s6 =	sadd.s32 $0x280, s5;
	[sflag:s23] =	ssyncadd.s32 $0xFFFFEC00  }
0x97: {  	[hbm4b:s6+s3] =	stream.linear.scatter [tilespmem:s13], [sflag:$0x7], $0x1400, $0x38;
	[tilespmem:$0x1C800] =	vst v63  }
0x98: {  	_ =	swait.ge [sflag:s24], $0x1400  }
0x99: {  	[sflag:s24] =	ssyncset.done $0x0  }
0x9a: {  	s6 =	sadd.s32 $0x500, s4;
	[sflag:s24] =	ssyncadd.s32 $0xFFFFEC00  }
0x9b: {  	[hbm4b:s6+s3] =	stream.linear.scatter [tilespmem:s14], [sflag:$0x3], $0x1400, $0x38;
	[tilespmem:$0x1C800] =	vst v63  }
0x9c: {  	_ =	swait.ge [sflag:s25], $0x1400  }
0x9d: {  	[sflag:s25] =	ssyncset.done $0x0  }
0x9e: {  	s6 =	sadd.s32 $0x500, s5;
	[sflag:s25] =	ssyncadd.s32 $0xFFFFEC00  }
0x9f: {  	[hbm4b:s6+s3] =	stream.linear.scatter [tilespmem:s15], [sflag:$0x8], $0x1400, $0x38;
	[tilespmem:$0x1C800] =	vst v63  }
0xa0: {  	_ =	swait.ge [sflag:s26], $0x1400  }
0xa1: {  	[sflag:s26] =	ssyncset.done $0x0  }
0xa2: {  	s6 =	sadd.s32 $0x780, s4;
	[sflag:s26] =	ssyncadd.s32 $0xFFFFEC00  }
0xa3: {  	[hbm4b:s6+s3] =	stream.linear.scatter [tilespmem:s16], [sflag:$0x4], $0x1400, $0x38;
	[tilespmem:$0x1C800] =	vst v63  }
0xa4: {  	_ =	swait.ge [sflag:s28], $0x1400  }
0xa5: {  	[sflag:s28] =	ssyncset.done $0x0  }
0xa6: {  	s6 =	sadd.s32 $0x780, s5;
	[sflag:s28] =	ssyncadd.s32 $0xFFFFEC00  }
0xa7: {  	[hbm4b:s6+s3] =	stream.linear.scatter [tilespmem:s17], [sflag:$0x9], $0x1400, $0x38;
	[tilespmem:$0x1C800] =	vst v63  }
0xa8: {  	_ =	swait.ge [sflag:s29], $0x1400  }
0xa9: {  	[sflag:s29] =	ssyncset.done $0x0  }
0xaa: {  	s4 =	sadd.s32 $0xA00, s4;
	[sflag:s29] =	ssyncadd.s32 $0xFFFFEC00  }
0xab: {  	[hbm4b:s4+s3] =	stream.linear.scatter [tilespmem:s18], [sflag:$0x5], $0x1400, $0x38;
	[tilespmem:$0x1C800] =	vst v63  }
0xac: {  	_ =	swait.ge [sflag:s30], $0x1400  }
0xad: {  	[sflag:s30] =	ssyncset.done $0x0  }
0xae: {  	s6 =	sadd.s32 $0xA00, s5;
	[sflag:s30] =	ssyncadd.s32 $0xFFFFEC00  }
0xaf: {  	[hbm4b:s6+s3] =	stream.linear.scatter [tilespmem:s19], [sflag:$0xA], $0x1400, $0x38;
	[tilespmem:$0x1C800] =	vst v63  }
0xb0: {  	_ =	swait.ge [sflag:s20], $0x1400  }
0xb1: {  	[sflag:s20] =	ssyncset.done $0x0  }
0xb2: {  	[sflag:s20] =	ssyncadd.s32 $0xFFFFEC00  }
0xb3: {  	_ =	swait.ge [sflag:s21], $0x1400  }
0xb4: {  	[sflag:s21] =	ssyncset.done $0x0  }
0xb5: {  	[sflag:s21] =	ssyncadd.s32 $0xFFFFEC00  }
0xb6: {  	_ =	swait.ge [sflag:s22], $0x1400  }
0xb7: {  	[sflag:s22] =	ssyncset.done $0x0  }
0xb8: {  	[sflag:s22] =	ssyncadd.s32 $0xFFFFEC00  }
0xb9: {  	_ =	swait.ge [sflag:s23], $0x1400  }
0xba: {  	[sflag:s23] =	ssyncset.done $0x0  }
0xbb: {  	[sflag:s23] =	ssyncadd.s32 $0xFFFFEC00  }
0xbc: {  	_ =	swait.ge [sflag:s24], $0x1400  }
0xbd: {  	[sflag:s24] =	ssyncset.done $0x0  }
0xbe: {  	[sflag:s24] =	ssyncadd.s32 $0xFFFFEC00  }
0xbf: {  	_ =	swait.ge [sflag:s25], $0x1400  }
0xc0: {  	[sflag:s25] =	ssyncset.done $0x0  }
0xc1: {  	[sflag:s25] =	ssyncadd.s32 $0xFFFFEC00  }
0xc2: {  	_ =	swait.ge [sflag:s26], $0x1400  }
0xc3: {  	[sflag:s26] =	ssyncset.done $0x0  }
0xc4: {  	[sflag:s26] =	ssyncadd.s32 $0xFFFFEC00  }
0xc5: {  	_ =	swait.ge [sflag:s28], $0x1400  }
0xc6: {  	[sflag:s28] =	ssyncset.done $0x0  }
0xc7: {  	p0 =	sne.s32 s2, $0x26480;
	[sflag:s28] =	ssyncadd.s32 $0xFFFFEC00  }
.Ltmp0:
0xc8: {  	_ =	swait.ge [sflag:s29], $0x1400;
	(pc) =	sbr.rel @p0 .LBB2_2-.Ltmp0, $4  }
0xc9: {  	[sflag:s29] =	ssyncset.done $0x0  }
0xca: {  	[sflag:s29] =	ssyncadd.s32 $0xFFFFEC00  }
0xcb: {  	_ =	swait.ge [sflag:s30], $0x1400  }
0xcc: {  	s2 =	sadd.s32 $0xC80, s2;
	s8 =	sadd.s32 $0xA00, s8;
	[sflag:s30] =	ssyncset.done $0x0  }
0xcd: {  	s2 =	sshra.s32 s8, $0x2;
	[sflag:s30] =	ssyncadd.s32 $0xFFFFEC00  }
0xce: {  	[tilespmem:s10], [sflag:$0x1] =	stream.indirect.gather [hbm4b:s1+s9], $0x80, s2, s9, $0xb8;
	[tilespmem:$0x1C800] =	vst v63  }
0xcf: {  	s4 =	sadd.s32 $0x8000, s2  }
0xd0: {  	[tilespmem:s11], [sflag:$0x6] =	stream.indirect.gather [hbm4b:s1+s9], $0x80, s4, s9, $0xb8;
	[tilespmem:$0x1C800] =	vst v63  }
0xd1: {  	s8 =	sadd.s32 $0x80, s2  }
0xd2: {  	[tilespmem:s12], [sflag:$0x2] =	stream.indirect.gather [hbm4b:s1+s9], $0x80, s8, s9, $0xb8;
	[tilespmem:$0x1C800] =	vst v63  }
0xd3: {  	s5 =	sadd.s32 $0x8080, s2  }
0xd4: {  	[tilespmem:s13], [sflag:$0x7] =	stream.indirect.gather [hbm4b:s1+s9], $0x80, s5, s9, $0xb8;
	[tilespmem:$0x1C800] =	vst v63  }
0xd5: {  	s6 =	sadd.s32 $0x100, s2  }
0xd6: {  	[tilespmem:s14], [sflag:$0x3] =	stream.indirect.gather [hbm4b:s1+s9], $0x80, s6, s9, $0xb8;
	[tilespmem:$0x1C800] =	vst v63  }
0xd7: {  	s8 =	sadd.s32 $0x8100, s2  }
0xd8: {  	[tilespmem:s15], [sflag:$0x8] =	stream.indirect.gather [hbm4b:s1+s9], $0x80, s8, s9, $0xb8;
	[tilespmem:$0x1C800] =	vst v63  }
0xd9: {  	s5 =	sadd.s32 $0x180, s2  }
0xda: {  	[tilespmem:s16], [sflag:$0x4] =	stream.indirect.gather [hbm4b:s1+s9], $0x80, s5, s9, $0xb8;
	[tilespmem:$0x1C800] =	vst v63  }
0xdb: {  	s6 =	sadd.s32 $0x8180, s2  }
0xdc: {  	[tilespmem:s17], [sflag:$0x9] =	stream.indirect.gather [hbm4b:s1+s9], $0x80, s6, s9, $0xb8;
	[tilespmem:$0x1C800] =	vst v63  }
0xdd: {  	s8 =	sadd.s32 $0x200, s2  }
0xde: {  	[tilespmem:s18], [sflag:$0x5] =	stream.indirect.gather [hbm4b:s1+s9], $0x80, s8, s9, $0xb8;
	[tilespmem:$0x1C800] =	vst v63  }
0xdf: {  	s2 =	sadd.s32 $0x8200, s2  }
0xe0: {  	[tilespmem:s19], [sflag:$0xA] =	stream.indirect.gather [hbm4b:s1+s9], $0x80, s2, s9, $0xb8;
	[tilespmem:$0x1C800] =	vst v63  }
0xe1: {  	_ =	swait.ge [sflag:s20], $0x1400  }
0xe2: {  	s5 =	rddreg [dreg:$0x3];
	[sflag:s20] =	ssyncset.done $0x0  }
0xe3: {  	[sflag:s20] =	ssyncadd.s32 $0xFFFFEC00;
	s2 =	sadd.s32 s0, s5  }
0xe4: {  	[hbm4b:s2+s3] =	stream.linear.scatter [tilespmem:s10], [sflag:$0x1], $0x1400, $0x38;
	[tilespmem:$0x1C800] =	vst v63  }
0xe5: {  	_ =	swait.ge [sflag:s21], $0x1400  }
0xe6: {  	s6 =	rddreg [dreg:$0x4];
	[sflag:s21] =	ssyncset.done $0x0  }
0xe7: {  	[sflag:s21] =	ssyncadd.s32 $0xFFFFEC00;
	s0 =	sadd.s32 s0, s6  }
0xe8: {  	[hbm4b:s0+s3] =	stream.linear.scatter [tilespmem:s11], [sflag:$0x6], $0x1400, $0x38;
	[tilespmem:$0x1C800] =	vst v63  }
0xe9: {  	_ =	swait.ge [sflag:s22], $0x1400  }
0xea: {  	[sflag:s22] =	ssyncset.done $0x0  }
0xeb: {  	s8 =	sadd.s32 $0x280, s2;
	[sflag:s22] =	ssyncadd.s32 $0xFFFFEC00  }
0xec: {  	[hbm4b:s8+s3] =	stream.linear.scatter [tilespmem:s12], [sflag:$0x2], $0x1400, $0x38;
	[tilespmem:$0x1C800] =	vst v63  }
0xed: {  	_ =	swait.ge [sflag:s23], $0x1400  }
0xee: {  	[sflag:s23] =	ssyncset.done $0x0  }
0xef: {  	s5 =	sadd.s32 $0x280, s0;
	[sflag:s23] =	ssyncadd.s32 $0xFFFFEC00  }
0xf0: {  	[hbm4b:s5+s3] =	stream.linear.scatter [tilespmem:s13], [sflag:$0x7], $0x1400, $0x38;
	[tilespmem:$0x1C800] =	vst v63  }
0xf1: {  	_ =	swait.ge [sflag:s24], $0x1400  }
0xf2: {  	[sflag:s24] =	ssyncset.done $0x0  }
0xf3: {  	s6 =	sadd.s32 $0x500, s2;
	[sflag:s24] =	ssyncadd.s32 $0xFFFFEC00  }
0xf4: {  	[hbm4b:s6+s3] =	stream.linear.scatter [tilespmem:s14], [sflag:$0x3], $0x1400, $0x38;
	[tilespmem:$0x1C800] =	vst v63  }
0xf5: {  	_ =	swait.ge [sflag:s25], $0x1400  }
0xf6: {  	[sflag:s25] =	ssyncset.done $0x0  }
0xf7: {  	s8 =	sadd.s32 $0x500, s0;
	[sflag:s25] =	ssyncadd.s32 $0xFFFFEC00  }
0xf8: {  	[hbm4b:s8+s3] =	stream.linear.scatter [tilespmem:s15], [sflag:$0x8], $0x1400, $0x38;
	[tilespmem:$0x1C800] =	vst v63  }
0xf9: {  	_ =	swait.ge [sflag:s26], $0x1400  }
0xfa: {  	[sflag:s26] =	ssyncset.done $0x0  }
0xfb: {  	s5 =	sadd.s32 $0x780, s2;
	[sflag:s26] =	ssyncadd.s32 $0xFFFFEC00  }
0xfc: {  	[hbm4b:s5+s3] =	stream.linear.scatter [tilespmem:s16], [sflag:$0x4], $0x1400, $0x38;
	[tilespmem:$0x1C800] =	vst v63  }
0xfd: {  	_ =	swait.ge [sflag:s28], $0x1400  }
0xfe: {  	[sflag:s28] =	ssyncset.done $0x0  }
0xff: {  	s6 =	sadd.s32 $0x780, s0;
	[sflag:s28] =	ssyncadd.s32 $0xFFFFEC00  }
0x100: {  	[hbm4b:s6+s3] =	stream.linear.scatter [tilespmem:s17], [sflag:$0x9], $0x1400, $0x38;
	[tilespmem:$0x1C800] =	vst v63  }
0x101: {  	_ =	swait.ge [sflag:s29], $0x1400  }
0x102: {  	[sflag:s29] =	ssyncset.done $0x0  }
0x103: {  	s2 =	sadd.s32 $0xA00, s2;
	[sflag:s29] =	ssyncadd.s32 $0xFFFFEC00  }
0x104: {  	[hbm4b:s2+s3] =	stream.linear.scatter [tilespmem:s18], [sflag:$0x5], $0x1400, $0x38;
	[tilespmem:$0x1C800] =	vst v63  }
0x105: {  	_ =	swait.ge [sflag:s30], $0x1400  }
0x106: {  	[sflag:s30] =	ssyncset.done $0x0  }
0x107: {  	s0 =	sadd.s32 $0xA00, s0;
	[sflag:s30] =	ssyncadd.s32 $0xFFFFEC00  }
0x108: {  	[hbm4b:s0+s3] =	stream.linear.scatter [tilespmem:s19], [sflag:$0xA], $0x1400, $0x38;
	[tilespmem:$0x1C800] =	vst v63  }
0x109: {  	_ =	swait.ge [sflag:s20], $0x1400  }
0x10a: {  	[sflag:s20] =	ssyncset.done $0x0  }
0x10b: {  	[sflag:s20] =	ssyncadd.s32 $0xFFFFEC00  }
0x10c: {  	_ =	swait.ge [sflag:s21], $0x1400  }
0x10d: {  	[sflag:s21] =	ssyncset.done $0x0  }
0x10e: {  	[sflag:s21] =	ssyncadd.s32 $0xFFFFEC00  }
0x10f: {  	_ =	swait.ge [sflag:s22], $0x1400  }
0x110: {  	[sflag:s22] =	ssyncset.done $0x0  }
0x111: {  	[sflag:s22] =	ssyncadd.s32 $0xFFFFEC00  }
0x112: {  	_ =	swait.ge [sflag:s23], $0x1400  }
0x113: {  	[sflag:s23] =	ssyncset.done $0x0  }
0x114: {  	[sflag:s23] =	ssyncadd.s32 $0xFFFFEC00  }
0x115: {  	_ =	swait.ge [sflag:s24], $0x1400  }
0x116: {  	[sflag:s24] =	ssyncset.done $0x0  }
0x117: {  	[sflag:s24] =	ssyncadd.s32 $0xFFFFEC00  }
0x118: {  	_ =	swait.ge [sflag:s25], $0x1400  }
0x119: {  	[sflag:s25] =	ssyncset.done $0x0  }
0x11a: {  	[sflag:s25] =	ssyncadd.s32 $0xFFFFEC00  }
0x11b: {  	_ =	swait.ge [sflag:s26], $0x1400  }
0x11c: {  	[sflag:s26] =	ssyncset.done $0x0  }
0x11d: {  	[sflag:s26] =	ssyncadd.s32 $0xFFFFEC00  }
0x11e: {  	_ =	swait.ge [sflag:s28], $0x1400  }
0x11f: {  	[sflag:s28] =	ssyncset.done $0x0  }
0x120: {  	[sflag:s28] =	ssyncadd.s32 $0xFFFFEC00  }
0x121: {  	_ =	swait.ge [sflag:s29], $0x1400  }
0x122: {  	[sflag:s29] =	ssyncset.done $0x0  }
0x123: {  	[sflag:s29] =	ssyncadd.s32 $0xFFFFEC00  }
0x124: {  	_ =	swait.ge [sflag:s30], $0x1400  }
0x125: {  	s31 =	sadd.s32 $0x1, s31;
	s8 =	rddreg [dreg:$0x7]  }
0x126: {  	p0 =	sne.s32 s31, s8  }
.Ltmp1:
0x127: {  	_ = 	snop;
	(pc) =	sbr.rel @p0 .LBB2_1-.Ltmp1, $3  }
0x128: {  	_ =	sdelay $0x1  }
0x129: {  	[sflag:s30] =	ssyncset.done $0x0  }
0x12a: {  	[sflag:s30] =	ssyncadd.s32 $0xFFFFEC00  }
0x12b: {  	_ =	sfence.sel $0x180000  }
0x12c: {  	[bflag:$0x0] =	sbarrier.arrive $0xFFFF  }
0x12d: {  	_ =	strace $0x90000050  }
0x12e: {  	s0 =	stileid.u32;
	[bflag:$0x2] =	sbarrier.arrive $0xFFFF  }
0x12f: {  	p0 =	sne.s32 s0, $0x0;
	s0 =	rddreg [dreg:$0x2]  }
0x130: {  	s0 =	sadd.s32 @!p0 $0x100000, s0  }
0x131: {  	[sflag:s0] =	ssyncadd.tile.s32 @!p0 $0x1;
	_ =	shalt  }
.Lfunc_end2:
_tile_overlayer_lowered:
.L_overlay_start_2:
0x132: {  	(tag) =	ssettag $0x2  }
0x133: {  	s0 =	rddreg [dreg:$0x0];
	s2 =	stileid.u32  }
0x134: {  	s1 =	rddreg [dreg:$0x1];
	p0 =	sne.s32 s2, $0x0  }
0x135: {  	s3 =	rddreg [dreg:$0x2];
	[bflag:$0x3] =	sbarrier.arrive $0xFFFF;
	s2 =	simm.s32 @!p0 $0x1C0B  }
0x136: {  	[timem:s3], [sflag:s2] =	dma.local @!p0 [hbm:s0], s1  }
0x137: {  	s0 =	simm.s32 @!p0 $0xB  }
0x138: {  	_ =	swait.ge @!p0 [sflag:s0], s1  }
0x139: {  	s1 =	ssub.s32 @!p0 $0x0, s1;
	[sflag:s0] =	ssyncset.done @!p0 $0x0  }
0x13a: {  	[sflag:s0] =	ssyncadd.s32 @!p0 s1  }
0x13b: {  	[bflag:$0x3] =	sbarrier.arrive $0xFFFF  }
0x13c: {  	_ =	shalt  }

// kernel: kernel.26.cloned.1.call-start
scs
__scs_entry_jumppad:
0x0: {  	(pc) =	sbr.rel $0x88, $3  }
0x1: {  	(tag) =	ssettag $0x0;
	lr =	simm.s32 $0x1  }
0x2: {  	[smem:$0x3F92] =	sst lr;
	_ =	strace $0xD0000000  }
0x3: {  	_ = 	snop  }
0x4: {  	_ = 	snop  }
0x5: {  	_ = 	snop  }
0x6: {  	_ = 	snop  }
0x7: {  	_ = 	snop  }
__scs_overlays_trampoline_lowered:
0x8: {  	[smem:$0x3FA1] =	sst s0  }
0x9: {  	[smem:$0x3FA2] =	sst s1  }
0xa: {  	[smem:$0x3FA3] =	sst s2  }
0xb: {  	[smem:$0x3FA4] =	sst s3  }
0xc: {  	[smem:$0x3FA5] =	sst s4  }
0xd: {  	[smem:$0x3FA6] =	sst s5  }
0xe: {  	[smem:$0x3FA7] =	sst s6  }
0xf: {  	[smem:$0x3FA8] =	sst s7  }
0x10: {  	[smem:$0x3FA9] =	sst s8  }
0x11: {  	[smem:$0x3FAA] =	sst s9;
	s0 =	simm.s32 @!p0 $0x0  }
0x12: {  	s1 =	sld [smem:$0x3F90];
	s0 =	simm.s32 @p0 $0x1  }
0x13: {  	[smem:$0x3FAB] =	sst s0;
	s0 =	simm.s32 @!p1 $0x0  }
0x14: {  	s2 =	sld [smem:$0x3F8F];
	s0 =	simm.s32 @p1 $0x1  }
0x15: {  	[smem:$0x3FAC] =	sst s0;
	s0 =	simm.s32 @!p2 $0x0  }
0x16: {  	s3 =	sld [smem:$0x3FDB];
	s0 =	simm.s32 @p2 $0x1  }
0x17: {  	s4 =	simm.s32 $0x1BF5;
	[smem:$0x3FAE] =	sst s0  }
0x18: {  	s0 =	sld [smem:$0x3F91];
	_ =	swait.ge [sflag:s4], $0x0  }
0x19: {  	s7 =	sld [smem:$0x3F92]  }
0x1a: {  	s8 =	sadd.s32 $0xFFFFE003, lr  }
0x1b: {  	s9 =	sadd.s32 $0xFFFFFEF7, lr;
	s5 =	simm.s32 $0xFFFFFFFF;
	p2 =	slt.u32 s8, $0xFFFFF086  }
0x1c: {  	p1 =	slt.u32 s9, $0xF7A;
	s5 =	simm.s32 @!p2 $0x0  }
0x1d: {  	s5 =	simm.s32 @p1 $0x1;
	p0 =	seq.s32 s7, s2  }
0x1e: {  	s7 =	smul.u32 @!p0 $0xF7A, s2;
	p2 =	seq.s32 @!p0 s5, $0x0  }
0x1f: {  	s9 =	smul.u32 $0xF7A, s1;
	s8 =	simm.s32 @!p0 $0x1BF5;
	p2 =	por !p2, p0  }
0x20: {  	[sflag:s8] =	ssyncset.s32 @!p0 $0xFFFFF086;
	s6 =	sadd.s32 @!p0 s3, s7;
	s7 =	simm.s32 @!p0 $0x108  }
0x21: {  	s3 =	sadd.s32 s3, s9;
	s6 =	sadd.s32 @!p0 $0x88, s6;
	s7 =	simm.s32 @p2 $0x1082  }
0x22: {  	[simem:s7], [sflag:s8] =	dma.local @!p0 [hbm:s6], $0xF7A  }
0x23: {  	s9 =	sor.u32 $0xD0000000, s2;
	s6 =	simm.s32 $0x108;
	_ =	swait.ge @!p0 [sflag:s8], $0x0  }
0x24: {  	s3 =	sadd.s32 $0x88, s3;
	s6 =	simm.s32 @!p1 $0x1082;
	[sflag:s4] =	ssyncset.s32 $0xFFFFF086  }
0x25: {  	[simem:s6], [sflag:s4] =	dma.local [hbm:s3], $0xF7A  }
0x26: {  	[smem:$0x3F92] =	sst s1;
	(tag) =	ssettag s2;
	_ =	strace s9  }
0x27: {  	s1 =	sld [smem:$0x3FA2]  }
0x28: {  	s2 =	sld [smem:$0x3FA3]  }
0x29: {  	s4 =	sld [smem:$0x3FA5]  }
0x2a: {  	p0 =	seq.s32 s5, $0x0;
	s5 =	sld [smem:$0x3FA6]  }
0x2b: {  	s6 =	sld [smem:$0x3FA7]  }
0x2c: {  	s7 =	sld [smem:$0x3FA8]  }
0x2d: {  	s3 =	simm.s32 $0x108;
	s8 =	sld [smem:$0x3FA9]  }
0x2e: {  	s3 =	simm.s32 @!p0 $0x1082;
	s9 =	sld [smem:$0x3FAA]  }
0x2f: {  	lr =	sadd.s32 s0, s3;
	s0 =	sld [smem:$0x3FA1]  }
0x30: {  	s3 =	sld [smem:$0x3FA4]  }
0x31: {  	[smem:$0x3FAD] =	sst s10  }
0x32: {  	s10 =	sld [smem:$0x3FAB];
	_ =	sdelay $0x3  }
0x33: {  	p0 =	seq.s32 s10, $0x1;
	s10 =	sld [smem:$0x3FAD];
	_ =	sdelay $0x3  }
0x34: {  	[smem:$0x3FAD] =	sst s10  }
0x35: {  	s10 =	sld [smem:$0x3FAC];
	_ =	sdelay $0x3  }
0x36: {  	p1 =	seq.s32 s10, $0x1;
	s10 =	sld [smem:$0x3FAD];
	_ =	sdelay $0x3  }
0x37: {  	[smem:$0x3FAD] =	sst s10  }
0x38: {  	s10 =	sld [smem:$0x3FAE]  }
0x39: {  	_ = 	snop;
	(pc) =	sbr.ind lr, $3  }
0x3a: {  	_ = 	snop  }
0x3b: {  	_ = 	snop  }
0x3c: {  	p2 =	seq.s32 s10, $0x1;
	s10 =	sld [smem:$0x3FAD]  }
0x3d: {  	_ =	shalt  }
0x3e: {  	_ =	shalt  }
0x3f: {  	_ =	shalt  }
0x40: {  	_ =	shalt  }
0x41: {  	_ =	shalt  }
0x42: {  	_ =	shalt  }
0x43: {  	_ =	shalt  }
0x44: {  	_ =	shalt  }
0x45: {  	_ =	shalt  }
0x46: {  	_ =	shalt  }
0x47: {  	_ =	shalt  }
0x48: {  	_ =	shalt  }
0x49: {  	_ =	shalt  }
0x4a: {  	_ =	shalt  }
0x4b: {  	_ =	shalt  }
0x4c: {  	_ =	shalt  }
0x4d: {  	_ =	shalt  }
0x4e: {  	_ =	shalt  }
0x4f: {  	_ =	shalt  }
0x50: {  	_ =	shalt  }
0x51: {  	_ =	shalt  }
0x52: {  	_ =	shalt  }
0x53: {  	_ =	shalt  }
0x54: {  	_ =	shalt  }
0x55: {  	_ =	shalt  }
0x56: {  	_ =	shalt  }
0x57: {  	_ =	shalt  }
0x58: {  	_ =	shalt  }
0x59: {  	_ =	shalt  }
0x5a: {  	_ =	shalt  }
0x5b: {  	_ =	shalt  }
0x5c: {  	_ =	shalt  }
0x5d: {  	_ =	shalt  }
0x5e: {  	_ =	shalt  }
0x5f: {  	_ =	shalt  }
0x60: {  	_ =	shalt  }
0x61: {  	_ =	shalt  }
0x62: {  	_ =	shalt  }
0x63: {  	_ =	shalt  }
0x64: {  	_ =	shalt  }
0x65: {  	_ =	shalt  }
0x66: {  	_ =	shalt  }
0x67: {  	_ =	shalt  }
0x68: {  	_ =	shalt  }
0x69: {  	_ =	shalt  }
0x6a: {  	_ =	shalt  }
0x6b: {  	_ =	shalt  }
0x6c: {  	_ =	shalt  }
0x6d: {  	_ =	shalt  }
0x6e: {  	_ =	shalt  }
0x6f: {  	_ =	shalt  }
0x70: {  	_ =	shalt  }
0x71: {  	_ =	shalt  }
0x72: {  	_ =	shalt  }
0x73: {  	_ =	shalt  }
0x74: {  	_ =	shalt  }
0x75: {  	_ =	shalt  }
0x76: {  	_ =	shalt  }
0x77: {  	_ =	shalt  }
0x78: {  	_ =	shalt  }
0x79: {  	_ =	shalt  }
0x7a: {  	_ =	shalt  }
0x7b: {  	_ =	shalt  }
0x7c: {  	_ =	shalt  }
0x7d: {  	_ =	shalt  }
0x7e: {  	_ =	shalt  }
0x7f: {  	_ =	shalt  }
0x80: {  	_ =	shalt  }
0x81: {  	_ =	shalt  }
0x82: {  	_ =	shalt  }
0x83: {  	_ =	shalt  }
0x84: {  	_ =	shalt  }
0x85: {  	_ =	shalt  }
0x86: {  	_ =	shalt  }
0x87: {  	_ =	shalt  }
.Lfunc_end0:
.L_simem_size_0:
called_computation.4_lowered:
.L_overlay_start_0:
0x88: {  	s2 =	sld [smem:$0x3FD9]  }
0x89: {  	s3 =	sld [smem:$0x3FFE];
	_ =	sdelay $0x1  }
0x8a: {  	s1 =	srdreg.scid  }
0x8b: {  	s0 =	sand.u32 $0x1, s1  }
0x8c: {  	s16 =	sshll.u32 s0, $0xA;
	s2 =	sadd.s32 s3, s2  }
0x8d: {  	s2 =	sadd.s32 s2, s16  }
0x8e: {  	[smem:$0x3FB9] =	sst s2  }
0x8f: {  	_ = 	snop  }
0x90: {  	(tm) =	ssettm $0x1  }
0x91: {  	s17 =	sld [smem:$0x3FFB];
	_ =	sdelay $0x3  }
0x92: {  	_ =	strace s17  }
0x93: {  	s2 =	sld [smem:$0x3FFC];
	_ =	sdelay $0x3  }
0x94: {  	_ =	strace s2  }
0x95: {  	s2 =	sld [smem:$0x3FFD];
	_ =	sdelay $0x3  }
0x96: {  	_ =	strace s2  }
0x97: {  	_ =	strace $0x8FFFFFFF  }
0x98: {  	s18 =	sld [smem:$0x3FDB];
	_ =	sdelay $0x1  }
0x99: {  	s19 =	simm.s32 $_scs_section_size  }
0x9a: {  	s4 =	simm.s32 $_size__tile_overlayer_lowered;
	s5 =	simm.s32 $_tile_overlayer_lowered  }
0x9b: {  	s22 =	simm.s32 $0x1BFF;
	s21 =	sshll.u32 s5, $0x1;
	s2 =	sadd.s32 s19, s18  }
0x9c: {  	s6 =	simm.s32 $0x0;
	s20 =	sshll.u32 s4, $0x1;
	s4 =	sadd.s32 s21, s2  }
0x9d: {  	[timem:s6], [sflag:s22] =	dma.local [hbm:s4], s20  }
0x9e: {  	_ =	swait.ge [sflag:s22], s20  }
0x9f: {  	s3 =	ssub.s32 $0x0, s20;
	[sflag:s22] =	ssyncset.done $0x0  }
0xa0: {  	[sflag:s22] =	ssyncadd.s32 s3;
	_ =	sdelay $0x1  }
0xa1: {  	s23 =	simm.s32 $0x1B8B  }
0xa2: {  	_ =	swait.ge [sflag:s23], $0x1  }
0xa3: {  	[sflag:s23] =	ssyncset.done $0x0  }
0xa4: {  	s25 =	simm.s32 $0x1B8E;
	s24 =	sld [smem:$0x3FFE];
	[sflag:s23] =	ssyncadd.s32 $0xFFFFFFFF  }
0xa5: {  	s26 =	simm.s32 $execute0_lowered;
	[smem:$0x3FD2] =	sst s25  }
0xa6: {  	s4 =	sshll.u32 s26, $0x1;
	_ =	strace $0x80000052;
	[dreg:$0x1] =	wrdreg $0xFFFFFFFF  }
0xa7: {  	s28 =	simm.s32 $_size_execute0_lowered;
	s2 =	sadd.s32 s2, s4;
	[dreg:$0x0] =	wrdreg $0x0  }
0xa8: {  	s4 =	sshll.u32 s28, $0x1;
	[dreg:$0x2] =	wrdreg s2  }
0xa9: {  	[dreg:$0x3] =	wrdreg s4  }
0xaa: {  	[dreg:$0x4] =	wrdreg $0xC0  }
0xab: {  	_ =	task [dreg:s6], $0x5FFFF  }
0xac: {  	[dreg:$0x1] =	wrdreg $0xFFFFFFFF  }
0xad: {  	[dreg:$0x0] =	wrdreg $0x60  }
0xae: {  	[dreg:$0x2] =	wrdreg s24  }
0xaf: {  	[dreg:$0x3] =	wrdreg $0x9  }
0xb0: {  	_ =	task.clear_ibuf [dreg:s6], $0x4FFFF;
	_ =	strace $0x90000052  }
0xb1: {  	s29 =	simm.s32 $0x9;
	_ =	strace $0x80000054  }
0xb2: {  	_ =	swait.ge [sflag:s29], $0x1  }
0xb3: {  	[sflag:s29] =	ssyncadd.s32 $0xFFFFFFFF  }
0xb4: {  	_ =	strace $0x90000054  }
0xb5: {  	_ =	sfence  }
0xb6: {  	s30 =	sld [smem:$0x0];
	_ =	sdelay $0x2  }
0xb7: {  	s31 =	sshll.u32 s1, $0xD;
	s1 =	sshrl.u32 s1, $0x2  }
0xb8: {  	s3 =	sand.u32 $0x4000, s31;
	s1 =	sadd.s32 s1, s30  }
0xb9: {  	s0 =	sor.u32 s3, s0;
	s1 =	sshll.u32 s1, $0x11  }
0xba: {  	s0 =	sor.u32 s1, s0  }
0xbb: {  	s0 =	sadd.s32 $0x8F2B, s0  }
0xbc: {  	[sflag:s0] =	ssyncadd.remote.s32 $0x1  }
0xbd: {  	_ =	sfence.sel $0xFFFF  }
0xbe: {  	[dreg:$0x0] =	wrdreg $0xFFFFFFFF;
	(pc) =	sbr.abs _section_cstart, $3  }
0xbf: {  	[dreg:$0x1] =	wrdreg $0xFFFFFFFF  }
0xc0: {  	_ =	task.clear_ibuf [dreg:s6], $0x2FFFF;
	_ =	strace $0x9FFFFFFF  }
0xc1: {  	(tm) =	ssettm $0x7FFFFFFF  }
tec
execute0_lowered:
.L_overlay_start_1:
0x0: {  	(tag) =	ssettag $0x1  }
0x1: {  	s8 =	rddreg [dreg:$0x0];
	s2 =	srdreg.scid  }
0x2: {  	s1 =	stileid.u32;
	s0 =	rddreg [dreg:$0x1]  }
0x3: {  	s12 =	simm.s32 $0x2;
	s13 =	simm.s32 $0x1;
	s14 =	simm.s32 $0xE000  }
0x4: {  	s15 =	simm.s32 $0xE080;
	s16 =	simm.s32 $0x80;
	s17 =	simm.s32 $0xA000  }
0x5: {  	s18 =	simm.s32 $0x400;
	s19 =	simm.s32 $0x0;
	s6 =	sand.u32 $0x1, s2  }
0x6: {  	s3 =	sshll.u32 s1, $0x1;
	s2 =	simm.s32 $0x0;
	s4 =	sshrl.u32 s1, $0x2  }
0x7: {  	s3 =	sor.u32 s6, s3;
	[smem:$0x7FF] =	sst s2;
	s7 =	smul.u32 $0x50000, s4  }
0x8: {  	s4 =	sadd.s32 $0x18FB000, s8;
	s31 =	ssub.s32 $0x2, s6;
	s5 =	sshll.u32 s3, $0x7  }
.Ltmp0:
0x9: {  	s6 =	sadd.s32 $0x7A800, s8;
	s9 =	sand.u32 $0x380, s5;
	(pc) =	sbr.rel .LBB2_1-.Ltmp0, $4  }
0xa: {  	_ =	strace $0x80000053;
	s11 =	sshrl.u32 s31, $0x1;
	s7 =	sor.u32 s7, s9  }
0xb: {  	s5 =	sadd.s32 $0x70A00, s8;
	s11 =	ssub.s32 s31, s11;
	s10 =	sshrl.u32 s7, $0x3  }
0xc: {  	s7 =	sadd.s32 $0xA52400, s8;
	s10 =	sadd.s32 s10, s8;
	s8 =	smul.u32 $0xFFFFFEC0, s3  }
0xd: {  	v0 =	vimm.f32 $0.0e+00;
	s9 =	sadd.s32 $0x84600, s10;
	s10 =	smax.u32 s11, $0x1;
	s11 =	simm.s32 $0xE180  }
.LBB2_9:
0xe: {  	s19 =	sadd.s32 $0x1, s19  }
0xf: {  	p0 =	sne.s32 s19, s10  }
.Ltmp1:
0x10: {  	_ = 	snop;
	(pc) =	sbr.rel @!p0 .LBB2_10-.Ltmp1, $4  }
0x11: {  	[hbm4b:s9+s16] =	stream.strided.scatter [tilespmem:s2], [sflag:$0x2], $0xA000, s18, s16, $0x38;
	[tilespmem:$0xE200] =	vst v63  }
0x12: {  	_ =	swait.ge [sflag:s12], $0xA000  }
0x13: {  	[sflag:s12] =	ssyncset.done $0x0  }
0x14: {  	[sflag:s12] =	ssyncadd.s32 $0xFFFF6000  }
.LBB2_1:
0x15: {  	[tilespmem:s11], [sflag:$0x2] =	stream.linear.gather [hbm4b:s7+s2], $0x80, $0x38;
	[tilespmem:$0xE200] =	vst v63  }
0x16: {  	_ =	swait.ge [sflag:s12], $0x80  }
0x17: {  	[sflag:s12] =	ssyncset.done $0x0  }
0x18: {  	[sflag:s12] =	ssyncadd.s32 $0xFFFFFF80  }
0x19: {  	s20 =	simm.s32 $0x40;
	s21 =	simm.s32 $0x0;
	v1 =	vld [tilespmem:s3+$0xE180]  }
.LBB2_2:
0x1a: {  	p0 =	sne.s32 s20, $0x27FC0;
	[tilespmem:s21+$0x0] =	vst v0;
	s21 =	smov.u32 s20;
	s20 =	sadd.s32 $0x40, s20  }
.Ltmp2:
0x1b: {  	(pc) =	sbr.rel @p0 .LBB2_2-.Ltmp2, $2  }
0x1c: {  	_ =	sdelay $0x2  }
0x1d: {  	s21 =	sshra.s32 s21, $0x2  }
0x1e: {  	(v2sf) =	vpush v1, $0x0  }
0x1f: {  	(v2sf) =	vpush v1, $0x1;
	_ =	sdelay $0xa  }
.Ltmp3:
0x20: {  	_ = 	snop;
	(pc) =	sbr.rel .LBB2_4-.Ltmp3, $3  }
0x21: {  	_ =	sdelay $0x1  }
0x22: {  	s20 =	spop (v2sf)  }
0x23: {  	[tilespmem:s21+$0x0] =	vst v0;
	s22 =	simm.s32 $0x0;
	s21 =	spop (v2sf)  }
.LBB2_8:
0x24: {  	s22 =	sadd.s32 $0x1, s22  }
0x25: {  	p0 =	sne.s32 s22, $0xA6C  }
.Ltmp4:
0x26: {  	_ = 	snop;
	(pc) =	sbr.rel @!p0 .LBB2_9-.Ltmp4, $1  }
0x27: {  	_ =	sdelay $0x3  }
.LBB2_4:
0x28: {  	p0 =	sle.s32 s21, s20  }
.Ltmp5:
0x29: {  	_ = 	snop;
	(pc) =	sbr.rel @p0 .LBB2_8-.Ltmp5, $1  }
0x2a: {  	_ =	sdelay $0x3  }
0x2b: {  	s23 =	sand.u32 $0x7, s20  }
0x2c: {  	s24 =	sshra.s32 s20, $0x1F;
	p0 =	slt.s32 s20, $0x1;
	p1 =	sne.s32 s23, $0x0  }
0x2d: {  	s29 =	sshrl.u32 s24, $0x1D;
	p0 =	por !p0, !p1  }
0x2e: {  	s24 =	simm.s32 $0x1;
	s23 =	sadd.s32 s29, s20;
	p0 =	por !p0, !p0  }
0x2f: {  	s23 =	sshra.s32 s23, $0x3;
	s24 =	simm.s32 @!p0 $0x0  }
0x30: {  	s24 =	ssub.s32 s23, s24  }
0x31: {  	s23 =	sand.u32 $0x1FFFFFFF, s24  }
0x32: {  	s26 =	simm.s32 $0x0;
	s25 =	sadd.s32 s5, s23  }
0x33: {  	[tilespmem:s14], [sflag:$0x2] =	stream.linear.gather [hbm4b:s25+s26], $0x80, $0x38;
	[tilespmem:$0xE200] =	vst v63  }
0x34: {  	_ =	swait.ge [sflag:s12], $0x80  }
0x35: {  	[sflag:s12] =	ssyncset.done $0x0  }
0x36: {  	s23 =	sadd.s32 s6, s23;
	[sflag:s12] =	ssyncadd.s32 $0xFFFFFF80  }
0x37: {  	[tilespmem:s15], [sflag:$0x2] =	stream.linear.gather [hbm4b:s23+s26], $0x80, $0x38;
	[tilespmem:$0xE200] =	vst v63  }
0x38: {  	_ =	swait.ge [sflag:s12], $0x80  }
0x39: {  	[sflag:s12] =	ssyncset.done $0x0  }
0x3a: {  	s30 =	sshll.u32 s20, $0x2;
	s31 =	sshll.u32 s24, $0x5;
	[sflag:s12] =	ssyncadd.s32 $0xFFFFFF80  }
0x3b: {  	[tilespmem:s17], [sflag:$0x1] =	stream.indirect.gather [hbm4b:s4+s16], $0x80, s14, s16, $0xb8;
	[tilespmem:$0xE200] =	vst v63  }
0x3c: {  	s23 =	ssub.s32 s30, s31;
	_ =	swait.ge [sflag:s13], $0x4000  }
0x3d: {  	s23 =	sshra.s32 s23, $0x2;
	[sflag:s13] =	ssyncset.done $0x0  }
0x3e: {  	s23 =	sadd.s32 $0xE080, s23;
	[sflag:s13] =	ssyncadd.s32 $0xFFFFC000  }
0x3f: {  	v1 =	vld [tilespmem:s23+$0x0];
	_ =	sdelay $0x4  }
0x40: {  	(v2sf) =	vpush v1, $0x0;
	_ =	sdelay $0xa  }
0x41: {  	s24 =	sshll.u32 s24, $0xC;
	s26 =	sshll.u32 s20, $0x9  }
0x42: {  	s24 =	ssub.s32 s26, s24  }
0x43: {  	s24 =	sshra.s32 s24, $0x2  }
0x44: {  	s24 =	sadd.s32 $0xA040, s24  }
0x45: {  	v1 =	vld [tilespmem:s24+$0xFFFFFFC0];
	s29 =	spop (v2sf)  }
0x46: {  	s26 =	sadd.s32 s8, s29  }
0x47: {  	p0 =	sgt.s32 s26, $0x0  }
0x48: {  	s25 =	ssub.s32 s21, s20;
	s26 =	simm.s32 @!p0 $0x0  }
0x49: {  	p6 =	sgt.s32 s25, $0x0;
	s26 =	smin.u32 s26, $0x13F  }
0x4a: {  	v1 =	vpsel !p6, $0x0, v1;
	s28 =	sshll.u32 s26, $0x7  }
0x4b: {  	[tilespmem:s28+$0x0] =	vst.add.f32.msk $0xffff, v1  }
0x4c: {  	v1 =	vld [tilespmem:s24+$0xFFFFFFD0];
	_ =	sdelay $0x4  }
0x4d: {  	s26 =	sor.u32 $0x10, s28;
	v1 =	vpsel !p6, $0x0, v1  }
0x4e: {  	[tilespmem:s26+$0x0] =	vst.add.f32.msk $0xffff, v1  }
0x4f: {  	v1 =	vld [tilespmem:s24+$0xFFFFFFE0];
	_ =	sdelay $0x4  }
0x50: {  	s30 =	sor.u32 $0x20, s28;
	v1 =	vpsel !p6, $0x0, v1  }
0x51: {  	[tilespmem:s30+$0x0] =	vst.add.f32.msk $0xffff, v1  }
0x52: {  	v1 =	vld [tilespmem:s24+$0xFFFFFFF0];
	_ =	sdelay $0x4  }
0x53: {  	s31 =	sor.u32 $0x30, s28;
	v1 =	vpsel !p6, $0x0, v1  }
0x54: {  	[tilespmem:s31+$0x0] =	vst.add.f32.msk $0xffff, v1  }
0x55: {  	v1 =	vld [tilespmem:s24+$0x0];
	_ =	sdelay $0x4  }
0x56: {  	s29 =	sor.u32 $0x40, s28;
	v1 =	vpsel !p6, $0x0, v1  }
0x57: {  	[tilespmem:s29+$0x0] =	vst.add.f32.msk $0xffff, v1  }
0x58: {  	v1 =	vld [tilespmem:s24+$0x10];
	_ =	sdelay $0x4  }
0x59: {  	s30 =	sor.u32 $0x50, s28;
	v1 =	vpsel !p6, $0x0, v1  }
0x5a: {  	[tilespmem:s30+$0x0] =	vst.add.f32.msk $0xffff, v1  }
0x5b: {  	v1 =	vld [tilespmem:s24+$0x20];
	_ =	sdelay $0x4  }
0x5c: {  	s31 =	sor.u32 $0x60, s28;
	v1 =	vpsel !p6, $0x0, v1  }
0x5d: {  	[tilespmem:s31+$0x0] =	vst.add.f32.msk $0xffff, v1  }
0x5e: {  	v1 =	vld [tilespmem:s24+$0x30];
	_ =	sdelay $0x4  }
0x5f: {  	s26 =	simm.s32 $0x1;
	s28 =	sor.u32 $0x70, s28;
	v1 =	vpsel !p6, $0x0, v1  }
.LBB2_6:
0x60: {  	p0 =	sne.s32 s26, $0x77;
	[tilespmem:s28+$0x0] =	vst.add.f32.msk $0xffff, v1;
	s23 =	sadd.s32 $0x1, s23;
	s24 =	sadd.s32 $0x80, s24  }
0x61: {  	s28 =	smov.u32 s26;
	s26 =	sadd.s32 $0x1, s26;
	v1 =	vld [tilespmem:s23+$0x0];
	_ =	sdelay $0x4  }
0x62: {  	(v2sf) =	vpush v1, $0x0;
	_ =	sdelay $0xe  }
0x63: {  	v1 =	vld [tilespmem:s24+$0xFFFFFFC0];
	s29 =	spop (v2sf)  }
0x64: {  	s29 =	sadd.s32 s8, s29  }
0x65: {  	p1 =	sgt.s32 s29, $0x0  }
0x66: {  	s29 =	simm.s32 @!p1 $0x0  }
0x67: {  	p1 =	sgt.s32 s25, s28;
	s29 =	smin.u32 s29, $0x13F  }
0x68: {  	v1 =	vpsel !p1, $0x0, v1;
	s28 =	sshll.u32 s29, $0x7  }
0x69: {  	[tilespmem:s28+$0x0] =	vst.add.f32.msk $0xffff, v1  }
0x6a: {  	v1 =	vld [tilespmem:s24+$0xFFFFFFD0];
	_ =	sdelay $0x4  }
0x6b: {  	s29 =	sor.u32 $0x10, s28;
	v1 =	vpsel !p1, $0x0, v1  }
0x6c: {  	[tilespmem:s29+$0x0] =	vst.add.f32.msk $0xffff, v1  }
0x6d: {  	v1 =	vld [tilespmem:s24+$0xFFFFFFE0];
	_ =	sdelay $0x4  }
0x6e: {  	s29 =	sor.u32 $0x20, s28;
	v1 =	vpsel !p1, $0x0, v1  }
0x6f: {  	[tilespmem:s29+$0x0] =	vst.add.f32.msk $0xffff, v1  }
0x70: {  	v1 =	vld [tilespmem:s24+$0xFFFFFFF0];
	_ =	sdelay $0x4  }
0x71: {  	s29 =	sor.u32 $0x30, s28;
	v1 =	vpsel !p1, $0x0, v1  }
0x72: {  	[tilespmem:s29+$0x0] =	vst.add.f32.msk $0xffff, v1  }
0x73: {  	v1 =	vld [tilespmem:s24+$0x0];
	_ =	sdelay $0x4  }
0x74: {  	s29 =	sor.u32 $0x40, s28;
	v1 =	vpsel !p1, $0x0, v1  }
0x75: {  	[tilespmem:s29+$0x0] =	vst.add.f32.msk $0xffff, v1  }
0x76: {  	v1 =	vld [tilespmem:s24+$0x10];
	_ =	sdelay $0x4  }
0x77: {  	s29 =	sor.u32 $0x50, s28;
	v1 =	vpsel !p1, $0x0, v1  }
0x78: {  	[tilespmem:s29+$0x0] =	vst.add.f32.msk $0xffff, v1  }
0x79: {  	v1 =	vld [tilespmem:s24+$0x20];
	_ =	sdelay $0x4  }
0x7a: {  	s29 =	sor.u32 $0x60, s28;
	v1 =	vpsel !p1, $0x0, v1  }
0x7b: {  	[tilespmem:s29+$0x0] =	vst.add.f32.msk $0xffff, v1  }
0x7c: {  	v1 =	vld [tilespmem:s24+$0x30]  }
.Ltmp6:
0x7d: {  	(pc) =	sbr.rel @p0 .LBB2_6-.Ltmp6, $2  }
0x7e: {  	_ =	sdelay $0x2  }
0x7f: {  	s28 =	sor.u32 $0x70, s28;
	v1 =	vpsel !p1, $0x0, v1  }
.Ltmp7:
0x80: {  	(pc) =	sbr.rel .LBB2_8-.Ltmp7, $4  }
0x81: {  	_ = 	snop  }
0x82: {  	p0 =	slt.s32 s25, $0x78  }
0x83: {  	s25 =	simm.s32 @!p0 $0x78  }
0x84: {  	[tilespmem:s28+$0x0] =	vst.add.f32.msk $0xffff, v1;
	s20 =	sadd.s32 s20, s25  }
.LBB2_10:
0x85: {  	_ =	sfence.sel $0x180000  }
0x86: {  	[bflag:$0x0] =	sbarrier.arrive $0xFFFF  }
0x87: {  	p0 =	sne.s32 s1, $0x0;
	_ =	strace $0x90000053  }
0x88: {  	s0 =	sadd.s32 @!p0 $0x100000, s0;
	[bflag:$0x2] =	sbarrier.arrive $0xFFFF  }
0x89: {  	[sflag:s0] =	ssyncadd.tile.s32 @!p0 $0x1;
	_ =	shalt  }
.Lfunc_end2:
_tile_overlayer_lowered:
.L_overlay_start_2:
0x8a: {  	(tag) =	ssettag $0x2  }
0x8b: {  	s0 =	rddreg [dreg:$0x0];
	s2 =	stileid.u32  }
0x8c: {  	s1 =	rddreg [dreg:$0x1];
	p0 =	sne.s32 s2, $0x0  }
0x8d: {  	s3 =	rddreg [dreg:$0x2];
	[bflag:$0x3] =	sbarrier.arrive $0xFFFF;
	s2 =	simm.s32 @!p0 $0x1C02  }
0x8e: {  	[timem:s3], [sflag:s2] =	dma.local @!p0 [hbm:s0], s1  }
0x8f: {  	s0 =	simm.s32 @!p0 $0x2  }
0x90: {  	_ =	swait.ge @!p0 [sflag:s0], s1  }
0x91: {  	s1 =	ssub.s32 @!p0 $0x0, s1;
	[sflag:s0] =	ssyncset.done @!p0 $0x0  }
0x92: {  	[sflag:s0] =	ssyncadd.s32 @!p0 s1  }
0x93: {  	[bflag:$0x3] =	sbarrier.arrive $0xFFFF  }
0x94: {  	_ =	shalt  }

// kernel: kernel.29.cloned.1.call-start
scs
__scs_entry_jumppad:
0x0: {  	(pc) =	sbr.rel $0x88, $3  }
0x1: {  	(tag) =	ssettag $0x0;
	lr =	simm.s32 $0x1  }
0x2: {  	[smem:$0x3F92] =	sst lr;
	_ =	strace $0xD0000000  }
0x3: {  	_ = 	snop  }
0x4: {  	_ = 	snop  }
0x5: {  	_ = 	snop  }
0x6: {  	_ = 	snop  }
0x7: {  	_ = 	snop  }
__scs_overlays_trampoline_lowered:
0x8: {  	[smem:$0x3FA1] =	sst s0  }
0x9: {  	[smem:$0x3FA2] =	sst s1  }
0xa: {  	[smem:$0x3FA3] =	sst s2  }
0xb: {  	[smem:$0x3FA4] =	sst s3  }
0xc: {  	[smem:$0x3FA5] =	sst s4  }
0xd: {  	[smem:$0x3FA6] =	sst s5  }
0xe: {  	[smem:$0x3FA7] =	sst s6  }
0xf: {  	[smem:$0x3FA8] =	sst s7  }
0x10: {  	[smem:$0x3FA9] =	sst s8  }
0x11: {  	[smem:$0x3FAA] =	sst s9;
	s0 =	simm.s32 @!p0 $0x0  }
0x12: {  	s1 =	sld [smem:$0x3F90];
	s0 =	simm.s32 @p0 $0x1  }
0x13: {  	[smem:$0x3FAB] =	sst s0;
	s0 =	simm.s32 @!p1 $0x0  }
0x14: {  	s2 =	sld [smem:$0x3F8F];
	s0 =	simm.s32 @p1 $0x1  }
0x15: {  	[smem:$0x3FAC] =	sst s0;
	s0 =	simm.s32 @!p2 $0x0  }
0x16: {  	s3 =	sld [smem:$0x3FDB];
	s0 =	simm.s32 @p2 $0x1  }
0x17: {  	s4 =	simm.s32 $0x1BF5;
	[smem:$0x3FAE] =	sst s0  }
0x18: {  	s0 =	sld [smem:$0x3F91];
	_ =	swait.ge [sflag:s4], $0x0  }
0x19: {  	s7 =	sld [smem:$0x3F92]  }
0x1a: {  	s8 =	sadd.s32 $0xFFFFE003, lr  }
0x1b: {  	s9 =	sadd.s32 $0xFFFFFEF7, lr;
	s5 =	simm.s32 $0xFFFFFFFF;
	p2 =	slt.u32 s8, $0xFFFFF086  }
0x1c: {  	p1 =	slt.u32 s9, $0xF7A;
	s5 =	simm.s32 @!p2 $0x0  }
0x1d: {  	s5 =	simm.s32 @p1 $0x1;
	p0 =	seq.s32 s7, s2  }
0x1e: {  	s7 =	smul.u32 @!p0 $0xF7A, s2;
	p2 =	seq.s32 @!p0 s5, $0x0  }
0x1f: {  	s9 =	smul.u32 $0xF7A, s1;
	s8 =	simm.s32 @!p0 $0x1BF5;
	p2 =	por !p2, p0  }
0x20: {  	[sflag:s8] =	ssyncset.s32 @!p0 $0xFFFFF086;
	s6 =	sadd.s32 @!p0 s3, s7;
	s7 =	simm.s32 @!p0 $0x108  }
0x21: {  	s3 =	sadd.s32 s3, s9;
	s6 =	sadd.s32 @!p0 $0x88, s6;
	s7 =	simm.s32 @p2 $0x1082  }
0x22: {  	[simem:s7], [sflag:s8] =	dma.local @!p0 [hbm:s6], $0xF7A  }
0x23: {  	s9 =	sor.u32 $0xD0000000, s2;
	s6 =	simm.s32 $0x108;
	_ =	swait.ge @!p0 [sflag:s8], $0x0  }
0x24: {  	s3 =	sadd.s32 $0x88, s3;
	s6 =	simm.s32 @!p1 $0x1082;
	[sflag:s4] =	ssyncset.s32 $0xFFFFF086  }
0x25: {  	[simem:s6], [sflag:s4] =	dma.local [hbm:s3], $0xF7A  }
0x26: {  	[smem:$0x3F92] =	sst s1;
	(tag) =	ssettag s2;
	_ =	strace s9  }
0x27: {  	s1 =	sld [smem:$0x3FA2]  }
0x28: {  	s2 =	sld [smem:$0x3FA3]  }
0x29: {  	s4 =	sld [smem:$0x3FA5]  }
0x2a: {  	p0 =	seq.s32 s5, $0x0;
	s5 =	sld [smem:$0x3FA6]  }
0x2b: {  	s6 =	sld [smem:$0x3FA7]  }
0x2c: {  	s7 =	sld [smem:$0x3FA8]  }
0x2d: {  	s3 =	simm.s32 $0x108;
	s8 =	sld [smem:$0x3FA9]  }
0x2e: {  	s3 =	simm.s32 @!p0 $0x1082;
	s9 =	sld [smem:$0x3FAA]  }
0x2f: {  	lr =	sadd.s32 s0, s3;
	s0 =	sld [smem:$0x3FA1]  }
0x30: {  	s3 =	sld [smem:$0x3FA4]  }
0x31: {  	[smem:$0x3FAD] =	sst s10  }
0x32: {  	s10 =	sld [smem:$0x3FAB];
	_ =	sdelay $0x3  }
0x33: {  	p0 =	seq.s32 s10, $0x1;
	s10 =	sld [smem:$0x3FAD];
	_ =	sdelay $0x3  }
0x34: {  	[smem:$0x3FAD] =	sst s10  }
0x35: {  	s10 =	sld [smem:$0x3FAC];
	_ =	sdelay $0x3  }
0x36: {  	p1 =	seq.s32 s10, $0x1;
	s10 =	sld [smem:$0x3FAD];
	_ =	sdelay $0x3  }
0x37: {  	[smem:$0x3FAD] =	sst s10  }
0x38: {  	s10 =	sld [smem:$0x3FAE]  }
0x39: {  	_ = 	snop;
	(pc) =	sbr.ind lr, $3  }
0x3a: {  	_ = 	snop  }
0x3b: {  	_ = 	snop  }
0x3c: {  	p2 =	seq.s32 s10, $0x1;
	s10 =	sld [smem:$0x3FAD]  }
0x3d: {  	_ =	shalt  }
0x3e: {  	_ =	shalt  }
0x3f: {  	_ =	shalt  }
0x40: {  	_ =	shalt  }
0x41: {  	_ =	shalt  }
0x42: {  	_ =	shalt  }
0x43: {  	_ =	shalt  }
0x44: {  	_ =	shalt  }
0x45: {  	_ =	shalt  }
0x46: {  	_ =	shalt  }
0x47: {  	_ =	shalt  }
0x48: {  	_ =	shalt  }
0x49: {  	_ =	shalt  }
0x4a: {  	_ =	shalt  }
0x4b: {  	_ =	shalt  }
0x4c: {  	_ =	shalt  }
0x4d: {  	_ =	shalt  }
0x4e: {  	_ =	shalt  }
0x4f: {  	_ =	shalt  }
0x50: {  	_ =	shalt  }
0x51: {  	_ =	shalt  }
0x52: {  	_ =	shalt  }
0x53: {  	_ =	shalt  }
0x54: {  	_ =	shalt  }
0x55: {  	_ =	shalt  }
0x56: {  	_ =	shalt  }
0x57: {  	_ =	shalt  }
0x58: {  	_ =	shalt  }
0x59: {  	_ =	shalt  }
0x5a: {  	_ =	shalt  }
0x5b: {  	_ =	shalt  }
0x5c: {  	_ =	shalt  }
0x5d: {  	_ =	shalt  }
0x5e: {  	_ =	shalt  }
0x5f: {  	_ =	shalt  }
0x60: {  	_ =	shalt  }
0x61: {  	_ =	shalt  }
0x62: {  	_ =	shalt  }
0x63: {  	_ =	shalt  }
0x64: {  	_ =	shalt  }
0x65: {  	_ =	shalt  }
0x66: {  	_ =	shalt  }
0x67: {  	_ =	shalt  }
0x68: {  	_ =	shalt  }
0x69: {  	_ =	shalt  }
0x6a: {  	_ =	shalt  }
0x6b: {  	_ =	shalt  }
0x6c: {  	_ =	shalt  }
0x6d: {  	_ =	shalt  }
0x6e: {  	_ =	shalt  }
0x6f: {  	_ =	shalt  }
0x70: {  	_ =	shalt  }
0x71: {  	_ =	shalt  }
0x72: {  	_ =	shalt  }
0x73: {  	_ =	shalt  }
0x74: {  	_ =	shalt  }
0x75: {  	_ =	shalt  }
0x76: {  	_ =	shalt  }
0x77: {  	_ =	shalt  }
0x78: {  	_ =	shalt  }
0x79: {  	_ =	shalt  }
0x7a: {  	_ =	shalt  }
0x7b: {  	_ =	shalt  }
0x7c: {  	_ =	shalt  }
0x7d: {  	_ =	shalt  }
0x7e: {  	_ =	shalt  }
0x7f: {  	_ =	shalt  }
0x80: {  	_ =	shalt  }
0x81: {  	_ =	shalt  }
0x82: {  	_ =	shalt  }
0x83: {  	_ =	shalt  }
0x84: {  	_ =	shalt  }
0x85: {  	_ =	shalt  }
0x86: {  	_ =	shalt  }
0x87: {  	_ =	shalt  }
.Lfunc_end0:
.L_simem_size_0:
called_computation.5_lowered:
.L_overlay_start_0:
0x88: {  	s2 =	sld [smem:$0x3FD9]  }
0x89: {  	s3 =	sld [smem:$0x3FFE];
	_ =	sdelay $0x1  }
0x8a: {  	s1 =	srdreg.scid  }
0x8b: {  	s0 =	sand.u32 $0x1, s1  }
0x8c: {  	s14 =	sshll.u32 s0, $0xA;
	s2 =	sadd.s32 s3, s2  }
0x8d: {  	s2 =	sadd.s32 s2, s14  }
0x8e: {  	[smem:$0x3FB9] =	sst s2  }
0x8f: {  	_ = 	snop  }
0x90: {  	s2 =	sld [smem:$0x3FD0];
	_ =	sdelay $0x2  }
0x91: {  	s15 =	simm.s32 $0xB;
	s4 =	simm.s32 $0x10  }
0x92: {  	[smem:s4], [sflag:s15] =	dma.local [hbm:s2], $0x1  }
0x93: {  	_ =	swait.eq [sflag:s15], $0x1  }
0x94: {  	[sflag:s15] =	ssyncset.done $0x0  }
0x95: {  	[sflag:s15] =	ssyncadd.s32 $0xFFFFFFFF  }
0x96: {  	s16 =	sld [smem:$0x11];
	(tm) =	ssettm $0x1  }
0x97: {  	s17 =	sld [smem:$0x3FFB];
	_ =	sdelay $0x3  }
0x98: {  	_ =	strace s17  }
0x99: {  	s3 =	sld [smem:$0x3FFC];
	_ =	sdelay $0x3  }
0x9a: {  	_ =	strace s3  }
0x9b: {  	s3 =	sld [smem:$0x3FFD];
	_ =	sdelay $0x3  }
0x9c: {  	_ =	strace s3  }
0x9d: {  	_ =	strace $0x8FFFFFFF  }
0x9e: {  	s18 =	sld [smem:$0x3FDB];
	_ =	sdelay $0x1  }
0x9f: {  	s19 =	simm.s32 $_scs_section_size  }
0xa0: {  	s5 =	simm.s32 $_size__tile_overlayer_lowered;
	s6 =	simm.s32 $_tile_overlayer_lowered  }
0xa1: {  	s22 =	simm.s32 $0x1BFF;
	s21 =	sshll.u32 s6, $0x1;
	s3 =	sadd.s32 s19, s18  }
0xa2: {  	s7 =	simm.s32 $0x0;
	s20 =	sshll.u32 s5, $0x1;
	s5 =	sadd.s32 s21, s3  }
0xa3: {  	[timem:s7], [sflag:s22] =	dma.local [hbm:s5], s20  }
0xa4: {  	_ =	swait.ge [sflag:s22], s20  }
0xa5: {  	s4 =	ssub.s32 $0x0, s20;
	[sflag:s22] =	ssyncset.done $0x0  }
0xa6: {  	[sflag:s22] =	ssyncadd.s32 s4;
	_ =	sdelay $0x1  }
0xa7: {  	s23 =	simm.s32 $0x1B8B  }
0xa8: {  	_ =	swait.ge [sflag:s23], $0x1  }
0xa9: {  	[sflag:s23] =	ssyncset.done $0x0  }
0xaa: {  	s25 =	simm.s32 $0x1B8E;
	s24 =	sld [smem:$0x3FFE];
	[sflag:s23] =	ssyncadd.s32 $0xFFFFFFFF  }
0xab: {  	s26 =	simm.s32 $execute0_lowered;
	[smem:$0x3FD2] =	sst s25  }
0xac: {  	s5 =	sshll.u32 s26, $0x1;
	_ =	strace $0x80000055;
	[dreg:$0x1] =	wrdreg $0xFFFFFFFF  }
0xad: {  	s28 =	simm.s32 $_size_execute0_lowered;
	s3 =	sadd.s32 s3, s5;
	[dreg:$0x0] =	wrdreg $0x0  }
0xae: {  	s5 =	sshll.u32 s28, $0x1;
	[dreg:$0x2] =	wrdreg s3  }
0xaf: {  	[dreg:$0x3] =	wrdreg s5  }
0xb0: {  	[dreg:$0x4] =	wrdreg $0xC0  }
0xb1: {  	_ =	task [dreg:s7], $0x5FFFF  }
0xb2: {  	[dreg:$0x1] =	wrdreg $0xFFFFFFFF  }
0xb3: {  	[dreg:$0x0] =	wrdreg $0x60  }
0xb4: {  	[dreg:$0x2] =	wrdreg s16  }
0xb5: {  	[dreg:$0x3] =	wrdreg s24  }
0xb6: {  	[dreg:$0x4] =	wrdreg $0x9  }
0xb7: {  	_ =	task.clear_ibuf [dreg:s7], $0x5FFFF;
	_ =	strace $0x90000055  }
0xb8: {  	s29 =	simm.s32 $0x9;
	_ =	strace $0x80000057  }
0xb9: {  	_ =	swait.ge [sflag:s29], $0x1  }
0xba: {  	[sflag:s29] =	ssyncadd.s32 $0xFFFFFFFF  }
0xbb: {  	_ =	strace $0x90000057  }
0xbc: {  	_ =	sfence  }
0xbd: {  	s30 =	sld [smem:$0x0];
	_ =	sdelay $0x2  }
0xbe: {  	s31 =	sshll.u32 s1, $0xD;
	s1 =	sshrl.u32 s1, $0x2  }
0xbf: {  	s3 =	sand.u32 $0x4000, s31;
	s1 =	sadd.s32 s1, s30  }
0xc0: {  	s0 =	sor.u32 s3, s0;
	s1 =	sshll.u32 s1, $0x11  }
0xc1: {  	s0 =	sor.u32 s1, s0  }
0xc2: {  	s0 =	sadd.s32 $0x8F2B, s0  }
0xc3: {  	[sflag:s0] =	ssyncadd.remote.s32 $0x1  }
0xc4: {  	_ =	sfence.sel $0xFFFF  }
0xc5: {  	[dreg:$0x0] =	wrdreg $0xFFFFFFFF;
	(pc) =	sbr.abs _section_cstart, $3  }
0xc6: {  	[dreg:$0x1] =	wrdreg $0xFFFFFFFF  }
0xc7: {  	_ =	task.clear_ibuf [dreg:s7], $0x2FFFF;
	_ =	strace $0x9FFFFFFF  }
0xc8: {  	(tm) =	ssettm $0x7FFFFFFF  }
0xc9: {  	_ =	shalt  }
tec
execute0_lowered:
.L_overlay_start_1:
0x0: {  	(tag) =	ssettag $0x1  }
0x1: {  	s1 =	rddreg [dreg:$0x0]  }
0x2: {  	s0 =	rddreg [dreg:$0x1];
	s3 =	simm.s32 $0x0;
	s2 =	srdreg.scid  }
0x3: {  	s5 =	stileid.u32;
	s9 =	simm.s32 $0x28;
	s10 =	simm.s32 $0x10000  }
0x4: {  	s11 =	simm.s32 $0x16400;
	s12 =	simm.s32 $0x11400;
	s13 =	simm.s32 $0x17800  }
0x5: {  	s14 =	simm.s32 $0x12800;
	s15 =	simm.s32 $0x18C00;
	s16 =	simm.s32 $0x13C00  }
0x6: {  	s17 =	simm.s32 $0x1A000;
	s18 =	simm.s32 $0x15000;
	s19 =	simm.s32 $0x1B400  }
0x7: {  	s20 =	simm.s32 $0x1;
	s21 =	simm.s32 $0x6;
	s22 =	simm.s32 $0x2  }
0x8: {  	s28 =	simm.s32 $0x9;
	s29 =	simm.s32 $0x5;
	s2 =	sand.u32 $0x1, s2  }
0x9: {  	s4 =	smul.u32 $0x4E200, s5;
	s5 =	sshll.u32 s5, $0xD;
	s7 =	sshll.u32 s2, $0xC  }
0xa: {  	[smem:$0x7FF] =	sst s3;
	s6 =	smul.u32 $0x27100, s2;
	s5 =	sor.u32 s7, s5  }
0xb: {  	_ =	strace $0x80000056;
	s4 =	sadd.s32 s4, s0;
	s0 =	sadd.s32 s5, s0  }
0xc: {  	s2 =	ssub.s32 $0x2, s2;
	s4 =	sadd.s32 s6, s4;
	s25 =	sadd.s32 $0x50A00, s0  }
0xd: {  	s23 =	sshrl.u32 s2, $0x1;
	s24 =	sadd.s32 $0xAEA00, s4;
	[dreg:$0x5] =	wrdreg s25  }
0xe: {  	s2 =	ssub.s32 s2, s23;
	s0 =	sadd.s32 $0x30A00, s0;
	[dreg:$0x3] =	wrdreg s24  }
0xf: {  	s30 =	simm.s32 $0xA;
	s26 =	smax.u32 s2, $0x1;
	[dreg:$0x6] =	wrdreg s0  }
0x10: {  	s31 =	simm.s32 $0x0;
	s4 =	sadd.s32 $0xF37000, s4;
	[dreg:$0x7] =	wrdreg s26  }
0x11: {  	s7 =	simm.s32 $0xB;
	s23 =	simm.s32 $0x7;
	[dreg:$0x4] =	wrdreg s4  }
0x12: {  	s24 =	simm.s32 $0x3;
	s25 =	simm.s32 $0x8;
	s26 =	simm.s32 $0x4  }
.LBB2_1:
0x13: {  	s0 =	rddreg [dreg:$0x5]  }
0x14: {  	[tilespmem:s3], [sflag:$0xB] =	stream.linear.gather [hbm4b:s0+s3], $0x7D00, $0x38;
	[tilespmem:$0x1C800] =	vst v63  }
0x15: {  	_ =	swait.ge [sflag:s7], $0x7D00  }
0x16: {  	[sflag:s7] =	ssyncset.done $0x0  }
0x17: {  	s2 =	simm.s32 $0x8000;
	s8 =	rddreg [dreg:$0x6];
	[sflag:s7] =	ssyncadd.s32 $0xFFFF8300  }
0x18: {  	[tilespmem:s2], [sflag:$0xB] =	stream.linear.gather [hbm4b:s8+s3], $0x7D00, $0x38;
	[tilespmem:$0x1C800] =	vst v63  }
0x19: {  	_ =	swait.ge [sflag:s7], $0x7D00  }
0x1a: {  	[sflag:s7] =	ssyncset.done $0x0  }
0x1b: {  	s2 =	simm.s32 $0x0;
	[sflag:s7] =	ssyncadd.s32 $0xFFFF8300  }
0x1c: {  	[tilespmem:s10], [sflag:$0x1] =	stream.indirect.gather [hbm4b:s1+s9], $0x80, s2, s9, $0xb8;
	[tilespmem:$0x1C800] =	vst v63  }
0x1d: {  	s4 =	simm.s32 $0x8000  }
0x1e: {  	[tilespmem:s11], [sflag:$0x6] =	stream.indirect.gather [hbm4b:s1+s9], $0x80, s4, s9, $0xb8;
	[tilespmem:$0x1C800] =	vst v63  }
0x1f: {  	s5 =	simm.s32 $0x80  }
0x20: {  	[tilespmem:s12], [sflag:$0x2] =	stream.indirect.gather [hbm4b:s1+s9], $0x80, s5, s9, $0xb8;
	[tilespmem:$0x1C800] =	vst v63  }
0x21: {  	s6 =	simm.s32 $0x8080  }
0x22: {  	[tilespmem:s13], [sflag:$0x7] =	stream.indirect.gather [hbm4b:s1+s9], $0x80, s6, s9, $0xb8;
	[tilespmem:$0x1C800] =	vst v63  }
0x23: {  	s8 =	simm.s32 $0x100  }
0x24: {  	[tilespmem:s14], [sflag:$0x3] =	stream.indirect.gather [hbm4b:s1+s9], $0x80, s8, s9, $0xb8;
	[tilespmem:$0x1C800] =	vst v63  }
0x25: {  	s2 =	simm.s32 $0x8100  }
0x26: {  	[tilespmem:s15], [sflag:$0x8] =	stream.indirect.gather [hbm4b:s1+s9], $0x80, s2, s9, $0xb8;
	[tilespmem:$0x1C800] =	vst v63  }
0x27: {  	s4 =	simm.s32 $0x180  }
0x28: {  	[tilespmem:s16], [sflag:$0x4] =	stream.indirect.gather [hbm4b:s1+s9], $0x80, s4, s9, $0xb8;
	[tilespmem:$0x1C800] =	vst v63  }
0x29: {  	s5 =	simm.s32 $0x8180  }
0x2a: {  	[tilespmem:s17], [sflag:$0x9] =	stream.indirect.gather [hbm4b:s1+s9], $0x80, s5, s9, $0xb8;
	[tilespmem:$0x1C800] =	vst v63  }
0x2b: {  	s6 =	simm.s32 $0x200  }
0x2c: {  	[tilespmem:s18], [sflag:$0x5] =	stream.indirect.gather [hbm4b:s1+s9], $0x80, s6, s9, $0xb8;
	[tilespmem:$0x1C800] =	vst v63  }
0x2d: {  	s8 =	simm.s32 $0x8200  }
0x2e: {  	[tilespmem:s19], [sflag:$0xA] =	stream.indirect.gather [hbm4b:s1+s9], $0x80, s8, s9, $0xb8;
	[tilespmem:$0x1C800] =	vst v63  }
0x2f: {  	_ =	swait.ge [sflag:s20], $0x1400  }
0x30: {  	s2 =	rddreg [dreg:$0x3];
	[sflag:s20] =	ssyncset.done $0x0  }
0x31: {  	[sflag:s20] =	ssyncadd.s32 $0xFFFFEC00;
	s0 =	sadd.s32 $0x0, s2  }
0x32: {  	[hbm4b:s0+s3] =	stream.linear.scatter [tilespmem:s10], [sflag:$0x1], $0x1400, $0x38;
	[tilespmem:$0x1C800] =	vst v63  }
0x33: {  	_ =	swait.ge [sflag:s21], $0x1400  }
0x34: {  	s4 =	rddreg [dreg:$0x4];
	[sflag:s21] =	ssyncset.done $0x0  }
0x35: {  	[sflag:s21] =	ssyncadd.s32 $0xFFFFEC00;
	s2 =	sadd.s32 $0x0, s4  }
0x36: {  	[hbm4b:s2+s3] =	stream.linear.scatter [tilespmem:s11], [sflag:$0x6], $0x1400, $0x38;
	[tilespmem:$0x1C800] =	vst v63  }
0x37: {  	_ =	swait.ge [sflag:s22], $0x1400  }
0x38: {  	[sflag:s22] =	ssyncset.done $0x0  }
0x39: {  	s4 =	sadd.s32 $0x280, s0;
	[sflag:s22] =	ssyncadd.s32 $0xFFFFEC00  }
0x3a: {  	[hbm4b:s4+s3] =	stream.linear.scatter [tilespmem:s12], [sflag:$0x2], $0x1400, $0x38;
	[tilespmem:$0x1C800] =	vst v63  }
0x3b: {  	_ =	swait.ge [sflag:s23], $0x1400  }
0x3c: {  	[sflag:s23] =	ssyncset.done $0x0  }
0x3d: {  	s5 =	sadd.s32 $0x280, s2;
	[sflag:s23] =	ssyncadd.s32 $0xFFFFEC00  }
0x3e: {  	[hbm4b:s5+s3] =	stream.linear.scatter [tilespmem:s13], [sflag:$0x7], $0x1400, $0x38;
	[tilespmem:$0x1C800] =	vst v63  }
0x3f: {  	_ =	swait.ge [sflag:s24], $0x1400  }
0x40: {  	[sflag:s24] =	ssyncset.done $0x0  }
0x41: {  	s6 =	sadd.s32 $0x500, s0;
	[sflag:s24] =	ssyncadd.s32 $0xFFFFEC00  }
0x42: {  	[hbm4b:s6+s3] =	stream.linear.scatter [tilespmem:s14], [sflag:$0x3], $0x1400, $0x38;
	[tilespmem:$0x1C800] =	vst v63  }
0x43: {  	_ =	swait.ge [sflag:s25], $0x1400  }
0x44: {  	[sflag:s25] =	ssyncset.done $0x0  }
0x45: {  	s8 =	sadd.s32 $0x500, s2;
	[sflag:s25] =	ssyncadd.s32 $0xFFFFEC00  }
0x46: {  	[hbm4b:s8+s3] =	stream.linear.scatter [tilespmem:s15], [sflag:$0x8], $0x1400, $0x38;
	[tilespmem:$0x1C800] =	vst v63  }
0x47: {  	_ =	swait.ge [sflag:s26], $0x1400  }
0x48: {  	[sflag:s26] =	ssyncset.done $0x0  }
0x49: {  	s5 =	sadd.s32 $0x780, s0;
	[sflag:s26] =	ssyncadd.s32 $0xFFFFEC00  }
0x4a: {  	[hbm4b:s5+s3] =	stream.linear.scatter [tilespmem:s16], [sflag:$0x4], $0x1400, $0x38;
	[tilespmem:$0x1C800] =	vst v63  }
0x4b: {  	_ =	swait.ge [sflag:s28], $0x1400  }
0x4c: {  	[sflag:s28] =	ssyncset.done $0x0  }
0x4d: {  	s6 =	sadd.s32 $0x780, s2;
	[sflag:s28] =	ssyncadd.s32 $0xFFFFEC00  }
0x4e: {  	[hbm4b:s6+s3] =	stream.linear.scatter [tilespmem:s17], [sflag:$0x9], $0x1400, $0x38;
	[tilespmem:$0x1C800] =	vst v63  }
0x4f: {  	_ =	swait.ge [sflag:s29], $0x1400  }
0x50: {  	[sflag:s29] =	ssyncset.done $0x0  }
0x51: {  	s0 =	sadd.s32 $0xA00, s0;
	[sflag:s29] =	ssyncadd.s32 $0xFFFFEC00  }
0x52: {  	[hbm4b:s0+s3] =	stream.linear.scatter [tilespmem:s18], [sflag:$0x5], $0x1400, $0x38;
	[tilespmem:$0x1C800] =	vst v63  }
0x53: {  	_ =	swait.ge [sflag:s30], $0x1400  }
0x54: {  	[sflag:s30] =	ssyncset.done $0x0  }
0x55: {  	s8 =	sadd.s32 $0xA00, s2;
	[sflag:s30] =	ssyncadd.s32 $0xFFFFEC00  }
0x56: {  	[hbm4b:s8+s3] =	stream.linear.scatter [tilespmem:s19], [sflag:$0xA], $0x1400, $0x38;
	[tilespmem:$0x1C800] =	vst v63  }
0x57: {  	_ =	swait.ge [sflag:s20], $0x1400  }
0x58: {  	[sflag:s20] =	ssyncset.done $0x0  }
0x59: {  	[sflag:s20] =	ssyncadd.s32 $0xFFFFEC00  }
0x5a: {  	_ =	swait.ge [sflag:s21], $0x1400  }
0x5b: {  	[sflag:s21] =	ssyncset.done $0x0  }
0x5c: {  	[sflag:s21] =	ssyncadd.s32 $0xFFFFEC00  }
0x5d: {  	_ =	swait.ge [sflag:s22], $0x1400  }
0x5e: {  	[sflag:s22] =	ssyncset.done $0x0  }
0x5f: {  	[sflag:s22] =	ssyncadd.s32 $0xFFFFEC00  }
0x60: {  	_ =	swait.ge [sflag:s23], $0x1400  }
0x61: {  	[sflag:s23] =	ssyncset.done $0x0  }
0x62: {  	[sflag:s23] =	ssyncadd.s32 $0xFFFFEC00  }
0x63: {  	_ =	swait.ge [sflag:s24], $0x1400  }
0x64: {  	[sflag:s24] =	ssyncset.done $0x0  }
0x65: {  	[sflag:s24] =	ssyncadd.s32 $0xFFFFEC00  }
0x66: {  	_ =	swait.ge [sflag:s25], $0x1400  }
0x67: {  	[sflag:s25] =	ssyncset.done $0x0  }
0x68: {  	[sflag:s25] =	ssyncadd.s32 $0xFFFFEC00  }
0x69: {  	_ =	swait.ge [sflag:s26], $0x1400  }
0x6a: {  	[sflag:s26] =	ssyncset.done $0x0  }
0x6b: {  	[sflag:s26] =	ssyncadd.s32 $0xFFFFEC00  }
0x6c: {  	_ =	swait.ge [sflag:s28], $0x1400  }
0x6d: {  	[sflag:s28] =	ssyncset.done $0x0  }
0x6e: {  	[sflag:s28] =	ssyncadd.s32 $0xFFFFEC00  }
0x6f: {  	_ =	swait.ge [sflag:s29], $0x1400  }
0x70: {  	[sflag:s29] =	ssyncset.done $0x0  }
0x71: {  	[sflag:s29] =	ssyncadd.s32 $0xFFFFEC00  }
0x72: {  	s2 =	simm.s32 $0x1900;
	_ =	swait.ge [sflag:s30], $0x1400  }
0x73: {  	s0 =	simm.s32 $0xC80;
	s8 =	simm.s32 $0xA00;
	[sflag:s30] =	ssyncset.done $0x0  }
.LBB2_2:
0x74: {  	s4 =	sshra.s32 s8, $0x2;
	[sflag:s30] =	ssyncadd.s32 $0xFFFFEC00  }
0x75: {  	[tilespmem:s10], [sflag:$0x1] =	stream.indirect.gather [hbm4b:s1+s9], $0x80, s4, s9, $0xb8;
	[tilespmem:$0x1C800] =	vst v63  }
0x76: {  	s5 =	sadd.s32 $0x8000, s4  }
0x77: {  	[tilespmem:s11], [sflag:$0x6] =	stream.indirect.gather [hbm4b:s1+s9], $0x80, s5, s9, $0xb8;
	[tilespmem:$0x1C800] =	vst v63  }
0x78: {  	s5 =	sadd.s32 $0x80, s4  }
0x79: {  	[tilespmem:s12], [sflag:$0x2] =	stream.indirect.gather [hbm4b:s1+s9], $0x80, s5, s9, $0xb8;
	[tilespmem:$0x1C800] =	vst v63  }
0x7a: {  	s5 =	sadd.s32 $0x8080, s4  }
0x7b: {  	[tilespmem:s13], [sflag:$0x7] =	stream.indirect.gather [hbm4b:s1+s9], $0x80, s5, s9, $0xb8;
	[tilespmem:$0x1C800] =	vst v63  }
0x7c: {  	s5 =	sadd.s32 $0x100, s4  }
0x7d: {  	[tilespmem:s14], [sflag:$0x3] =	stream.indirect.gather [hbm4b:s1+s9], $0x80, s5, s9, $0xb8;
	[tilespmem:$0x1C800] =	vst v63  }
0x7e: {  	s5 =	sadd.s32 $0x8100, s4  }
0x7f: {  	[tilespmem:s15], [sflag:$0x8] =	stream.indirect.gather [hbm4b:s1+s9], $0x80, s5, s9, $0xb8;
	[tilespmem:$0x1C800] =	vst v63  }
0x80: {  	s5 =	sadd.s32 $0x180, s4  }
0x81: {  	[tilespmem:s16], [sflag:$0x4] =	stream.indirect.gather [hbm4b:s1+s9], $0x80, s5, s9, $0xb8;
	[tilespmem:$0x1C800] =	vst v63  }
0x82: {  	s5 =	sadd.s32 $0x8180, s4  }
0x83: {  	[tilespmem:s17], [sflag:$0x9] =	stream.indirect.gather [hbm4b:s1+s9], $0x80, s5, s9, $0xb8;
	[tilespmem:$0x1C800] =	vst v63  }
0x84: {  	s5 =	sadd.s32 $0x200, s4  }
0x85: {  	[tilespmem:s18], [sflag:$0x5] =	stream.indirect.gather [hbm4b:s1+s9], $0x80, s5, s9, $0xb8;
	[tilespmem:$0x1C800] =	vst v63  }
0x86: {  	s4 =	sadd.s32 $0x8200, s4  }
0x87: {  	[tilespmem:s19], [sflag:$0xA] =	stream.indirect.gather [hbm4b:s1+s9], $0x80, s4, s9, $0xb8;
	[tilespmem:$0x1C800] =	vst v63  }
0x88: {  	_ =	swait.ge [sflag:s20], $0x1400  }
0x89: {  	s5 =	rddreg [dreg:$0x3];
	[sflag:s20] =	ssyncset.done $0x0  }
0x8a: {  	[sflag:s20] =	ssyncadd.s32 $0xFFFFEC00;
	s4 =	sadd.s32 s0, s5  }
0x8b: {  	[hbm4b:s4+s3] =	stream.linear.scatter [tilespmem:s10], [sflag:$0x1], $0x1400, $0x38;
	[tilespmem:$0x1C800] =	vst v63  }
0x8c: {  	_ =	swait.ge [sflag:s21], $0x1400  }
0x8d: {  	s5 =	rddreg [dreg:$0x4];
	[sflag:s21] =	ssyncset.done $0x0  }
0x8e: {  	[sflag:s21] =	ssyncadd.s32 $0xFFFFEC00;
	s5 =	sadd.s32 s0, s5  }
0x8f: {  	[hbm4b:s5+s3] =	stream.linear.scatter [tilespmem:s11], [sflag:$0x6], $0x1400, $0x38;
	[tilespmem:$0x1C800] =	vst v63  }
0x90: {  	_ =	swait.ge [sflag:s22], $0x1400  }
0x91: {  	s6 =	smov.u32 s2;
	[sflag:s22] =	ssyncset.done $0x0  }
0x92: {  	s0 =	smov.u32 s6;
	s6 =	sadd.s32 $0x280, s4;
	[sflag:s22] =	ssyncadd.s32 $0xFFFFEC00  }
0x93: {  	[hbm4b:s6+s3] =	stream.linear.scatter [tilespmem:s12], [sflag:$0x2], $0x1400, $0x38;
	[tilespmem:$0x1C800] =	vst v63  }
0x94: {  	_ =	swait.ge [sflag:s23], $0x1400  }
0x95: {  	[sflag:s23] =	ssyncset.done $0x0  }
0x96: {  	s6 =	sadd.s32 $0x280, s5;
	[sflag:s23] =	ssyncadd.s32 $0xFFFFEC00  }
0x97: {  	[hbm4b:s6+s3] =	stream.linear.scatter [tilespmem:s13], [sflag:$0x7], $0x1400, $0x38;
	[tilespmem:$0x1C800] =	vst v63  }
0x98: {  	_ =	swait.ge [sflag:s24], $0x1400  }
0x99: {  	[sflag:s24] =	ssyncset.done $0x0  }
0x9a: {  	s6 =	sadd.s32 $0x500, s4;
	[sflag:s24] =	ssyncadd.s32 $0xFFFFEC00  }
0x9b: {  	[hbm4b:s6+s3] =	stream.linear.scatter [tilespmem:s14], [sflag:$0x3], $0x1400, $0x38;
	[tilespmem:$0x1C800] =	vst v63  }
0x9c: {  	_ =	swait.ge [sflag:s25], $0x1400  }
0x9d: {  	[sflag:s25] =	ssyncset.done $0x0  }
0x9e: {  	s6 =	sadd.s32 $0x500, s5;
	[sflag:s25] =	ssyncadd.s32 $0xFFFFEC00  }
0x9f: {  	[hbm4b:s6+s3] =	stream.linear.scatter [tilespmem:s15], [sflag:$0x8], $0x1400, $0x38;
	[tilespmem:$0x1C800] =	vst v63  }
0xa0: {  	_ =	swait.ge [sflag:s26], $0x1400  }
0xa1: {  	[sflag:s26] =	ssyncset.done $0x0  }
0xa2: {  	s6 =	sadd.s32 $0x780, s4;
	[sflag:s26] =	ssyncadd.s32 $0xFFFFEC00  }
0xa3: {  	[hbm4b:s6+s3] =	stream.linear.scatter [tilespmem:s16], [sflag:$0x4], $0x1400, $0x38;
	[tilespmem:$0x1C800] =	vst v63  }
0xa4: {  	_ =	swait.ge [sflag:s28], $0x1400  }
0xa5: {  	[sflag:s28] =	ssyncset.done $0x0  }
0xa6: {  	s6 =	sadd.s32 $0x780, s5;
	[sflag:s28] =	ssyncadd.s32 $0xFFFFEC00  }
0xa7: {  	[hbm4b:s6+s3] =	stream.linear.scatter [tilespmem:s17], [sflag:$0x9], $0x1400, $0x38;
	[tilespmem:$0x1C800] =	vst v63  }
0xa8: {  	_ =	swait.ge [sflag:s29], $0x1400  }
0xa9: {  	[sflag:s29] =	ssyncset.done $0x0  }
0xaa: {  	s4 =	sadd.s32 $0xA00, s4;
	[sflag:s29] =	ssyncadd.s32 $0xFFFFEC00  }
0xab: {  	[hbm4b:s4+s3] =	stream.linear.scatter [tilespmem:s18], [sflag:$0x5], $0x1400, $0x38;
	[tilespmem:$0x1C800] =	vst v63  }
0xac: {  	_ =	swait.ge [sflag:s30], $0x1400  }
0xad: {  	[sflag:s30] =	ssyncset.done $0x0  }
0xae: {  	s6 =	sadd.s32 $0xA00, s5;
	[sflag:s30] =	ssyncadd.s32 $0xFFFFEC00  }
0xaf: {  	[hbm4b:s6+s3] =	stream.linear.scatter [tilespmem:s19], [sflag:$0xA], $0x1400, $0x38;
	[tilespmem:$0x1C800] =	vst v63  }
0xb0: {  	_ =	swait.ge [sflag:s20], $0x1400  }
0xb1: {  	[sflag:s20] =	ssyncset.done $0x0  }
0xb2: {  	[sflag:s20] =	ssyncadd.s32 $0xFFFFEC00  }
0xb3: {  	_ =	swait.ge [sflag:s21], $0x1400  }
0xb4: {  	[sflag:s21] =	ssyncset.done $0x0  }
0xb5: {  	[sflag:s21] =	ssyncadd.s32 $0xFFFFEC00  }
0xb6: {  	_ =	swait.ge [sflag:s22], $0x1400  }
0xb7: {  	[sflag:s22] =	ssyncset.done $0x0  }
0xb8: {  	[sflag:s22] =	ssyncadd.s32 $0xFFFFEC00  }
0xb9: {  	_ =	swait.ge [sflag:s23], $0x1400  }
0xba: {  	[sflag:s23] =	ssyncset.done $0x0  }
0xbb: {  	[sflag:s23] =	ssyncadd.s32 $0xFFFFEC00  }
0xbc: {  	_ =	swait.ge [sflag:s24], $0x1400  }
0xbd: {  	[sflag:s24] =	ssyncset.done $0x0  }
0xbe: {  	[sflag:s24] =	ssyncadd.s32 $0xFFFFEC00  }
0xbf: {  	_ =	swait.ge [sflag:s25], $0x1400  }
0xc0: {  	[sflag:s25] =	ssyncset.done $0x0  }
0xc1: {  	[sflag:s25] =	ssyncadd.s32 $0xFFFFEC00  }
0xc2: {  	_ =	swait.ge [sflag:s26], $0x1400  }
0xc3: {  	[sflag:s26] =	ssyncset.done $0x0  }
0xc4: {  	[sflag:s26] =	ssyncadd.s32 $0xFFFFEC00  }
0xc5: {  	_ =	swait.ge [sflag:s28], $0x1400  }
0xc6: {  	[sflag:s28] =	ssyncset.done $0x0  }
0xc7: {  	p0 =	sne.s32 s2, $0x26480;
	[sflag:s28] =	ssyncadd.s32 $0xFFFFEC00  }
.Ltmp0:
0xc8: {  	_ =	swait.ge [sflag:s29], $0x1400;
	(pc) =	sbr.rel @p0 .LBB2_2-.Ltmp0, $4  }
0xc9: {  	[sflag:s29] =	ssyncset.done $0x0  }
0xca: {  	[sflag:s29] =	ssyncadd.s32 $0xFFFFEC00  }
0xcb: {  	_ =	swait.ge [sflag:s30], $0x1400  }
0xcc: {  	s2 =	sadd.s32 $0xC80, s2;
	s8 =	sadd.s32 $0xA00, s8;
	[sflag:s30] =	ssyncset.done $0x0  }
0xcd: {  	s2 =	sshra.s32 s8, $0x2;
	[sflag:s30] =	ssyncadd.s32 $0xFFFFEC00  }
0xce: {  	[tilespmem:s10], [sflag:$0x1] =	stream.indirect.gather [hbm4b:s1+s9], $0x80, s2, s9, $0xb8;
	[tilespmem:$0x1C800] =	vst v63  }
0xcf: {  	s4 =	sadd.s32 $0x8000, s2  }
0xd0: {  	[tilespmem:s11], [sflag:$0x6] =	stream.indirect.gather [hbm4b:s1+s9], $0x80, s4, s9, $0xb8;
	[tilespmem:$0x1C800] =	vst v63  }
0xd1: {  	s8 =	sadd.s32 $0x80, s2  }
0xd2: {  	[tilespmem:s12], [sflag:$0x2] =	stream.indirect.gather [hbm4b:s1+s9], $0x80, s8, s9, $0xb8;
	[tilespmem:$0x1C800] =	vst v63  }
0xd3: {  	s5 =	sadd.s32 $0x8080, s2  }
0xd4: {  	[tilespmem:s13], [sflag:$0x7] =	stream.indirect.gather [hbm4b:s1+s9], $0x80, s5, s9, $0xb8;
	[tilespmem:$0x1C800] =	vst v63  }
0xd5: {  	s6 =	sadd.s32 $0x100, s2  }
0xd6: {  	[tilespmem:s14], [sflag:$0x3] =	stream.indirect.gather [hbm4b:s1+s9], $0x80, s6, s9, $0xb8;
	[tilespmem:$0x1C800] =	vst v63  }
0xd7: {  	s8 =	sadd.s32 $0x8100, s2  }
0xd8: {  	[tilespmem:s15], [sflag:$0x8] =	stream.indirect.gather [hbm4b:s1+s9], $0x80, s8, s9, $0xb8;
	[tilespmem:$0x1C800] =	vst v63  }
0xd9: {  	s5 =	sadd.s32 $0x180, s2  }
0xda: {  	[tilespmem:s16], [sflag:$0x4] =	stream.indirect.gather [hbm4b:s1+s9], $0x80, s5, s9, $0xb8;
	[tilespmem:$0x1C800] =	vst v63  }
0xdb: {  	s6 =	sadd.s32 $0x8180, s2  }
0xdc: {  	[tilespmem:s17], [sflag:$0x9] =	stream.indirect.gather [hbm4b:s1+s9], $0x80, s6, s9, $0xb8;
	[tilespmem:$0x1C800] =	vst v63  }
0xdd: {  	s8 =	sadd.s32 $0x200, s2  }
0xde: {  	[tilespmem:s18], [sflag:$0x5] =	stream.indirect.gather [hbm4b:s1+s9], $0x80, s8, s9, $0xb8;
	[tilespmem:$0x1C800] =	vst v63  }
0xdf: {  	s2 =	sadd.s32 $0x8200, s2  }
0xe0: {  	[tilespmem:s19], [sflag:$0xA] =	stream.indirect.gather [hbm4b:s1+s9], $0x80, s2, s9, $0xb8;
	[tilespmem:$0x1C800] =	vst v63  }
0xe1: {  	_ =	swait.ge [sflag:s20], $0x1400  }
0xe2: {  	s5 =	rddreg [dreg:$0x3];
	[sflag:s20] =	ssyncset.done $0x0  }
0xe3: {  	[sflag:s20] =	ssyncadd.s32 $0xFFFFEC00;
	s2 =	sadd.s32 s0, s5  }
0xe4: {  	[hbm4b:s2+s3] =	stream.linear.scatter [tilespmem:s10], [sflag:$0x1], $0x1400, $0x38;
	[tilespmem:$0x1C800] =	vst v63  }
0xe5: {  	_ =	swait.ge [sflag:s21], $0x1400  }
0xe6: {  	s6 =	rddreg [dreg:$0x4];
	[sflag:s21] =	ssyncset.done $0x0  }
0xe7: {  	[sflag:s21] =	ssyncadd.s32 $0xFFFFEC00;
	s0 =	sadd.s32 s0, s6  }
0xe8: {  	[hbm4b:s0+s3] =	stream.linear.scatter [tilespmem:s11], [sflag:$0x6], $0x1400, $0x38;
	[tilespmem:$0x1C800] =	vst v63  }
0xe9: {  	_ =	swait.ge [sflag:s22], $0x1400  }
0xea: {  	[sflag:s22] =	ssyncset.done $0x0  }
0xeb: {  	s8 =	sadd.s32 $0x280, s2;
	[sflag:s22] =	ssyncadd.s32 $0xFFFFEC00  }
0xec: {  	[hbm4b:s8+s3] =	stream.linear.scatter [tilespmem:s12], [sflag:$0x2], $0x1400, $0x38;
	[tilespmem:$0x1C800] =	vst v63  }
0xed: {  	_ =	swait.ge [sflag:s23], $0x1400  }
0xee: {  	[sflag:s23] =	ssyncset.done $0x0  }
0xef: {  	s5 =	sadd.s32 $0x280, s0;
	[sflag:s23] =	ssyncadd.s32 $0xFFFFEC00  }
0xf0: {  	[hbm4b:s5+s3] =	stream.linear.scatter [tilespmem:s13], [sflag:$0x7], $0x1400, $0x38;
	[tilespmem:$0x1C800] =	vst v63  }
0xf1: {  	_ =	swait.ge [sflag:s24], $0x1400  }
0xf2: {  	[sflag:s24] =	ssyncset.done $0x0  }
0xf3: {  	s6 =	sadd.s32 $0x500, s2;
	[sflag:s24] =	ssyncadd.s32 $0xFFFFEC00  }
0xf4: {  	[hbm4b:s6+s3] =	stream.linear.scatter [tilespmem:s14], [sflag:$0x3], $0x1400, $0x38;
	[tilespmem:$0x1C800] =	vst v63  }
0xf5: {  	_ =	swait.ge [sflag:s25], $0x1400  }
0xf6: {  	[sflag:s25] =	ssyncset.done $0x0  }
0xf7: {  	s8 =	sadd.s32 $0x500, s0;
	[sflag:s25] =	ssyncadd.s32 $0xFFFFEC00  }
0xf8: {  	[hbm4b:s8+s3] =	stream.linear.scatter [tilespmem:s15], [sflag:$0x8], $0x1400, $0x38;
	[tilespmem:$0x1C800] =	vst v63  }
0xf9: {  	_ =	swait.ge [sflag:s26], $0x1400  }
0xfa: {  	[sflag:s26] =	ssyncset.done $0x0  }
0xfb: {  	s5 =	sadd.s32 $0x780, s2;
	[sflag:s26] =	ssyncadd.s32 $0xFFFFEC00  }
0xfc: {  	[hbm4b:s5+s3] =	stream.linear.scatter [tilespmem:s16], [sflag:$0x4], $0x1400, $0x38;
	[tilespmem:$0x1C800] =	vst v63  }
0xfd: {  	_ =	swait.ge [sflag:s28], $0x1400  }
0xfe: {  	[sflag:s28] =	ssyncset.done $0x0  }
0xff: {  	s6 =	sadd.s32 $0x780, s0;
	[sflag:s28] =	ssyncadd.s32 $0xFFFFEC00  }
0x100: {  	[hbm4b:s6+s3] =	stream.linear.scatter [tilespmem:s17], [sflag:$0x9], $0x1400, $0x38;
	[tilespmem:$0x1C800] =	vst v63  }
0x101: {  	_ =	swait.ge [sflag:s29], $0x1400  }
0x102: {  	[sflag:s29] =	ssyncset.done $0x0  }
0x103: {  	s2 =	sadd.s32 $0xA00, s2;
	[sflag:s29] =	ssyncadd.s32 $0xFFFFEC00  }
0x104: {  	[hbm4b:s2+s3] =	stream.linear.scatter [tilespmem:s18], [sflag:$0x5], $0x1400, $0x38;
	[tilespmem:$0x1C800] =	vst v63  }
0x105: {  	_ =	swait.ge [sflag:s30], $0x1400  }
0x106: {  	[sflag:s30] =	ssyncset.done $0x0  }
0x107: {  	s0 =	sadd.s32 $0xA00, s0;
	[sflag:s30] =	ssyncadd.s32 $0xFFFFEC00  }
0x108: {  	[hbm4b:s0+s3] =	stream.linear.scatter [tilespmem:s19], [sflag:$0xA], $0x1400, $0x38;
	[tilespmem:$0x1C800] =	vst v63  }
0x109: {  	_ =	swait.ge [sflag:s20], $0x1400  }
0x10a: {  	[sflag:s20] =	ssyncset.done $0x0  }
0x10b: {  	[sflag:s20] =	ssyncadd.s32 $0xFFFFEC00  }
0x10c: {  	_ =	swait.ge [sflag:s21], $0x1400  }
0x10d: {  	[sflag:s21] =	ssyncset.done $0x0  }
0x10e: {  	[sflag:s21] =	ssyncadd.s32 $0xFFFFEC00  }
0x10f: {  	_ =	swait.ge [sflag:s22], $0x1400  }
0x110: {  	[sflag:s22] =	ssyncset.done $0x0  }
0x111: {  	[sflag:s22] =	ssyncadd.s32 $0xFFFFEC00  }
0x112: {  	_ =	swait.ge [sflag:s23], $0x1400  }
0x113: {  	[sflag:s23] =	ssyncset.done $0x0  }
0x114: {  	[sflag:s23] =	ssyncadd.s32 $0xFFFFEC00  }
0x115: {  	_ =	swait.ge [sflag:s24], $0x1400  }
0x116: {  	[sflag:s24] =	ssyncset.done $0x0  }
0x117: {  	[sflag:s24] =	ssyncadd.s32 $0xFFFFEC00  }
0x118: {  	_ =	swait.ge [sflag:s25], $0x1400  }
0x119: {  	[sflag:s25] =	ssyncset.done $0x0  }
0x11a: {  	[sflag:s25] =	ssyncadd.s32 $0xFFFFEC00  }
0x11b: {  	_ =	swait.ge [sflag:s26], $0x1400  }
0x11c: {  	[sflag:s26] =	ssyncset.done $0x0  }
0x11d: {  	[sflag:s26] =	ssyncadd.s32 $0xFFFFEC00  }
0x11e: {  	_ =	swait.ge [sflag:s28], $0x1400  }
0x11f: {  	[sflag:s28] =	ssyncset.done $0x0  }
0x120: {  	[sflag:s28] =	ssyncadd.s32 $0xFFFFEC00  }
0x121: {  	_ =	swait.ge [sflag:s29], $0x1400  }
0x122: {  	[sflag:s29] =	ssyncset.done $0x0  }
0x123: {  	[sflag:s29] =	ssyncadd.s32 $0xFFFFEC00  }
0x124: {  	_ =	swait.ge [sflag:s30], $0x1400  }
0x125: {  	s31 =	sadd.s32 $0x1, s31;
	s8 =	rddreg [dreg:$0x7]  }
0x126: {  	p0 =	sne.s32 s31, s8  }
.Ltmp1:
0x127: {  	_ = 	snop;
	(pc) =	sbr.rel @p0 .LBB2_1-.Ltmp1, $3  }
0x128: {  	_ =	sdelay $0x1  }
0x129: {  	[sflag:s30] =	ssyncset.done $0x0  }
0x12a: {  	[sflag:s30] =	ssyncadd.s32 $0xFFFFEC00  }
0x12b: {  	_ =	sfence.sel $0x180000  }
0x12c: {  	[bflag:$0x0] =	sbarrier.arrive $0xFFFF  }
0x12d: {  	_ =	strace $0x90000056  }
0x12e: {  	s0 =	stileid.u32;
	[bflag:$0x2] =	sbarrier.arrive $0xFFFF  }
0x12f: {  	p0 =	sne.s32 s0, $0x0;
	s0 =	rddreg [dreg:$0x2]  }
0x130: {  	s0 =	sadd.s32 @!p0 $0x100000, s0  }
0x131: {  	[sflag:s0] =	ssyncadd.tile.s32 @!p0 $0x1;
	_ =	shalt  }
.Lfunc_end2:
_tile_overlayer_lowered:
.L_overlay_start_2:
0x132: {  	(tag) =	ssettag $0x2  }
0x133: {  	s0 =	rddreg [dreg:$0x0];
	s2 =	stileid.u32  }
0x134: {  	s1 =	rddreg [dreg:$0x1];
	p0 =	sne.s32 s2, $0x0  }
0x135: {  	s3 =	rddreg [dreg:$0x2];
	[bflag:$0x3] =	sbarrier.arrive $0xFFFF;
	s2 =	simm.s32 @!p0 $0x1C0B  }
0x136: {  	[timem:s3], [sflag:s2] =	dma.local @!p0 [hbm:s0], s1  }
0x137: {  	s0 =	simm.s32 @!p0 $0xB  }
0x138: {  	_ =	swait.ge @!p0 [sflag:s0], s1  }
0x139: {  	s1 =	ssub.s32 @!p0 $0x0, s1;
	[sflag:s0] =	ssyncset.done @!p0 $0x0  }
0x13a: {  	[sflag:s0] =	ssyncadd.s32 @!p0 s1  }
0x13b: {  	[bflag:$0x3] =	sbarrier.arrive $0xFFFF  }
0x13c: {  	_ =	shalt  }

// kernel: kernel.32.cloned.1.call-start
scs
__scs_entry_jumppad:
0x0: {  	(pc) =	sbr.rel $0x88, $3  }
0x1: {  	(tag) =	ssettag $0x0;
	lr =	simm.s32 $0x1  }
0x2: {  	[smem:$0x3F92] =	sst lr;
	_ =	strace $0xD0000000  }
0x3: {  	_ = 	snop  }
0x4: {  	_ = 	snop  }
0x5: {  	_ = 	snop  }
0x6: {  	_ = 	snop  }
0x7: {  	_ = 	snop  }
__scs_overlays_trampoline_lowered:
0x8: {  	[smem:$0x3FA1] =	sst s0  }
0x9: {  	[smem:$0x3FA2] =	sst s1  }
0xa: {  	[smem:$0x3FA3] =	sst s2  }
0xb: {  	[smem:$0x3FA4] =	sst s3  }
0xc: {  	[smem:$0x3FA5] =	sst s4  }
0xd: {  	[smem:$0x3FA6] =	sst s5  }
0xe: {  	[smem:$0x3FA7] =	sst s6  }
0xf: {  	[smem:$0x3FA8] =	sst s7  }
0x10: {  	[smem:$0x3FA9] =	sst s8  }
0x11: {  	[smem:$0x3FAA] =	sst s9;
	s0 =	simm.s32 @!p0 $0x0  }
0x12: {  	s1 =	sld [smem:$0x3F90];
	s0 =	simm.s32 @p0 $0x1  }
0x13: {  	[smem:$0x3FAB] =	sst s0;
	s0 =	simm.s32 @!p1 $0x0  }
0x14: {  	s2 =	sld [smem:$0x3F8F];
	s0 =	simm.s32 @p1 $0x1  }
0x15: {  	[smem:$0x3FAC] =	sst s0;
	s0 =	simm.s32 @!p2 $0x0  }
0x16: {  	s3 =	sld [smem:$0x3FDB];
	s0 =	simm.s32 @p2 $0x1  }
0x17: {  	s4 =	simm.s32 $0x1BF5;
	[smem:$0x3FAE] =	sst s0  }
0x18: {  	s0 =	sld [smem:$0x3F91];
	_ =	swait.ge [sflag:s4], $0x0  }
0x19: {  	s7 =	sld [smem:$0x3F92]  }
0x1a: {  	s8 =	sadd.s32 $0xFFFFE003, lr  }
0x1b: {  	s9 =	sadd.s32 $0xFFFFFEF7, lr;
	s5 =	simm.s32 $0xFFFFFFFF;
	p2 =	slt.u32 s8, $0xFFFFF086  }
0x1c: {  	p1 =	slt.u32 s9, $0xF7A;
	s5 =	simm.s32 @!p2 $0x0  }
0x1d: {  	s5 =	simm.s32 @p1 $0x1;
	p0 =	seq.s32 s7, s2  }
0x1e: {  	s7 =	smul.u32 @!p0 $0xF7A, s2;
	p2 =	seq.s32 @!p0 s5, $0x0  }
0x1f: {  	s9 =	smul.u32 $0xF7A, s1;
	s8 =	simm.s32 @!p0 $0x1BF5;
	p2 =	por !p2, p0  }
0x20: {  	[sflag:s8] =	ssyncset.s32 @!p0 $0xFFFFF086;
	s6 =	sadd.s32 @!p0 s3, s7;
	s7 =	simm.s32 @!p0 $0x108  }
0x21: {  	s3 =	sadd.s32 s3, s9;
	s6 =	sadd.s32 @!p0 $0x88, s6;
	s7 =	simm.s32 @p2 $0x1082  }
0x22: {  	[simem:s7], [sflag:s8] =	dma.local @!p0 [hbm:s6], $0xF7A  }
0x23: {  	s9 =	sor.u32 $0xD0000000, s2;
	s6 =	simm.s32 $0x108;
	_ =	swait.ge @!p0 [sflag:s8], $0x0  }
0x24: {  	s3 =	sadd.s32 $0x88, s3;
	s6 =	simm.s32 @!p1 $0x1082;
	[sflag:s4] =	ssyncset.s32 $0xFFFFF086  }
0x25: {  	[simem:s6], [sflag:s4] =	dma.local [hbm:s3], $0xF7A  }
0x26: {  	[smem:$0x3F92] =	sst s1;
	(tag) =	ssettag s2;
	_ =	strace s9  }
0x27: {  	s1 =	sld [smem:$0x3FA2]  }
0x28: {  	s2 =	sld [smem:$0x3FA3]  }
0x29: {  	s4 =	sld [smem:$0x3FA5]  }
0x2a: {  	p0 =	seq.s32 s5, $0x0;
	s5 =	sld [smem:$0x3FA6]  }
0x2b: {  	s6 =	sld [smem:$0x3FA7]  }
0x2c: {  	s7 =	sld [smem:$0x3FA8]  }
0x2d: {  	s3 =	simm.s32 $0x108;
	s8 =	sld [smem:$0x3FA9]  }
0x2e: {  	s3 =	simm.s32 @!p0 $0x1082;
	s9 =	sld [smem:$0x3FAA]  }
0x2f: {  	lr =	sadd.s32 s0, s3;
	s0 =	sld [smem:$0x3FA1]  }
0x30: {  	s3 =	sld [smem:$0x3FA4]  }
0x31: {  	[smem:$0x3FAD] =	sst s10  }
0x32: {  	s10 =	sld [smem:$0x3FAB];
	_ =	sdelay $0x3  }
0x33: {  	p0 =	seq.s32 s10, $0x1;
	s10 =	sld [smem:$0x3FAD];
	_ =	sdelay $0x3  }
0x34: {  	[smem:$0x3FAD] =	sst s10  }
0x35: {  	s10 =	sld [smem:$0x3FAC];
	_ =	sdelay $0x3  }
0x36: {  	p1 =	seq.s32 s10, $0x1;
	s10 =	sld [smem:$0x3FAD];
	_ =	sdelay $0x3  }
0x37: {  	[smem:$0x3FAD] =	sst s10  }
0x38: {  	s10 =	sld [smem:$0x3FAE]  }
0x39: {  	_ = 	snop;
	(pc) =	sbr.ind lr, $3  }
0x3a: {  	_ = 	snop  }
0x3b: {  	_ = 	snop  }
0x3c: {  	p2 =	seq.s32 s10, $0x1;
	s10 =	sld [smem:$0x3FAD]  }
0x3d: {  	_ =	shalt  }
0x3e: {  	_ =	shalt  }
0x3f: {  	_ =	shalt  }
0x40: {  	_ =	shalt  }
0x41: {  	_ =	shalt  }
0x42: {  	_ =	shalt  }
0x43: {  	_ =	shalt  }
0x44: {  	_ =	shalt  }
0x45: {  	_ =	shalt  }
0x46: {  	_ =	shalt  }
0x47: {  	_ =	shalt  }
0x48: {  	_ =	shalt  }
0x49: {  	_ =	shalt  }
0x4a: {  	_ =	shalt  }
0x4b: {  	_ =	shalt  }
0x4c: {  	_ =	shalt  }
0x4d: {  	_ =	shalt  }
0x4e: {  	_ =	shalt  }
0x4f: {  	_ =	shalt  }
0x50: {  	_ =	shalt  }
0x51: {  	_ =	shalt  }
0x52: {  	_ =	shalt  }
0x53: {  	_ =	shalt  }
0x54: {  	_ =	shalt  }
0x55: {  	_ =	shalt  }
0x56: {  	_ =	shalt  }
0x57: {  	_ =	shalt  }
0x58: {  	_ =	shalt  }
0x59: {  	_ =	shalt  }
0x5a: {  	_ =	shalt  }
0x5b: {  	_ =	shalt  }
0x5c: {  	_ =	shalt  }
0x5d: {  	_ =	shalt  }
0x5e: {  	_ =	shalt  }
0x5f: {  	_ =	shalt  }
0x60: {  	_ =	shalt  }
0x61: {  	_ =	shalt  }
0x62: {  	_ =	shalt  }
0x63: {  	_ =	shalt  }
0x64: {  	_ =	shalt  }
0x65: {  	_ =	shalt  }
0x66: {  	_ =	shalt  }
0x67: {  	_ =	shalt  }
0x68: {  	_ =	shalt  }
0x69: {  	_ =	shalt  }
0x6a: {  	_ =	shalt  }
0x6b: {  	_ =	shalt  }
0x6c: {  	_ =	shalt  }
0x6d: {  	_ =	shalt  }
0x6e: {  	_ =	shalt  }
0x6f: {  	_ =	shalt  }
0x70: {  	_ =	shalt  }
0x71: {  	_ =	shalt  }
0x72: {  	_ =	shalt  }
0x73: {  	_ =	shalt  }
0x74: {  	_ =	shalt  }
0x75: {  	_ =	shalt  }
0x76: {  	_ =	shalt  }
0x77: {  	_ =	shalt  }
0x78: {  	_ =	shalt  }
0x79: {  	_ =	shalt  }
0x7a: {  	_ =	shalt  }
0x7b: {  	_ =	shalt  }
0x7c: {  	_ =	shalt  }
0x7d: {  	_ =	shalt  }
0x7e: {  	_ =	shalt  }
0x7f: {  	_ =	shalt  }
0x80: {  	_ =	shalt  }
0x81: {  	_ =	shalt  }
0x82: {  	_ =	shalt  }
0x83: {  	_ =	shalt  }
0x84: {  	_ =	shalt  }
0x85: {  	_ =	shalt  }
0x86: {  	_ =	shalt  }
0x87: {  	_ =	shalt  }
.Lfunc_end0:
.L_simem_size_0:
called_computation.6_lowered:
.L_overlay_start_0:
0x88: {  	s2 =	sld [smem:$0x3FD9]  }
0x89: {  	s3 =	sld [smem:$0x3FFE];
	_ =	sdelay $0x1  }
0x8a: {  	s1 =	srdreg.scid  }
0x8b: {  	s0 =	sand.u32 $0x1, s1  }
0x8c: {  	s16 =	sshll.u32 s0, $0xA;
	s2 =	sadd.s32 s3, s2  }
0x8d: {  	s2 =	sadd.s32 s2, s16  }
0x8e: {  	[smem:$0x3FB9] =	sst s2  }
0x8f: {  	_ = 	snop  }
0x90: {  	(tm) =	ssettm $0x1  }
0x91: {  	s17 =	sld [smem:$0x3FFB];
	_ =	sdelay $0x3  }
0x92: {  	_ =	strace s17  }
0x93: {  	s2 =	sld [smem:$0x3FFC];
	_ =	sdelay $0x3  }
0x94: {  	_ =	strace s2  }
0x95: {  	s2 =	sld [smem:$0x3FFD];
	_ =	sdelay $0x3  }
0x96: {  	_ =	strace s2  }
0x97: {  	_ =	strace $0x8FFFFFFF  }
0x98: {  	s18 =	sld [smem:$0x3FDB];
	_ =	sdelay $0x1  }
0x99: {  	s19 =	simm.s32 $_scs_section_size  }
0x9a: {  	s4 =	simm.s32 $_size__tile_overlayer_lowered;
	s5 =	simm.s32 $_tile_overlayer_lowered  }
0x9b: {  	s22 =	simm.s32 $0x1BFF;
	s21 =	sshll.u32 s5, $0x1;
	s2 =	sadd.s32 s19, s18  }
0x9c: {  	s6 =	simm.s32 $0x0;
	s20 =	sshll.u32 s4, $0x1;
	s4 =	sadd.s32 s21, s2  }
0x9d: {  	[timem:s6], [sflag:s22] =	dma.local [hbm:s4], s20  }
0x9e: {  	_ =	swait.ge [sflag:s22], s20  }
0x9f: {  	s3 =	ssub.s32 $0x0, s20;
	[sflag:s22] =	ssyncset.done $0x0  }
0xa0: {  	[sflag:s22] =	ssyncadd.s32 s3;
	_ =	sdelay $0x1  }
0xa1: {  	s23 =	simm.s32 $0x1B8B  }
0xa2: {  	_ =	swait.ge [sflag:s23], $0x1  }
0xa3: {  	[sflag:s23] =	ssyncset.done $0x0  }
0xa4: {  	s25 =	simm.s32 $0x1B8E;
	s24 =	sld [smem:$0x3FFE];
	[sflag:s23] =	ssyncadd.s32 $0xFFFFFFFF  }
0xa5: {  	s26 =	simm.s32 $execute0_lowered;
	[smem:$0x3FD2] =	sst s25  }
0xa6: {  	s4 =	sshll.u32 s26, $0x1;
	_ =	strace $0x80000058;
	[dreg:$0x1] =	wrdreg $0xFFFFFFFF  }
0xa7: {  	s28 =	simm.s32 $_size_execute0_lowered;
	s2 =	sadd.s32 s2, s4;
	[dreg:$0x0] =	wrdreg $0x0  }
0xa8: {  	s4 =	sshll.u32 s28, $0x1;
	[dreg:$0x2] =	wrdreg s2  }
0xa9: {  	[dreg:$0x3] =	wrdreg s4  }
0xaa: {  	[dreg:$0x4] =	wrdreg $0xC0  }
0xab: {  	_ =	task [dreg:s6], $0x5FFFF  }
0xac: {  	[dreg:$0x1] =	wrdreg $0xFFFFFFFF  }
0xad: {  	[dreg:$0x0] =	wrdreg $0x60  }
0xae: {  	[dreg:$0x2] =	wrdreg s24  }
0xaf: {  	[dreg:$0x3] =	wrdreg $0x9  }
0xb0: {  	_ =	task.clear_ibuf [dreg:s6], $0x4FFFF;
	_ =	strace $0x90000058  }
0xb1: {  	s29 =	simm.s32 $0x9;
	_ =	strace $0x8000005A  }
0xb2: {  	_ =	swait.ge [sflag:s29], $0x1  }
0xb3: {  	[sflag:s29] =	ssyncadd.s32 $0xFFFFFFFF  }
0xb4: {  	_ =	strace $0x9000005A  }
0xb5: {  	_ =	sfence  }
0xb6: {  	s30 =	sld [smem:$0x0];
	_ =	sdelay $0x2  }
0xb7: {  	s31 =	sshll.u32 s1, $0xD;
	s1 =	sshrl.u32 s1, $0x2  }
0xb8: {  	s3 =	sand.u32 $0x4000, s31;
	s1 =	sadd.s32 s1, s30  }
0xb9: {  	s0 =	sor.u32 s3, s0;
	s1 =	sshll.u32 s1, $0x11  }
0xba: {  	s0 =	sor.u32 s1, s0  }
0xbb: {  	s0 =	sadd.s32 $0x8F2B, s0  }
0xbc: {  	[sflag:s0] =	ssyncadd.remote.s32 $0x1  }
0xbd: {  	_ =	sfence.sel $0xFFFF  }
0xbe: {  	[dreg:$0x0] =	wrdreg $0xFFFFFFFF;
	(pc) =	sbr.abs _section_cstart, $3  }
0xbf: {  	[dreg:$0x1] =	wrdreg $0xFFFFFFFF  }
0xc0: {  	_ =	task.clear_ibuf [dreg:s6], $0x2FFFF;
	_ =	strace $0x9FFFFFFF  }
0xc1: {  	(tm) =	ssettm $0x7FFFFFFF  }
tec
execute0_lowered:
.L_overlay_start_1:
0x0: {  	(tag) =	ssettag $0x1  }
0x1: {  	s8 =	rddreg [dreg:$0x0];
	s2 =	srdreg.scid  }
0x2: {  	s1 =	stileid.u32;
	s0 =	rddreg [dreg:$0x1]  }
0x3: {  	s12 =	simm.s32 $0x2;
	s13 =	simm.s32 $0x1;
	s14 =	simm.s32 $0xE000  }
0x4: {  	s15 =	simm.s32 $0xE080;
	s16 =	simm.s32 $0x80;
	s17 =	simm.s32 $0xA000  }
0x5: {  	s18 =	simm.s32 $0x400;
	s19 =	simm.s32 $0x0;
	s6 =	sand.u32 $0x1, s2  }
0x6: {  	s3 =	sshll.u32 s1, $0x1;
	s2 =	simm.s32 $0x0;
	s4 =	sshrl.u32 s1, $0x2  }
0x7: {  	s3 =	sor.u32 s6, s3;
	[smem:$0x7FF] =	sst s2;
	s7 =	smul.u32 $0x50000, s4  }
0x8: {  	s4 =	sadd.s32 $0x1419000, s8;
	s31 =	ssub.s32 $0x2, s6;
	s5 =	sshll.u32 s3, $0x7  }
.Ltmp0:
0x9: {  	s6 =	sadd.s32 $0x7A800, s8;
	s9 =	sand.u32 $0x380, s5;
	(pc) =	sbr.rel .LBB2_1-.Ltmp0, $4  }
0xa: {  	_ =	strace $0x80000059;
	s11 =	sshrl.u32 s31, $0x1;
	s7 =	sor.u32 s7, s9  }
0xb: {  	s5 =	sadd.s32 $0x70A00, s8;
	s11 =	ssub.s32 s31, s11;
	s10 =	sshrl.u32 s7, $0x3  }
0xc: {  	s7 =	sadd.s32 $0xA52400, s8;
	s10 =	sadd.s32 s10, s8;
	s8 =	smul.u32 $0xFFFFFEC0, s3  }
0xd: {  	v0 =	vimm.f32 $0.0e+00;
	s9 =	sadd.s32 $0x84600, s10;
	s10 =	smax.u32 s11, $0x1;
	s11 =	simm.s32 $0xE180  }
.LBB2_9:
0xe: {  	s19 =	sadd.s32 $0x1, s19  }
0xf: {  	p0 =	sne.s32 s19, s10  }
.Ltmp1:
0x10: {  	_ = 	snop;
	(pc) =	sbr.rel @!p0 .LBB2_10-.Ltmp1, $4  }
0x11: {  	[hbm4b:s9+s16] =	stream.strided.scatter [tilespmem:s2], [sflag:$0x2], $0xA000, s18, s16, $0x38;
	[tilespmem:$0xE200] =	vst v63  }
0x12: {  	_ =	swait.ge [sflag:s12], $0xA000  }
0x13: {  	[sflag:s12] =	ssyncset.done $0x0  }
0x14: {  	[sflag:s12] =	ssyncadd.s32 $0xFFFF6000  }
.LBB2_1:
0x15: {  	[tilespmem:s11], [sflag:$0x2] =	stream.linear.gather [hbm4b:s7+s2], $0x80, $0x38;
	[tilespmem:$0xE200] =	vst v63  }
0x16: {  	_ =	swait.ge [sflag:s12], $0x80  }
0x17: {  	[sflag:s12] =	ssyncset.done $0x0  }
0x18: {  	[sflag:s12] =	ssyncadd.s32 $0xFFFFFF80  }
0x19: {  	s20 =	simm.s32 $0x40;
	s21 =	simm.s32 $0x0;
	v1 =	vld [tilespmem:s3+$0xE180]  }
.LBB2_2:
0x1a: {  	p0 =	sne.s32 s20, $0x27FC0;
	[tilespmem:s21+$0x0] =	vst v0;
	s21 =	smov.u32 s20;
	s20 =	sadd.s32 $0x40, s20  }
.Ltmp2:
0x1b: {  	(pc) =	sbr.rel @p0 .LBB2_2-.Ltmp2, $2  }
0x1c: {  	_ =	sdelay $0x2  }
0x1d: {  	s21 =	sshra.s32 s21, $0x2  }
0x1e: {  	(v2sf) =	vpush v1, $0x0  }
0x1f: {  	(v2sf) =	vpush v1, $0x1;
	_ =	sdelay $0xa  }
.Ltmp3:
0x20: {  	_ = 	snop;
	(pc) =	sbr.rel .LBB2_4-.Ltmp3, $3  }
0x21: {  	_ =	sdelay $0x1  }
0x22: {  	s20 =	spop (v2sf)  }
0x23: {  	[tilespmem:s21+$0x0] =	vst v0;
	s22 =	simm.s32 $0x0;
	s21 =	spop (v2sf)  }
.LBB2_8:
0x24: {  	s22 =	sadd.s32 $0x1, s22  }
0x25: {  	p0 =	sne.s32 s22, $0xA6C  }
.Ltmp4:
0x26: {  	_ = 	snop;
	(pc) =	sbr.rel @!p0 .LBB2_9-.Ltmp4, $1  }
0x27: {  	_ =	sdelay $0x3  }
.LBB2_4:
0x28: {  	p0 =	sle.s32 s21, s20  }
.Ltmp5:
0x29: {  	_ = 	snop;
	(pc) =	sbr.rel @p0 .LBB2_8-.Ltmp5, $1  }
0x2a: {  	_ =	sdelay $0x3  }
0x2b: {  	s23 =	sand.u32 $0x7, s20  }
0x2c: {  	s24 =	sshra.s32 s20, $0x1F;
	p0 =	slt.s32 s20, $0x1;
	p1 =	sne.s32 s23, $0x0  }
0x2d: {  	s29 =	sshrl.u32 s24, $0x1D;
	p0 =	por !p0, !p1  }
0x2e: {  	s24 =	simm.s32 $0x1;
	s23 =	sadd.s32 s29, s20;
	p0 =	por !p0, !p0  }
0x2f: {  	s23 =	sshra.s32 s23, $0x3;
	s24 =	simm.s32 @!p0 $0x0  }
0x30: {  	s24 =	ssub.s32 s23, s24  }
0x31: {  	s23 =	sand.u32 $0x1FFFFFFF, s24  }
0x32: {  	s26 =	simm.s32 $0x0;
	s25 =	sadd.s32 s5, s23  }
0x33: {  	[tilespmem:s14], [sflag:$0x2] =	stream.linear.gather [hbm4b:s25+s26], $0x80, $0x38;
	[tilespmem:$0xE200] =	vst v63  }
0x34: {  	_ =	swait.ge [sflag:s12], $0x80  }
0x35: {  	[sflag:s12] =	ssyncset.done $0x0  }
0x36: {  	s23 =	sadd.s32 s6, s23;
	[sflag:s12] =	ssyncadd.s32 $0xFFFFFF80  }
0x37: {  	[tilespmem:s15], [sflag:$0x2] =	stream.linear.gather [hbm4b:s23+s26], $0x80, $0x38;
	[tilespmem:$0xE200] =	vst v63  }
0x38: {  	_ =	swait.ge [sflag:s12], $0x80  }
0x39: {  	[sflag:s12] =	ssyncset.done $0x0  }
0x3a: {  	s30 =	sshll.u32 s20, $0x2;
	s31 =	sshll.u32 s24, $0x5;
	[sflag:s12] =	ssyncadd.s32 $0xFFFFFF80  }
0x3b: {  	[tilespmem:s17], [sflag:$0x1] =	stream.indirect.gather [hbm4b:s4+s16], $0x80, s14, s16, $0xb8;
	[tilespmem:$0xE200] =	vst v63  }
0x3c: {  	s23 =	ssub.s32 s30, s31;
	_ =	swait.ge [sflag:s13], $0x4000  }
0x3d: {  	s23 =	sshra.s32 s23, $0x2;
	[sflag:s13] =	ssyncset.done $0x0  }
0x3e: {  	s23 =	sadd.s32 $0xE080, s23;
	[sflag:s13] =	ssyncadd.s32 $0xFFFFC000  }
0x3f: {  	v1 =	vld [tilespmem:s23+$0x0];
	_ =	sdelay $0x4  }
0x40: {  	(v2sf) =	vpush v1, $0x0;
	_ =	sdelay $0xa  }
0x41: {  	s24 =	sshll.u32 s24, $0xC;
	s26 =	sshll.u32 s20, $0x9  }
0x42: {  	s24 =	ssub.s32 s26, s24  }
0x43: {  	s24 =	sshra.s32 s24, $0x2  }
0x44: {  	s24 =	sadd.s32 $0xA040, s24  }
0x45: {  	v1 =	vld [tilespmem:s24+$0xFFFFFFC0];
	s29 =	spop (v2sf)  }
0x46: {  	s26 =	sadd.s32 s8, s29  }
0x47: {  	p0 =	sgt.s32 s26, $0x0  }
0x48: {  	s25 =	ssub.s32 s21, s20;
	s26 =	simm.s32 @!p0 $0x0  }
0x49: {  	p6 =	sgt.s32 s25, $0x0;
	s26 =	smin.u32 s26, $0x13F  }
0x4a: {  	v1 =	vpsel !p6, $0x0, v1;
	s28 =	sshll.u32 s26, $0x7  }
0x4b: {  	[tilespmem:s28+$0x0] =	vst.add.f32.msk $0xffff, v1  }
0x4c: {  	v1 =	vld [tilespmem:s24+$0xFFFFFFD0];
	_ =	sdelay $0x4  }
0x4d: {  	s26 =	sor.u32 $0x10, s28;
	v1 =	vpsel !p6, $0x0, v1  }
0x4e: {  	[tilespmem:s26+$0x0] =	vst.add.f32.msk $0xffff, v1  }
0x4f: {  	v1 =	vld [tilespmem:s24+$0xFFFFFFE0];
	_ =	sdelay $0x4  }
0x50: {  	s30 =	sor.u32 $0x20, s28;
	v1 =	vpsel !p6, $0x0, v1  }
0x51: {  	[tilespmem:s30+$0x0] =	vst.add.f32.msk $0xffff, v1  }
0x52: {  	v1 =	vld [tilespmem:s24+$0xFFFFFFF0];
	_ =	sdelay $0x4  }
0x53: {  	s31 =	sor.u32 $0x30, s28;
	v1 =	vpsel !p6, $0x0, v1  }
0x54: {  	[tilespmem:s31+$0x0] =	vst.add.f32.msk $0xffff, v1  }
0x55: {  	v1 =	vld [tilespmem:s24+$0x0];
	_ =	sdelay $0x4  }
0x56: {  	s29 =	sor.u32 $0x40, s28;
	v1 =	vpsel !p6, $0x0, v1  }
0x57: {  	[tilespmem:s29+$0x0] =	vst.add.f32.msk $0xffff, v1  }
0x58: {  	v1 =	vld [tilespmem:s24+$0x10];
	_ =	sdelay $0x4  }
0x59: {  	s30 =	sor.u32 $0x50, s28;
	v1 =	vpsel !p6, $0x0, v1  }
0x5a: {  	[tilespmem:s30+$0x0] =	vst.add.f32.msk $0xffff, v1  }
0x5b: {  	v1 =	vld [tilespmem:s24+$0x20];
	_ =	sdelay $0x4  }
0x5c: {  	s31 =	sor.u32 $0x60, s28;
	v1 =	vpsel !p6, $0x0, v1  }
0x5d: {  	[tilespmem:s31+$0x0] =	vst.add.f32.msk $0xffff, v1  }
0x5e: {  	v1 =	vld [tilespmem:s24+$0x30];
	_ =	sdelay $0x4  }
0x5f: {  	s26 =	simm.s32 $0x1;
	s28 =	sor.u32 $0x70, s28;
	v1 =	vpsel !p6, $0x0, v1  }
.LBB2_6:
0x60: {  	p0 =	sne.s32 s26, $0x77;
	[tilespmem:s28+$0x0] =	vst.add.f32.msk $0xffff, v1;
	s23 =	sadd.s32 $0x1, s23;
	s24 =	sadd.s32 $0x80, s24  }
0x61: {  	s28 =	smov.u32 s26;
	s26 =	sadd.s32 $0x1, s26;
	v1 =	vld [tilespmem:s23+$0x0];
	_ =	sdelay $0x4  }
0x62: {  	(v2sf) =	vpush v1, $0x0;
	_ =	sdelay $0xe  }
0x63: {  	v1 =	vld [tilespmem:s24+$0xFFFFFFC0];
	s29 =	spop (v2sf)  }
0x64: {  	s29 =	sadd.s32 s8, s29  }
0x65: {  	p1 =	sgt.s32 s29, $0x0  }
0x66: {  	s29 =	simm.s32 @!p1 $0x0  }
0x67: {  	p1 =	sgt.s32 s25, s28;
	s29 =	smin.u32 s29, $0x13F  }
0x68: {  	v1 =	vpsel !p1, $0x0, v1;
	s28 =	sshll.u32 s29, $0x7  }
0x69: {  	[tilespmem:s28+$0x0] =	vst.add.f32.msk $0xffff, v1  }
0x6a: {  	v1 =	vld [tilespmem:s24+$0xFFFFFFD0];
	_ =	sdelay $0x4  }
0x6b: {  	s29 =	sor.u32 $0x10, s28;
	v1 =	vpsel !p1, $0x0, v1  }
0x6c: {  	[tilespmem:s29+$0x0] =	vst.add.f32.msk $0xffff, v1  }
0x6d: {  	v1 =	vld [tilespmem:s24+$0xFFFFFFE0];
	_ =	sdelay $0x4  }
0x6e: {  	s29 =	sor.u32 $0x20, s28;
	v1 =	vpsel !p1, $0x0, v1  }
0x6f: {  	[tilespmem:s29+$0x0] =	vst.add.f32.msk $0xffff, v1  }
0x70: {  	v1 =	vld [tilespmem:s24+$0xFFFFFFF0];
	_ =	sdelay $0x4  }
0x71: {  	s29 =	sor.u32 $0x30, s28;
	v1 =	vpsel !p1, $0x0, v1  }
0x72: {  	[tilespmem:s29+$0x0] =	vst.add.f32.msk $0xffff, v1  }
0x73: {  	v1 =	vld [tilespmem:s24+$0x0];
	_ =	sdelay $0x4  }
0x74: {  	s29 =	sor.u32 $0x40, s28;
	v1 =	vpsel !p1, $0x0, v1  }
0x75: {  	[tilespmem:s29+$0x0] =	vst.add.f32.msk $0xffff, v1  }
0x76: {  	v1 =	vld [tilespmem:s24+$0x10];
	_ =	sdelay $0x4  }
0x77: {  	s29 =	sor.u32 $0x50, s28;
	v1 =	vpsel !p1, $0x0, v1  }
0x78: {  	[tilespmem:s29+$0x0] =	vst.add.f32.msk $0xffff, v1  }
0x79: {  	v1 =	vld [tilespmem:s24+$0x20];
	_ =	sdelay $0x4  }
0x7a: {  	s29 =	sor.u32 $0x60, s28;
	v1 =	vpsel !p1, $0x0, v1  }
0x7b: {  	[tilespmem:s29+$0x0] =	vst.add.f32.msk $0xffff, v1  }
0x7c: {  	v1 =	vld [tilespmem:s24+$0x30]  }
.Ltmp6:
0x7d: {  	(pc) =	sbr.rel @p0 .LBB2_6-.Ltmp6, $2  }
0x7e: {  	_ =	sdelay $0x2  }
0x7f: {  	s28 =	sor.u32 $0x70, s28;
	v1 =	vpsel !p1, $0x0, v1  }
.Ltmp7:
0x80: {  	(pc) =	sbr.rel .LBB2_8-.Ltmp7, $4  }
0x81: {  	_ = 	snop  }
0x82: {  	p0 =	slt.s32 s25, $0x78  }
0x83: {  	s25 =	simm.s32 @!p0 $0x78  }
0x84: {  	[tilespmem:s28+$0x0] =	vst.add.f32.msk $0xffff, v1;
	s20 =	sadd.s32 s20, s25  }
.LBB2_10:
0x85: {  	_ =	sfence.sel $0x180000  }
0x86: {  	[bflag:$0x0] =	sbarrier.arrive $0xFFFF  }
0x87: {  	p0 =	sne.s32 s1, $0x0;
	_ =	strace $0x90000059  }
0x88: {  	s0 =	sadd.s32 @!p0 $0x100000, s0;
	[bflag:$0x2] =	sbarrier.arrive $0xFFFF  }
0x89: {  	[sflag:s0] =	ssyncadd.tile.s32 @!p0 $0x1;
	_ =	shalt  }
.Lfunc_end2:
_tile_overlayer_lowered:
.L_overlay_start_2:
0x8a: {  	(tag) =	ssettag $0x2  }
0x8b: {  	s0 =	rddreg [dreg:$0x0];
	s2 =	stileid.u32  }
0x8c: {  	s1 =	rddreg [dreg:$0x1];
	p0 =	sne.s32 s2, $0x0  }
0x8d: {  	s3 =	rddreg [dreg:$0x2];
	[bflag:$0x3] =	sbarrier.arrive $0xFFFF;
	s2 =	simm.s32 @!p0 $0x1C02  }
0x8e: {  	[timem:s3], [sflag:s2] =	dma.local @!p0 [hbm:s0], s1  }
0x8f: {  	s0 =	simm.s32 @!p0 $0x2  }
0x90: {  	_ =	swait.ge @!p0 [sflag:s0], s1  }
0x91: {  	s1 =	ssub.s32 @!p0 $0x0, s1;
	[sflag:s0] =	ssyncset.done @!p0 $0x0  }
0x92: {  	[sflag:s0] =	ssyncadd.s32 @!p0 s1  }
0x93: {  	[bflag:$0x3] =	sbarrier.arrive $0xFFFF  }
0x94: {  	_ =	shalt  }

// kernel: kernel.35.cloned.1.call-start
scs
__scs_entry_jumppad:
0x0: {  	(pc) =	sbr.rel $0x88, $3  }
0x1: {  	(tag) =	ssettag $0x0;
	lr =	simm.s32 $0x1  }
0x2: {  	[smem:$0x3F92] =	sst lr;
	_ =	strace $0xD0000000  }
0x3: {  	_ = 	snop  }
0x4: {  	_ = 	snop  }
0x5: {  	_ = 	snop  }
0x6: {  	_ = 	snop  }
0x7: {  	_ = 	snop  }
__scs_overlays_trampoline_lowered:
0x8: {  	[smem:$0x3FA1] =	sst s0  }
0x9: {  	[smem:$0x3FA2] =	sst s1  }
0xa: {  	[smem:$0x3FA3] =	sst s2  }
0xb: {  	[smem:$0x3FA4] =	sst s3  }
0xc: {  	[smem:$0x3FA5] =	sst s4  }
0xd: {  	[smem:$0x3FA6] =	sst s5  }
0xe: {  	[smem:$0x3FA7] =	sst s6  }
0xf: {  	[smem:$0x3FA8] =	sst s7  }
0x10: {  	[smem:$0x3FA9] =	sst s8  }
0x11: {  	[smem:$0x3FAA] =	sst s9;
	s0 =	simm.s32 @!p0 $0x0  }
0x12: {  	s1 =	sld [smem:$0x3F90];
	s0 =	simm.s32 @p0 $0x1  }
0x13: {  	[smem:$0x3FAB] =	sst s0;
	s0 =	simm.s32 @!p1 $0x0  }
0x14: {  	s2 =	sld [smem:$0x3F8F];
	s0 =	simm.s32 @p1 $0x1  }
0x15: {  	[smem:$0x3FAC] =	sst s0;
	s0 =	simm.s32 @!p2 $0x0  }
0x16: {  	s3 =	sld [smem:$0x3FDB];
	s0 =	simm.s32 @p2 $0x1  }
0x17: {  	s4 =	simm.s32 $0x1BF5;
	[smem:$0x3FAE] =	sst s0  }
0x18: {  	s0 =	sld [smem:$0x3F91];
	_ =	swait.ge [sflag:s4], $0x0  }
0x19: {  	s7 =	sld [smem:$0x3F92]  }
0x1a: {  	s8 =	sadd.s32 $0xFFFFE003, lr  }
0x1b: {  	s9 =	sadd.s32 $0xFFFFFEF7, lr;
	s5 =	simm.s32 $0xFFFFFFFF;
	p2 =	slt.u32 s8, $0xFFFFF086  }
0x1c: {  	p1 =	slt.u32 s9, $0xF7A;
	s5 =	simm.s32 @!p2 $0x0  }
0x1d: {  	s5 =	simm.s32 @p1 $0x1;
	p0 =	seq.s32 s7, s2  }
0x1e: {  	s7 =	smul.u32 @!p0 $0xF7A, s2;
	p2 =	seq.s32 @!p0 s5, $0x0  }
0x1f: {  	s9 =	smul.u32 $0xF7A, s1;
	s8 =	simm.s32 @!p0 $0x1BF5;
	p2 =	por !p2, p0  }
0x20: {  	[sflag:s8] =	ssyncset.s32 @!p0 $0xFFFFF086;
	s6 =	sadd.s32 @!p0 s3, s7;
	s7 =	simm.s32 @!p0 $0x108  }
0x21: {  	s3 =	sadd.s32 s3, s9;
	s6 =	sadd.s32 @!p0 $0x88, s6;
	s7 =	simm.s32 @p2 $0x1082  }
0x22: {  	[simem:s7], [sflag:s8] =	dma.local @!p0 [hbm:s6], $0xF7A  }
0x23: {  	s9 =	sor.u32 $0xD0000000, s2;
	s6 =	simm.s32 $0x108;
	_ =	swait.ge @!p0 [sflag:s8], $0x0  }
0x24: {  	s3 =	sadd.s32 $0x88, s3;
	s6 =	simm.s32 @!p1 $0x1082;
	[sflag:s4] =	ssyncset.s32 $0xFFFFF086  }
0x25: {  	[simem:s6], [sflag:s4] =	dma.local [hbm:s3], $0xF7A  }
0x26: {  	[smem:$0x3F92] =	sst s1;
	(tag) =	ssettag s2;
	_ =	strace s9  }
0x27: {  	s1 =	sld [smem:$0x3FA2]  }
0x28: {  	s2 =	sld [smem:$0x3FA3]  }
0x29: {  	s4 =	sld [smem:$0x3FA5]  }
0x2a: {  	p0 =	seq.s32 s5, $0x0;
	s5 =	sld [smem:$0x3FA6]  }
0x2b: {  	s6 =	sld [smem:$0x3FA7]  }
0x2c: {  	s7 =	sld [smem:$0x3FA8]  }
0x2d: {  	s3 =	simm.s32 $0x108;
	s8 =	sld [smem:$0x3FA9]  }
0x2e: {  	s3 =	simm.s32 @!p0 $0x1082;
	s9 =	sld [smem:$0x3FAA]  }
0x2f: {  	lr =	sadd.s32 s0, s3;
	s0 =	sld [smem:$0x3FA1]  }
0x30: {  	s3 =	sld [smem:$0x3FA4]  }
0x31: {  	[smem:$0x3FAD] =	sst s10  }
0x32: {  	s10 =	sld [smem:$0x3FAB];
	_ =	sdelay $0x3  }
0x33: {  	p0 =	seq.s32 s10, $0x1;
	s10 =	sld [smem:$0x3FAD];
	_ =	sdelay $0x3  }
0x34: {  	[smem:$0x3FAD] =	sst s10  }
0x35: {  	s10 =	sld [smem:$0x3FAC];
	_ =	sdelay $0x3  }
0x36: {  	p1 =	seq.s32 s10, $0x1;
	s10 =	sld [smem:$0x3FAD];
	_ =	sdelay $0x3  }
0x37: {  	[smem:$0x3FAD] =	sst s10  }
0x38: {  	s10 =	sld [smem:$0x3FAE]  }
0x39: {  	_ = 	snop;
	(pc) =	sbr.ind lr, $3  }
0x3a: {  	_ = 	snop  }
0x3b: {  	_ = 	snop  }
0x3c: {  	p2 =	seq.s32 s10, $0x1;
	s10 =	sld [smem:$0x3FAD]  }
0x3d: {  	_ =	shalt  }
0x3e: {  	_ =	shalt  }
0x3f: {  	_ =	shalt  }
0x40: {  	_ =	shalt  }
0x41: {  	_ =	shalt  }
0x42: {  	_ =	shalt  }
0x43: {  	_ =	shalt  }
0x44: {  	_ =	shalt  }
0x45: {  	_ =	shalt  }
0x46: {  	_ =	shalt  }
0x47: {  	_ =	shalt  }
0x48: {  	_ =	shalt  }
0x49: {  	_ =	shalt  }
0x4a: {  	_ =	shalt  }
0x4b: {  	_ =	shalt  }
0x4c: {  	_ =	shalt  }
0x4d: {  	_ =	shalt  }
0x4e: {  	_ =	shalt  }
0x4f: {  	_ =	shalt  }
0x50: {  	_ =	shalt  }
0x51: {  	_ =	shalt  }
0x52: {  	_ =	shalt  }
0x53: {  	_ =	shalt  }
0x54: {  	_ =	shalt  }
0x55: {  	_ =	shalt  }
0x56: {  	_ =	shalt  }
0x57: {  	_ =	shalt  }
0x58: {  	_ =	shalt  }
0x59: {  	_ =	shalt  }
0x5a: {  	_ =	shalt  }
0x5b: {  	_ =	shalt  }
0x5c: {  	_ =	shalt  }
0x5d: {  	_ =	shalt  }
0x5e: {  	_ =	shalt  }
0x5f: {  	_ =	shalt  }
0x60: {  	_ =	shalt  }
0x61: {  	_ =	shalt  }
0x62: {  	_ =	shalt  }
0x63: {  	_ =	shalt  }
0x64: {  	_ =	shalt  }
0x65: {  	_ =	shalt  }
0x66: {  	_ =	shalt  }
0x67: {  	_ =	shalt  }
0x68: {  	_ =	shalt  }
0x69: {  	_ =	shalt  }
0x6a: {  	_ =	shalt  }
0x6b: {  	_ =	shalt  }
0x6c: {  	_ =	shalt  }
0x6d: {  	_ =	shalt  }
0x6e: {  	_ =	shalt  }
0x6f: {  	_ =	shalt  }
0x70: {  	_ =	shalt  }
0x71: {  	_ =	shalt  }
0x72: {  	_ =	shalt  }
0x73: {  	_ =	shalt  }
0x74: {  	_ =	shalt  }
0x75: {  	_ =	shalt  }
0x76: {  	_ =	shalt  }
0x77: {  	_ =	shalt  }
0x78: {  	_ =	shalt  }
0x79: {  	_ =	shalt  }
0x7a: {  	_ =	shalt  }
0x7b: {  	_ =	shalt  }
0x7c: {  	_ =	shalt  }
0x7d: {  	_ =	shalt  }
0x7e: {  	_ =	shalt  }
0x7f: {  	_ =	shalt  }
0x80: {  	_ =	shalt  }
0x81: {  	_ =	shalt  }
0x82: {  	_ =	shalt  }
0x83: {  	_ =	shalt  }
0x84: {  	_ =	shalt  }
0x85: {  	_ =	shalt  }
0x86: {  	_ =	shalt  }
0x87: {  	_ =	shalt  }
.Lfunc_end0:
.L_simem_size_0:
called_computation.7_lowered:
.L_overlay_start_0:
0x88: {  	s2 =	sld [smem:$0x3FD9]  }
0x89: {  	s3 =	sld [smem:$0x3FFE];
	_ =	sdelay $0x1  }
0x8a: {  	s1 =	srdreg.scid  }
0x8b: {  	s0 =	sand.u32 $0x1, s1  }
0x8c: {  	s14 =	sshll.u32 s0, $0xA;
	s2 =	sadd.s32 s3, s2  }
0x8d: {  	s2 =	sadd.s32 s2, s14  }
0x8e: {  	[smem:$0x3FB9] =	sst s2  }
0x8f: {  	_ = 	snop  }
0x90: {  	s2 =	sld [smem:$0x3FD0];
	_ =	sdelay $0x2  }
0x91: {  	s15 =	simm.s32 $0xB;
	s4 =	simm.s32 $0x10  }
0x92: {  	[smem:s4], [sflag:s15] =	dma.local [hbm:s2], $0x1  }
0x93: {  	_ =	swait.eq [sflag:s15], $0x1  }
0x94: {  	[sflag:s15] =	ssyncset.done $0x0  }
0x95: {  	[sflag:s15] =	ssyncadd.s32 $0xFFFFFFFF  }
0x96: {  	s16 =	sld [smem:$0x11];
	(tm) =	ssettm $0x1  }
0x97: {  	s17 =	sld [smem:$0x3FFB];
	_ =	sdelay $0x3  }
0x98: {  	_ =	strace s17  }
0x99: {  	s3 =	sld [smem:$0x3FFC];
	_ =	sdelay $0x3  }
0x9a: {  	_ =	strace s3  }
0x9b: {  	s3 =	sld [smem:$0x3FFD];
	_ =	sdelay $0x3  }
0x9c: {  	_ =	strace s3  }
0x9d: {  	_ =	strace $0x8FFFFFFF  }
0x9e: {  	s18 =	sld [smem:$0x3FDB];
	_ =	sdelay $0x1  }
0x9f: {  	s19 =	simm.s32 $_scs_section_size  }
0xa0: {  	s5 =	simm.s32 $_size__tile_overlayer_lowered;
	s6 =	simm.s32 $_tile_overlayer_lowered  }
0xa1: {  	s22 =	simm.s32 $0x1BFF;
	s21 =	sshll.u32 s6, $0x1;
	s3 =	sadd.s32 s19, s18  }
0xa2: {  	s7 =	simm.s32 $0x0;
	s20 =	sshll.u32 s5, $0x1;
	s5 =	sadd.s32 s21, s3  }
0xa3: {  	[timem:s7], [sflag:s22] =	dma.local [hbm:s5], s20  }
0xa4: {  	_ =	swait.ge [sflag:s22], s20  }
0xa5: {  	s4 =	ssub.s32 $0x0, s20;
	[sflag:s22] =	ssyncset.done $0x0  }
0xa6: {  	[sflag:s22] =	ssyncadd.s32 s4;
	_ =	sdelay $0x1  }
0xa7: {  	s23 =	simm.s32 $0x1B8B  }
0xa8: {  	_ =	swait.ge [sflag:s23], $0x1  }
0xa9: {  	[sflag:s23] =	ssyncset.done $0x0  }
0xaa: {  	s25 =	simm.s32 $0x1B8E;
	s24 =	sld [smem:$0x3FFE];
	[sflag:s23] =	ssyncadd.s32 $0xFFFFFFFF  }
0xab: {  	s26 =	simm.s32 $execute0_lowered;
	[smem:$0x3FD2] =	sst s25  }
0xac: {  	s5 =	sshll.u32 s26, $0x1;
	_ =	strace $0x8000005B;
	[dreg:$0x1] =	wrdreg $0xFFFFFFFF  }
0xad: {  	s28 =	simm.s32 $_size_execute0_lowered;
	s3 =	sadd.s32 s3, s5;
	[dreg:$0x0] =	wrdreg $0x0  }
0xae: {  	s5 =	sshll.u32 s28, $0x1;
	[dreg:$0x2] =	wrdreg s3  }
0xaf: {  	[dreg:$0x3] =	wrdreg s5  }
0xb0: {  	[dreg:$0x4] =	wrdreg $0xC0  }
0xb1: {  	_ =	task [dreg:s7], $0x5FFFF  }
0xb2: {  	[dreg:$0x1] =	wrdreg $0xFFFFFFFF  }
0xb3: {  	[dreg:$0x0] =	wrdreg $0x60  }
0xb4: {  	[dreg:$0x2] =	wrdreg s24  }
0xb5: {  	[dreg:$0x3] =	wrdreg s16  }
0xb6: {  	[dreg:$0x4] =	wrdreg $0x9  }
0xb7: {  	_ =	task.clear_ibuf [dreg:s7], $0x5FFFF;
	_ =	strace $0x9000005B  }
0xb8: {  	s29 =	simm.s32 $0x9;
	_ =	strace $0x8000005D  }
0xb9: {  	_ =	swait.ge [sflag:s29], $0x1  }
0xba: {  	[sflag:s29] =	ssyncadd.s32 $0xFFFFFFFF  }
0xbb: {  	_ =	strace $0x9000005D  }
0xbc: {  	_ =	sfence  }
0xbd: {  	s30 =	sld [smem:$0x0];
	_ =	sdelay $0x2  }
0xbe: {  	s31 =	sshll.u32 s1, $0xD;
	s1 =	sshrl.u32 s1, $0x2  }
0xbf: {  	s3 =	sand.u32 $0x4000, s31;
	s1 =	sadd.s32 s1, s30  }
0xc0: {  	s0 =	sor.u32 s3, s0;
	s1 =	sshll.u32 s1, $0x11  }
0xc1: {  	s0 =	sor.u32 s1, s0  }
0xc2: {  	s0 =	sadd.s32 $0x8F2B, s0  }
0xc3: {  	[sflag:s0] =	ssyncadd.remote.s32 $0x1  }
0xc4: {  	_ =	sfence.sel $0xFFFF  }
0xc5: {  	[dreg:$0x0] =	wrdreg $0xFFFFFFFF;
	(pc) =	sbr.abs _section_cstart, $3  }
0xc6: {  	[dreg:$0x1] =	wrdreg $0xFFFFFFFF  }
0xc7: {  	_ =	task.clear_ibuf [dreg:s7], $0x2FFFF;
	_ =	strace $0x9FFFFFFF  }
0xc8: {  	(tm) =	ssettm $0x7FFFFFFF  }
0xc9: {  	_ =	shalt  }
tec
execute0_lowered:
.L_overlay_start_1:
0x0: {  	(tag) =	ssettag $0x1  }
0x1: {  	s4 =	rddreg [dreg:$0x0];
	s1 =	srdreg.scid  }
0x2: {  	s0 =	stileid.u32;
	s7 =	rddreg [dreg:$0x1];
	s12 =	simm.s32 $0x80  }
0x3: {  	s13 =	simm.s32 $0x100;
	s14 =	simm.s32 $0x1;
	s15 =	simm.s32 $0x2780  }
0x4: {  	s16 =	simm.s32 $0x400;
	s17 =	simm.s32 $0x4F00;
	s18 =	simm.s32 $0x7680  }
0x5: {  	s19 =	simm.s32 $0x9E00;
	s20 =	simm.s32 $0xC580;
	s21 =	simm.s32 $0xED00  }
0x6: {  	s22 =	simm.s32 $0x11480;
	s23 =	simm.s32 $0x0;
	s5 =	sand.u32 $0x1, s1  }
0x7: {  	s2 =	sshll.u32 s0, $0x1;
	s1 =	rddreg [dreg:$0x2];
	s6 =	sshrl.u32 s0, $0x2  }
0x8: {  	s3 =	sor.u32 s5, s2;
	s2 =	simm.s32 $0x0;
	s6 =	smul.u32 $0x13C00, s6  }
0x9: {  	s5 =	ssub.s32 $0x2, s5;
	s8 =	sshll.u32 s3, $0x7;
	[smem:$0x7FF] =	sst s2  }
0xa: {  	s31 =	smul.u32 $0x4E2, s3;
	s3 =	sadd.s32 $0x1CE00, s4;
	s9 =	sshrl.u32 s5, $0x1  }
0xb: {  	s8 =	sand.u32 $0x380, s8;
	_ =	strace $0x8000005C;
	s11 =	ssub.s32 s5, s9  }
0xc: {  	s6 =	sor.u32 s6, s8;
	s10 =	sadd.s32 s31, s4;
	s7 =	sadd.s32 s7, s31  }
0xd: {  	s11 =	smax.u32 s11, $0x1;
	s6 =	sshrl.u32 s6, $0x3;
	s8 =	sadd.s32 $0x3A800, s10  }
0xe: {  	s9 =	sadd.s32 $0x44600, s10;
	s10 =	sadd.s32 $0x4E400, s10;
	s6 =	sadd.s32 s6, s4  }
0xf: {  	s4 =	sadd.s32 $0x1CE10, s4;
	s5 =	sadd.s32 $0x30A00, s6;
	s6 =	sadd.s32 $0x26C00, s6  }
.LBB2_1:
0x10: {  	[tilespmem:s2], [sflag:$0x1] =	stream.strided.gather [hbm4b:s3+s12], $0x2780, s13, s12, $0x38;
	[tilespmem:$0x13C00] =	vst v63  }
0x11: {  	_ =	swait.ge [sflag:s14], $0x2780  }
0x12: {  	[sflag:s14] =	ssyncset.done $0x0  }
0x13: {  	[sflag:s14] =	ssyncadd.s32 $0xFFFFD880  }
0x14: {  	[tilespmem:s15], [sflag:$0x1] =	stream.strided.gather [hbm4b:s4+s12], $0x2780, s13, s12, $0x38;
	[tilespmem:$0x13C00] =	vst v63  }
0x15: {  	_ =	swait.ge [sflag:s14], $0x2780  }
0x16: {  	[sflag:s14] =	ssyncset.done $0x0  }
0x17: {  	[sflag:s14] =	ssyncadd.s32 $0xFFFFD880  }
0x18: {  	[tilespmem:s17], [sflag:$0x1] =	stream.strided.gather [hbm4b:s5+s12], $0x2780, s16, s12, $0x38;
	[tilespmem:$0x13C00] =	vst v63  }
0x19: {  	_ =	swait.ge [sflag:s14], $0x2780  }
0x1a: {  	[sflag:s14] =	ssyncset.done $0x0  }
0x1b: {  	[sflag:s14] =	ssyncadd.s32 $0xFFFFD880  }
0x1c: {  	[tilespmem:s18], [sflag:$0x1] =	stream.strided.gather [hbm4b:s6+s12], $0x2780, s16, s12, $0x38;
	[tilespmem:$0x13C00] =	vst v63  }
0x1d: {  	_ =	swait.ge [sflag:s14], $0x2780  }
0x1e: {  	[sflag:s14] =	ssyncset.done $0x0  }
0x1f: {  	s24 =	simm.s32 $0x0;
	[sflag:s14] =	ssyncadd.s32 $0xFFFFD880  }
0x20: {  	v1 =	vld [tilespmem:s24+$0x4F00];
	_ =	sdelay $0x7  }
0x21: {  	v2 =	vld.idx.msk [tilespmem:v1+s2+$0x0], $0xffff;
	_ =	sdelay $0x3  }
0x22: {  	v0 =	vld [tilespmem:s24+$0x7680]  }
0x23: {  	[tilespmem:s24+$0x9E00] =	vst v2  }
0x24: {  	v1 =	vld.idx.msk [tilespmem:v1+s15+$0x0], $0xffff;
	_ =	sdelay $0x4  }
0x25: {  	[tilespmem:s24+$0xC580] =	vst v1  }
0x26: {  	v1 =	vld.idx.msk [tilespmem:v0+s2+$0x0], $0xffff;
	_ =	sdelay $0x3  }
0x27: {  	s26 =	simm.s32 $0x10;
	s25 =	simm.s32 $0x80  }
.LBB2_2:
0x28: {  	p0 =	sne.s32 s25, $0x9C00;
	v2 =	vld [tilespmem:s26+$0x4F00];
	[tilespmem:s24+$0xED00] =	vst v1  }
0x29: {  	v0 =	vld.idx.msk [tilespmem:v0+s15+$0x0], $0xffff;
	_ =	sdelay $0x5  }
0x2a: {  	[tilespmem:s24+$0x11480] =	vst v0;
	s24 =	smov.u32 s26  }
0x2b: {  	v1 =	vld.idx.msk [tilespmem:v2+s2+$0x0], $0xffff;
	_ =	sdelay $0x5  }
0x2c: {  	v0 =	vld [tilespmem:s24+$0x7680];
	[tilespmem:s24+$0x9E00] =	vst v1  }
0x2d: {  	v1 =	vld.idx.msk [tilespmem:v2+s15+$0x0], $0xffff;
	_ =	sdelay $0x5  }
0x2e: {  	[tilespmem:s24+$0xC580] =	vst v1  }
0x2f: {  	v1 =	vld.idx.msk [tilespmem:v0+s2+$0x0], $0xffff  }
.Ltmp0:
0x30: {  	(pc) =	sbr.rel @p0 .LBB2_2-.Ltmp0, $2  }
0x31: {  	_ =	sdelay $0x2  }
0x32: {  	s26 =	sshra.s32 s25, $0x2;
	s25 =	sadd.s32 $0x40, s25  }
0x33: {  	_ =	sdelay $0x1  }
0x34: {  	v2 =	vld [tilespmem:s26+$0x4F00]  }
0x35: {  	[tilespmem:s24+$0xED00] =	vst v1  }
0x36: {  	v0 =	vld.idx.msk [tilespmem:v0+s15+$0x0], $0xffff;
	_ =	sdelay $0x4  }
0x37: {  	[tilespmem:s24+$0x11480] =	vst v0  }
0x38: {  	v0 =	vld.idx.msk [tilespmem:v2+s2+$0x0], $0xffff;
	_ =	sdelay $0x3  }
0x39: {  	v1 =	vld [tilespmem:s26+$0x7680]  }
0x3a: {  	[tilespmem:s26+$0x9E00] =	vst v0  }
0x3b: {  	v0 =	vld.idx.msk [tilespmem:v2+s15+$0x0], $0xffff;
	_ =	sdelay $0x4  }
0x3c: {  	[tilespmem:s26+$0xC580] =	vst v0  }
0x3d: {  	v0 =	vld.idx.msk [tilespmem:v1+s2+$0x0], $0xffff;
	_ =	sdelay $0x4  }
0x3e: {  	[tilespmem:s26+$0xED00] =	vst v0  }
0x3f: {  	v0 =	vld.idx.msk [tilespmem:v1+s15+$0x0], $0xffff;
	_ =	sdelay $0x4  }
0x40: {  	[tilespmem:s26+$0x11480] =	vst v0  }
0x41: {  	[hbm4b:s7+s2] =	stream.linear.scatter [tilespmem:s19], [sflag:$0x1], $0x2710, $0x38;
	[tilespmem:$0x13C00] =	vst v63  }
0x42: {  	_ =	swait.ge [sflag:s14], $0x2710  }
0x43: {  	[sflag:s14] =	ssyncset.done $0x0  }
0x44: {  	[sflag:s14] =	ssyncadd.s32 $0xFFFFD8F0  }
0x45: {  	[hbm4b:s8+s2] =	stream.linear.scatter [tilespmem:s20], [sflag:$0x1], $0x2710, $0x38;
	[tilespmem:$0x13C00] =	vst v63  }
0x46: {  	_ =	swait.ge [sflag:s14], $0x2710  }
0x47: {  	[sflag:s14] =	ssyncset.done $0x0  }
0x48: {  	[sflag:s14] =	ssyncadd.s32 $0xFFFFD8F0  }
0x49: {  	[hbm4b:s9+s2] =	stream.linear.scatter [tilespmem:s21], [sflag:$0x1], $0x2710, $0x38;
	[tilespmem:$0x13C00] =	vst v63  }
0x4a: {  	s23 =	sadd.s32 $0x1, s23;
	_ =	swait.ge [sflag:s14], $0x2710  }
0x4b: {  	p0 =	sne.s32 s23, s11;
	[sflag:s14] =	ssyncset.done $0x0  }
.Ltmp1:
0x4c: {  	[sflag:s14] =	ssyncadd.s32 $0xFFFFD8F0;
	(pc) =	sbr.rel @p0 .LBB2_1-.Ltmp1, $4  }
0x4d: {  	[hbm4b:s10+s2] =	stream.linear.scatter [tilespmem:s22], [sflag:$0x1], $0x2710, $0x38;
	[tilespmem:$0x13C00] =	vst v63  }
0x4e: {  	_ =	swait.ge [sflag:s14], $0x2710  }
0x4f: {  	[sflag:s14] =	ssyncset.done $0x0  }
0x50: {  	[sflag:s14] =	ssyncadd.s32 $0xFFFFD8F0  }
0x51: {  	_ =	sfence.sel $0x180000  }
0x52: {  	[bflag:$0x0] =	sbarrier.arrive $0xFFFF  }
0x53: {  	p0 =	sne.s32 s0, $0x0;
	_ =	strace $0x9000005C  }
0x54: {  	s0 =	sadd.s32 @!p0 $0x100000, s1;
	[bflag:$0x2] =	sbarrier.arrive $0xFFFF  }
0x55: {  	[sflag:s0] =	ssyncadd.tile.s32 @!p0 $0x1;
	_ =	shalt  }
.Lfunc_end2:
_tile_overlayer_lowered:
.L_overlay_start_2:
0x56: {  	(tag) =	ssettag $0x2  }
0x57: {  	s0 =	rddreg [dreg:$0x0];
	s2 =	stileid.u32  }
0x58: {  	s1 =	rddreg [dreg:$0x1];
	p0 =	sne.s32 s2, $0x0  }
0x59: {  	s3 =	rddreg [dreg:$0x2];
	[bflag:$0x3] =	sbarrier.arrive $0xFFFF;
	s2 =	simm.s32 @!p0 $0x1C01  }
0x5a: {  	[timem:s3], [sflag:s2] =	dma.local @!p0 [hbm:s0], s1  }
0x5b: {  	s0 =	simm.s32 @!p0 $0x1  }
0x5c: {  	_ =	swait.ge @!p0 [sflag:s0], s1  }
0x5d: {  	s1 =	ssub.s32 @!p0 $0x0, s1;
	[sflag:s0] =	ssyncset.done @!p0 $0x0  }
0x5e: {  	[sflag:s0] =	ssyncadd.s32 @!p0 s1  }
0x5f: {  	[bflag:$0x3] =	sbarrier.arrive $0xFFFF  }
0x60: {  	_ =	shalt  }

</sc_bundles>
